<compile_context>
chip_gen: v7x
topology: tpu7x:2x2x1
jax: 0.10.2.dev20260603
libtpu: 0.0.44.dev20260713+nightly
codegen_flags: <defaults>
</compile_context>

<pallas_src>
import functools
import math

import jax
import jax.numpy as jnp
from jax.experimental import pallas as pl
from jax.experimental.pallas import tpu as pltpu
from jax.experimental.pallas import tpu_sc as plsc

N_ROWS = 1024
N_COLS = 100000
KC = 400
NCHUNK = N_COLS // KC
NBUF = 16
S0_SCALE = math.sqrt(2.0) * math.log(N_COLS - 1)
BETA = 1.0


def _stream(hbm_ref, buf, sem, body, after_prefetch=None):

    def issue(c, slot):
        pltpu.make_async_copy(
            hbm_ref.at[pl.ds(c * KC, KC), :], buf.at[slot], sem.at[slot]
        ).start()

    for s in range(NBUF):
        issue(s, s)

    hook_result = after_prefetch() if after_prefetch is not None else None

    def step(c, s):
        pltpu.make_async_copy(
            hbm_ref.at[pl.ds(c * KC, KC), :], buf.at[s], sem.at[s]
        ).wait()
        body(c, buf.at[s], hook_result)

        @pl.when(c + NBUF < NCHUNK)
        def _():
            issue(c + NBUF, s)

    def outer(g, _):
        for s in range(NBUF):
            step(g * NBUF + s, s)
        return 0

    n_groups = NCHUNK // NBUF
    jax.lax.fori_loop(0, n_groups, outer, 0)
    for s in range(NCHUNK - n_groups * NBUF):
        step(n_groups * NBUF + s, s)
    return hook_result


def _sc_gather_t(logits, labels):
    info = plsc.get_sparse_core_info()
    NC, NS = info.num_cores, info.num_subcores
    NW = NC * NS
    BPW = N_ROWS // NW
    xt = logits.T
    table = jnp.reshape(
        jnp.transpose(
            jnp.reshape(xt, (N_COLS // 8, 8, N_ROWS // 128, 128)),
            (0, 2, 1, 3),
        ),
        (N_COLS * N_ROWS // 128, 128),
    )
    mesh = plsc.VectorSubcoreMesh(core_axis_name="c", subcore_axis_name="s")

    @functools.partial(
        pl.kernel,
        mesh=mesh,
        out_type=jax.ShapeDtypeStruct((N_ROWS,), jnp.float32),
        compiler_params=pltpu.CompilerParams(needs_layout_passes=False),
        scratch_types=[
            pltpu.VMEM((BPW,), jnp.int32),
            pltpu.VMEM((BPW,), jnp.int32),
            pltpu.VMEM((BPW, 128), jnp.float32),
            pltpu.VMEM((BPW,), jnp.float32),
            pltpu.SemaphoreType.DMA,
        ],
    )
    def k(table_hbm, lab_hbm, out_hbm, lab_v, idx_v, rows_v, out_v, sem):
        wid = jax.lax.axis_index("s") * NC + jax.lax.axis_index("c")
        base = wid * BPW
        pltpu.sync_copy(lab_hbm.at[pl.ds(base, BPW)], lab_v)
        iota = jax.lax.iota(jnp.int32, 16)
        for g in range(BPW // 16):
            lab = lab_v[pl.ds(g * 16, 16)]
            j = base + g * 16 + iota
            row = (
                (jax.lax.shift_right_logical(lab, 3) * 64)
                + (jax.lax.shift_right_logical(j, 7) * 8)
                + jax.lax.bitwise_and(lab, 7)
            )
            idx_v[pl.ds(g * 16, 16)] = row
        pltpu.async_copy(table_hbm.at[idx_v], rows_v, sem).wait()
        for g in range(BPW // 16):
            j = base + g * 16 + iota
            vals = plsc.load_gather(
                rows_v, [g * 16 + iota, jax.lax.bitwise_and(j, 127)]
            )
            out_v[pl.ds(g * 16, 16)] = vals
        pltpu.sync_copy(out_v, out_hbm.at[pl.ds(base, BPW)])

    return k(table, labels.astype(jnp.int32))


def _pass1_kernel(hbm_ref, s0_ref, buf, sem):
    s0_ref[...] = jnp.zeros_like(s0_ref)

    def body(c, chunk, _):
        x = chunk[...]
        s0_ref[...] += jnp.sum(jnp.exp(S0_SCALE * x), axis=0, keepdims=True)

    _stream(hbm_ref, buf, sem, body)


def _acos(x):
    ax = jnp.abs(x)
    p = jnp.float32(-0.0012624911)
    for c in (0.0066700901, -0.0170881256, 0.0308918810, -0.0501743046,
              0.0889789874, -0.2145988016, 1.5707963050):
        p = p * ax + jnp.float32(c)
    r = jnp.sqrt(jnp.maximum(0.0, 1.0 - ax)) * p
    return jnp.where(x >= 0.0, r, jnp.float32(math.pi) - r)


def _two_kth_smallest(c, ka, kb, n_iter=48):

    def body(_, carry):
        lo_a, hi_a, lo_b, hi_b = carry
        mid_a = 0.5 * (lo_a + hi_a)
        mid_b = 0.5 * (lo_b + hi_b)
        cnt_a = jnp.sum((c <= mid_a).astype(jnp.float32))
        cnt_b = jnp.sum((c <= mid_b).astype(jnp.float32))
        ta = cnt_a >= (ka + 1)
        tb = cnt_b >= (kb + 1)
        return (
            jnp.where(ta, lo_a, mid_a), jnp.where(ta, mid_a, hi_a),
            jnp.where(tb, lo_b, mid_b), jnp.where(tb, mid_b, hi_b),
        )

    init = (jnp.float32(-1.1), jnp.float32(1.1),
            jnp.float32(-1.1), jnp.float32(1.1))
    _, hi_a, _, hi_b = jax.lax.fori_loop(0, n_iter, body, init)
    return hi_a, hi_b


def _adaptive_scale(s0, t):
    sum0 = jnp.sum(s0) - jnp.sum(jnp.exp(S0_SCALE * t))
    b_avg = sum0 / N_ROWS
    c = jnp.clip(t, -1.0 + 1e-07, 1.0 - 1e-07)
    ca, cb = _two_kth_smallest(c, N_ROWS // 2 - 1, N_ROWS // 2)
    theta_med = 0.5 * (_acos(ca) + _acos(cb))
    cos_sum = ca * cb - jnp.sqrt(
        jnp.maximum(0.0, (1.0 - ca * ca)) * jnp.maximum(0.0, (1.0 - cb * cb))
    )
    cos_med = jnp.sqrt(jnp.maximum(0.0, 0.5 * (1.0 + cos_sum)))
    denom = jnp.where(
        theta_med < jnp.float32(math.pi / 4.0),
        cos_med,
        jnp.float32(math.cos(math.pi / 4.0)),
    )
    return jnp.log(b_avg) / denom


def _pass2_kernel(s0_ref, t_ref, hbm_ref, out_ref, buf, sem, s1_acc, ss_acc):
    s1_acc[...] = jnp.zeros_like(s1_acc)
    ss_acc[...] = jnp.zeros_like(ss_acc)
    t = t_ref[...]

    def mid():
        return _adaptive_scale(s0_ref[...], t)

    def body(c, chunk, s):
        x = chunk[...]
        s1_acc[...] += jnp.sum(jnp.exp(x), axis=0, keepdims=True)
        ss_acc[...] += jnp.sum(jnp.exp(s * x), axis=0, keepdims=True)

    s = _stream(hbm_ref, buf, sem, body, after_prefetch=mid)

    loss1 = jnp.mean(jnp.log(ss_acc[...])) - s * jnp.mean(t)
    loss2 = jnp.mean(jnp.log(s1_acc[...])) - jnp.mean(t)
    out_ref[...] = jnp.reshape(
        (BETA * loss1 + loss2) / (1.0 + BETA), (1, 1)
    )


def kernel(logits, labels):
    xt = logits.T

    rowvec = jax.ShapeDtypeStruct((1, N_ROWS), jnp.float32)
    scalar = jax.ShapeDtypeStruct((1, 1), jnp.float32)
    scratch = [
        pltpu.VMEM((NBUF, KC, N_ROWS), jnp.float32),
        pltpu.SemaphoreType.DMA((NBUF,)),
    ]

    t_rows = _sc_gather_t(logits, labels).reshape(1, N_ROWS)

    s0_rows = pl.pallas_call(
        _pass1_kernel,
        in_specs=[pl.BlockSpec(memory_space=pl.ANY)],
        out_specs=pl.BlockSpec(memory_space=pltpu.VMEM),
        out_shape=rowvec,
        scratch_shapes=scratch,
    )(xt)

    loss = pl.pallas_call(
        _pass2_kernel,
        in_specs=[
            pl.BlockSpec(memory_space=pltpu.VMEM),
            pl.BlockSpec(memory_space=pltpu.VMEM),
            pl.BlockSpec(memory_space=pl.ANY),
        ],
        out_specs=pl.BlockSpec(memory_space=pltpu.VMEM),
        out_shape=scalar,
        scratch_shapes=scratch + [
            pltpu.VMEM((1, N_ROWS), jnp.float32),
            pltpu.VMEM((1, N_ROWS), jnp.float32),
        ],
    )(s0_rows, t_rows, xt)

    return loss[0, 0]

# --- scband reference (transcript-rebuilt; emitter-appended) ---
"""Pipeline reference for scband-ada-cos-loss-77730318123472 (READ-ONLY COPY).

The authoritative reference and input builder live on the scoring server;
editing this copy changes nothing except your own understanding.
"""

import math
import jax, jax.numpy as jnp
import numpy as np

B = 1024
NUM_CLASSES = 100000

def setup_inputs(seed: int = 0) -> dict:
    key = jax.random.key(seed)
    k1, k2 = jax.random.split(key)
    # logits are cosine similarities in [-1, 1]
    logits = jax.random.uniform(k1, (B, NUM_CLASSES), dtype=jnp.float32, minval=-1.0, maxval=1.0)
    labels = jax.random.randint(k2, (B,), 0, NUM_CLASSES, dtype=jnp.int32)
    return {"logits": logits, "labels": labels}

def _cross_entropy(logits, labels):
    logp = jax.nn.log_softmax(logits, axis=-1)
    nll = -jnp.take_along_axis(logp, labels[:, None].astype(jnp.int32), axis=1)[:, 0]
    return jnp.mean(nll)

def reference(logits, labels):
    num_classes = NUM_CLASSES
    beta = 1.0
    s0 = math.sqrt(2.0) * math.log(num_classes - 1)
    cosine = logits
    theta = jnp.arccos(jnp.clip(logits, -1.0 + 1e-07, 1.0 - 1e-07))
    n = logits.shape[0]
    rows = jnp.arange(n)
    # one_hot via scatter-overwrite (torch scatter_)
    one_hot = jnp.zeros_like(logits).at[rows, labels].set(1.0)
    # --- no_grad block: adaptive scale update ---
    B_avg = jnp.where(one_hot < 1.0, jnp.exp(s0 * logits), jnp.zeros_like(logits))
    B_avg = jnp.sum(B_avg) / n
    theta_true = theta[rows, labels]  # gather of true-class angles (theta[one_hot == 1])
    theta_med = jnp.median(theta_true)
    s = jnp.log(B_avg) / jnp.cos(jnp.minimum(jnp.asarray(math.pi / 4.0, theta_med.dtype), theta_med))
    s = jax.lax.stop_gradient(s)
    # --------------------------------------------
    output = s * logits
    loss1 = _cross_entropy(output, labels)
    loss2 = _cross_entropy(cosine, labels)
    loss = (beta * loss1 + loss2) / (1.0 + beta)
    return loss

if __name__ == "__main__":
    import jax
    _d = setup_inputs()
    print(jax.jit(kernel)(*tuple(_d.values())))

</pallas_src>

<mosaic_0001>
#map = affine_map<(d0, d1) -> (0, 0)>
#map1 = affine_map<(d0, d1) -> (0)>
module attributes {stable_mosaic.version = 14 : i64} {
  func.func @k(%arg0: i32, %arg1: i32, %arg2: memref<800000x128xf32, #tpu.memory_space<hbm>>, %arg3: memref<1024xi32, #tpu.memory_space<hbm>>, %arg4: memref<1024xf32, #tpu.memory_space<hbm>>, %arg5: memref<32xi32, #tpu.memory_space<vmem>>, %arg6: memref<32xi32, #tpu.memory_space<vmem>>, %arg7: memref<32x128xf32, #tpu.memory_space<vmem>>, %arg8: memref<32xf32, #tpu.memory_space<vmem>>, %arg9: memref<!tpu.dma_semaphore, #tpu.memory_space<semaphore_mem>>) attributes {dimension_semantics = [#tpu.dimension_semantics<core_parallel>, #tpu.dimension_semantics<subcore_parallel>], iteration_bounds = array<i64: 2, 16>, scalar_prefetch = 0 : i64, scratch_operands = 5 : i64, tpu.core_type = #tpu.core_type<sc_vector_subcore>, window_params = [{transform_indices = #map}, {transform_indices = #map1}, {transform_indices = #map1}]} {
    %mul3A = arith.constant 2 : i32
    %mul3A_0 = arith.muli %arg1, %mul3A : i32
    %add3A = arith.addi %mul3A_0, %arg0 : i32
    %mul3A_1 = arith.constant 32 : i32
    %mul3A_2 = arith.muli %add3A, %mul3A_1 : i32
    "tpu.region"() ({
      %run_scoped3A = tpu.sem_alloc : memref<!tpu.dma_semaphore, #tpu.memory_space<semaphore_mem>>
      %dma_start3A_78 = tpu.memref_slice %arg3[%mul3A_2] : memref<1024xi32, #tpu.memory_space<hbm>> -> memref<32xi32, #tpu.memory_space<hbm>>
      %dma_start3A_79 = tpu.memref_slice %arg3[%mul3A_2] : memref<1024xi32, #tpu.memory_space<hbm>> -> memref<32xi32, #tpu.memory_space<hbm>>
      tpu.enqueue_dma source(%dma_start3A_79 : memref<32xi32, #tpu.memory_space<hbm>>) target(%arg5 : memref<32xi32, #tpu.memory_space<vmem>>) target_semaphore(%run_scoped3A : memref<!tpu.dma_semaphore, #tpu.memory_space<semaphore_mem>>)
      %dma_wait3A_80 = tpu.memref_slice %arg3[%mul3A_2] : memref<1024xi32, #tpu.memory_space<hbm>> -> memref<32xi32, #tpu.memory_space<hbm>>
      %dma_wait3A_81 = tpu.memref_slice %arg3[%mul3A_2] : memref<1024xi32, #tpu.memory_space<hbm>> -> memref<32xi32, #tpu.memory_space<hbm>>
      tpu.wait_dma2 semaphore(%run_scoped3A : memref<!tpu.dma_semaphore, #tpu.memory_space<semaphore_mem>>) src(%dma_wait3A_81 : memref<32xi32, #tpu.memory_space<hbm>>) dst(%arg5 : memref<32xi32, #tpu.memory_space<vmem>>)
      tpu.yield
    }) : () -> ()
    %iota3A = tpu.iota {dimensions = array<i32: 0>} : vector<16xi32>
    %get3A = arith.constant 0 : index
    %get3A_3 = tpu.vector_load %arg5[%get3A] {strides = array<i32>} : memref<32xi32, #tpu.memory_space<vmem>>, vector<16xi32>,
    %add3A_4 = arith.constant 0 : i32
    %add3A_5 = arith.addi %mul3A_2, %add3A_4 : i32
    %add3A_6 = vector.broadcast %add3A_5 : i32 to vector<16xi32>
    %add3A_7 = arith.addi %add3A_6, %iota3A : vector<16xi32>
    %shift_right_logical3A = arith.constant 3 : i32
    %shift_right_logical3A_8 = vector.broadcast %shift_right_logical3A : i32 to vector<16xi32>
    %shift_right_logical3A_9 = arith.shrui %get3A_3, %shift_right_logical3A_8 : vector<16xi32>
    %mul3A_10 = arith.constant 64 : i32
    %mul3A_11 = vector.broadcast %mul3A_10 : i32 to vector<16xi32>
    %mul3A_12 = arith.muli %shift_right_logical3A_9, %mul3A_11 : vector<16xi32>
    %shift_right_logical3A_13 = arith.constant 7 : i32
    %shift_right_logical3A_14 = vector.broadcast %shift_right_logical3A_13 : i32 to vector<16xi32>
    %shift_right_logical3A_15 = arith.shrui %add3A_7, %shift_right_logical3A_14 : vector<16xi32>
    %mul3A_16 = arith.constant 8 : i32
    %mul3A_17 = vector.broadcast %mul3A_16 : i32 to vector<16xi32>
    %mul3A_18 = arith.muli %shift_right_logical3A_15, %mul3A_17 : vector<16xi32>
    %add3A_19 = arith.addi %mul3A_12, %mul3A_18 : vector<16xi32>
    %and3A = arith.constant 7 : i32
    %and3A_20 = vector.broadcast %and3A : i32 to vector<16xi32>
    %and3A_21 = arith.andi %get3A_3, %and3A_20 : vector<16xi32>
    %add3A_22 = arith.addi %add3A_19, %and3A_21 : vector<16xi32>
    %swap3A = arith.constant 0 : index
    %swap3A_23 = tpu.vector_load %arg6[%swap3A] {strides = array<i32>} : memref<32xi32, #tpu.memory_space<vmem>>, vector<16xi32>,
    tpu.vector_store %arg6[%swap3A], %add3A_22 {strides = array<i32>} : memref<32xi32, #tpu.memory_space<vmem>>, vector<16xi32>,
    %get3A_24 = arith.constant 16 : index
    %get3A_25 = tpu.vector_load %arg5[%get3A_24] {strides = array<i32>} : memref<32xi32, #tpu.memory_space<vmem>>, vector<16xi32>,
    %add3A_26 = arith.constant 16 : i32
    %add3A_27 = arith.addi %mul3A_2, %add3A_26 : i32
    %add3A_28 = vector.broadcast %add3A_27 : i32 to vector<16xi32>
    %add3A_29 = arith.addi %add3A_28, %iota3A : vector<16xi32>
    %shift_right_logical3A_30 = arith.constant 3 : i32
    %shift_right_logical3A_31 = vector.broadcast %shift_right_logical3A_30 : i32 to vector<16xi32>
    %shift_right_logical3A_32 = arith.shrui %get3A_25, %shift_right_logical3A_31 : vector<16xi32>
    %mul3A_33 = arith.constant 64 : i32
    %mul3A_34 = vector.broadcast %mul3A_33 : i32 to vector<16xi32>
    %mul3A_35 = arith.muli %shift_right_logical3A_32, %mul3A_34 : vector<16xi32>
    %shift_right_logical3A_36 = arith.constant 7 : i32
    %shift_right_logical3A_37 = vector.broadcast %shift_right_logical3A_36 : i32 to vector<16xi32>
    %shift_right_logical3A_38 = arith.shrui %add3A_29, %shift_right_logical3A_37 : vector<16xi32>
    %mul3A_39 = arith.constant 8 : i32
    %mul3A_40 = vector.broadcast %mul3A_39 : i32 to vector<16xi32>
    %mul3A_41 = arith.muli %shift_right_logical3A_38, %mul3A_40 : vector<16xi32>
    %add3A_42 = arith.addi %mul3A_35, %mul3A_41 : vector<16xi32>
    %and3A_43 = arith.constant 7 : i32
    %and3A_44 = vector.broadcast %and3A_43 : i32 to vector<16xi32>
    %and3A_45 = arith.andi %get3A_25, %and3A_44 : vector<16xi32>
    %add3A_46 = arith.addi %add3A_42, %and3A_45 : vector<16xi32>
    %swap3A_47 = arith.constant 16 : index
    %swap3A_48 = tpu.vector_load %arg6[%swap3A_47] {strides = array<i32>} : memref<32xi32, #tpu.memory_space<vmem>>, vector<16xi32>,
    tpu.vector_store %arg6[%swap3A_47], %add3A_46 {strides = array<i32>} : memref<32xi32, #tpu.memory_space<vmem>>, vector<16xi32>,
    %dma_start3A = arith.constant 0 : i32
    %dma_start3A_49 = arith.constant 0 : i32
    %dma_start3A_50 = tpu.memref_slice %arg2[%dma_start3A, %dma_start3A_49] : memref<800000x128xf32, #tpu.memory_space<hbm>> -> memref<800000x128xf32, #tpu.memory_space<hbm>>
    tpu.enqueue_indirect_dma source(%dma_start3A_50 : memref<800000x128xf32, #tpu.memory_space<hbm>>) target(%arg7 : memref<32x128xf32, #tpu.memory_space<vmem>>) offsets(%arg6 : memref<32xi32, #tpu.memory_space<vmem>>) semaphore(%arg9 : memref<!tpu.dma_semaphore, #tpu.memory_space<semaphore_mem>>)
    %dma_wait3A = arith.constant 0 : i32
    %dma_wait3A_51 = arith.constant 0 : i32
    %dma_wait3A_52 = tpu.memref_slice %arg2[%dma_wait3A, %dma_wait3A_51] : memref<800000x128xf32, #tpu.memory_space<hbm>> -> memref<800000x128xf32, #tpu.memory_space<hbm>>
    tpu.wait_indirect_dma semaphore(%arg9 : memref<!tpu.dma_semaphore, #tpu.memory_space<semaphore_mem>>) src(%dma_wait3A_52 : memref<800000x128xf32, #tpu.memory_space<hbm>>) dst(%arg7 : memref<32x128xf32, #tpu.memory_space<vmem>>)
    %add3A_53 = arith.constant 0 : i32
    %add3A_54 = arith.addi %mul3A_2, %add3A_53 : i32
    %add3A_55 = vector.broadcast %add3A_54 : i32 to vector<16xi32>
    %add3A_56 = arith.addi %add3A_55, %iota3A : vector<16xi32>
    %add3A_57 = arith.constant 0 : i32
    %add3A_58 = vector.broadcast %add3A_57 : i32 to vector<16xi32>
    %add3A_59 = arith.addi %add3A_58, %iota3A : vector<16xi32>
    %and3A_60 = arith.constant 127 : i32
    %and3A_61 = vector.broadcast %and3A_60 : i32 to vector<16xi32>
    %and3A_62 = arith.andi %add3A_56, %and3A_61 : vector<16xi32>
    %gather3A = tpu.vector_load_idx %arg7[%add3A_59, %and3A_62] : memref<32x128xf32, #tpu.memory_space<vmem>>[vector<16xi32>, vector<16xi32>], vector<16xf32>,
    %swap3A_63 = arith.constant 0 : index
    %swap3A_64 = tpu.vector_load %arg8[%swap3A_63] {strides = array<i32>} : memref<32xf32, #tpu.memory_space<vmem>>, vector<16xf32>,
    tpu.vector_store %arg8[%swap3A_63], %gather3A {strides = array<i32>} : memref<32xf32, #tpu.memory_space<vmem>>, vector<16xf32>,
    %add3A_65 = arith.constant 16 : i32
    %add3A_66 = arith.addi %mul3A_2, %add3A_65 : i32
    %add3A_67 = vector.broadcast %add3A_66 : i32 to vector<16xi32>
    %add3A_68 = arith.addi %add3A_67, %iota3A : vector<16xi32>
    %add3A_69 = arith.constant 16 : i32
    %add3A_70 = vector.broadcast %add3A_69 : i32 to vector<16xi32>
    %add3A_71 = arith.addi %add3A_70, %iota3A : vector<16xi32>
    %and3A_72 = arith.constant 127 : i32
    %and3A_73 = vector.broadcast %and3A_72 : i32 to vector<16xi32>
    %and3A_74 = arith.andi %add3A_68, %and3A_73 : vector<16xi32>
    %gather3A_75 = tpu.vector_load_idx %arg7[%add3A_71, %and3A_74] : memref<32x128xf32, #tpu.memory_space<vmem>>[vector<16xi32>, vector<16xi32>], vector<16xf32>,
    %swap3A_76 = arith.constant 16 : index
    %swap3A_77 = tpu.vector_load %arg8[%swap3A_76] {strides = array<i32>} : memref<32xf32, #tpu.memory_space<vmem>>, vector<16xf32>,
    tpu.vector_store %arg8[%swap3A_76], %gather3A_75 {strides = array<i32>} : memref<32xf32, #tpu.memory_space<vmem>>, vector<16xf32>,
    "tpu.region"() ({
      %run_scoped3A = tpu.sem_alloc : memref<!tpu.dma_semaphore, #tpu.memory_space<semaphore_mem>>
      %dma_start3A_78 = tpu.memref_slice %arg4[%mul3A_2] : memref<1024xf32, #tpu.memory_space<hbm>> -> memref<32xf32, #tpu.memory_space<hbm>>
      %dma_start3A_79 = tpu.memref_slice %arg4[%mul3A_2] : memref<1024xf32, #tpu.memory_space<hbm>> -> memref<32xf32, #tpu.memory_space<hbm>>
      tpu.enqueue_dma source(%arg8 : memref<32xf32, #tpu.memory_space<vmem>>) target(%dma_start3A_79 : memref<32xf32, #tpu.memory_space<hbm>>) target_semaphore(%run_scoped3A : memref<!tpu.dma_semaphore, #tpu.memory_space<semaphore_mem>>)
      %dma_wait3A_80 = tpu.memref_slice %arg4[%mul3A_2] : memref<1024xf32, #tpu.memory_space<hbm>> -> memref<32xf32, #tpu.memory_space<hbm>>
      %dma_wait3A_81 = tpu.memref_slice %arg4[%mul3A_2] : memref<1024xf32, #tpu.memory_space<hbm>> -> memref<32xf32, #tpu.memory_space<hbm>>
      tpu.wait_dma2 semaphore(%run_scoped3A : memref<!tpu.dma_semaphore, #tpu.memory_space<semaphore_mem>>) src(%arg8 : memref<32xf32, #tpu.memory_space<vmem>>) dst(%dma_wait3A_81 : memref<32xf32, #tpu.memory_space<hbm>>)
      tpu.yield
    }) : () -> ()
    return
  }
}

module attributes {stable_mosaic.version = 14 : i64} {
  func.func @_pass1_kernel(%arg0: memref<100000x1024xf32, #tpu.memory_space<any>>, %arg1: memref<1x1024xf32, #tpu.memory_space<vmem>>, %arg2: memref<16x400x1024xf32, #tpu.memory_space<vmem>>, %arg3: memref<16x!tpu.dma_semaphore, #tpu.memory_space<semaphore_mem>>) attributes {dimension_semantics = [], scalar_prefetch = 0 : i64, scratch_operands = 2 : i64, tpu.core_type = #tpu.core_type<tc>} {
    %broadcast_in_dim3A = arith.constant 0.000000e+00 : f32
    %broadcast_in_dim3A_0 = vector.broadcast %broadcast_in_dim3A : f32 to vector<1x1024xf32>
    %swap3A = arith.constant 0 : index
    %swap3A_1 = arith.constant 0 : index
    %swap3A_2 = vector.load %arg1[%swap3A, %swap3A_1] : memref<1x1024xf32, #tpu.memory_space<vmem>>, vector<1x1024xf32>
    tpu.vector_store %arg1[%swap3A, %swap3A_1], %broadcast_in_dim3A_0 {strides = array<i32>} : memref<1x1024xf32, #tpu.memory_space<vmem>>, vector<1x1024xf32>,
    %dma_start3A = arith.constant 0 : i32
    %dma_start3A_3 = arith.constant 0 : i32
    %dma_start3A_4 = tpu.memref_slice %arg3[%dma_start3A_3] : memref<16x!tpu.dma_semaphore, #tpu.memory_space<semaphore_mem>> -> memref<1x!tpu.dma_semaphore, #tpu.memory_space<semaphore_mem>>
    %dma_start3A_5 = tpu.memref_squeeze %dma_start3A_4 : memref<1x!tpu.dma_semaphore, #tpu.memory_space<semaphore_mem>> -> memref<!tpu.dma_semaphore, #tpu.memory_space<semaphore_mem>>
    %dma_start3A_6 = arith.constant 0 : i32
    %dma_start3A_7 = arith.constant 0 : i32
    %dma_start3A_8 = tpu.memref_slice %arg2[%dma_start3A, %dma_start3A_6, %dma_start3A_7] : memref<16x400x1024xf32, #tpu.memory_space<vmem>> -> memref<1x400x1024xf32, #tpu.memory_space<vmem>>
    %dma_start3A_9 = tpu.memref_squeeze %dma_start3A_8 : memref<1x400x1024xf32, #tpu.memory_space<vmem>> -> memref<400x1024xf32, #tpu.memory_space<vmem>>
    %dma_start3A_10 = arith.constant 0 : i32
    %dma_start3A_11 = arith.constant 0 : i32
    %dma_start3A_12 = tpu.memref_slice %arg0[%dma_start3A_10, %dma_start3A_11] : memref<100000x1024xf32, #tpu.memory_space<any>> -> memref<400x1024xf32, #tpu.memory_space<any>>
    tpu.enqueue_dma source(%dma_start3A_12 : memref<400x1024xf32, #tpu.memory_space<any>>) target(%dma_start3A_9 : memref<400x1024xf32, #tpu.memory_space<vmem>>) target_semaphore(%dma_start3A_5 : memref<!tpu.dma_semaphore, #tpu.memory_space<semaphore_mem>>)
    %dma_start3A_13 = arith.constant 1 : i32
    %dma_start3A_14 = arith.constant 1 : i32
    %dma_start3A_15 = tpu.memref_slice %arg3[%dma_start3A_14] : memref<16x!tpu.dma_semaphore, #tpu.memory_space<semaphore_mem>> -> memref<1x!tpu.dma_semaphore, #tpu.memory_space<semaphore_mem>>
    %dma_start3A_16 = tpu.memref_squeeze %dma_start3A_15 : memref<1x!tpu.dma_semaphore, #tpu.memory_space<semaphore_mem>> -> memref<!tpu.dma_semaphore, #tpu.memory_space<semaphore_mem>>
    %dma_start3A_17 = arith.constant 0 : i32
    %dma_start3A_18 = arith.constant 0 : i32
    %dma_start3A_19 = tpu.memref_slice %arg2[%dma_start3A_13, %dma_start3A_17, %dma_start3A_18] : memref<16x400x1024xf32, #tpu.memory_space<vmem>> -> memref<1x400x1024xf32, #tpu.memory_space<vmem>>
    %dma_start3A_20 = tpu.memref_squeeze %dma_start3A_19 : memref<1x400x1024xf32, #tpu.memory_space<vmem>> -> memref<400x1024xf32, #tpu.memory_space<vmem>>
    %dma_start3A_21 = arith.constant 400 : i32
    %dma_start3A_22 = arith.constant 0 : i32
    %dma_start3A_23 = tpu.memref_slice %arg0[%dma_start3A_21, %dma_start3A_22] : memref<100000x1024xf32, #tpu.memory_space<any>> -> memref<400x1024xf32, #tpu.memory_space<any>>
    tpu.enqueue_dma source(%dma_start3A_23 : memref<400x1024xf32, #tpu.memory_space<any>>) target(%dma_start3A_20 : memref<400x1024xf32, #tpu.memory_space<vmem>>) target_semaphore(%dma_start3A_16 : memref<!tpu.dma_semaphore, #tpu.memory_space<semaphore_mem>>)
    %dma_start3A_24 = arith.constant 2 : i32
    %dma_start3A_25 = arith.constant 2 : i32
    %dma_start3A_26 = tpu.memref_slice %arg3[%dma_start3A_25] : memref<16x!tpu.dma_semaphore, #tpu.memory_space<semaphore_mem>> -> memref<1x!tpu.dma_semaphore, #tpu.memory_space<semaphore_mem>>
    %dma_start3A_27 = tpu.memref_squeeze %dma_start3A_26 : memref<1x!tpu.dma_semaphore, #tpu.memory_space<semaphore_mem>> -> memref<!tpu.dma_semaphore, #tpu.memory_space<semaphore_mem>>
    %dma_start3A_28 = arith.constant 0 : i32
    %dma_start3A_29 = arith.constant 0 : i32
    %dma_start3A_30 = tpu.memref_slice %arg2[%dma_start3A_24, %dma_start3A_28, %dma_start3A_29] : memref<16x400x1024xf32, #tpu.memory_space<vmem>> -> memref<1x400x1024xf32, #tpu.memory_space<vmem>>
    %dma_start3A_31 = tpu.memref_squeeze %dma_start3A_30 : memref<1x400x1024xf32, #tpu.memory_space<vmem>> -> memref<400x1024xf32, #tpu.memory_space<vmem>>
    %dma_start3A_32 = arith.constant 800 : i32
    %dma_start3A_33 = arith.constant 0 : i32
    %dma_start3A_34 = tpu.memref_slice %arg0[%dma_start3A_32, %dma_start3A_33] : memref<100000x1024xf32, #tpu.memory_space<any>> -> memref<400x1024xf32, #tpu.memory_space<any>>
    tpu.enqueue_dma source(%dma_start3A_34 : memref<400x1024xf32, #tpu.memory_space<any>>) target(%dma_start3A_31 : memref<400x1024xf32, #tpu.memory_space<vmem>>) target_semaphore(%dma_start3A_27 : memref<!tpu.dma_semaphore, #tpu.memory_space<semaphore_mem>>)
    %dma_start3A_35 = arith.constant 3 : i32
    %dma_start3A_36 = arith.constant 3 : i32
    %dma_start3A_37 = tpu.memref_slice %arg3[%dma_start3A_36] : memref<16x!tpu.dma_semaphore, #tpu.memory_space<semaphore_mem>> -> memref<1x!tpu.dma_semaphore, #tpu.memory_space<semaphore_mem>>
    %dma_start3A_38 = tpu.memref_squeeze %dma_start3A_37 : memref<1x!tpu.dma_semaphore, #tpu.memory_space<semaphore_mem>> -> memref<!tpu.dma_semaphore, #tpu.memory_space<semaphore_mem>>
    %dma_start3A_39 = arith.constant 0 : i32
    %dma_start3A_40 = arith.constant 0 : i32
    %dma_start3A_41 = tpu.memref_slice %arg2[%dma_start3A_35, %dma_start3A_39, %dma_start3A_40] : memref<16x400x1024xf32, #tpu.memory_space<vmem>> -> memref<1x400x1024xf32, #tpu.memory_space<vmem>>
    %dma_start3A_42 = tpu.memref_squeeze %dma_start3A_41 : memref<1x400x1024xf32, #tpu.memory_space<vmem>> -> memref<400x1024xf32, #tpu.memory_space<vmem>>
    %dma_start3A_43 = arith.constant 1200 : i32
    %dma_start3A_44 = arith.constant 0 : i32
    %dma_start3A_45 = tpu.memref_slice %arg0[%dma_start3A_43, %dma_start3A_44] : memref<100000x1024xf32, #tpu.memory_space<any>> -> memref<400x1024xf32, #tpu.memory_space<any>>
    tpu.enqueue_dma source(%dma_start3A_45 : memref<400x1024xf32, #tpu.memory_space<any>>) target(%dma_start3A_42 : memref<400x1024xf32, #tpu.memory_space<vmem>>) target_semaphore(%dma_start3A_38 : memref<!tpu.dma_semaphore, #tpu.memory_space<semaphore_mem>>)
    %dma_start3A_46 = arith.constant 4 : i32
    %dma_start3A_47 = arith.constant 4 : i32
    %dma_start3A_48 = tpu.memref_slice %arg3[%dma_start3A_47] : memref<16x!tpu.dma_semaphore, #tpu.memory_space<semaphore_mem>> -> memref<1x!tpu.dma_semaphore, #tpu.memory_space<semaphore_mem>>
    %dma_start3A_49 = tpu.memref_squeeze %dma_start3A_48 : memref<1x!tpu.dma_semaphore, #tpu.memory_space<semaphore_mem>> -> memref<!tpu.dma_semaphore, #tpu.memory_space<semaphore_mem>>
    %dma_start3A_50 = arith.constant 0 : i32
    %dma_start3A_51 = arith.constant 0 : i32
    %dma_start3A_52 = tpu.memref_slice %arg2[%dma_start3A_46, %dma_start3A_50, %dma_start3A_51] : memref<16x400x1024xf32, #tpu.memory_space<vmem>> -> memref<1x400x1024xf32, #tpu.memory_space<vmem>>
    %dma_start3A_53 = tpu.memref_squeeze %dma_start3A_52 : memref<1x400x1024xf32, #tpu.memory_space<vmem>> -> memref<400x1024xf32, #tpu.memory_space<vmem>>
    %dma_start3A_54 = arith.constant 1600 : i32
    %dma_start3A_55 = arith.constant 0 : i32
    %dma_start3A_56 = tpu.memref_slice %arg0[%dma_start3A_54, %dma_start3A_55] : memref<100000x1024xf32, #tpu.memory_space<any>> -> memref<400x1024xf32, #tpu.memory_space<any>>
    tpu.enqueue_dma source(%dma_start3A_56 : memref<400x1024xf32, #tpu.memory_space<any>>) target(%dma_start3A_53 : memref<400x1024xf32, #tpu.memory_space<vmem>>) target_semaphore(%dma_start3A_49 : memref<!tpu.dma_semaphore, #tpu.memory_space<semaphore_mem>>)
    %dma_start3A_57 = arith.constant 5 : i32
    %dma_start3A_58 = arith.constant 5 : i32
    %dma_start3A_59 = tpu.memref_slice %arg3[%dma_start3A_58] : memref<16x!tpu.dma_semaphore, #tpu.memory_space<semaphore_mem>> -> memref<1x!tpu.dma_semaphore, #tpu.memory_space<semaphore_mem>>
    %dma_start3A_60 = tpu.memref_squeeze %dma_start3A_59 : memref<1x!tpu.dma_semaphore, #tpu.memory_space<semaphore_mem>> -> memref<!tpu.dma_semaphore, #tpu.memory_space<semaphore_mem>>
    %dma_start3A_61 = arith.constant 0 : i32
    %dma_start3A_62 = arith.constant 0 : i32
    %dma_start3A_63 = tpu.memref_slice %arg2[%dma_start3A_57, %dma_start3A_61, %dma_start3A_62] : memref<16x400x1024xf32, #tpu.memory_space<vmem>> -> memref<1x400x1024xf32, #tpu.memory_space<vmem>>
    %dma_start3A_64 = tpu.memref_squeeze %dma_start3A_63 : memref<1x400x1024xf32, #tpu.memory_space<vmem>> -> memref<400x1024xf32, #tpu.memory_space<vmem>>
    %dma_start3A_65 = arith.constant 2000 : i32
    %dma_start3A_66 = arith.constant 0 : i32
    %dma_start3A_67 = tpu.memref_slice %arg0[%dma_start3A_65, %dma_start3A_66] : memref<100000x1024xf32, #tpu.memory_space<any>> -> memref<400x1024xf32, #tpu.memory_space<any>>
    tpu.enqueue_dma source(%dma_start3A_67 : memref<400x1024xf32, #tpu.memory_space<any>>) target(%dma_start3A_64 : memref<400x1024xf32, #tpu.memory_space<vmem>>) target_semaphore(%dma_start3A_60 : memref<!tpu.dma_semaphore, #tpu.memory_space<semaphore_mem>>)
    %dma_start3A_68 = arith.constant 6 : i32
    %dma_start3A_69 = arith.constant 6 : i32
    %dma_start3A_70 = tpu.memref_slice %arg3[%dma_start3A_69] : memref<16x!tpu.dma_semaphore, #tpu.memory_space<semaphore_mem>> -> memref<1x!tpu.dma_semaphore, #tpu.memory_space<semaphore_mem>>
    %dma_start3A_71 = tpu.memref_squeeze %dma_start3A_70 : memref<1x!tpu.dma_semaphore, #tpu.memory_space<semaphore_mem>> -> memref<!tpu.dma_semaphore, #tpu.memory_space<semaphore_mem>>
    %dma_start3A_72 = arith.constant 0 : i32
    %dma_start3A_73 = arith.constant 0 : i32
    %dma_start3A_74 = tpu.memref_slice %arg2[%dma_start3A_68, %dma_start3A_72, %dma_start3A_73] : memref<16x400x1024xf32, #tpu.memory_space<vmem>> -> memref<1x400x1024xf32, #tpu.memory_space<vmem>>
    %dma_start3A_75 = tpu.memref_squeeze %dma_start3A_74 : memref<1x400x1024xf32, #tpu.memory_space<vmem>> -> memref<400x1024xf32, #tpu.memory_space<vmem>>
    %dma_start3A_76 = arith.constant 2400 : i32
    %dma_start3A_77 = arith.constant 0 : i32
    %dma_start3A_78 = tpu.memref_slice %arg0[%dma_start3A_76, %dma_start3A_77] : memref<100000x1024xf32, #tpu.memory_space<any>> -> memref<400x1024xf32, #tpu.memory_space<any>>
    tpu.enqueue_dma source(%dma_start3A_78 : memref<400x1024xf32, #tpu.memory_space<any>>) target(%dma_start3A_75 : memref<400x1024xf32, #tpu.memory_space<vmem>>) target_semaphore(%dma_start3A_71 : memref<!tpu.dma_semaphore, #tpu.memory_space<semaphore_mem>>)
    %dma_start3A_79 = arith.constant 7 : i32
    %dma_start3A_80 = arith.constant 7 : i32
    %dma_start3A_81 = tpu.memref_slice %arg3[%dma_start3A_80] : memref<16x!tpu.dma_semaphore, #tpu.memory_space<semaphore_mem>> -> memref<1x!tpu.dma_semaphore, #tpu.memory_space<semaphore_mem>>
    %dma_start3A_82 = tpu.memref_squeeze %dma_start3A_81 : memref<1x!tpu.dma_semaphore, #tpu.memory_space<semaphore_mem>> -> memref<!tpu.dma_semaphore, #tpu.memory_space<semaphore_mem>>
    %dma_start3A_83 = arith.constant 0 : i32
    %dma_start3A_84 = arith.constant 0 : i32
    %dma_start3A_85 = tpu.memref_slice %arg2[%dma_start3A_79, %dma_start3A_83, %dma_start3A_84] : memref<16x400x1024xf32, #tpu.memory_space<vmem>> -> memref<1x400x1024xf32, #tpu.memory_space<vmem>>
    %dma_start3A_86 = tpu.memref_squeeze %dma_start3A_85 : memref<1x400x1024xf32, #tpu.memory_space<vmem>> -> memref<400x1024xf32, #tpu.memory_space<vmem>>
    %dma_start3A_87 = arith.constant 2800 : i32
    %dma_start3A_88 = arith.constant 0 : i32
    %dma_start3A_89 = tpu.memref_slice %arg0[%dma_start3A_87, %dma_start3A_88] : memref<100000x1024xf32, #tpu.memory_space<any>> -> memref<400x1024xf32, #tpu.memory_space<any>>
    tpu.enqueue_dma source(%dma_start3A_89 : memref<400x1024xf32, #tpu.memory_space<any>>) target(%dma_start3A_86 : memref<400x1024xf32, #tpu.memory_space<vmem>>) target_semaphore(%dma_start3A_82 : memref<!tpu.dma_semaphore, #tpu.memory_space<semaphore_mem>>)
    %dma_start3A_90 = arith.constant 8 : i32
    %dma_start3A_91 = arith.constant 8 : i32
    %dma_start3A_92 = tpu.memref_slice %arg3[%dma_start3A_91] : memref<16x!tpu.dma_semaphore, #tpu.memory_space<semaphore_mem>> -> memref<1x!tpu.dma_semaphore, #tpu.memory_space<semaphore_mem>>
    %dma_start3A_93 = tpu.memref_squeeze %dma_start3A_92 : memref<1x!tpu.dma_semaphore, #tpu.memory_space<semaphore_mem>> -> memref<!tpu.dma_semaphore, #tpu.memory_space<semaphore_mem>>
    %dma_start3A_94 = arith.constant 0 : i32
    %dma_start3A_95 = arith.constant 0 : i32
    %dma_start3A_96 = tpu.memref_slice %arg2[%dma_start3A_90, %dma_start3A_94, %dma_start3A_95] : memref<16x400x1024xf32, #tpu.memory_space<vmem>> -> memref<1x400x1024xf32, #tpu.memory_space<vmem>>
    %dma_start3A_97 = tpu.memref_squeeze %dma_start3A_96 : memref<1x400x1024xf32, #tpu.memory_space<vmem>> -> memref<400x1024xf32, #tpu.memory_space<vmem>>
    %dma_start3A_98 = arith.constant 3200 : i32
    %dma_start3A_99 = arith.constant 0 : i32
    %dma_start3A_100 = tpu.memref_slice %arg0[%dma_start3A_98, %dma_start3A_99] : memref<100000x1024xf32, #tpu.memory_space<any>> -> memref<400x1024xf32, #tpu.memory_space<any>>
    tpu.enqueue_dma source(%dma_start3A_100 : memref<400x1024xf32, #tpu.memory_space<any>>) target(%dma_start3A_97 : memref<400x1024xf32, #tpu.memory_space<vmem>>) target_semaphore(%dma_start3A_93 : memref<!tpu.dma_semaphore, #tpu.memory_space<semaphore_mem>>)
    %dma_start3A_101 = arith.constant 9 : i32
    %dma_start3A_102 = arith.constant 9 : i32
    %dma_start3A_103 = tpu.memref_slice %arg3[%dma_start3A_102] : memref<16x!tpu.dma_semaphore, #tpu.memory_space<semaphore_mem>> -> memref<1x!tpu.dma_semaphore, #tpu.memory_space<semaphore_mem>>
    %dma_start3A_104 = tpu.memref_squeeze %dma_start3A_103 : memref<1x!tpu.dma_semaphore, #tpu.memory_space<semaphore_mem>> -> memref<!tpu.dma_semaphore, #tpu.memory_space<semaphore_mem>>
    %dma_start3A_105 = arith.constant 0 : i32
    %dma_start3A_106 = arith.constant 0 : i32
    %dma_start3A_107 = tpu.memref_slice %arg2[%dma_start3A_101, %dma_start3A_105, %dma_start3A_106] : memref<16x400x1024xf32, #tpu.memory_space<vmem>> -> memref<1x400x1024xf32, #tpu.memory_space<vmem>>
    %dma_start3A_108 = tpu.memref_squeeze %dma_start3A_107 : memref<1x400x1024xf32, #tpu.memory_space<vmem>> -> memref<400x1024xf32, #tpu.memory_space<vmem>>
    %dma_start3A_109 = arith.constant 3600 : i32
    %dma_start3A_110 = arith.constant 0 : i32
    %dma_start3A_111 = tpu.memref_slice %arg0[%dma_start3A_109, %dma_start3A_110] : memref<100000x1024xf32, #tpu.memory_space<any>> -> memref<400x1024xf32, #tpu.memory_space<any>>
    tpu.enqueue_dma source(%dma_start3A_111 : memref<400x1024xf32, #tpu.memory_space<any>>) target(%dma_start3A_108 : memref<400x1024xf32, #tpu.memory_space<vmem>>) target_semaphore(%dma_start3A_104 : memref<!tpu.dma_semaphore, #tpu.memory_space<semaphore_mem>>)
    %dma_start3A_112 = arith.constant 10 : i32
    %dma_start3A_113 = arith.constant 10 : i32
    %dma_start3A_114 = tpu.memref_slice %arg3[%dma_start3A_113] : memref<16x!tpu.dma_semaphore, #tpu.memory_space<semaphore_mem>> -> memref<1x!tpu.dma_semaphore, #tpu.memory_space<semaphore_mem>>
    %dma_start3A_115 = tpu.memref_squeeze %dma_start3A_114 : memref<1x!tpu.dma_semaphore, #tpu.memory_space<semaphore_mem>> -> memref<!tpu.dma_semaphore, #tpu.memory_space<semaphore_mem>>
    %dma_start3A_116 = arith.constant 0 : i32
    %dma_start3A_117 = arith.constant 0 : i32
    %dma_start3A_118 = tpu.memref_slice %arg2[%dma_start3A_112, %dma_start3A_116, %dma_start3A_117] : memref<16x400x1024xf32, #tpu.memory_space<vmem>> -> memref<1x400x1024xf32, #tpu.memory_space<vmem>>
    %dma_start3A_119 = tpu.memref_squeeze %dma_start3A_118 : memref<1x400x1024xf32, #tpu.memory_space<vmem>> -> memref<400x1024xf32, #tpu.memory_space<vmem>>
    %dma_start3A_120 = arith.constant 4000 : i32
    %dma_start3A_121 = arith.constant 0 : i32
    %dma_start3A_122 = tpu.memref_slice %arg0[%dma_start3A_120, %dma_start3A_121] : memref<100000x1024xf32, #tpu.memory_space<any>> -> memref<400x1024xf32, #tpu.memory_space<any>>
    tpu.enqueue_dma source(%dma_start3A_122 : memref<400x1024xf32, #tpu.memory_space<any>>) target(%dma_start3A_119 : memref<400x1024xf32, #tpu.memory_space<vmem>>) target_semaphore(%dma_start3A_115 : memref<!tpu.dma_semaphore, #tpu.memory_space<semaphore_mem>>)
    %dma_start3A_123 = arith.constant 11 : i32
    %dma_start3A_124 = arith.constant 11 : i32
    %dma_start3A_125 = tpu.memref_slice %arg3[%dma_start3A_124] : memref<16x!tpu.dma_semaphore, #tpu.memory_space<semaphore_mem>> -> memref<1x!tpu.dma_semaphore, #tpu.memory_space<semaphore_mem>>
    %dma_start3A_126 = tpu.memref_squeeze %dma_start3A_125 : memref<1x!tpu.dma_semaphore, #tpu.memory_space<semaphore_mem>> -> memref<!tpu.dma_semaphore, #tpu.memory_space<semaphore_mem>>
    %dma_start3A_127 = arith.constant 0 : i32
    %dma_start3A_128 = arith.constant 0 : i32
    %dma_start3A_129 = tpu.memref_slice %arg2[%dma_start3A_123, %dma_start3A_127, %dma_start3A_128] : memref<16x400x1024xf32, #tpu.memory_space<vmem>> -> memref<1x400x1024xf32, #tpu.memory_space<vmem>>
    %dma_start3A_130 = tpu.memref_squeeze %dma_start3A_129 : memref<1x400x1024xf32, #tpu.memory_space<vmem>> -> memref<400x1024xf32, #tpu.memory_space<vmem>>
    %dma_start3A_131 = arith.constant 4400 : i32
    %dma_start3A_132 = arith.constant 0 : i32
    %dma_start3A_133 = tpu.memref_slice %arg0[%dma_start3A_131, %dma_start3A_132] : memref<100000x1024xf32, #tpu.memory_space<any>> -> memref<400x1024xf32, #tpu.memory_space<any>>
    tpu.enqueue_dma source(%dma_start3A_133 : memref<400x1024xf32, #tpu.memory_space<any>>) target(%dma_start3A_130 : memref<400x1024xf32, #tpu.memory_space<vmem>>) target_semaphore(%dma_start3A_126 : memref<!tpu.dma_semaphore, #tpu.memory_space<semaphore_mem>>)
    %dma_start3A_134 = arith.constant 12 : i32
    %dma_start3A_135 = arith.constant 12 : i32
    %dma_start3A_136 = tpu.memref_slice %arg3[%dma_start3A_135] : memref<16x!tpu.dma_semaphore, #tpu.memory_space<semaphore_mem>> -> memref<1x!tpu.dma_semaphore, #tpu.memory_space<semaphore_mem>>
    %dma_start3A_137 = tpu.memref_squeeze %dma_start3A_136 : memref<1x!tpu.dma_semaphore, #tpu.memory_space<semaphore_mem>> -> memref<!tpu.dma_semaphore, #tpu.memory_space<semaphore_mem>>
    %dma_start3A_138 = arith.constant 0 : i32
    %dma_start3A_139 = arith.constant 0 : i32
    %dma_start3A_140 = tpu.memref_slice %arg2[%dma_start3A_134, %dma_start3A_138, %dma_start3A_139] : memref<16x400x1024xf32, #tpu.memory_space<vmem>> -> memref<1x400x1024xf32, #tpu.memory_space<vmem>>
    %dma_start3A_141 = tpu.memref_squeeze %dma_start3A_140 : memref<1x400x1024xf32, #tpu.memory_space<vmem>> -> memref<400x1024xf32, #tpu.memory_space<vmem>>
    %dma_start3A_142 = arith.constant 4800 : i32
    %dma_start3A_143 = arith.constant 0 : i32
    %dma_start3A_144 = tpu.memref_slice %arg0[%dma_start3A_142, %dma_start3A_143] : memref<100000x1024xf32, #tpu.memory_space<any>> -> memref<400x1024xf32, #tpu.memory_space<any>>
    tpu.enqueue_dma source(%dma_start3A_144 : memref<400x1024xf32, #tpu.memory_space<any>>) target(%dma_start3A_141 : memref<400x1024xf32, #tpu.memory_space<vmem>>) target_semaphore(%dma_start3A_137 : memref<!tpu.dma_semaphore, #tpu.memory_space<semaphore_mem>>)
    %dma_start3A_145 = arith.constant 13 : i32
    %dma_start3A_146 = arith.constant 13 : i32
    %dma_start3A_147 = tpu.memref_slice %arg3[%dma_start3A_146] : memref<16x!tpu.dma_semaphore, #tpu.memory_space<semaphore_mem>> -> memref<1x!tpu.dma_semaphore, #tpu.memory_space<semaphore_mem>>
    %dma_start3A_148 = tpu.memref_squeeze %dma_start3A_147 : memref<1x!tpu.dma_semaphore, #tpu.memory_space<semaphore_mem>> -> memref<!tpu.dma_semaphore, #tpu.memory_space<semaphore_mem>>
    %dma_start3A_149 = arith.constant 0 : i32
    %dma_start3A_150 = arith.constant 0 : i32
    %dma_start3A_151 = tpu.memref_slice %arg2[%dma_start3A_145, %dma_start3A_149, %dma_start3A_150] : memref<16x400x1024xf32, #tpu.memory_space<vmem>> -> memref<1x400x1024xf32, #tpu.memory_space<vmem>>
    %dma_start3A_152 = tpu.memref_squeeze %dma_start3A_151 : memref<1x400x1024xf32, #tpu.memory_space<vmem>> -> memref<400x1024xf32, #tpu.memory_space<vmem>>
    %dma_start3A_153 = arith.constant 5200 : i32
    %dma_start3A_154 = arith.constant 0 : i32
    %dma_start3A_155 = tpu.memref_slice %arg0[%dma_start3A_153, %dma_start3A_154] : memref<100000x1024xf32, #tpu.memory_space<any>> -> memref<400x1024xf32, #tpu.memory_space<any>>
    tpu.enqueue_dma source(%dma_start3A_155 : memref<400x1024xf32, #tpu.memory_space<any>>) target(%dma_start3A_152 : memref<400x1024xf32, #tpu.memory_space<vmem>>) target_semaphore(%dma_start3A_148 : memref<!tpu.dma_semaphore, #tpu.memory_space<semaphore_mem>>)
    %dma_start3A_156 = arith.constant 14 : i32
    %dma_start3A_157 = arith.constant 14 : i32
    %dma_start3A_158 = tpu.memref_slice %arg3[%dma_start3A_157] : memref<16x!tpu.dma_semaphore, #tpu.memory_space<semaphore_mem>> -> memref<1x!tpu.dma_semaphore, #tpu.memory_space<semaphore_mem>>
    %dma_start3A_159 = tpu.memref_squeeze %dma_start3A_158 : memref<1x!tpu.dma_semaphore, #tpu.memory_space<semaphore_mem>> -> memref<!tpu.dma_semaphore, #tpu.memory_space<semaphore_mem>>
    %dma_start3A_160 = arith.constant 0 : i32
    %dma_start3A_161 = arith.constant 0 : i32
    %dma_start3A_162 = tpu.memref_slice %arg2[%dma_start3A_156, %dma_start3A_160, %dma_start3A_161] : memref<16x400x1024xf32, #tpu.memory_space<vmem>> -> memref<1x400x1024xf32, #tpu.memory_space<vmem>>
    %dma_start3A_163 = tpu.memref_squeeze %dma_start3A_162 : memref<1x400x1024xf32, #tpu.memory_space<vmem>> -> memref<400x1024xf32, #tpu.memory_space<vmem>>
    %dma_start3A_164 = arith.constant 5600 : i32
    %dma_start3A_165 = arith.constant 0 : i32
    %dma_start3A_166 = tpu.memref_slice %arg0[%dma_start3A_164, %dma_start3A_165] : memref<100000x1024xf32, #tpu.memory_space<any>> -> memref<400x1024xf32, #tpu.memory_space<any>>
    tpu.enqueue_dma source(%dma_start3A_166 : memref<400x1024xf32, #tpu.memory_space<any>>) target(%dma_start3A_163 : memref<400x1024xf32, #tpu.memory_space<vmem>>) target_semaphore(%dma_start3A_159 : memref<!tpu.dma_semaphore, #tpu.memory_space<semaphore_mem>>)
    %dma_start3A_167 = arith.constant 15 : i32
    %dma_start3A_168 = arith.constant 15 : i32
    %dma_start3A_169 = tpu.memref_slice %arg3[%dma_start3A_168] : memref<16x!tpu.dma_semaphore, #tpu.memory_space<semaphore_mem>> -> memref<1x!tpu.dma_semaphore, #tpu.memory_space<semaphore_mem>>
    %dma_start3A_170 = tpu.memref_squeeze %dma_start3A_169 : memref<1x!tpu.dma_semaphore, #tpu.memory_space<semaphore_mem>> -> memref<!tpu.dma_semaphore, #tpu.memory_space<semaphore_mem>>
    %dma_start3A_171 = arith.constant 0 : i32
    %dma_start3A_172 = arith.constant 0 : i32
    %dma_start3A_173 = tpu.memref_slice %arg2[%dma_start3A_167, %dma_start3A_171, %dma_start3A_172] : memref<16x400x1024xf32, #tpu.memory_space<vmem>> -> memref<1x400x1024xf32, #tpu.memory_space<vmem>>
    %dma_start3A_174 = tpu.memref_squeeze %dma_start3A_173 : memref<1x400x1024xf32, #tpu.memory_space<vmem>> -> memref<400x1024xf32, #tpu.memory_space<vmem>>
    %dma_start3A_175 = arith.constant 6000 : i32
    %dma_start3A_176 = arith.constant 0 : i32
    %dma_start3A_177 = tpu.memref_slice %arg0[%dma_start3A_175, %dma_start3A_176] : memref<100000x1024xf32, #tpu.memory_space<any>> -> memref<400x1024xf32, #tpu.memory_space<any>>
    tpu.enqueue_dma source(%dma_start3A_177 : memref<400x1024xf32, #tpu.memory_space<any>>) target(%dma_start3A_174 : memref<400x1024xf32, #tpu.memory_space<vmem>>) target_semaphore(%dma_start3A_170 : memref<!tpu.dma_semaphore, #tpu.memory_space<semaphore_mem>>)
    %scan3A = arith.constant 0 : i32
    %scan3A_178 = arith.constant 15 : i32
    %scan3A_179 = arith.addi %scan3A, %scan3A_178 : i32
    %scan3A_180 = arith.constant 1 : i32
    scf.for %scan3A_476 = %scan3A to %scan3A_179 step %scan3A_180  : i32 {
      %mul3A_477 = arith.constant 16 : i32
      %mul3A_478 = arith.muli %scan3A_476, %mul3A_477 : i32
      %add3A_479 = arith.constant 0 : i32
      %add3A_480 = arith.addi %mul3A_478, %add3A_479 : i32
      %mul3A_481 = arith.constant 400 : i32
      %mul3A_482 = arith.muli %add3A_480, %mul3A_481 : i32
      %dma_wait3A_483 = arith.constant 0 : i32
      %dma_wait3A_484 = arith.constant 0 : i32
      %dma_wait3A_485 = tpu.memref_slice %arg3[%dma_wait3A_484] : memref<16x!tpu.dma_semaphore, #tpu.memory_space<semaphore_mem>> -> memref<1x!tpu.dma_semaphore, #tpu.memory_space<semaphore_mem>>
      %dma_wait3A_486 = tpu.memref_squeeze %dma_wait3A_485 : memref<1x!tpu.dma_semaphore, #tpu.memory_space<semaphore_mem>> -> memref<!tpu.dma_semaphore, #tpu.memory_space<semaphore_mem>>
      %dma_wait3A_487 = arith.constant 0 : i32
      %dma_wait3A_488 = arith.constant 0 : i32
      %dma_wait3A_489 = tpu.memref_slice %arg2[%dma_wait3A_483, %dma_wait3A_487, %dma_wait3A_488] : memref<16x400x1024xf32, #tpu.memory_space<vmem>> -> memref<1x400x1024xf32, #tpu.memory_space<vmem>>
      %dma_wait3A_490 = tpu.memref_squeeze %dma_wait3A_489 : memref<1x400x1024xf32, #tpu.memory_space<vmem>> -> memref<400x1024xf32, #tpu.memory_space<vmem>>
      %dma_wait3A_491 = arith.constant 0 : i32
      %dma_wait3A_492 = tpu.memref_slice %arg0[%mul3A_482, %dma_wait3A_491] : memref<100000x1024xf32, #tpu.memory_space<any>> -> memref<400x1024xf32, #tpu.memory_space<any>>
      tpu.wait_dma2 semaphore(%dma_wait3A_486 : memref<!tpu.dma_semaphore, #tpu.memory_space<semaphore_mem>>) src(%dma_wait3A_492 : memref<400x1024xf32, #tpu.memory_space<any>>) dst(%dma_wait3A_490 : memref<400x1024xf32, #tpu.memory_space<vmem>>)
      %get3A_493 = arith.constant 0 : index
      %get3A_494 = arith.constant 0 : index
      %get3A_495 = arith.constant 0 : index
      %get3A_496 = vector.load %arg2[%get3A_493, %get3A_494, %get3A_495] : memref<16x400x1024xf32, #tpu.memory_space<vmem>>, vector<1x400x1024xf32>
      %get3A_497 = vector.shape_cast %get3A_496 : vector<1x400x1024xf32> to vector<400x1024xf32>
      %get3A_498 = arith.constant 0 : index
      %get3A_499 = arith.constant 0 : index
      %get3A_500 = vector.load %arg1[%get3A_498, %get3A_499] : memref<1x1024xf32, #tpu.memory_space<vmem>>, vector<1x1024xf32>
      %mul3A_501 = arith.constant 16.2817211 : f32
      %mul3A_502 = vector.broadcast %mul3A_501 : f32 to vector<400x1024xf32>
      %mul3A_503 = arith.mulf %mul3A_502, %get3A_497 : vector<400x1024xf32>
      %exp3A_504 = math.exp %mul3A_503 : vector<400x1024xf32>
      %reduce_sum3A_505 = arith.constant dense<0.000000e+00> : vector<1024xf32>
      %reduce_sum3A_506 = vector.multi_reduction <add>, %exp3A_504, %reduce_sum3A_505 [0] : vector<400x1024xf32> to vector<1024xf32>
      %broadcast_in_dim3A_507 = vector.shape_cast %reduce_sum3A_506 : vector<1024xf32> to vector<1x1024xf32>
      %add3A_508 = arith.addf %get3A_500, %broadcast_in_dim3A_507 : vector<1x1024xf32>
      %swap3A_509 = arith.constant 0 : index
      %swap3A_510 = arith.constant 0 : index
      %swap3A_511 = vector.load %arg1[%swap3A_509, %swap3A_510] : memref<1x1024xf32, #tpu.memory_space<vmem>>, vector<1x1024xf32>
      tpu.vector_store %arg1[%swap3A_509, %swap3A_510], %add3A_508 {strides = array<i32>} : memref<1x1024xf32, #tpu.memory_space<vmem>>, vector<1x1024xf32>,
      %add3A_512 = arith.constant 16 : i32
      %add3A_513 = arith.addi %add3A_480, %add3A_512 : i32
      %lt3A = arith.constant 250 : i32
      %lt3A_514 = arith.cmpi slt, %add3A_513, %lt3A : i32
      %convert_element_type3A = arith.extui %lt3A_514 : i1 to i32
      %cond3A = arith.constant 0 : i32
      %cond3A_515 = arith.cmpi ne, %convert_element_type3A, %cond3A : i32
      scf.if %cond3A_515 {
        %add3A_1146 = arith.constant 16 : i32
        %add3A_1147 = arith.addi %add3A_480, %add3A_1146 : i32
        %mul3A_1148 = arith.constant 400 : i32
        %mul3A_1149 = arith.muli %add3A_1147, %mul3A_1148 : i32
        %dma_start3A_1150 = arith.constant 0 : i32
        %dma_start3A_1151 = arith.constant 0 : i32
        %dma_start3A_1152 = tpu.memref_slice %arg3[%dma_start3A_1151] : memref<16x!tpu.dma_semaphore, #tpu.memory_space<semaphore_mem>> -> memref<1x!tpu.dma_semaphore, #tpu.memory_space<semaphore_mem>>
        %dma_start3A_1153 = tpu.memref_squeeze %dma_start3A_1152 : memref<1x!tpu.dma_semaphore, #tpu.memory_space<semaphore_mem>> -> memref<!tpu.dma_semaphore, #tpu.memory_space<semaphore_mem>>
        %dma_start3A_1154 = arith.constant 0 : i32
        %dma_start3A_1155 = arith.constant 0 : i32
        %dma_start3A_1156 = tpu.memref_slice %arg2[%dma_start3A_1150, %dma_start3A_1154, %dma_start3A_1155] : memref<16x400x1024xf32, #tpu.memory_space<vmem>> -> memref<1x400x1024xf32, #tpu.memory_space<vmem>>
        %dma_start3A_1157 = tpu.memref_squeeze %dma_start3A_1156 : memref<1x400x1024xf32, #tpu.memory_space<vmem>> -> memref<400x1024xf32, #tpu.memory_space<vmem>>
        %dma_start3A_1158 = arith.constant 0 : i32
        %dma_start3A_1159 = tpu.memref_slice %arg0[%mul3A_1149, %dma_start3A_1158] : memref<100000x1024xf32, #tpu.memory_space<any>> -> memref<400x1024xf32, #tpu.memory_space<any>>
        tpu.enqueue_dma source(%dma_start3A_1159 : memref<400x1024xf32, #tpu.memory_space<any>>) target(%dma_start3A_1157 : memref<400x1024xf32, #tpu.memory_space<vmem>>) target_semaphore(%dma_start3A_1153 : memref<!tpu.dma_semaphore, #tpu.memory_space<semaphore_mem>>)
      } else {
      }
      %mul3A_516 = arith.constant 16 : i32
      %mul3A_517 = arith.muli %scan3A_476, %mul3A_516 : i32
      %add3A_518 = arith.constant 1 : i32
      %add3A_519 = arith.addi %mul3A_517, %add3A_518 : i32
      %mul3A_520 = arith.constant 400 : i32
      %mul3A_521 = arith.muli %add3A_519, %mul3A_520 : i32
      %dma_wait3A_522 = arith.constant 1 : i32
      %dma_wait3A_523 = arith.constant 1 : i32
      %dma_wait3A_524 = tpu.memref_slice %arg3[%dma_wait3A_523] : memref<16x!tpu.dma_semaphore, #tpu.memory_space<semaphore_mem>> -> memref<1x!tpu.dma_semaphore, #tpu.memory_space<semaphore_mem>>
      %dma_wait3A_525 = tpu.memref_squeeze %dma_wait3A_524 : memref<1x!tpu.dma_semaphore, #tpu.memory_space<semaphore_mem>> -> memref<!tpu.dma_semaphore, #tpu.memory_space<semaphore_mem>>
      %dma_wait3A_526 = arith.constant 0 : i32
      %dma_wait3A_527 = arith.constant 0 : i32
      %dma_wait3A_528 = tpu.memref_slice %arg2[%dma_wait3A_522, %dma_wait3A_526, %dma_wait3A_527] : memref<16x400x1024xf32, #tpu.memory_space<vmem>> -> memref<1x400x1024xf32, #tpu.memory_space<vmem>>
      %dma_wait3A_529 = tpu.memref_squeeze %dma_wait3A_528 : memref<1x400x1024xf32, #tpu.memory_space<vmem>> -> memref<400x1024xf32, #tpu.memory_space<vmem>>
      %dma_wait3A_530 = arith.constant 0 : i32
      %dma_wait3A_531 = tpu.memref_slice %arg0[%mul3A_521, %dma_wait3A_530] : memref<100000x1024xf32, #tpu.memory_space<any>> -> memref<400x1024xf32, #tpu.memory_space<any>>
      tpu.wait_dma2 semaphore(%dma_wait3A_525 : memref<!tpu.dma_semaphore, #tpu.memory_space<semaphore_mem>>) src(%dma_wait3A_531 : memref<400x1024xf32, #tpu.memory_space<any>>) dst(%dma_wait3A_529 : memref<400x1024xf32, #tpu.memory_space<vmem>>)
      %get3A_532 = arith.constant 1 : index
      %get3A_533 = arith.constant 0 : index
      %get3A_534 = arith.constant 0 : index
      %get3A_535 = vector.load %arg2[%get3A_532, %get3A_533, %get3A_534] : memref<16x400x1024xf32, #tpu.memory_space<vmem>>, vector<1x400x1024xf32>
      %get3A_536 = vector.shape_cast %get3A_535 : vector<1x400x1024xf32> to vector<400x1024xf32>
      %get3A_537 = arith.constant 0 : index
      %get3A_538 = arith.constant 0 : index
      %get3A_539 = vector.load %arg1[%get3A_537, %get3A_538] : memref<1x1024xf32, #tpu.memory_space<vmem>>, vector<1x1024xf32>
      %mul3A_540 = arith.constant 16.2817211 : f32
      %mul3A_541 = vector.broadcast %mul3A_540 : f32 to vector<400x1024xf32>
      %mul3A_542 = arith.mulf %mul3A_541, %get3A_536 : vector<400x1024xf32>
      %exp3A_543 = math.exp %mul3A_542 : vector<400x1024xf32>
      %reduce_sum3A_544 = arith.constant dense<0.000000e+00> : vector<1024xf32>
      %reduce_sum3A_545 = vector.multi_reduction <add>, %exp3A_543, %reduce_sum3A_544 [0] : vector<400x1024xf32> to vector<1024xf32>
      %broadcast_in_dim3A_546 = vector.shape_cast %reduce_sum3A_545 : vector<1024xf32> to vector<1x1024xf32>
      %add3A_547 = arith.addf %get3A_539, %broadcast_in_dim3A_546 : vector<1x1024xf32>
      %swap3A_548 = arith.constant 0 : index
      %swap3A_549 = arith.constant 0 : index
      %swap3A_550 = vector.load %arg1[%swap3A_548, %swap3A_549] : memref<1x1024xf32, #tpu.memory_space<vmem>>, vector<1x1024xf32>
      tpu.vector_store %arg1[%swap3A_548, %swap3A_549], %add3A_547 {strides = array<i32>} : memref<1x1024xf32, #tpu.memory_space<vmem>>, vector<1x1024xf32>,
      %add3A_551 = arith.constant 16 : i32
      %add3A_552 = arith.addi %add3A_519, %add3A_551 : i32
      %lt3A_553 = arith.constant 250 : i32
      %lt3A_554 = arith.cmpi slt, %add3A_552, %lt3A_553 : i32
      %convert_element_type3A_555 = arith.extui %lt3A_554 : i1 to i32
      %cond3A_556 = arith.constant 0 : i32
      %cond3A_557 = arith.cmpi ne, %convert_element_type3A_555, %cond3A_556 : i32
      scf.if %cond3A_557 {
        %add3A_1146 = arith.constant 16 : i32
        %add3A_1147 = arith.addi %add3A_519, %add3A_1146 : i32
        %mul3A_1148 = arith.constant 400 : i32
        %mul3A_1149 = arith.muli %add3A_1147, %mul3A_1148 : i32
        %dma_start3A_1150 = arith.constant 1 : i32
        %dma_start3A_1151 = arith.constant 1 : i32
        %dma_start3A_1152 = tpu.memref_slice %arg3[%dma_start3A_1151] : memref<16x!tpu.dma_semaphore, #tpu.memory_space<semaphore_mem>> -> memref<1x!tpu.dma_semaphore, #tpu.memory_space<semaphore_mem>>
        %dma_start3A_1153 = tpu.memref_squeeze %dma_start3A_1152 : memref<1x!tpu.dma_semaphore, #tpu.memory_space<semaphore_mem>> -> memref<!tpu.dma_semaphore, #tpu.memory_space<semaphore_mem>>
        %dma_start3A_1154 = arith.constant 0 : i32
        %dma_start3A_1155 = arith.constant 0 : i32
        %dma_start3A_1156 = tpu.memref_slice %arg2[%dma_start3A_1150, %dma_start3A_1154, %dma_start3A_1155] : memref<16x400x1024xf32, #tpu.memory_space<vmem>> -> memref<1x400x1024xf32, #tpu.memory_space<vmem>>
        %dma_start3A_1157 = tpu.memref_squeeze %dma_start3A_1156 : memref<1x400x1024xf32, #tpu.memory_space<vmem>> -> memref<400x1024xf32, #tpu.memory_space<vmem>>
        %dma_start3A_1158 = arith.constant 0 : i32
        %dma_start3A_1159 = tpu.memref_slice %arg0[%mul3A_1149, %dma_start3A_1158] : memref<100000x1024xf32, #tpu.memory_space<any>> -> memref<400x1024xf32, #tpu.memory_space<any>>
        tpu.enqueue_dma source(%dma_start3A_1159 : memref<400x1024xf32, #tpu.memory_space<any>>) target(%dma_start3A_1157 : memref<400x1024xf32, #tpu.memory_space<vmem>>) target_semaphore(%dma_start3A_1153 : memref<!tpu.dma_semaphore, #tpu.memory_space<semaphore_mem>>)
      } else {
      }
      %mul3A_558 = arith.constant 16 : i32
      %mul3A_559 = arith.muli %scan3A_476, %mul3A_558 : i32
      %add3A_560 = arith.constant 2 : i32
      %add3A_561 = arith.addi %mul3A_559, %add3A_560 : i32
      %mul3A_562 = arith.constant 400 : i32
      %mul3A_563 = arith.muli %add3A_561, %mul3A_562 : i32
      %dma_wait3A_564 = arith.constant 2 : i32
      %dma_wait3A_565 = arith.constant 2 : i32
      %dma_wait3A_566 = tpu.memref_slice %arg3[%dma_wait3A_565] : memref<16x!tpu.dma_semaphore, #tpu.memory_space<semaphore_mem>> -> memref<1x!tpu.dma_semaphore, #tpu.memory_space<semaphore_mem>>
      %dma_wait3A_567 = tpu.memref_squeeze %dma_wait3A_566 : memref<1x!tpu.dma_semaphore, #tpu.memory_space<semaphore_mem>> -> memref<!tpu.dma_semaphore, #tpu.memory_space<semaphore_mem>>
      %dma_wait3A_568 = arith.constant 0 : i32
      %dma_wait3A_569 = arith.constant 0 : i32
      %dma_wait3A_570 = tpu.memref_slice %arg2[%dma_wait3A_564, %dma_wait3A_568, %dma_wait3A_569] : memref<16x400x1024xf32, #tpu.memory_space<vmem>> -> memref<1x400x1024xf32, #tpu.memory_space<vmem>>
      %dma_wait3A_571 = tpu.memref_squeeze %dma_wait3A_570 : memref<1x400x1024xf32, #tpu.memory_space<vmem>> -> memref<400x1024xf32, #tpu.memory_space<vmem>>
      %dma_wait3A_572 = arith.constant 0 : i32
      %dma_wait3A_573 = tpu.memref_slice %arg0[%mul3A_563, %dma_wait3A_572] : memref<100000x1024xf32, #tpu.memory_space<any>> -> memref<400x1024xf32, #tpu.memory_space<any>>
      tpu.wait_dma2 semaphore(%dma_wait3A_567 : memref<!tpu.dma_semaphore, #tpu.memory_space<semaphore_mem>>) src(%dma_wait3A_573 : memref<400x1024xf32, #tpu.memory_space<any>>) dst(%dma_wait3A_571 : memref<400x1024xf32, #tpu.memory_space<vmem>>)
      %get3A_574 = arith.constant 2 : index
      %get3A_575 = arith.constant 0 : index
      %get3A_576 = arith.constant 0 : index
      %get3A_577 = vector.load %arg2[%get3A_574, %get3A_575, %get3A_576] : memref<16x400x1024xf32, #tpu.memory_space<vmem>>, vector<1x400x1024xf32>
      %get3A_578 = vector.shape_cast %get3A_577 : vector<1x400x1024xf32> to vector<400x1024xf32>
      %get3A_579 = arith.constant 0 : index
      %get3A_580 = arith.constant 0 : index
      %get3A_581 = vector.load %arg1[%get3A_579, %get3A_580] : memref<1x1024xf32, #tpu.memory_space<vmem>>, vector<1x1024xf32>
      %mul3A_582 = arith.constant 16.2817211 : f32
      %mul3A_583 = vector.broadcast %mul3A_582 : f32 to vector<400x1024xf32>
      %mul3A_584 = arith.mulf %mul3A_583, %get3A_578 : vector<400x1024xf32>
      %exp3A_585 = math.exp %mul3A_584 : vector<400x1024xf32>
      %reduce_sum3A_586 = arith.constant dense<0.000000e+00> : vector<1024xf32>
      %reduce_sum3A_587 = vector.multi_reduction <add>, %exp3A_585, %reduce_sum3A_586 [0] : vector<400x1024xf32> to vector<1024xf32>
      %broadcast_in_dim3A_588 = vector.shape_cast %reduce_sum3A_587 : vector<1024xf32> to vector<1x1024xf32>
      %add3A_589 = arith.addf %get3A_581, %broadcast_in_dim3A_588 : vector<1x1024xf32>
      %swap3A_590 = arith.constant 0 : index
      %swap3A_591 = arith.constant 0 : index
      %swap3A_592 = vector.load %arg1[%swap3A_590, %swap3A_591] : memref<1x1024xf32, #tpu.memory_space<vmem>>, vector<1x1024xf32>
      tpu.vector_store %arg1[%swap3A_590, %swap3A_591], %add3A_589 {strides = array<i32>} : memref<1x1024xf32, #tpu.memory_space<vmem>>, vector<1x1024xf32>,
      %add3A_593 = arith.constant 16 : i32
      %add3A_594 = arith.addi %add3A_561, %add3A_593 : i32
      %lt3A_595 = arith.constant 250 : i32
      %lt3A_596 = arith.cmpi slt, %add3A_594, %lt3A_595 : i32
      %convert_element_type3A_597 = arith.extui %lt3A_596 : i1 to i32
      %cond3A_598 = arith.constant 0 : i32
      %cond3A_599 = arith.cmpi ne, %convert_element_type3A_597, %cond3A_598 : i32
      scf.if %cond3A_599 {
        %add3A_1146 = arith.constant 16 : i32
        %add3A_1147 = arith.addi %add3A_561, %add3A_1146 : i32
        %mul3A_1148 = arith.constant 400 : i32
        %mul3A_1149 = arith.muli %add3A_1147, %mul3A_1148 : i32
        %dma_start3A_1150 = arith.constant 2 : i32
        %dma_start3A_1151 = arith.constant 2 : i32
        %dma_start3A_1152 = tpu.memref_slice %arg3[%dma_start3A_1151] : memref<16x!tpu.dma_semaphore, #tpu.memory_space<semaphore_mem>> -> memref<1x!tpu.dma_semaphore, #tpu.memory_space<semaphore_mem>>
        %dma_start3A_1153 = tpu.memref_squeeze %dma_start3A_1152 : memref<1x!tpu.dma_semaphore, #tpu.memory_space<semaphore_mem>> -> memref<!tpu.dma_semaphore, #tpu.memory_space<semaphore_mem>>
        %dma_start3A_1154 = arith.constant 0 : i32
        %dma_start3A_1155 = arith.constant 0 : i32
        %dma_start3A_1156 = tpu.memref_slice %arg2[%dma_start3A_1150, %dma_start3A_1154, %dma_start3A_1155] : memref<16x400x1024xf32, #tpu.memory_space<vmem>> -> memref<1x400x1024xf32, #tpu.memory_space<vmem>>
        %dma_start3A_1157 = tpu.memref_squeeze %dma_start3A_1156 : memref<1x400x1024xf32, #tpu.memory_space<vmem>> -> memref<400x1024xf32, #tpu.memory_space<vmem>>
        %dma_start3A_1158 = arith.constant 0 : i32
        %dma_start3A_1159 = tpu.memref_slice %arg0[%mul3A_1149, %dma_start3A_1158] : memref<100000x1024xf32, #tpu.memory_space<any>> -> memref<400x1024xf32, #tpu.memory_space<any>>
        tpu.enqueue_dma source(%dma_start3A_1159 : memref<400x1024xf32, #tpu.memory_space<any>>) target(%dma_start3A_1157 : memref<400x1024xf32, #tpu.memory_space<vmem>>) target_semaphore(%dma_start3A_1153 : memref<!tpu.dma_semaphore, #tpu.memory_space<semaphore_mem>>)
      } else {
      }
      %mul3A_600 = arith.constant 16 : i32
      %mul3A_601 = arith.muli %scan3A_476, %mul3A_600 : i32
      %add3A_602 = arith.constant 3 : i32
      %add3A_603 = arith.addi %mul3A_601, %add3A_602 : i32
      %mul3A_604 = arith.constant 400 : i32
      %mul3A_605 = arith.muli %add3A_603, %mul3A_604 : i32
      %dma_wait3A_606 = arith.constant 3 : i32
      %dma_wait3A_607 = arith.constant 3 : i32
      %dma_wait3A_608 = tpu.memref_slice %arg3[%dma_wait3A_607] : memref<16x!tpu.dma_semaphore, #tpu.memory_space<semaphore_mem>> -> memref<1x!tpu.dma_semaphore, #tpu.memory_space<semaphore_mem>>
      %dma_wait3A_609 = tpu.memref_squeeze %dma_wait3A_608 : memref<1x!tpu.dma_semaphore, #tpu.memory_space<semaphore_mem>> -> memref<!tpu.dma_semaphore, #tpu.memory_space<semaphore_mem>>
      %dma_wait3A_610 = arith.constant 0 : i32
      %dma_wait3A_611 = arith.constant 0 : i32
      %dma_wait3A_612 = tpu.memref_slice %arg2[%dma_wait3A_606, %dma_wait3A_610, %dma_wait3A_611] : memref<16x400x1024xf32, #tpu.memory_space<vmem>> -> memref<1x400x1024xf32, #tpu.memory_space<vmem>>
      %dma_wait3A_613 = tpu.memref_squeeze %dma_wait3A_612 : memref<1x400x1024xf32, #tpu.memory_space<vmem>> -> memref<400x1024xf32, #tpu.memory_space<vmem>>
      %dma_wait3A_614 = arith.constant 0 : i32
      %dma_wait3A_615 = tpu.memref_slice %arg0[%mul3A_605, %dma_wait3A_614] : memref<100000x1024xf32, #tpu.memory_space<any>> -> memref<400x1024xf32, #tpu.memory_space<any>>
      tpu.wait_dma2 semaphore(%dma_wait3A_609 : memref<!tpu.dma_semaphore, #tpu.memory_space<semaphore_mem>>) src(%dma_wait3A_615 : memref<400x1024xf32, #tpu.memory_space<any>>) dst(%dma_wait3A_613 : memref<400x1024xf32, #tpu.memory_space<vmem>>)
      %get3A_616 = arith.constant 3 : index
      %get3A_617 = arith.constant 0 : index
      %get3A_618 = arith.constant 0 : index
      %get3A_619 = vector.load %arg2[%get3A_616, %get3A_617, %get3A_618] : memref<16x400x1024xf32, #tpu.memory_space<vmem>>, vector<1x400x1024xf32>
      %get3A_620 = vector.shape_cast %get3A_619 : vector<1x400x1024xf32> to vector<400x1024xf32>
      %get3A_621 = arith.constant 0 : index
      %get3A_622 = arith.constant 0 : index
      %get3A_623 = vector.load %arg1[%get3A_621, %get3A_622] : memref<1x1024xf32, #tpu.memory_space<vmem>>, vector<1x1024xf32>
      %mul3A_624 = arith.constant 16.2817211 : f32
      %mul3A_625 = vector.broadcast %mul3A_624 : f32 to vector<400x1024xf32>
      %mul3A_626 = arith.mulf %mul3A_625, %get3A_620 : vector<400x1024xf32>
      %exp3A_627 = math.exp %mul3A_626 : vector<400x1024xf32>
      %reduce_sum3A_628 = arith.constant dense<0.000000e+00> : vector<1024xf32>
      %reduce_sum3A_629 = vector.multi_reduction <add>, %exp3A_627, %reduce_sum3A_628 [0] : vector<400x1024xf32> to vector<1024xf32>
      %broadcast_in_dim3A_630 = vector.shape_cast %reduce_sum3A_629 : vector<1024xf32> to vector<1x1024xf32>
      %add3A_631 = arith.addf %get3A_623, %broadcast_in_dim3A_630 : vector<1x1024xf32>
      %swap3A_632 = arith.constant 0 : index
      %swap3A_633 = arith.constant 0 : index
      %swap3A_634 = vector.load %arg1[%swap3A_632, %swap3A_633] : memref<1x1024xf32, #tpu.memory_space<vmem>>, vector<1x1024xf32>
      tpu.vector_store %arg1[%swap3A_632, %swap3A_633], %add3A_631 {strides = array<i32>} : memref<1x1024xf32, #tpu.memory_space<vmem>>, vector<1x1024xf32>,
      %add3A_635 = arith.constant 16 : i32
      %add3A_636 = arith.addi %add3A_603, %add3A_635 : i32
      %lt3A_637 = arith.constant 250 : i32
      %lt3A_638 = arith.cmpi slt, %add3A_636, %lt3A_637 : i32
      %convert_element_type3A_639 = arith.extui %lt3A_638 : i1 to i32
      %cond3A_640 = arith.constant 0 : i32
      %cond3A_641 = arith.cmpi ne, %convert_element_type3A_639, %cond3A_640 : i32
      scf.if %cond3A_641 {
        %add3A_1146 = arith.constant 16 : i32
        %add3A_1147 = arith.addi %add3A_603, %add3A_1146 : i32
        %mul3A_1148 = arith.constant 400 : i32
        %mul3A_1149 = arith.muli %add3A_1147, %mul3A_1148 : i32
        %dma_start3A_1150 = arith.constant 3 : i32
        %dma_start3A_1151 = arith.constant 3 : i32
        %dma_start3A_1152 = tpu.memref_slice %arg3[%dma_start3A_1151] : memref<16x!tpu.dma_semaphore, #tpu.memory_space<semaphore_mem>> -> memref<1x!tpu.dma_semaphore, #tpu.memory_space<semaphore_mem>>
        %dma_start3A_1153 = tpu.memref_squeeze %dma_start3A_1152 : memref<1x!tpu.dma_semaphore, #tpu.memory_space<semaphore_mem>> -> memref<!tpu.dma_semaphore, #tpu.memory_space<semaphore_mem>>
        %dma_start3A_1154 = arith.constant 0 : i32
        %dma_start3A_1155 = arith.constant 0 : i32
        %dma_start3A_1156 = tpu.memref_slice %arg2[%dma_start3A_1150, %dma_start3A_1154, %dma_start3A_1155] : memref<16x400x1024xf32, #tpu.memory_space<vmem>> -> memref<1x400x1024xf32, #tpu.memory_space<vmem>>
        %dma_start3A_1157 = tpu.memref_squeeze %dma_start3A_1156 : memref<1x400x1024xf32, #tpu.memory_space<vmem>> -> memref<400x1024xf32, #tpu.memory_space<vmem>>
        %dma_start3A_1158 = arith.constant 0 : i32
        %dma_start3A_1159 = tpu.memref_slice %arg0[%mul3A_1149, %dma_start3A_1158] : memref<100000x1024xf32, #tpu.memory_space<any>> -> memref<400x1024xf32, #tpu.memory_space<any>>
        tpu.enqueue_dma source(%dma_start3A_1159 : memref<400x1024xf32, #tpu.memory_space<any>>) target(%dma_start3A_1157 : memref<400x1024xf32, #tpu.memory_space<vmem>>) target_semaphore(%dma_start3A_1153 : memref<!tpu.dma_semaphore, #tpu.memory_space<semaphore_mem>>)
      } else {
      }
      %mul3A_642 = arith.constant 16 : i32
      %mul3A_643 = arith.muli %scan3A_476, %mul3A_642 : i32
      %add3A_644 = arith.constant 4 : i32
      %add3A_645 = arith.addi %mul3A_643, %add3A_644 : i32
      %mul3A_646 = arith.constant 400 : i32
      %mul3A_647 = arith.muli %add3A_645, %mul3A_646 : i32
      %dma_wait3A_648 = arith.constant 4 : i32
      %dma_wait3A_649 = arith.constant 4 : i32
      %dma_wait3A_650 = tpu.memref_slice %arg3[%dma_wait3A_649] : memref<16x!tpu.dma_semaphore, #tpu.memory_space<semaphore_mem>> -> memref<1x!tpu.dma_semaphore, #tpu.memory_space<semaphore_mem>>
      %dma_wait3A_651 = tpu.memref_squeeze %dma_wait3A_650 : memref<1x!tpu.dma_semaphore, #tpu.memory_space<semaphore_mem>> -> memref<!tpu.dma_semaphore, #tpu.memory_space<semaphore_mem>>
      %dma_wait3A_652 = arith.constant 0 : i32
      %dma_wait3A_653 = arith.constant 0 : i32
      %dma_wait3A_654 = tpu.memref_slice %arg2[%dma_wait3A_648, %dma_wait3A_652, %dma_wait3A_653] : memref<16x400x1024xf32, #tpu.memory_space<vmem>> -> memref<1x400x1024xf32, #tpu.memory_space<vmem>>
      %dma_wait3A_655 = tpu.memref_squeeze %dma_wait3A_654 : memref<1x400x1024xf32, #tpu.memory_space<vmem>> -> memref<400x1024xf32, #tpu.memory_space<vmem>>
      %dma_wait3A_656 = arith.constant 0 : i32
      %dma_wait3A_657 = tpu.memref_slice %arg0[%mul3A_647, %dma_wait3A_656] : memref<100000x1024xf32, #tpu.memory_space<any>> -> memref<400x1024xf32, #tpu.memory_space<any>>
      tpu.wait_dma2 semaphore(%dma_wait3A_651 : memref<!tpu.dma_semaphore, #tpu.memory_space<semaphore_mem>>) src(%dma_wait3A_657 : memref<400x1024xf32, #tpu.memory_space<any>>) dst(%dma_wait3A_655 : memref<400x1024xf32, #tpu.memory_space<vmem>>)
      %get3A_658 = arith.constant 4 : index
      %get3A_659 = arith.constant 0 : index
      %get3A_660 = arith.constant 0 : index
      %get3A_661 = vector.load %arg2[%get3A_658, %get3A_659, %get3A_660] : memref<16x400x1024xf32, #tpu.memory_space<vmem>>, vector<1x400x1024xf32>
      %get3A_662 = vector.shape_cast %get3A_661 : vector<1x400x1024xf32> to vector<400x1024xf32>
      %get3A_663 = arith.constant 0 : index
      %get3A_664 = arith.constant 0 : index
      %get3A_665 = vector.load %arg1[%get3A_663, %get3A_664] : memref<1x1024xf32, #tpu.memory_space<vmem>>, vector<1x1024xf32>
      %mul3A_666 = arith.constant 16.2817211 : f32
      %mul3A_667 = vector.broadcast %mul3A_666 : f32 to vector<400x1024xf32>
      %mul3A_668 = arith.mulf %mul3A_667, %get3A_662 : vector<400x1024xf32>
      %exp3A_669 = math.exp %mul3A_668 : vector<400x1024xf32>
      %reduce_sum3A_670 = arith.constant dense<0.000000e+00> : vector<1024xf32>
      %reduce_sum3A_671 = vector.multi_reduction <add>, %exp3A_669, %reduce_sum3A_670 [0] : vector<400x1024xf32> to vector<1024xf32>
      %broadcast_in_dim3A_672 = vector.shape_cast %reduce_sum3A_671 : vector<1024xf32> to vector<1x1024xf32>
      %add3A_673 = arith.addf %get3A_665, %broadcast_in_dim3A_672 : vector<1x1024xf32>
      %swap3A_674 = arith.constant 0 : index
      %swap3A_675 = arith.constant 0 : index
      %swap3A_676 = vector.load %arg1[%swap3A_674, %swap3A_675] : memref<1x1024xf32, #tpu.memory_space<vmem>>, vector<1x1024xf32>
      tpu.vector_store %arg1[%swap3A_674, %swap3A_675], %add3A_673 {strides = array<i32>} : memref<1x1024xf32, #tpu.memory_space<vmem>>, vector<1x1024xf32>,
      %add3A_677 = arith.constant 16 : i32
      %add3A_678 = arith.addi %add3A_645, %add3A_677 : i32
      %lt3A_679 = arith.constant 250 : i32
      %lt3A_680 = arith.cmpi slt, %add3A_678, %lt3A_679 : i32
      %convert_element_type3A_681 = arith.extui %lt3A_680 : i1 to i32
      %cond3A_682 = arith.constant 0 : i32
      %cond3A_683 = arith.cmpi ne, %convert_element_type3A_681, %cond3A_682 : i32
      scf.if %cond3A_683 {
        %add3A_1146 = arith.constant 16 : i32
        %add3A_1147 = arith.addi %add3A_645, %add3A_1146 : i32
        %mul3A_1148 = arith.constant 400 : i32
        %mul3A_1149 = arith.muli %add3A_1147, %mul3A_1148 : i32
        %dma_start3A_1150 = arith.constant 4 : i32
        %dma_start3A_1151 = arith.constant 4 : i32
        %dma_start3A_1152 = tpu.memref_slice %arg3[%dma_start3A_1151] : memref<16x!tpu.dma_semaphore, #tpu.memory_space<semaphore_mem>> -> memref<1x!tpu.dma_semaphore, #tpu.memory_space<semaphore_mem>>
        %dma_start3A_1153 = tpu.memref_squeeze %dma_start3A_1152 : memref<1x!tpu.dma_semaphore, #tpu.memory_space<semaphore_mem>> -> memref<!tpu.dma_semaphore, #tpu.memory_space<semaphore_mem>>
        %dma_start3A_1154 = arith.constant 0 : i32
        %dma_start3A_1155 = arith.constant 0 : i32
        %dma_start3A_1156 = tpu.memref_slice %arg2[%dma_start3A_1150, %dma_start3A_1154, %dma_start3A_1155] : memref<16x400x1024xf32, #tpu.memory_space<vmem>> -> memref<1x400x1024xf32, #tpu.memory_space<vmem>>
        %dma_start3A_1157 = tpu.memref_squeeze %dma_start3A_1156 : memref<1x400x1024xf32, #tpu.memory_space<vmem>> -> memref<400x1024xf32, #tpu.memory_space<vmem>>
        %dma_start3A_1158 = arith.constant 0 : i32
        %dma_start3A_1159 = tpu.memref_slice %arg0[%mul3A_1149, %dma_start3A_1158] : memref<100000x1024xf32, #tpu.memory_space<any>> -> memref<400x1024xf32, #tpu.memory_space<any>>
        tpu.enqueue_dma source(%dma_start3A_1159 : memref<400x1024xf32, #tpu.memory_space<any>>) target(%dma_start3A_1157 : memref<400x1024xf32, #tpu.memory_space<vmem>>) target_semaphore(%dma_start3A_1153 : memref<!tpu.dma_semaphore, #tpu.memory_space<semaphore_mem>>)
      } else {
      }
      %mul3A_684 = arith.constant 16 : i32
      %mul3A_685 = arith.muli %scan3A_476, %mul3A_684 : i32
      %add3A_686 = arith.constant 5 : i32
      %add3A_687 = arith.addi %mul3A_685, %add3A_686 : i32
      %mul3A_688 = arith.constant 400 : i32
      %mul3A_689 = arith.muli %add3A_687, %mul3A_688 : i32
      %dma_wait3A_690 = arith.constant 5 : i32
      %dma_wait3A_691 = arith.constant 5 : i32
      %dma_wait3A_692 = tpu.memref_slice %arg3[%dma_wait3A_691] : memref<16x!tpu.dma_semaphore, #tpu.memory_space<semaphore_mem>> -> memref<1x!tpu.dma_semaphore, #tpu.memory_space<semaphore_mem>>
      %dma_wait3A_693 = tpu.memref_squeeze %dma_wait3A_692 : memref<1x!tpu.dma_semaphore, #tpu.memory_space<semaphore_mem>> -> memref<!tpu.dma_semaphore, #tpu.memory_space<semaphore_mem>>
      %dma_wait3A_694 = arith.constant 0 : i32
      %dma_wait3A_695 = arith.constant 0 : i32
      %dma_wait3A_696 = tpu.memref_slice %arg2[%dma_wait3A_690, %dma_wait3A_694, %dma_wait3A_695] : memref<16x400x1024xf32, #tpu.memory_space<vmem>> -> memref<1x400x1024xf32, #tpu.memory_space<vmem>>
      %dma_wait3A_697 = tpu.memref_squeeze %dma_wait3A_696 : memref<1x400x1024xf32, #tpu.memory_space<vmem>> -> memref<400x1024xf32, #tpu.memory_space<vmem>>
      %dma_wait3A_698 = arith.constant 0 : i32
      %dma_wait3A_699 = tpu.memref_slice %arg0[%mul3A_689, %dma_wait3A_698] : memref<100000x1024xf32, #tpu.memory_space<any>> -> memref<400x1024xf32, #tpu.memory_space<any>>
      tpu.wait_dma2 semaphore(%dma_wait3A_693 : memref<!tpu.dma_semaphore, #tpu.memory_space<semaphore_mem>>) src(%dma_wait3A_699 : memref<400x1024xf32, #tpu.memory_space<any>>) dst(%dma_wait3A_697 : memref<400x1024xf32, #tpu.memory_space<vmem>>)
      %get3A_700 = arith.constant 5 : index
      %get3A_701 = arith.constant 0 : index
      %get3A_702 = arith.constant 0 : index
      %get3A_703 = vector.load %arg2[%get3A_700, %get3A_701, %get3A_702] : memref<16x400x1024xf32, #tpu.memory_space<vmem>>, vector<1x400x1024xf32>
      %get3A_704 = vector.shape_cast %get3A_703 : vector<1x400x1024xf32> to vector<400x1024xf32>
      %get3A_705 = arith.constant 0 : index
      %get3A_706 = arith.constant 0 : index
      %get3A_707 = vector.load %arg1[%get3A_705, %get3A_706] : memref<1x1024xf32, #tpu.memory_space<vmem>>, vector<1x1024xf32>
      %mul3A_708 = arith.constant 16.2817211 : f32
      %mul3A_709 = vector.broadcast %mul3A_708 : f32 to vector<400x1024xf32>
      %mul3A_710 = arith.mulf %mul3A_709, %get3A_704 : vector<400x1024xf32>
      %exp3A_711 = math.exp %mul3A_710 : vector<400x1024xf32>
      %reduce_sum3A_712 = arith.constant dense<0.000000e+00> : vector<1024xf32>
      %reduce_sum3A_713 = vector.multi_reduction <add>, %exp3A_711, %reduce_sum3A_712 [0] : vector<400x1024xf32> to vector<1024xf32>
      %broadcast_in_dim3A_714 = vector.shape_cast %reduce_sum3A_713 : vector<1024xf32> to vector<1x1024xf32>
      %add3A_715 = arith.addf %get3A_707, %broadcast_in_dim3A_714 : vector<1x1024xf32>
      %swap3A_716 = arith.constant 0 : index
      %swap3A_717 = arith.constant 0 : index
      %swap3A_718 = vector.load %arg1[%swap3A_716, %swap3A_717] : memref<1x1024xf32, #tpu.memory_space<vmem>>, vector<1x1024xf32>
      tpu.vector_store %arg1[%swap3A_716, %swap3A_717], %add3A_715 {strides = array<i32>} : memref<1x1024xf32, #tpu.memory_space<vmem>>, vector<1x1024xf32>,
      %add3A_719 = arith.constant 16 : i32
      %add3A_720 = arith.addi %add3A_687, %add3A_719 : i32
      %lt3A_721 = arith.constant 250 : i32
      %lt3A_722 = arith.cmpi slt, %add3A_720, %lt3A_721 : i32
      %convert_element_type3A_723 = arith.extui %lt3A_722 : i1 to i32
      %cond3A_724 = arith.constant 0 : i32
      %cond3A_725 = arith.cmpi ne, %convert_element_type3A_723, %cond3A_724 : i32
      scf.if %cond3A_725 {
        %add3A_1146 = arith.constant 16 : i32
        %add3A_1147 = arith.addi %add3A_687, %add3A_1146 : i32
        %mul3A_1148 = arith.constant 400 : i32
        %mul3A_1149 = arith.muli %add3A_1147, %mul3A_1148 : i32
        %dma_start3A_1150 = arith.constant 5 : i32
        %dma_start3A_1151 = arith.constant 5 : i32
        %dma_start3A_1152 = tpu.memref_slice %arg3[%dma_start3A_1151] : memref<16x!tpu.dma_semaphore, #tpu.memory_space<semaphore_mem>> -> memref<1x!tpu.dma_semaphore, #tpu.memory_space<semaphore_mem>>
        %dma_start3A_1153 = tpu.memref_squeeze %dma_start3A_1152 : memref<1x!tpu.dma_semaphore, #tpu.memory_space<semaphore_mem>> -> memref<!tpu.dma_semaphore, #tpu.memory_space<semaphore_mem>>
        %dma_start3A_1154 = arith.constant 0 : i32
        %dma_start3A_1155 = arith.constant 0 : i32
        %dma_start3A_1156 = tpu.memref_slice %arg2[%dma_start3A_1150, %dma_start3A_1154, %dma_start3A_1155] : memref<16x400x1024xf32, #tpu.memory_space<vmem>> -> memref<1x400x1024xf32, #tpu.memory_space<vmem>>
        %dma_start3A_1157 = tpu.memref_squeeze %dma_start3A_1156 : memref<1x400x1024xf32, #tpu.memory_space<vmem>> -> memref<400x1024xf32, #tpu.memory_space<vmem>>
        %dma_start3A_1158 = arith.constant 0 : i32
        %dma_start3A_1159 = tpu.memref_slice %arg0[%mul3A_1149, %dma_start3A_1158] : memref<100000x1024xf32, #tpu.memory_space<any>> -> memref<400x1024xf32, #tpu.memory_space<any>>
        tpu.enqueue_dma source(%dma_start3A_1159 : memref<400x1024xf32, #tpu.memory_space<any>>) target(%dma_start3A_1157 : memref<400x1024xf32, #tpu.memory_space<vmem>>) target_semaphore(%dma_start3A_1153 : memref<!tpu.dma_semaphore, #tpu.memory_space<semaphore_mem>>)
      } else {
      }
      %mul3A_726 = arith.constant 16 : i32
      %mul3A_727 = arith.muli %scan3A_476, %mul3A_726 : i32
      %add3A_728 = arith.constant 6 : i32
      %add3A_729 = arith.addi %mul3A_727, %add3A_728 : i32
      %mul3A_730 = arith.constant 400 : i32
      %mul3A_731 = arith.muli %add3A_729, %mul3A_730 : i32
      %dma_wait3A_732 = arith.constant 6 : i32
      %dma_wait3A_733 = arith.constant 6 : i32
      %dma_wait3A_734 = tpu.memref_slice %arg3[%dma_wait3A_733] : memref<16x!tpu.dma_semaphore, #tpu.memory_space<semaphore_mem>> -> memref<1x!tpu.dma_semaphore, #tpu.memory_space<semaphore_mem>>
      %dma_wait3A_735 = tpu.memref_squeeze %dma_wait3A_734 : memref<1x!tpu.dma_semaphore, #tpu.memory_space<semaphore_mem>> -> memref<!tpu.dma_semaphore, #tpu.memory_space<semaphore_mem>>
      %dma_wait3A_736 = arith.constant 0 : i32
      %dma_wait3A_737 = arith.constant 0 : i32
      %dma_wait3A_738 = tpu.memref_slice %arg2[%dma_wait3A_732, %dma_wait3A_736, %dma_wait3A_737] : memref<16x400x1024xf32, #tpu.memory_space<vmem>> -> memref<1x400x1024xf32, #tpu.memory_space<vmem>>
      %dma_wait3A_739 = tpu.memref_squeeze %dma_wait3A_738 : memref<1x400x1024xf32, #tpu.memory_space<vmem>> -> memref<400x1024xf32, #tpu.memory_space<vmem>>
      %dma_wait3A_740 = arith.constant 0 : i32
      %dma_wait3A_741 = tpu.memref_slice %arg0[%mul3A_731, %dma_wait3A_740] : memref<100000x1024xf32, #tpu.memory_space<any>> -> memref<400x1024xf32, #tpu.memory_space<any>>
      tpu.wait_dma2 semaphore(%dma_wait3A_735 : memref<!tpu.dma_semaphore, #tpu.memory_space<semaphore_mem>>) src(%dma_wait3A_741 : memref<400x1024xf32, #tpu.memory_space<any>>) dst(%dma_wait3A_739 : memref<400x1024xf32, #tpu.memory_space<vmem>>)
      %get3A_742 = arith.constant 6 : index
      %get3A_743 = arith.constant 0 : index
      %get3A_744 = arith.constant 0 : index
      %get3A_745 = vector.load %arg2[%get3A_742, %get3A_743, %get3A_744] : memref<16x400x1024xf32, #tpu.memory_space<vmem>>, vector<1x400x1024xf32>
      %get3A_746 = vector.shape_cast %get3A_745 : vector<1x400x1024xf32> to vector<400x1024xf32>
      %get3A_747 = arith.constant 0 : index
      %get3A_748 = arith.constant 0 : index
      %get3A_749 = vector.load %arg1[%get3A_747, %get3A_748] : memref<1x1024xf32, #tpu.memory_space<vmem>>, vector<1x1024xf32>
      %mul3A_750 = arith.constant 16.2817211 : f32
      %mul3A_751 = vector.broadcast %mul3A_750 : f32 to vector<400x1024xf32>
      %mul3A_752 = arith.mulf %mul3A_751, %get3A_746 : vector<400x1024xf32>
      %exp3A_753 = math.exp %mul3A_752 : vector<400x1024xf32>
      %reduce_sum3A_754 = arith.constant dense<0.000000e+00> : vector<1024xf32>
      %reduce_sum3A_755 = vector.multi_reduction <add>, %exp3A_753, %reduce_sum3A_754 [0] : vector<400x1024xf32> to vector<1024xf32>
      %broadcast_in_dim3A_756 = vector.shape_cast %reduce_sum3A_755 : vector<1024xf32> to vector<1x1024xf32>
      %add3A_757 = arith.addf %get3A_749, %broadcast_in_dim3A_756 : vector<1x1024xf32>
      %swap3A_758 = arith.constant 0 : index
      %swap3A_759 = arith.constant 0 : index
      %swap3A_760 = vector.load %arg1[%swap3A_758, %swap3A_759] : memref<1x1024xf32, #tpu.memory_space<vmem>>, vector<1x1024xf32>
      tpu.vector_store %arg1[%swap3A_758, %swap3A_759], %add3A_757 {strides = array<i32>} : memref<1x1024xf32, #tpu.memory_space<vmem>>, vector<1x1024xf32>,
      %add3A_761 = arith.constant 16 : i32
      %add3A_762 = arith.addi %add3A_729, %add3A_761 : i32
      %lt3A_763 = arith.constant 250 : i32
      %lt3A_764 = arith.cmpi slt, %add3A_762, %lt3A_763 : i32
      %convert_element_type3A_765 = arith.extui %lt3A_764 : i1 to i32
      %cond3A_766 = arith.constant 0 : i32
      %cond3A_767 = arith.cmpi ne, %convert_element_type3A_765, %cond3A_766 : i32
      scf.if %cond3A_767 {
        %add3A_1146 = arith.constant 16 : i32
        %add3A_1147 = arith.addi %add3A_729, %add3A_1146 : i32
        %mul3A_1148 = arith.constant 400 : i32
        %mul3A_1149 = arith.muli %add3A_1147, %mul3A_1148 : i32
        %dma_start3A_1150 = arith.constant 6 : i32
        %dma_start3A_1151 = arith.constant 6 : i32
        %dma_start3A_1152 = tpu.memref_slice %arg3[%dma_start3A_1151] : memref<16x!tpu.dma_semaphore, #tpu.memory_space<semaphore_mem>> -> memref<1x!tpu.dma_semaphore, #tpu.memory_space<semaphore_mem>>
        %dma_start3A_1153 = tpu.memref_squeeze %dma_start3A_1152 : memref<1x!tpu.dma_semaphore, #tpu.memory_space<semaphore_mem>> -> memref<!tpu.dma_semaphore, #tpu.memory_space<semaphore_mem>>
        %dma_start3A_1154 = arith.constant 0 : i32
        %dma_start3A_1155 = arith.constant 0 : i32
        %dma_start3A_1156 = tpu.memref_slice %arg2[%dma_start3A_1150, %dma_start3A_1154, %dma_start3A_1155] : memref<16x400x1024xf32, #tpu.memory_space<vmem>> -> memref<1x400x1024xf32, #tpu.memory_space<vmem>>
        %dma_start3A_1157 = tpu.memref_squeeze %dma_start3A_1156 : memref<1x400x1024xf32, #tpu.memory_space<vmem>> -> memref<400x1024xf32, #tpu.memory_space<vmem>>
        %dma_start3A_1158 = arith.constant 0 : i32
        %dma_start3A_1159 = tpu.memref_slice %arg0[%mul3A_1149, %dma_start3A_1158] : memref<100000x1024xf32, #tpu.memory_space<any>> -> memref<400x1024xf32, #tpu.memory_space<any>>
        tpu.enqueue_dma source(%dma_start3A_1159 : memref<400x1024xf32, #tpu.memory_space<any>>) target(%dma_start3A_1157 : memref<400x1024xf32, #tpu.memory_space<vmem>>) target_semaphore(%dma_start3A_1153 : memref<!tpu.dma_semaphore, #tpu.memory_space<semaphore_mem>>)
      } else {
      }
      %mul3A_768 = arith.constant 16 : i32
      %mul3A_769 = arith.muli %scan3A_476, %mul3A_768 : i32
      %add3A_770 = arith.constant 7 : i32
      %add3A_771 = arith.addi %mul3A_769, %add3A_770 : i32
      %mul3A_772 = arith.constant 400 : i32
      %mul3A_773 = arith.muli %add3A_771, %mul3A_772 : i32
      %dma_wait3A_774 = arith.constant 7 : i32
      %dma_wait3A_775 = arith.constant 7 : i32
      %dma_wait3A_776 = tpu.memref_slice %arg3[%dma_wait3A_775] : memref<16x!tpu.dma_semaphore, #tpu.memory_space<semaphore_mem>> -> memref<1x!tpu.dma_semaphore, #tpu.memory_space<semaphore_mem>>
      %dma_wait3A_777 = tpu.memref_squeeze %dma_wait3A_776 : memref<1x!tpu.dma_semaphore, #tpu.memory_space<semaphore_mem>> -> memref<!tpu.dma_semaphore, #tpu.memory_space<semaphore_mem>>
      %dma_wait3A_778 = arith.constant 0 : i32
      %dma_wait3A_779 = arith.constant 0 : i32
      %dma_wait3A_780 = tpu.memref_slice %arg2[%dma_wait3A_774, %dma_wait3A_778, %dma_wait3A_779] : memref<16x400x1024xf32, #tpu.memory_space<vmem>> -> memref<1x400x1024xf32, #tpu.memory_space<vmem>>
      %dma_wait3A_781 = tpu.memref_squeeze %dma_wait3A_780 : memref<1x400x1024xf32, #tpu.memory_space<vmem>> -> memref<400x1024xf32, #tpu.memory_space<vmem>>
      %dma_wait3A_782 = arith.constant 0 : i32
      %dma_wait3A_783 = tpu.memref_slice %arg0[%mul3A_773, %dma_wait3A_782] : memref<100000x1024xf32, #tpu.memory_space<any>> -> memref<400x1024xf32, #tpu.memory_space<any>>
      tpu.wait_dma2 semaphore(%dma_wait3A_777 : memref<!tpu.dma_semaphore, #tpu.memory_space<semaphore_mem>>) src(%dma_wait3A_783 : memref<400x1024xf32, #tpu.memory_space<any>>) dst(%dma_wait3A_781 : memref<400x1024xf32, #tpu.memory_space<vmem>>)
      %get3A_784 = arith.constant 7 : index
      %get3A_785 = arith.constant 0 : index
      %get3A_786 = arith.constant 0 : index
      %get3A_787 = vector.load %arg2[%get3A_784, %get3A_785, %get3A_786] : memref<16x400x1024xf32, #tpu.memory_space<vmem>>, vector<1x400x1024xf32>
      %get3A_788 = vector.shape_cast %get3A_787 : vector<1x400x1024xf32> to vector<400x1024xf32>
      %get3A_789 = arith.constant 0 : index
      %get3A_790 = arith.constant 0 : index
      %get3A_791 = vector.load %arg1[%get3A_789, %get3A_790] : memref<1x1024xf32, #tpu.memory_space<vmem>>, vector<1x1024xf32>
      %mul3A_792 = arith.constant 16.2817211 : f32
      %mul3A_793 = vector.broadcast %mul3A_792 : f32 to vector<400x1024xf32>
      %mul3A_794 = arith.mulf %mul3A_793, %get3A_788 : vector<400x1024xf32>
      %exp3A_795 = math.exp %mul3A_794 : vector<400x1024xf32>
      %reduce_sum3A_796 = arith.constant dense<0.000000e+00> : vector<1024xf32>
      %reduce_sum3A_797 = vector.multi_reduction <add>, %exp3A_795, %reduce_sum3A_796 [0] : vector<400x1024xf32> to vector<1024xf32>
      %broadcast_in_dim3A_798 = vector.shape_cast %reduce_sum3A_797 : vector<1024xf32> to vector<1x1024xf32>
      %add3A_799 = arith.addf %get3A_791, %broadcast_in_dim3A_798 : vector<1x1024xf32>
      %swap3A_800 = arith.constant 0 : index
      %swap3A_801 = arith.constant 0 : index
      %swap3A_802 = vector.load %arg1[%swap3A_800, %swap3A_801] : memref<1x1024xf32, #tpu.memory_space<vmem>>, vector<1x1024xf32>
      tpu.vector_store %arg1[%swap3A_800, %swap3A_801], %add3A_799 {strides = array<i32>} : memref<1x1024xf32, #tpu.memory_space<vmem>>, vector<1x1024xf32>,
      %add3A_803 = arith.constant 16 : i32
      %add3A_804 = arith.addi %add3A_771, %add3A_803 : i32
      %lt3A_805 = arith.constant 250 : i32
      %lt3A_806 = arith.cmpi slt, %add3A_804, %lt3A_805 : i32
      %convert_element_type3A_807 = arith.extui %lt3A_806 : i1 to i32
      %cond3A_808 = arith.constant 0 : i32
      %cond3A_809 = arith.cmpi ne, %convert_element_type3A_807, %cond3A_808 : i32
      scf.if %cond3A_809 {
        %add3A_1146 = arith.constant 16 : i32
        %add3A_1147 = arith.addi %add3A_771, %add3A_1146 : i32
        %mul3A_1148 = arith.constant 400 : i32
        %mul3A_1149 = arith.muli %add3A_1147, %mul3A_1148 : i32
        %dma_start3A_1150 = arith.constant 7 : i32
        %dma_start3A_1151 = arith.constant 7 : i32
        %dma_start3A_1152 = tpu.memref_slice %arg3[%dma_start3A_1151] : memref<16x!tpu.dma_semaphore, #tpu.memory_space<semaphore_mem>> -> memref<1x!tpu.dma_semaphore, #tpu.memory_space<semaphore_mem>>
        %dma_start3A_1153 = tpu.memref_squeeze %dma_start3A_1152 : memref<1x!tpu.dma_semaphore, #tpu.memory_space<semaphore_mem>> -> memref<!tpu.dma_semaphore, #tpu.memory_space<semaphore_mem>>
        %dma_start3A_1154 = arith.constant 0 : i32
        %dma_start3A_1155 = arith.constant 0 : i32
        %dma_start3A_1156 = tpu.memref_slice %arg2[%dma_start3A_1150, %dma_start3A_1154, %dma_start3A_1155] : memref<16x400x1024xf32, #tpu.memory_space<vmem>> -> memref<1x400x1024xf32, #tpu.memory_space<vmem>>
        %dma_start3A_1157 = tpu.memref_squeeze %dma_start3A_1156 : memref<1x400x1024xf32, #tpu.memory_space<vmem>> -> memref<400x1024xf32, #tpu.memory_space<vmem>>
        %dma_start3A_1158 = arith.constant 0 : i32
        %dma_start3A_1159 = tpu.memref_slice %arg0[%mul3A_1149, %dma_start3A_1158] : memref<100000x1024xf32, #tpu.memory_space<any>> -> memref<400x1024xf32, #tpu.memory_space<any>>
        tpu.enqueue_dma source(%dma_start3A_1159 : memref<400x1024xf32, #tpu.memory_space<any>>) target(%dma_start3A_1157 : memref<400x1024xf32, #tpu.memory_space<vmem>>) target_semaphore(%dma_start3A_1153 : memref<!tpu.dma_semaphore, #tpu.memory_space<semaphore_mem>>)
      } else {
      }
      %mul3A_810 = arith.constant 16 : i32
      %mul3A_811 = arith.muli %scan3A_476, %mul3A_810 : i32
      %add3A_812 = arith.constant 8 : i32
      %add3A_813 = arith.addi %mul3A_811, %add3A_812 : i32
      %mul3A_814 = arith.constant 400 : i32
      %mul3A_815 = arith.muli %add3A_813, %mul3A_814 : i32
      %dma_wait3A_816 = arith.constant 8 : i32
      %dma_wait3A_817 = arith.constant 8 : i32
      %dma_wait3A_818 = tpu.memref_slice %arg3[%dma_wait3A_817] : memref<16x!tpu.dma_semaphore, #tpu.memory_space<semaphore_mem>> -> memref<1x!tpu.dma_semaphore, #tpu.memory_space<semaphore_mem>>
      %dma_wait3A_819 = tpu.memref_squeeze %dma_wait3A_818 : memref<1x!tpu.dma_semaphore, #tpu.memory_space<semaphore_mem>> -> memref<!tpu.dma_semaphore, #tpu.memory_space<semaphore_mem>>
      %dma_wait3A_820 = arith.constant 0 : i32
      %dma_wait3A_821 = arith.constant 0 : i32
      %dma_wait3A_822 = tpu.memref_slice %arg2[%dma_wait3A_816, %dma_wait3A_820, %dma_wait3A_821] : memref<16x400x1024xf32, #tpu.memory_space<vmem>> -> memref<1x400x1024xf32, #tpu.memory_space<vmem>>
      %dma_wait3A_823 = tpu.memref_squeeze %dma_wait3A_822 : memref<1x400x1024xf32, #tpu.memory_space<vmem>> -> memref<400x1024xf32, #tpu.memory_space<vmem>>
      %dma_wait3A_824 = arith.constant 0 : i32
      %dma_wait3A_825 = tpu.memref_slice %arg0[%mul3A_815, %dma_wait3A_824] : memref<100000x1024xf32, #tpu.memory_space<any>> -> memref<400x1024xf32, #tpu.memory_space<any>>
      tpu.wait_dma2 semaphore(%dma_wait3A_819 : memref<!tpu.dma_semaphore, #tpu.memory_space<semaphore_mem>>) src(%dma_wait3A_825 : memref<400x1024xf32, #tpu.memory_space<any>>) dst(%dma_wait3A_823 : memref<400x1024xf32, #tpu.memory_space<vmem>>)
      %get3A_826 = arith.constant 8 : index
      %get3A_827 = arith.constant 0 : index
      %get3A_828 = arith.constant 0 : index
      %get3A_829 = vector.load %arg2[%get3A_826, %get3A_827, %get3A_828] : memref<16x400x1024xf32, #tpu.memory_space<vmem>>, vector<1x400x1024xf32>
      %get3A_830 = vector.shape_cast %get3A_829 : vector<1x400x1024xf32> to vector<400x1024xf32>
      %get3A_831 = arith.constant 0 : index
      %get3A_832 = arith.constant 0 : index
      %get3A_833 = vector.load %arg1[%get3A_831, %get3A_832] : memref<1x1024xf32, #tpu.memory_space<vmem>>, vector<1x1024xf32>
      %mul3A_834 = arith.constant 16.2817211 : f32
      %mul3A_835 = vector.broadcast %mul3A_834 : f32 to vector<400x1024xf32>
      %mul3A_836 = arith.mulf %mul3A_835, %get3A_830 : vector<400x1024xf32>
      %exp3A_837 = math.exp %mul3A_836 : vector<400x1024xf32>
      %reduce_sum3A_838 = arith.constant dense<0.000000e+00> : vector<1024xf32>
      %reduce_sum3A_839 = vector.multi_reduction <add>, %exp3A_837, %reduce_sum3A_838 [0] : vector<400x1024xf32> to vector<1024xf32>
      %broadcast_in_dim3A_840 = vector.shape_cast %reduce_sum3A_839 : vector<1024xf32> to vector<1x1024xf32>
      %add3A_841 = arith.addf %get3A_833, %broadcast_in_dim3A_840 : vector<1x1024xf32>
      %swap3A_842 = arith.constant 0 : index
      %swap3A_843 = arith.constant 0 : index
      %swap3A_844 = vector.load %arg1[%swap3A_842, %swap3A_843] : memref<1x1024xf32, #tpu.memory_space<vmem>>, vector<1x1024xf32>
      tpu.vector_store %arg1[%swap3A_842, %swap3A_843], %add3A_841 {strides = array<i32>} : memref<1x1024xf32, #tpu.memory_space<vmem>>, vector<1x1024xf32>,
      %add3A_845 = arith.constant 16 : i32
      %add3A_846 = arith.addi %add3A_813, %add3A_845 : i32
      %lt3A_847 = arith.constant 250 : i32
      %lt3A_848 = arith.cmpi slt, %add3A_846, %lt3A_847 : i32
      %convert_element_type3A_849 = arith.extui %lt3A_848 : i1 to i32
      %cond3A_850 = arith.constant 0 : i32
      %cond3A_851 = arith.cmpi ne, %convert_element_type3A_849, %cond3A_850 : i32
      scf.if %cond3A_851 {
        %add3A_1146 = arith.constant 16 : i32
        %add3A_1147 = arith.addi %add3A_813, %add3A_1146 : i32
        %mul3A_1148 = arith.constant 400 : i32
        %mul3A_1149 = arith.muli %add3A_1147, %mul3A_1148 : i32
        %dma_start3A_1150 = arith.constant 8 : i32
        %dma_start3A_1151 = arith.constant 8 : i32
        %dma_start3A_1152 = tpu.memref_slice %arg3[%dma_start3A_1151] : memref<16x!tpu.dma_semaphore, #tpu.memory_space<semaphore_mem>> -> memref<1x!tpu.dma_semaphore, #tpu.memory_space<semaphore_mem>>
        %dma_start3A_1153 = tpu.memref_squeeze %dma_start3A_1152 : memref<1x!tpu.dma_semaphore, #tpu.memory_space<semaphore_mem>> -> memref<!tpu.dma_semaphore, #tpu.memory_space<semaphore_mem>>
        %dma_start3A_1154 = arith.constant 0 : i32
        %dma_start3A_1155 = arith.constant 0 : i32
        %dma_start3A_1156 = tpu.memref_slice %arg2[%dma_start3A_1150, %dma_start3A_1154, %dma_start3A_1155] : memref<16x400x1024xf32, #tpu.memory_space<vmem>> -> memref<1x400x1024xf32, #tpu.memory_space<vmem>>
        %dma_start3A_1157 = tpu.memref_squeeze %dma_start3A_1156 : memref<1x400x1024xf32, #tpu.memory_space<vmem>> -> memref<400x1024xf32, #tpu.memory_space<vmem>>
        %dma_start3A_1158 = arith.constant 0 : i32
        %dma_start3A_1159 = tpu.memref_slice %arg0[%mul3A_1149, %dma_start3A_1158] : memref<100000x1024xf32, #tpu.memory_space<any>> -> memref<400x1024xf32, #tpu.memory_space<any>>
        tpu.enqueue_dma source(%dma_start3A_1159 : memref<400x1024xf32, #tpu.memory_space<any>>) target(%dma_start3A_1157 : memref<400x1024xf32, #tpu.memory_space<vmem>>) target_semaphore(%dma_start3A_1153 : memref<!tpu.dma_semaphore, #tpu.memory_space<semaphore_mem>>)
      } else {
      }
      %mul3A_852 = arith.constant 16 : i32
      %mul3A_853 = arith.muli %scan3A_476, %mul3A_852 : i32
      %add3A_854 = arith.constant 9 : i32
      %add3A_855 = arith.addi %mul3A_853, %add3A_854 : i32
      %mul3A_856 = arith.constant 400 : i32
      %mul3A_857 = arith.muli %add3A_855, %mul3A_856 : i32
      %dma_wait3A_858 = arith.constant 9 : i32
      %dma_wait3A_859 = arith.constant 9 : i32
      %dma_wait3A_860 = tpu.memref_slice %arg3[%dma_wait3A_859] : memref<16x!tpu.dma_semaphore, #tpu.memory_space<semaphore_mem>> -> memref<1x!tpu.dma_semaphore, #tpu.memory_space<semaphore_mem>>
      %dma_wait3A_861 = tpu.memref_squeeze %dma_wait3A_860 : memref<1x!tpu.dma_semaphore, #tpu.memory_space<semaphore_mem>> -> memref<!tpu.dma_semaphore, #tpu.memory_space<semaphore_mem>>
      %dma_wait3A_862 = arith.constant 0 : i32
      %dma_wait3A_863 = arith.constant 0 : i32
      %dma_wait3A_864 = tpu.memref_slice %arg2[%dma_wait3A_858, %dma_wait3A_862, %dma_wait3A_863] : memref<16x400x1024xf32, #tpu.memory_space<vmem>> -> memref<1x400x1024xf32, #tpu.memory_space<vmem>>
      %dma_wait3A_865 = tpu.memref_squeeze %dma_wait3A_864 : memref<1x400x1024xf32, #tpu.memory_space<vmem>> -> memref<400x1024xf32, #tpu.memory_space<vmem>>
      %dma_wait3A_866 = arith.constant 0 : i32
      %dma_wait3A_867 = tpu.memref_slice %arg0[%mul3A_857, %dma_wait3A_866] : memref<100000x1024xf32, #tpu.memory_space<any>> -> memref<400x1024xf32, #tpu.memory_space<any>>
      tpu.wait_dma2 semaphore(%dma_wait3A_861 : memref<!tpu.dma_semaphore, #tpu.memory_space<semaphore_mem>>) src(%dma_wait3A_867 : memref<400x1024xf32, #tpu.memory_space<any>>) dst(%dma_wait3A_865 : memref<400x1024xf32, #tpu.memory_space<vmem>>)
      %get3A_868 = arith.constant 9 : index
      %get3A_869 = arith.constant 0 : index
      %get3A_870 = arith.constant 0 : index
      %get3A_871 = vector.load %arg2[%get3A_868, %get3A_869, %get3A_870] : memref<16x400x1024xf32, #tpu.memory_space<vmem>>, vector<1x400x1024xf32>
      %get3A_872 = vector.shape_cast %get3A_871 : vector<1x400x1024xf32> to vector<400x1024xf32>
      %get3A_873 = arith.constant 0 : index
      %get3A_874 = arith.constant 0 : index
      %get3A_875 = vector.load %arg1[%get3A_873, %get3A_874] : memref<1x1024xf32, #tpu.memory_space<vmem>>, vector<1x1024xf32>
      %mul3A_876 = arith.constant 16.2817211 : f32
      %mul3A_877 = vector.broadcast %mul3A_876 : f32 to vector<400x1024xf32>
      %mul3A_878 = arith.mulf %mul3A_877, %get3A_872 : vector<400x1024xf32>
      %exp3A_879 = math.exp %mul3A_878 : vector<400x1024xf32>
      %reduce_sum3A_880 = arith.constant dense<0.000000e+00> : vector<1024xf32>
      %reduce_sum3A_881 = vector.multi_reduction <add>, %exp3A_879, %reduce_sum3A_880 [0] : vector<400x1024xf32> to vector<1024xf32>
      %broadcast_in_dim3A_882 = vector.shape_cast %reduce_sum3A_881 : vector<1024xf32> to vector<1x1024xf32>
      %add3A_883 = arith.addf %get3A_875, %broadcast_in_dim3A_882 : vector<1x1024xf32>
      %swap3A_884 = arith.constant 0 : index
      %swap3A_885 = arith.constant 0 : index
      %swap3A_886 = vector.load %arg1[%swap3A_884, %swap3A_885] : memref<1x1024xf32, #tpu.memory_space<vmem>>, vector<1x1024xf32>
      tpu.vector_store %arg1[%swap3A_884, %swap3A_885], %add3A_883 {strides = array<i32>} : memref<1x1024xf32, #tpu.memory_space<vmem>>, vector<1x1024xf32>,
      %add3A_887 = arith.constant 16 : i32
      %add3A_888 = arith.addi %add3A_855, %add3A_887 : i32
      %lt3A_889 = arith.constant 250 : i32
      %lt3A_890 = arith.cmpi slt, %add3A_888, %lt3A_889 : i32
      %convert_element_type3A_891 = arith.extui %lt3A_890 : i1 to i32
      %cond3A_892 = arith.constant 0 : i32
      %cond3A_893 = arith.cmpi ne, %convert_element_type3A_891, %cond3A_892 : i32
      scf.if %cond3A_893 {
        %add3A_1146 = arith.constant 16 : i32
        %add3A_1147 = arith.addi %add3A_855, %add3A_1146 : i32
        %mul3A_1148 = arith.constant 400 : i32
        %mul3A_1149 = arith.muli %add3A_1147, %mul3A_1148 : i32
        %dma_start3A_1150 = arith.constant 9 : i32
        %dma_start3A_1151 = arith.constant 9 : i32
        %dma_start3A_1152 = tpu.memref_slice %arg3[%dma_start3A_1151] : memref<16x!tpu.dma_semaphore, #tpu.memory_space<semaphore_mem>> -> memref<1x!tpu.dma_semaphore, #tpu.memory_space<semaphore_mem>>
        %dma_start3A_1153 = tpu.memref_squeeze %dma_start3A_1152 : memref<1x!tpu.dma_semaphore, #tpu.memory_space<semaphore_mem>> -> memref<!tpu.dma_semaphore, #tpu.memory_space<semaphore_mem>>
        %dma_start3A_1154 = arith.constant 0 : i32
        %dma_start3A_1155 = arith.constant 0 : i32
        %dma_start3A_1156 = tpu.memref_slice %arg2[%dma_start3A_1150, %dma_start3A_1154, %dma_start3A_1155] : memref<16x400x1024xf32, #tpu.memory_space<vmem>> -> memref<1x400x1024xf32, #tpu.memory_space<vmem>>
        %dma_start3A_1157 = tpu.memref_squeeze %dma_start3A_1156 : memref<1x400x1024xf32, #tpu.memory_space<vmem>> -> memref<400x1024xf32, #tpu.memory_space<vmem>>
        %dma_start3A_1158 = arith.constant 0 : i32
        %dma_start3A_1159 = tpu.memref_slice %arg0[%mul3A_1149, %dma_start3A_1158] : memref<100000x1024xf32, #tpu.memory_space<any>> -> memref<400x1024xf32, #tpu.memory_space<any>>
        tpu.enqueue_dma source(%dma_start3A_1159 : memref<400x1024xf32, #tpu.memory_space<any>>) target(%dma_start3A_1157 : memref<400x1024xf32, #tpu.memory_space<vmem>>) target_semaphore(%dma_start3A_1153 : memref<!tpu.dma_semaphore, #tpu.memory_space<semaphore_mem>>)
      } else {
      }
      %mul3A_894 = arith.constant 16 : i32
      %mul3A_895 = arith.muli %scan3A_476, %mul3A_894 : i32
      %add3A_896 = arith.constant 10 : i32
      %add3A_897 = arith.addi %mul3A_895, %add3A_896 : i32
      %mul3A_898 = arith.constant 400 : i32
      %mul3A_899 = arith.muli %add3A_897, %mul3A_898 : i32
      %dma_wait3A_900 = arith.constant 10 : i32
      %dma_wait3A_901 = arith.constant 10 : i32
      %dma_wait3A_902 = tpu.memref_slice %arg3[%dma_wait3A_901] : memref<16x!tpu.dma_semaphore, #tpu.memory_space<semaphore_mem>> -> memref<1x!tpu.dma_semaphore, #tpu.memory_space<semaphore_mem>>
      %dma_wait3A_903 = tpu.memref_squeeze %dma_wait3A_902 : memref<1x!tpu.dma_semaphore, #tpu.memory_space<semaphore_mem>> -> memref<!tpu.dma_semaphore, #tpu.memory_space<semaphore_mem>>
      %dma_wait3A_904 = arith.constant 0 : i32
      %dma_wait3A_905 = arith.constant 0 : i32
      %dma_wait3A_906 = tpu.memref_slice %arg2[%dma_wait3A_900, %dma_wait3A_904, %dma_wait3A_905] : memref<16x400x1024xf32, #tpu.memory_space<vmem>> -> memref<1x400x1024xf32, #tpu.memory_space<vmem>>
      %dma_wait3A_907 = tpu.memref_squeeze %dma_wait3A_906 : memref<1x400x1024xf32, #tpu.memory_space<vmem>> -> memref<400x1024xf32, #tpu.memory_space<vmem>>
      %dma_wait3A_908 = arith.constant 0 : i32
      %dma_wait3A_909 = tpu.memref_slice %arg0[%mul3A_899, %dma_wait3A_908] : memref<100000x1024xf32, #tpu.memory_space<any>> -> memref<400x1024xf32, #tpu.memory_space<any>>
      tpu.wait_dma2 semaphore(%dma_wait3A_903 : memref<!tpu.dma_semaphore, #tpu.memory_space<semaphore_mem>>) src(%dma_wait3A_909 : memref<400x1024xf32, #tpu.memory_space<any>>) dst(%dma_wait3A_907 : memref<400x1024xf32, #tpu.memory_space<vmem>>)
      %get3A_910 = arith.constant 10 : index
      %get3A_911 = arith.constant 0 : index
      %get3A_912 = arith.constant 0 : index
      %get3A_913 = vector.load %arg2[%get3A_910, %get3A_911, %get3A_912] : memref<16x400x1024xf32, #tpu.memory_space<vmem>>, vector<1x400x1024xf32>
      %get3A_914 = vector.shape_cast %get3A_913 : vector<1x400x1024xf32> to vector<400x1024xf32>
      %get3A_915 = arith.constant 0 : index
      %get3A_916 = arith.constant 0 : index
      %get3A_917 = vector.load %arg1[%get3A_915, %get3A_916] : memref<1x1024xf32, #tpu.memory_space<vmem>>, vector<1x1024xf32>
      %mul3A_918 = arith.constant 16.2817211 : f32
      %mul3A_919 = vector.broadcast %mul3A_918 : f32 to vector<400x1024xf32>
      %mul3A_920 = arith.mulf %mul3A_919, %get3A_914 : vector<400x1024xf32>
      %exp3A_921 = math.exp %mul3A_920 : vector<400x1024xf32>
      %reduce_sum3A_922 = arith.constant dense<0.000000e+00> : vector<1024xf32>
      %reduce_sum3A_923 = vector.multi_reduction <add>, %exp3A_921, %reduce_sum3A_922 [0] : vector<400x1024xf32> to vector<1024xf32>
      %broadcast_in_dim3A_924 = vector.shape_cast %reduce_sum3A_923 : vector<1024xf32> to vector<1x1024xf32>
      %add3A_925 = arith.addf %get3A_917, %broadcast_in_dim3A_924 : vector<1x1024xf32>
      %swap3A_926 = arith.constant 0 : index
      %swap3A_927 = arith.constant 0 : index
      %swap3A_928 = vector.load %arg1[%swap3A_926, %swap3A_927] : memref<1x1024xf32, #tpu.memory_space<vmem>>, vector<1x1024xf32>
      tpu.vector_store %arg1[%swap3A_926, %swap3A_927], %add3A_925 {strides = array<i32>} : memref<1x1024xf32, #tpu.memory_space<vmem>>, vector<1x1024xf32>,
      %add3A_929 = arith.constant 16 : i32
      %add3A_930 = arith.addi %add3A_897, %add3A_929 : i32
      %lt3A_931 = arith.constant 250 : i32
      %lt3A_932 = arith.cmpi slt, %add3A_930, %lt3A_931 : i32
      %convert_element_type3A_933 = arith.extui %lt3A_932 : i1 to i32
      %cond3A_934 = arith.constant 0 : i32
      %cond3A_935 = arith.cmpi ne, %convert_element_type3A_933, %cond3A_934 : i32
      scf.if %cond3A_935 {
        %add3A_1146 = arith.constant 16 : i32
        %add3A_1147 = arith.addi %add3A_897, %add3A_1146 : i32
        %mul3A_1148 = arith.constant 400 : i32
        %mul3A_1149 = arith.muli %add3A_1147, %mul3A_1148 : i32
        %dma_start3A_1150 = arith.constant 10 : i32
        %dma_start3A_1151 = arith.constant 10 : i32
        %dma_start3A_1152 = tpu.memref_slice %arg3[%dma_start3A_1151] : memref<16x!tpu.dma_semaphore, #tpu.memory_space<semaphore_mem>> -> memref<1x!tpu.dma_semaphore, #tpu.memory_space<semaphore_mem>>
        %dma_start3A_1153 = tpu.memref_squeeze %dma_start3A_1152 : memref<1x!tpu.dma_semaphore, #tpu.memory_space<semaphore_mem>> -> memref<!tpu.dma_semaphore, #tpu.memory_space<semaphore_mem>>
        %dma_start3A_1154 = arith.constant 0 : i32
        %dma_start3A_1155 = arith.constant 0 : i32
        %dma_start3A_1156 = tpu.memref_slice %arg2[%dma_start3A_1150, %dma_start3A_1154, %dma_start3A_1155] : memref<16x400x1024xf32, #tpu.memory_space<vmem>> -> memref<1x400x1024xf32, #tpu.memory_space<vmem>>
        %dma_start3A_1157 = tpu.memref_squeeze %dma_start3A_1156 : memref<1x400x1024xf32, #tpu.memory_space<vmem>> -> memref<400x1024xf32, #tpu.memory_space<vmem>>
        %dma_start3A_1158 = arith.constant 0 : i32
        %dma_start3A_1159 = tpu.memref_slice %arg0[%mul3A_1149, %dma_start3A_1158] : memref<100000x1024xf32, #tpu.memory_space<any>> -> memref<400x1024xf32, #tpu.memory_space<any>>
        tpu.enqueue_dma source(%dma_start3A_1159 : memref<400x1024xf32, #tpu.memory_space<any>>) target(%dma_start3A_1157 : memref<400x1024xf32, #tpu.memory_space<vmem>>) target_semaphore(%dma_start3A_1153 : memref<!tpu.dma_semaphore, #tpu.memory_space<semaphore_mem>>)
      } else {
      }
      %mul3A_936 = arith.constant 16 : i32
      %mul3A_937 = arith.muli %scan3A_476, %mul3A_936 : i32
      %add3A_938 = arith.constant 11 : i32
      %add3A_939 = arith.addi %mul3A_937, %add3A_938 : i32
      %mul3A_940 = arith.constant 400 : i32
      %mul3A_941 = arith.muli %add3A_939, %mul3A_940 : i32
      %dma_wait3A_942 = arith.constant 11 : i32
      %dma_wait3A_943 = arith.constant 11 : i32
      %dma_wait3A_944 = tpu.memref_slice %arg3[%dma_wait3A_943] : memref<16x!tpu.dma_semaphore, #tpu.memory_space<semaphore_mem>> -> memref<1x!tpu.dma_semaphore, #tpu.memory_space<semaphore_mem>>
      %dma_wait3A_945 = tpu.memref_squeeze %dma_wait3A_944 : memref<1x!tpu.dma_semaphore, #tpu.memory_space<semaphore_mem>> -> memref<!tpu.dma_semaphore, #tpu.memory_space<semaphore_mem>>
      %dma_wait3A_946 = arith.constant 0 : i32
      %dma_wait3A_947 = arith.constant 0 : i32
      %dma_wait3A_948 = tpu.memref_slice %arg2[%dma_wait3A_942, %dma_wait3A_946, %dma_wait3A_947] : memref<16x400x1024xf32, #tpu.memory_space<vmem>> -> memref<1x400x1024xf32, #tpu.memory_space<vmem>>
      %dma_wait3A_949 = tpu.memref_squeeze %dma_wait3A_948 : memref<1x400x1024xf32, #tpu.memory_space<vmem>> -> memref<400x1024xf32, #tpu.memory_space<vmem>>
      %dma_wait3A_950 = arith.constant 0 : i32
      %dma_wait3A_951 = tpu.memref_slice %arg0[%mul3A_941, %dma_wait3A_950] : memref<100000x1024xf32, #tpu.memory_space<any>> -> memref<400x1024xf32, #tpu.memory_space<any>>
      tpu.wait_dma2 semaphore(%dma_wait3A_945 : memref<!tpu.dma_semaphore, #tpu.memory_space<semaphore_mem>>) src(%dma_wait3A_951 : memref<400x1024xf32, #tpu.memory_space<any>>) dst(%dma_wait3A_949 : memref<400x1024xf32, #tpu.memory_space<vmem>>)
      %get3A_952 = arith.constant 11 : index
      %get3A_953 = arith.constant 0 : index
      %get3A_954 = arith.constant 0 : index
      %get3A_955 = vector.load %arg2[%get3A_952, %get3A_953, %get3A_954] : memref<16x400x1024xf32, #tpu.memory_space<vmem>>, vector<1x400x1024xf32>
      %get3A_956 = vector.shape_cast %get3A_955 : vector<1x400x1024xf32> to vector<400x1024xf32>
      %get3A_957 = arith.constant 0 : index
      %get3A_958 = arith.constant 0 : index
      %get3A_959 = vector.load %arg1[%get3A_957, %get3A_958] : memref<1x1024xf32, #tpu.memory_space<vmem>>, vector<1x1024xf32>
      %mul3A_960 = arith.constant 16.2817211 : f32
      %mul3A_961 = vector.broadcast %mul3A_960 : f32 to vector<400x1024xf32>
      %mul3A_962 = arith.mulf %mul3A_961, %get3A_956 : vector<400x1024xf32>
      %exp3A_963 = math.exp %mul3A_962 : vector<400x1024xf32>
      %reduce_sum3A_964 = arith.constant dense<0.000000e+00> : vector<1024xf32>
      %reduce_sum3A_965 = vector.multi_reduction <add>, %exp3A_963, %reduce_sum3A_964 [0] : vector<400x1024xf32> to vector<1024xf32>
      %broadcast_in_dim3A_966 = vector.shape_cast %reduce_sum3A_965 : vector<1024xf32> to vector<1x1024xf32>
      %add3A_967 = arith.addf %get3A_959, %broadcast_in_dim3A_966 : vector<1x1024xf32>
      %swap3A_968 = arith.constant 0 : index
      %swap3A_969 = arith.constant 0 : index
      %swap3A_970 = vector.load %arg1[%swap3A_968, %swap3A_969] : memref<1x1024xf32, #tpu.memory_space<vmem>>, vector<1x1024xf32>
      tpu.vector_store %arg1[%swap3A_968, %swap3A_969], %add3A_967 {strides = array<i32>} : memref<1x1024xf32, #tpu.memory_space<vmem>>, vector<1x1024xf32>,
      %add3A_971 = arith.constant 16 : i32
      %add3A_972 = arith.addi %add3A_939, %add3A_971 : i32
      %lt3A_973 = arith.constant 250 : i32
      %lt3A_974 = arith.cmpi slt, %add3A_972, %lt3A_973 : i32
      %convert_element_type3A_975 = arith.extui %lt3A_974 : i1 to i32
      %cond3A_976 = arith.constant 0 : i32
      %cond3A_977 = arith.cmpi ne, %convert_element_type3A_975, %cond3A_976 : i32
      scf.if %cond3A_977 {
        %add3A_1146 = arith.constant 16 : i32
        %add3A_1147 = arith.addi %add3A_939, %add3A_1146 : i32
        %mul3A_1148 = arith.constant 400 : i32
        %mul3A_1149 = arith.muli %add3A_1147, %mul3A_1148 : i32
        %dma_start3A_1150 = arith.constant 11 : i32
        %dma_start3A_1151 = arith.constant 11 : i32
        %dma_start3A_1152 = tpu.memref_slice %arg3[%dma_start3A_1151] : memref<16x!tpu.dma_semaphore, #tpu.memory_space<semaphore_mem>> -> memref<1x!tpu.dma_semaphore, #tpu.memory_space<semaphore_mem>>
        %dma_start3A_1153 = tpu.memref_squeeze %dma_start3A_1152 : memref<1x!tpu.dma_semaphore, #tpu.memory_space<semaphore_mem>> -> memref<!tpu.dma_semaphore, #tpu.memory_space<semaphore_mem>>
        %dma_start3A_1154 = arith.constant 0 : i32
        %dma_start3A_1155 = arith.constant 0 : i32
        %dma_start3A_1156 = tpu.memref_slice %arg2[%dma_start3A_1150, %dma_start3A_1154, %dma_start3A_1155] : memref<16x400x1024xf32, #tpu.memory_space<vmem>> -> memref<1x400x1024xf32, #tpu.memory_space<vmem>>
        %dma_start3A_1157 = tpu.memref_squeeze %dma_start3A_1156 : memref<1x400x1024xf32, #tpu.memory_space<vmem>> -> memref<400x1024xf32, #tpu.memory_space<vmem>>
        %dma_start3A_1158 = arith.constant 0 : i32
        %dma_start3A_1159 = tpu.memref_slice %arg0[%mul3A_1149, %dma_start3A_1158] : memref<100000x1024xf32, #tpu.memory_space<any>> -> memref<400x1024xf32, #tpu.memory_space<any>>
        tpu.enqueue_dma source(%dma_start3A_1159 : memref<400x1024xf32, #tpu.memory_space<any>>) target(%dma_start3A_1157 : memref<400x1024xf32, #tpu.memory_space<vmem>>) target_semaphore(%dma_start3A_1153 : memref<!tpu.dma_semaphore, #tpu.memory_space<semaphore_mem>>)
      } else {
      }
      %mul3A_978 = arith.constant 16 : i32
      %mul3A_979 = arith.muli %scan3A_476, %mul3A_978 : i32
      %add3A_980 = arith.constant 12 : i32
      %add3A_981 = arith.addi %mul3A_979, %add3A_980 : i32
      %mul3A_982 = arith.constant 400 : i32
      %mul3A_983 = arith.muli %add3A_981, %mul3A_982 : i32
      %dma_wait3A_984 = arith.constant 12 : i32
      %dma_wait3A_985 = arith.constant 12 : i32
      %dma_wait3A_986 = tpu.memref_slice %arg3[%dma_wait3A_985] : memref<16x!tpu.dma_semaphore, #tpu.memory_space<semaphore_mem>> -> memref<1x!tpu.dma_semaphore, #tpu.memory_space<semaphore_mem>>
      %dma_wait3A_987 = tpu.memref_squeeze %dma_wait3A_986 : memref<1x!tpu.dma_semaphore, #tpu.memory_space<semaphore_mem>> -> memref<!tpu.dma_semaphore, #tpu.memory_space<semaphore_mem>>
      %dma_wait3A_988 = arith.constant 0 : i32
      %dma_wait3A_989 = arith.constant 0 : i32
      %dma_wait3A_990 = tpu.memref_slice %arg2[%dma_wait3A_984, %dma_wait3A_988, %dma_wait3A_989] : memref<16x400x1024xf32, #tpu.memory_space<vmem>> -> memref<1x400x1024xf32, #tpu.memory_space<vmem>>
      %dma_wait3A_991 = tpu.memref_squeeze %dma_wait3A_990 : memref<1x400x1024xf32, #tpu.memory_space<vmem>> -> memref<400x1024xf32, #tpu.memory_space<vmem>>
      %dma_wait3A_992 = arith.constant 0 : i32
      %dma_wait3A_993 = tpu.memref_slice %arg0[%mul3A_983, %dma_wait3A_992] : memref<100000x1024xf32, #tpu.memory_space<any>> -> memref<400x1024xf32, #tpu.memory_space<any>>
      tpu.wait_dma2 semaphore(%dma_wait3A_987 : memref<!tpu.dma_semaphore, #tpu.memory_space<semaphore_mem>>) src(%dma_wait3A_993 : memref<400x1024xf32, #tpu.memory_space<any>>) dst(%dma_wait3A_991 : memref<400x1024xf32, #tpu.memory_space<vmem>>)
      %get3A_994 = arith.constant 12 : index
      %get3A_995 = arith.constant 0 : index
      %get3A_996 = arith.constant 0 : index
      %get3A_997 = vector.load %arg2[%get3A_994, %get3A_995, %get3A_996] : memref<16x400x1024xf32, #tpu.memory_space<vmem>>, vector<1x400x1024xf32>
      %get3A_998 = vector.shape_cast %get3A_997 : vector<1x400x1024xf32> to vector<400x1024xf32>
      %get3A_999 = arith.constant 0 : index
      %get3A_1000 = arith.constant 0 : index
      %get3A_1001 = vector.load %arg1[%get3A_999, %get3A_1000] : memref<1x1024xf32, #tpu.memory_space<vmem>>, vector<1x1024xf32>
      %mul3A_1002 = arith.constant 16.2817211 : f32
      %mul3A_1003 = vector.broadcast %mul3A_1002 : f32 to vector<400x1024xf32>
      %mul3A_1004 = arith.mulf %mul3A_1003, %get3A_998 : vector<400x1024xf32>
      %exp3A_1005 = math.exp %mul3A_1004 : vector<400x1024xf32>
      %reduce_sum3A_1006 = arith.constant dense<0.000000e+00> : vector<1024xf32>
      %reduce_sum3A_1007 = vector.multi_reduction <add>, %exp3A_1005, %reduce_sum3A_1006 [0] : vector<400x1024xf32> to vector<1024xf32>
      %broadcast_in_dim3A_1008 = vector.shape_cast %reduce_sum3A_1007 : vector<1024xf32> to vector<1x1024xf32>
      %add3A_1009 = arith.addf %get3A_1001, %broadcast_in_dim3A_1008 : vector<1x1024xf32>
      %swap3A_1010 = arith.constant 0 : index
      %swap3A_1011 = arith.constant 0 : index
      %swap3A_1012 = vector.load %arg1[%swap3A_1010, %swap3A_1011] : memref<1x1024xf32, #tpu.memory_space<vmem>>, vector<1x1024xf32>
      tpu.vector_store %arg1[%swap3A_1010, %swap3A_1011], %add3A_1009 {strides = array<i32>} : memref<1x1024xf32, #tpu.memory_space<vmem>>, vector<1x1024xf32>,
      %add3A_1013 = arith.constant 16 : i32
      %add3A_1014 = arith.addi %add3A_981, %add3A_1013 : i32
      %lt3A_1015 = arith.constant 250 : i32
      %lt3A_1016 = arith.cmpi slt, %add3A_1014, %lt3A_1015 : i32
      %convert_element_type3A_1017 = arith.extui %lt3A_1016 : i1 to i32
      %cond3A_1018 = arith.constant 0 : i32
      %cond3A_1019 = arith.cmpi ne, %convert_element_type3A_1017, %cond3A_1018 : i32
      scf.if %cond3A_1019 {
        %add3A_1146 = arith.constant 16 : i32
        %add3A_1147 = arith.addi %add3A_981, %add3A_1146 : i32
        %mul3A_1148 = arith.constant 400 : i32
        %mul3A_1149 = arith.muli %add3A_1147, %mul3A_1148 : i32
        %dma_start3A_1150 = arith.constant 12 : i32
        %dma_start3A_1151 = arith.constant 12 : i32
        %dma_start3A_1152 = tpu.memref_slice %arg3[%dma_start3A_1151] : memref<16x!tpu.dma_semaphore, #tpu.memory_space<semaphore_mem>> -> memref<1x!tpu.dma_semaphore, #tpu.memory_space<semaphore_mem>>
        %dma_start3A_1153 = tpu.memref_squeeze %dma_start3A_1152 : memref<1x!tpu.dma_semaphore, #tpu.memory_space<semaphore_mem>> -> memref<!tpu.dma_semaphore, #tpu.memory_space<semaphore_mem>>
        %dma_start3A_1154 = arith.constant 0 : i32
        %dma_start3A_1155 = arith.constant 0 : i32
        %dma_start3A_1156 = tpu.memref_slice %arg2[%dma_start3A_1150, %dma_start3A_1154, %dma_start3A_1155] : memref<16x400x1024xf32, #tpu.memory_space<vmem>> -> memref<1x400x1024xf32, #tpu.memory_space<vmem>>
        %dma_start3A_1157 = tpu.memref_squeeze %dma_start3A_1156 : memref<1x400x1024xf32, #tpu.memory_space<vmem>> -> memref<400x1024xf32, #tpu.memory_space<vmem>>
        %dma_start3A_1158 = arith.constant 0 : i32
        %dma_start3A_1159 = tpu.memref_slice %arg0[%mul3A_1149, %dma_start3A_1158] : memref<100000x1024xf32, #tpu.memory_space<any>> -> memref<400x1024xf32, #tpu.memory_space<any>>
        tpu.enqueue_dma source(%dma_start3A_1159 : memref<400x1024xf32, #tpu.memory_space<any>>) target(%dma_start3A_1157 : memref<400x1024xf32, #tpu.memory_space<vmem>>) target_semaphore(%dma_start3A_1153 : memref<!tpu.dma_semaphore, #tpu.memory_space<semaphore_mem>>)
      } else {
      }
      %mul3A_1020 = arith.constant 16 : i32
      %mul3A_1021 = arith.muli %scan3A_476, %mul3A_1020 : i32
      %add3A_1022 = arith.constant 13 : i32
      %add3A_1023 = arith.addi %mul3A_1021, %add3A_1022 : i32
      %mul3A_1024 = arith.constant 400 : i32
      %mul3A_1025 = arith.muli %add3A_1023, %mul3A_1024 : i32
      %dma_wait3A_1026 = arith.constant 13 : i32
      %dma_wait3A_1027 = arith.constant 13 : i32
      %dma_wait3A_1028 = tpu.memref_slice %arg3[%dma_wait3A_1027] : memref<16x!tpu.dma_semaphore, #tpu.memory_space<semaphore_mem>> -> memref<1x!tpu.dma_semaphore, #tpu.memory_space<semaphore_mem>>
      %dma_wait3A_1029 = tpu.memref_squeeze %dma_wait3A_1028 : memref<1x!tpu.dma_semaphore, #tpu.memory_space<semaphore_mem>> -> memref<!tpu.dma_semaphore, #tpu.memory_space<semaphore_mem>>
      %dma_wait3A_1030 = arith.constant 0 : i32
      %dma_wait3A_1031 = arith.constant 0 : i32
      %dma_wait3A_1032 = tpu.memref_slice %arg2[%dma_wait3A_1026, %dma_wait3A_1030, %dma_wait3A_1031] : memref<16x400x1024xf32, #tpu.memory_space<vmem>> -> memref<1x400x1024xf32, #tpu.memory_space<vmem>>
      %dma_wait3A_1033 = tpu.memref_squeeze %dma_wait3A_1032 : memref<1x400x1024xf32, #tpu.memory_space<vmem>> -> memref<400x1024xf32, #tpu.memory_space<vmem>>
      %dma_wait3A_1034 = arith.constant 0 : i32
      %dma_wait3A_1035 = tpu.memref_slice %arg0[%mul3A_1025, %dma_wait3A_1034] : memref<100000x1024xf32, #tpu.memory_space<any>> -> memref<400x1024xf32, #tpu.memory_space<any>>
      tpu.wait_dma2 semaphore(%dma_wait3A_1029 : memref<!tpu.dma_semaphore, #tpu.memory_space<semaphore_mem>>) src(%dma_wait3A_1035 : memref<400x1024xf32, #tpu.memory_space<any>>) dst(%dma_wait3A_1033 : memref<400x1024xf32, #tpu.memory_space<vmem>>)
      %get3A_1036 = arith.constant 13 : index
      %get3A_1037 = arith.constant 0 : index
      %get3A_1038 = arith.constant 0 : index
      %get3A_1039 = vector.load %arg2[%get3A_1036, %get3A_1037, %get3A_1038] : memref<16x400x1024xf32, #tpu.memory_space<vmem>>, vector<1x400x1024xf32>
      %get3A_1040 = vector.shape_cast %get3A_1039 : vector<1x400x1024xf32> to vector<400x1024xf32>
      %get3A_1041 = arith.constant 0 : index
      %get3A_1042 = arith.constant 0 : index
      %get3A_1043 = vector.load %arg1[%get3A_1041, %get3A_1042] : memref<1x1024xf32, #tpu.memory_space<vmem>>, vector<1x1024xf32>
      %mul3A_1044 = arith.constant 16.2817211 : f32
      %mul3A_1045 = vector.broadcast %mul3A_1044 : f32 to vector<400x1024xf32>
      %mul3A_1046 = arith.mulf %mul3A_1045, %get3A_1040 : vector<400x1024xf32>
      %exp3A_1047 = math.exp %mul3A_1046 : vector<400x1024xf32>
      %reduce_sum3A_1048 = arith.constant dense<0.000000e+00> : vector<1024xf32>
      %reduce_sum3A_1049 = vector.multi_reduction <add>, %exp3A_1047, %reduce_sum3A_1048 [0] : vector<400x1024xf32> to vector<1024xf32>
      %broadcast_in_dim3A_1050 = vector.shape_cast %reduce_sum3A_1049 : vector<1024xf32> to vector<1x1024xf32>
      %add3A_1051 = arith.addf %get3A_1043, %broadcast_in_dim3A_1050 : vector<1x1024xf32>
      %swap3A_1052 = arith.constant 0 : index
      %swap3A_1053 = arith.constant 0 : index
      %swap3A_1054 = vector.load %arg1[%swap3A_1052, %swap3A_1053] : memref<1x1024xf32, #tpu.memory_space<vmem>>, vector<1x1024xf32>
      tpu.vector_store %arg1[%swap3A_1052, %swap3A_1053], %add3A_1051 {strides = array<i32>} : memref<1x1024xf32, #tpu.memory_space<vmem>>, vector<1x1024xf32>,
      %add3A_1055 = arith.constant 16 : i32
      %add3A_1056 = arith.addi %add3A_1023, %add3A_1055 : i32
      %lt3A_1057 = arith.constant 250 : i32
      %lt3A_1058 = arith.cmpi slt, %add3A_1056, %lt3A_1057 : i32
      %convert_element_type3A_1059 = arith.extui %lt3A_1058 : i1 to i32
      %cond3A_1060 = arith.constant 0 : i32
      %cond3A_1061 = arith.cmpi ne, %convert_element_type3A_1059, %cond3A_1060 : i32
      scf.if %cond3A_1061 {
        %add3A_1146 = arith.constant 16 : i32
        %add3A_1147 = arith.addi %add3A_1023, %add3A_1146 : i32
        %mul3A_1148 = arith.constant 400 : i32
        %mul3A_1149 = arith.muli %add3A_1147, %mul3A_1148 : i32
        %dma_start3A_1150 = arith.constant 13 : i32
        %dma_start3A_1151 = arith.constant 13 : i32
        %dma_start3A_1152 = tpu.memref_slice %arg3[%dma_start3A_1151] : memref<16x!tpu.dma_semaphore, #tpu.memory_space<semaphore_mem>> -> memref<1x!tpu.dma_semaphore, #tpu.memory_space<semaphore_mem>>
        %dma_start3A_1153 = tpu.memref_squeeze %dma_start3A_1152 : memref<1x!tpu.dma_semaphore, #tpu.memory_space<semaphore_mem>> -> memref<!tpu.dma_semaphore, #tpu.memory_space<semaphore_mem>>
        %dma_start3A_1154 = arith.constant 0 : i32
        %dma_start3A_1155 = arith.constant 0 : i32
        %dma_start3A_1156 = tpu.memref_slice %arg2[%dma_start3A_1150, %dma_start3A_1154, %dma_start3A_1155] : memref<16x400x1024xf32, #tpu.memory_space<vmem>> -> memref<1x400x1024xf32, #tpu.memory_space<vmem>>
        %dma_start3A_1157 = tpu.memref_squeeze %dma_start3A_1156 : memref<1x400x1024xf32, #tpu.memory_space<vmem>> -> memref<400x1024xf32, #tpu.memory_space<vmem>>
        %dma_start3A_1158 = arith.constant 0 : i32
        %dma_start3A_1159 = tpu.memref_slice %arg0[%mul3A_1149, %dma_start3A_1158] : memref<100000x1024xf32, #tpu.memory_space<any>> -> memref<400x1024xf32, #tpu.memory_space<any>>
        tpu.enqueue_dma source(%dma_start3A_1159 : memref<400x1024xf32, #tpu.memory_space<any>>) target(%dma_start3A_1157 : memref<400x1024xf32, #tpu.memory_space<vmem>>) target_semaphore(%dma_start3A_1153 : memref<!tpu.dma_semaphore, #tpu.memory_space<semaphore_mem>>)
      } else {
      }
      %mul3A_1062 = arith.constant 16 : i32
      %mul3A_1063 = arith.muli %scan3A_476, %mul3A_1062 : i32
      %add3A_1064 = arith.constant 14 : i32
      %add3A_1065 = arith.addi %mul3A_1063, %add3A_1064 : i32
      %mul3A_1066 = arith.constant 400 : i32
      %mul3A_1067 = arith.muli %add3A_1065, %mul3A_1066 : i32
      %dma_wait3A_1068 = arith.constant 14 : i32
      %dma_wait3A_1069 = arith.constant 14 : i32
      %dma_wait3A_1070 = tpu.memref_slice %arg3[%dma_wait3A_1069] : memref<16x!tpu.dma_semaphore, #tpu.memory_space<semaphore_mem>> -> memref<1x!tpu.dma_semaphore, #tpu.memory_space<semaphore_mem>>
      %dma_wait3A_1071 = tpu.memref_squeeze %dma_wait3A_1070 : memref<1x!tpu.dma_semaphore, #tpu.memory_space<semaphore_mem>> -> memref<!tpu.dma_semaphore, #tpu.memory_space<semaphore_mem>>
      %dma_wait3A_1072 = arith.constant 0 : i32
      %dma_wait3A_1073 = arith.constant 0 : i32
      %dma_wait3A_1074 = tpu.memref_slice %arg2[%dma_wait3A_1068, %dma_wait3A_1072, %dma_wait3A_1073] : memref<16x400x1024xf32, #tpu.memory_space<vmem>> -> memref<1x400x1024xf32, #tpu.memory_space<vmem>>
      %dma_wait3A_1075 = tpu.memref_squeeze %dma_wait3A_1074 : memref<1x400x1024xf32, #tpu.memory_space<vmem>> -> memref<400x1024xf32, #tpu.memory_space<vmem>>
      %dma_wait3A_1076 = arith.constant 0 : i32
      %dma_wait3A_1077 = tpu.memref_slice %arg0[%mul3A_1067, %dma_wait3A_1076] : memref<100000x1024xf32, #tpu.memory_space<any>> -> memref<400x1024xf32, #tpu.memory_space<any>>
      tpu.wait_dma2 semaphore(%dma_wait3A_1071 : memref<!tpu.dma_semaphore, #tpu.memory_space<semaphore_mem>>) src(%dma_wait3A_1077 : memref<400x1024xf32, #tpu.memory_space<any>>) dst(%dma_wait3A_1075 : memref<400x1024xf32, #tpu.memory_space<vmem>>)
      %get3A_1078 = arith.constant 14 : index
      %get3A_1079 = arith.constant 0 : index
      %get3A_1080 = arith.constant 0 : index
      %get3A_1081 = vector.load %arg2[%get3A_1078, %get3A_1079, %get3A_1080] : memref<16x400x1024xf32, #tpu.memory_space<vmem>>, vector<1x400x1024xf32>
      %get3A_1082 = vector.shape_cast %get3A_1081 : vector<1x400x1024xf32> to vector<400x1024xf32>
      %get3A_1083 = arith.constant 0 : index
      %get3A_1084 = arith.constant 0 : index
      %get3A_1085 = vector.load %arg1[%get3A_1083, %get3A_1084] : memref<1x1024xf32, #tpu.memory_space<vmem>>, vector<1x1024xf32>
      %mul3A_1086 = arith.constant 16.2817211 : f32
      %mul3A_1087 = vector.broadcast %mul3A_1086 : f32 to vector<400x1024xf32>
      %mul3A_1088 = arith.mulf %mul3A_1087, %get3A_1082 : vector<400x1024xf32>
      %exp3A_1089 = math.exp %mul3A_1088 : vector<400x1024xf32>
      %reduce_sum3A_1090 = arith.constant dense<0.000000e+00> : vector<1024xf32>
      %reduce_sum3A_1091 = vector.multi_reduction <add>, %exp3A_1089, %reduce_sum3A_1090 [0] : vector<400x1024xf32> to vector<1024xf32>
      %broadcast_in_dim3A_1092 = vector.shape_cast %reduce_sum3A_1091 : vector<1024xf32> to vector<1x1024xf32>
      %add3A_1093 = arith.addf %get3A_1085, %broadcast_in_dim3A_1092 : vector<1x1024xf32>
      %swap3A_1094 = arith.constant 0 : index
      %swap3A_1095 = arith.constant 0 : index
      %swap3A_1096 = vector.load %arg1[%swap3A_1094, %swap3A_1095] : memref<1x1024xf32, #tpu.memory_space<vmem>>, vector<1x1024xf32>
      tpu.vector_store %arg1[%swap3A_1094, %swap3A_1095], %add3A_1093 {strides = array<i32>} : memref<1x1024xf32, #tpu.memory_space<vmem>>, vector<1x1024xf32>,
      %add3A_1097 = arith.constant 16 : i32
      %add3A_1098 = arith.addi %add3A_1065, %add3A_1097 : i32
      %lt3A_1099 = arith.constant 250 : i32
      %lt3A_1100 = arith.cmpi slt, %add3A_1098, %lt3A_1099 : i32
      %convert_element_type3A_1101 = arith.extui %lt3A_1100 : i1 to i32
      %cond3A_1102 = arith.constant 0 : i32
      %cond3A_1103 = arith.cmpi ne, %convert_element_type3A_1101, %cond3A_1102 : i32
      scf.if %cond3A_1103 {
        %add3A_1146 = arith.constant 16 : i32
        %add3A_1147 = arith.addi %add3A_1065, %add3A_1146 : i32
        %mul3A_1148 = arith.constant 400 : i32
        %mul3A_1149 = arith.muli %add3A_1147, %mul3A_1148 : i32
        %dma_start3A_1150 = arith.constant 14 : i32
        %dma_start3A_1151 = arith.constant 14 : i32
        %dma_start3A_1152 = tpu.memref_slice %arg3[%dma_start3A_1151] : memref<16x!tpu.dma_semaphore, #tpu.memory_space<semaphore_mem>> -> memref<1x!tpu.dma_semaphore, #tpu.memory_space<semaphore_mem>>
        %dma_start3A_1153 = tpu.memref_squeeze %dma_start3A_1152 : memref<1x!tpu.dma_semaphore, #tpu.memory_space<semaphore_mem>> -> memref<!tpu.dma_semaphore, #tpu.memory_space<semaphore_mem>>
        %dma_start3A_1154 = arith.constant 0 : i32
        %dma_start3A_1155 = arith.constant 0 : i32
        %dma_start3A_1156 = tpu.memref_slice %arg2[%dma_start3A_1150, %dma_start3A_1154, %dma_start3A_1155] : memref<16x400x1024xf32, #tpu.memory_space<vmem>> -> memref<1x400x1024xf32, #tpu.memory_space<vmem>>
        %dma_start3A_1157 = tpu.memref_squeeze %dma_start3A_1156 : memref<1x400x1024xf32, #tpu.memory_space<vmem>> -> memref<400x1024xf32, #tpu.memory_space<vmem>>
        %dma_start3A_1158 = arith.constant 0 : i32
        %dma_start3A_1159 = tpu.memref_slice %arg0[%mul3A_1149, %dma_start3A_1158] : memref<100000x1024xf32, #tpu.memory_space<any>> -> memref<400x1024xf32, #tpu.memory_space<any>>
        tpu.enqueue_dma source(%dma_start3A_1159 : memref<400x1024xf32, #tpu.memory_space<any>>) target(%dma_start3A_1157 : memref<400x1024xf32, #tpu.memory_space<vmem>>) target_semaphore(%dma_start3A_1153 : memref<!tpu.dma_semaphore, #tpu.memory_space<semaphore_mem>>)
      } else {
      }
      %mul3A_1104 = arith.constant 16 : i32
      %mul3A_1105 = arith.muli %scan3A_476, %mul3A_1104 : i32
      %add3A_1106 = arith.constant 15 : i32
      %add3A_1107 = arith.addi %mul3A_1105, %add3A_1106 : i32
      %mul3A_1108 = arith.constant 400 : i32
      %mul3A_1109 = arith.muli %add3A_1107, %mul3A_1108 : i32
      %dma_wait3A_1110 = arith.constant 15 : i32
      %dma_wait3A_1111 = arith.constant 15 : i32
      %dma_wait3A_1112 = tpu.memref_slice %arg3[%dma_wait3A_1111] : memref<16x!tpu.dma_semaphore, #tpu.memory_space<semaphore_mem>> -> memref<1x!tpu.dma_semaphore, #tpu.memory_space<semaphore_mem>>
      %dma_wait3A_1113 = tpu.memref_squeeze %dma_wait3A_1112 : memref<1x!tpu.dma_semaphore, #tpu.memory_space<semaphore_mem>> -> memref<!tpu.dma_semaphore, #tpu.memory_space<semaphore_mem>>
      %dma_wait3A_1114 = arith.constant 0 : i32
      %dma_wait3A_1115 = arith.constant 0 : i32
      %dma_wait3A_1116 = tpu.memref_slice %arg2[%dma_wait3A_1110, %dma_wait3A_1114, %dma_wait3A_1115] : memref<16x400x1024xf32, #tpu.memory_space<vmem>> -> memref<1x400x1024xf32, #tpu.memory_space<vmem>>
      %dma_wait3A_1117 = tpu.memref_squeeze %dma_wait3A_1116 : memref<1x400x1024xf32, #tpu.memory_space<vmem>> -> memref<400x1024xf32, #tpu.memory_space<vmem>>
      %dma_wait3A_1118 = arith.constant 0 : i32
      %dma_wait3A_1119 = tpu.memref_slice %arg0[%mul3A_1109, %dma_wait3A_1118] : memref<100000x1024xf32, #tpu.memory_space<any>> -> memref<400x1024xf32, #tpu.memory_space<any>>
      tpu.wait_dma2 semaphore(%dma_wait3A_1113 : memref<!tpu.dma_semaphore, #tpu.memory_space<semaphore_mem>>) src(%dma_wait3A_1119 : memref<400x1024xf32, #tpu.memory_space<any>>) dst(%dma_wait3A_1117 : memref<400x1024xf32, #tpu.memory_space<vmem>>)
      %get3A_1120 = arith.constant 15 : index
      %get3A_1121 = arith.constant 0 : index
      %get3A_1122 = arith.constant 0 : index
      %get3A_1123 = vector.load %arg2[%get3A_1120, %get3A_1121, %get3A_1122] : memref<16x400x1024xf32, #tpu.memory_space<vmem>>, vector<1x400x1024xf32>
      %get3A_1124 = vector.shape_cast %get3A_1123 : vector<1x400x1024xf32> to vector<400x1024xf32>
      %get3A_1125 = arith.constant 0 : index
      %get3A_1126 = arith.constant 0 : index
      %get3A_1127 = vector.load %arg1[%get3A_1125, %get3A_1126] : memref<1x1024xf32, #tpu.memory_space<vmem>>, vector<1x1024xf32>
      %mul3A_1128 = arith.constant 16.2817211 : f32
      %mul3A_1129 = vector.broadcast %mul3A_1128 : f32 to vector<400x1024xf32>
      %mul3A_1130 = arith.mulf %mul3A_1129, %get3A_1124 : vector<400x1024xf32>
      %exp3A_1131 = math.exp %mul3A_1130 : vector<400x1024xf32>
      %reduce_sum3A_1132 = arith.constant dense<0.000000e+00> : vector<1024xf32>
      %reduce_sum3A_1133 = vector.multi_reduction <add>, %exp3A_1131, %reduce_sum3A_1132 [0] : vector<400x1024xf32> to vector<1024xf32>
      %broadcast_in_dim3A_1134 = vector.shape_cast %reduce_sum3A_1133 : vector<1024xf32> to vector<1x1024xf32>
      %add3A_1135 = arith.addf %get3A_1127, %broadcast_in_dim3A_1134 : vector<1x1024xf32>
      %swap3A_1136 = arith.constant 0 : index
      %swap3A_1137 = arith.constant 0 : index
      %swap3A_1138 = vector.load %arg1[%swap3A_1136, %swap3A_1137] : memref<1x1024xf32, #tpu.memory_space<vmem>>, vector<1x1024xf32>
      tpu.vector_store %arg1[%swap3A_1136, %swap3A_1137], %add3A_1135 {strides = array<i32>} : memref<1x1024xf32, #tpu.memory_space<vmem>>, vector<1x1024xf32>,
      %add3A_1139 = arith.constant 16 : i32
      %add3A_1140 = arith.addi %add3A_1107, %add3A_1139 : i32
      %lt3A_1141 = arith.constant 250 : i32
      %lt3A_1142 = arith.cmpi slt, %add3A_1140, %lt3A_1141 : i32
      %convert_element_type3A_1143 = arith.extui %lt3A_1142 : i1 to i32
      %cond3A_1144 = arith.constant 0 : i32
      %cond3A_1145 = arith.cmpi ne, %convert_element_type3A_1143, %cond3A_1144 : i32
      scf.if %cond3A_1145 {
        %add3A_1146 = arith.constant 16 : i32
        %add3A_1147 = arith.addi %add3A_1107, %add3A_1146 : i32
        %mul3A_1148 = arith.constant 400 : i32
        %mul3A_1149 = arith.muli %add3A_1147, %mul3A_1148 : i32
        %dma_start3A_1150 = arith.constant 15 : i32
        %dma_start3A_1151 = arith.constant 15 : i32
        %dma_start3A_1152 = tpu.memref_slice %arg3[%dma_start3A_1151] : memref<16x!tpu.dma_semaphore, #tpu.memory_space<semaphore_mem>> -> memref<1x!tpu.dma_semaphore, #tpu.memory_space<semaphore_mem>>
        %dma_start3A_1153 = tpu.memref_squeeze %dma_start3A_1152 : memref<1x!tpu.dma_semaphore, #tpu.memory_space<semaphore_mem>> -> memref<!tpu.dma_semaphore, #tpu.memory_space<semaphore_mem>>
        %dma_start3A_1154 = arith.constant 0 : i32
        %dma_start3A_1155 = arith.constant 0 : i32
        %dma_start3A_1156 = tpu.memref_slice %arg2[%dma_start3A_1150, %dma_start3A_1154, %dma_start3A_1155] : memref<16x400x1024xf32, #tpu.memory_space<vmem>> -> memref<1x400x1024xf32, #tpu.memory_space<vmem>>
        %dma_start3A_1157 = tpu.memref_squeeze %dma_start3A_1156 : memref<1x400x1024xf32, #tpu.memory_space<vmem>> -> memref<400x1024xf32, #tpu.memory_space<vmem>>
        %dma_start3A_1158 = arith.constant 0 : i32
        %dma_start3A_1159 = tpu.memref_slice %arg0[%mul3A_1149, %dma_start3A_1158] : memref<100000x1024xf32, #tpu.memory_space<any>> -> memref<400x1024xf32, #tpu.memory_space<any>>
        tpu.enqueue_dma source(%dma_start3A_1159 : memref<400x1024xf32, #tpu.memory_space<any>>) target(%dma_start3A_1157 : memref<400x1024xf32, #tpu.memory_space<vmem>>) target_semaphore(%dma_start3A_1153 : memref<!tpu.dma_semaphore, #tpu.memory_space<semaphore_mem>>)
      } else {
      }
    }
    %scan3A_181 = arith.constant 15 : i32
    %dma_wait3A = arith.constant 0 : i32
    %dma_wait3A_182 = arith.constant 0 : i32
    %dma_wait3A_183 = tpu.memref_slice %arg3[%dma_wait3A_182] : memref<16x!tpu.dma_semaphore, #tpu.memory_space<semaphore_mem>> -> memref<1x!tpu.dma_semaphore, #tpu.memory_space<semaphore_mem>>
    %dma_wait3A_184 = tpu.memref_squeeze %dma_wait3A_183 : memref<1x!tpu.dma_semaphore, #tpu.memory_space<semaphore_mem>> -> memref<!tpu.dma_semaphore, #tpu.memory_space<semaphore_mem>>
    %dma_wait3A_185 = arith.constant 0 : i32
    %dma_wait3A_186 = arith.constant 0 : i32
    %dma_wait3A_187 = tpu.memref_slice %arg2[%dma_wait3A, %dma_wait3A_185, %dma_wait3A_186] : memref<16x400x1024xf32, #tpu.memory_space<vmem>> -> memref<1x400x1024xf32, #tpu.memory_space<vmem>>
    %dma_wait3A_188 = tpu.memref_squeeze %dma_wait3A_187 : memref<1x400x1024xf32, #tpu.memory_space<vmem>> -> memref<400x1024xf32, #tpu.memory_space<vmem>>
    %dma_wait3A_189 = arith.constant 96000 : i32
    %dma_wait3A_190 = arith.constant 0 : i32
    %dma_wait3A_191 = tpu.memref_slice %arg0[%dma_wait3A_189, %dma_wait3A_190] : memref<100000x1024xf32, #tpu.memory_space<any>> -> memref<400x1024xf32, #tpu.memory_space<any>>
    tpu.wait_dma2 semaphore(%dma_wait3A_184 : memref<!tpu.dma_semaphore, #tpu.memory_space<semaphore_mem>>) src(%dma_wait3A_191 : memref<400x1024xf32, #tpu.memory_space<any>>) dst(%dma_wait3A_188 : memref<400x1024xf32, #tpu.memory_space<vmem>>)
    %get3A = arith.constant 0 : index
    %get3A_192 = arith.constant 0 : index
    %get3A_193 = arith.constant 0 : index
    %get3A_194 = vector.load %arg2[%get3A, %get3A_192, %get3A_193] : memref<16x400x1024xf32, #tpu.memory_space<vmem>>, vector<1x400x1024xf32>
    %get3A_195 = vector.shape_cast %get3A_194 : vector<1x400x1024xf32> to vector<400x1024xf32>
    %get3A_196 = arith.constant 0 : index
    %get3A_197 = arith.constant 0 : index
    %get3A_198 = vector.load %arg1[%get3A_196, %get3A_197] : memref<1x1024xf32, #tpu.memory_space<vmem>>, vector<1x1024xf32>
    %mul3A = arith.constant 16.2817211 : f32
    %mul3A_199 = vector.broadcast %mul3A : f32 to vector<400x1024xf32>
    %mul3A_200 = arith.mulf %mul3A_199, %get3A_195 : vector<400x1024xf32>
    %exp3A = math.exp %mul3A_200 : vector<400x1024xf32>
    %reduce_sum3A = arith.constant dense<0.000000e+00> : vector<1024xf32>
    %reduce_sum3A_201 = vector.multi_reduction <add>, %exp3A, %reduce_sum3A [0] : vector<400x1024xf32> to vector<1024xf32>
    %broadcast_in_dim3A_202 = vector.shape_cast %reduce_sum3A_201 : vector<1024xf32> to vector<1x1024xf32>
    %add3A = arith.addf %get3A_198, %broadcast_in_dim3A_202 : vector<1x1024xf32>
    %swap3A_203 = arith.constant 0 : index
    %swap3A_204 = arith.constant 0 : index
    %swap3A_205 = vector.load %arg1[%swap3A_203, %swap3A_204] : memref<1x1024xf32, #tpu.memory_space<vmem>>, vector<1x1024xf32>
    tpu.vector_store %arg1[%swap3A_203, %swap3A_204], %add3A {strides = array<i32>} : memref<1x1024xf32, #tpu.memory_space<vmem>>, vector<1x1024xf32>,
    %dma_wait3A_206 = arith.constant 1 : i32
    %dma_wait3A_207 = arith.constant 1 : i32
    %dma_wait3A_208 = tpu.memref_slice %arg3[%dma_wait3A_207] : memref<16x!tpu.dma_semaphore, #tpu.memory_space<semaphore_mem>> -> memref<1x!tpu.dma_semaphore, #tpu.memory_space<semaphore_mem>>
    %dma_wait3A_209 = tpu.memref_squeeze %dma_wait3A_208 : memref<1x!tpu.dma_semaphore, #tpu.memory_space<semaphore_mem>> -> memref<!tpu.dma_semaphore, #tpu.memory_space<semaphore_mem>>
    %dma_wait3A_210 = arith.constant 0 : i32
    %dma_wait3A_211 = arith.constant 0 : i32
    %dma_wait3A_212 = tpu.memref_slice %arg2[%dma_wait3A_206, %dma_wait3A_210, %dma_wait3A_211] : memref<16x400x1024xf32, #tpu.memory_space<vmem>> -> memref<1x400x1024xf32, #tpu.memory_space<vmem>>
    %dma_wait3A_213 = tpu.memref_squeeze %dma_wait3A_212 : memref<1x400x1024xf32, #tpu.memory_space<vmem>> -> memref<400x1024xf32, #tpu.memory_space<vmem>>
    %dma_wait3A_214 = arith.constant 96400 : i32
    %dma_wait3A_215 = arith.constant 0 : i32
    %dma_wait3A_216 = tpu.memref_slice %arg0[%dma_wait3A_214, %dma_wait3A_215] : memref<100000x1024xf32, #tpu.memory_space<any>> -> memref<400x1024xf32, #tpu.memory_space<any>>
    tpu.wait_dma2 semaphore(%dma_wait3A_209 : memref<!tpu.dma_semaphore, #tpu.memory_space<semaphore_mem>>) src(%dma_wait3A_216 : memref<400x1024xf32, #tpu.memory_space<any>>) dst(%dma_wait3A_213 : memref<400x1024xf32, #tpu.memory_space<vmem>>)
    %get3A_217 = arith.constant 1 : index
    %get3A_218 = arith.constant 0 : index
    %get3A_219 = arith.constant 0 : index
    %get3A_220 = vector.load %arg2[%get3A_217, %get3A_218, %get3A_219] : memref<16x400x1024xf32, #tpu.memory_space<vmem>>, vector<1x400x1024xf32>
    %get3A_221 = vector.shape_cast %get3A_220 : vector<1x400x1024xf32> to vector<400x1024xf32>
    %get3A_222 = arith.constant 0 : index
    %get3A_223 = arith.constant 0 : index
    %get3A_224 = vector.load %arg1[%get3A_222, %get3A_223] : memref<1x1024xf32, #tpu.memory_space<vmem>>, vector<1x1024xf32>
    %mul3A_225 = arith.constant 16.2817211 : f32
    %mul3A_226 = vector.broadcast %mul3A_225 : f32 to vector<400x1024xf32>
    %mul3A_227 = arith.mulf %mul3A_226, %get3A_221 : vector<400x1024xf32>
    %exp3A_228 = math.exp %mul3A_227 : vector<400x1024xf32>
    %reduce_sum3A_229 = arith.constant dense<0.000000e+00> : vector<1024xf32>
    %reduce_sum3A_230 = vector.multi_reduction <add>, %exp3A_228, %reduce_sum3A_229 [0] : vector<400x1024xf32> to vector<1024xf32>
    %broadcast_in_dim3A_231 = vector.shape_cast %reduce_sum3A_230 : vector<1024xf32> to vector<1x1024xf32>
    %add3A_232 = arith.addf %get3A_224, %broadcast_in_dim3A_231 : vector<1x1024xf32>
    %swap3A_233 = arith.constant 0 : index
    %swap3A_234 = arith.constant 0 : index
    %swap3A_235 = vector.load %arg1[%swap3A_233, %swap3A_234] : memref<1x1024xf32, #tpu.memory_space<vmem>>, vector<1x1024xf32>
    tpu.vector_store %arg1[%swap3A_233, %swap3A_234], %add3A_232 {strides = array<i32>} : memref<1x1024xf32, #tpu.memory_space<vmem>>, vector<1x1024xf32>,
    %dma_wait3A_236 = arith.constant 2 : i32
    %dma_wait3A_237 = arith.constant 2 : i32
    %dma_wait3A_238 = tpu.memref_slice %arg3[%dma_wait3A_237] : memref<16x!tpu.dma_semaphore, #tpu.memory_space<semaphore_mem>> -> memref<1x!tpu.dma_semaphore, #tpu.memory_space<semaphore_mem>>
    %dma_wait3A_239 = tpu.memref_squeeze %dma_wait3A_238 : memref<1x!tpu.dma_semaphore, #tpu.memory_space<semaphore_mem>> -> memref<!tpu.dma_semaphore, #tpu.memory_space<semaphore_mem>>
    %dma_wait3A_240 = arith.constant 0 : i32
    %dma_wait3A_241 = arith.constant 0 : i32
    %dma_wait3A_242 = tpu.memref_slice %arg2[%dma_wait3A_236, %dma_wait3A_240, %dma_wait3A_241] : memref<16x400x1024xf32, #tpu.memory_space<vmem>> -> memref<1x400x1024xf32, #tpu.memory_space<vmem>>
    %dma_wait3A_243 = tpu.memref_squeeze %dma_wait3A_242 : memref<1x400x1024xf32, #tpu.memory_space<vmem>> -> memref<400x1024xf32, #tpu.memory_space<vmem>>
    %dma_wait3A_244 = arith.constant 96800 : i32
    %dma_wait3A_245 = arith.constant 0 : i32
    %dma_wait3A_246 = tpu.memref_slice %arg0[%dma_wait3A_244, %dma_wait3A_245] : memref<100000x1024xf32, #tpu.memory_space<any>> -> memref<400x1024xf32, #tpu.memory_space<any>>
    tpu.wait_dma2 semaphore(%dma_wait3A_239 : memref<!tpu.dma_semaphore, #tpu.memory_space<semaphore_mem>>) src(%dma_wait3A_246 : memref<400x1024xf32, #tpu.memory_space<any>>) dst(%dma_wait3A_243 : memref<400x1024xf32, #tpu.memory_space<vmem>>)
    %get3A_247 = arith.constant 2 : index
    %get3A_248 = arith.constant 0 : index
    %get3A_249 = arith.constant 0 : index
    %get3A_250 = vector.load %arg2[%get3A_247, %get3A_248, %get3A_249] : memref<16x400x1024xf32, #tpu.memory_space<vmem>>, vector<1x400x1024xf32>
    %get3A_251 = vector.shape_cast %get3A_250 : vector<1x400x1024xf32> to vector<400x1024xf32>
    %get3A_252 = arith.constant 0 : index
    %get3A_253 = arith.constant 0 : index
    %get3A_254 = vector.load %arg1[%get3A_252, %get3A_253] : memref<1x1024xf32, #tpu.memory_space<vmem>>, vector<1x1024xf32>
    %mul3A_255 = arith.constant 16.2817211 : f32
    %mul3A_256 = vector.broadcast %mul3A_255 : f32 to vector<400x1024xf32>
    %mul3A_257 = arith.mulf %mul3A_256, %get3A_251 : vector<400x1024xf32>
    %exp3A_258 = math.exp %mul3A_257 : vector<400x1024xf32>
    %reduce_sum3A_259 = arith.constant dense<0.000000e+00> : vector<1024xf32>
    %reduce_sum3A_260 = vector.multi_reduction <add>, %exp3A_258, %reduce_sum3A_259 [0] : vector<400x1024xf32> to vector<1024xf32>
    %broadcast_in_dim3A_261 = vector.shape_cast %reduce_sum3A_260 : vector<1024xf32> to vector<1x1024xf32>
    %add3A_262 = arith.addf %get3A_254, %broadcast_in_dim3A_261 : vector<1x1024xf32>
    %swap3A_263 = arith.constant 0 : index
    %swap3A_264 = arith.constant 0 : index
    %swap3A_265 = vector.load %arg1[%swap3A_263, %swap3A_264] : memref<1x1024xf32, #tpu.memory_space<vmem>>, vector<1x1024xf32>
    tpu.vector_store %arg1[%swap3A_263, %swap3A_264], %add3A_262 {strides = array<i32>} : memref<1x1024xf32, #tpu.memory_space<vmem>>, vector<1x1024xf32>,
    %dma_wait3A_266 = arith.constant 3 : i32
    %dma_wait3A_267 = arith.constant 3 : i32
    %dma_wait3A_268 = tpu.memref_slice %arg3[%dma_wait3A_267] : memref<16x!tpu.dma_semaphore, #tpu.memory_space<semaphore_mem>> -> memref<1x!tpu.dma_semaphore, #tpu.memory_space<semaphore_mem>>
    %dma_wait3A_269 = tpu.memref_squeeze %dma_wait3A_268 : memref<1x!tpu.dma_semaphore, #tpu.memory_space<semaphore_mem>> -> memref<!tpu.dma_semaphore, #tpu.memory_space<semaphore_mem>>
    %dma_wait3A_270 = arith.constant 0 : i32
    %dma_wait3A_271 = arith.constant 0 : i32
    %dma_wait3A_272 = tpu.memref_slice %arg2[%dma_wait3A_266, %dma_wait3A_270, %dma_wait3A_271] : memref<16x400x1024xf32, #tpu.memory_space<vmem>> -> memref<1x400x1024xf32, #tpu.memory_space<vmem>>
    %dma_wait3A_273 = tpu.memref_squeeze %dma_wait3A_272 : memref<1x400x1024xf32, #tpu.memory_space<vmem>> -> memref<400x1024xf32, #tpu.memory_space<vmem>>
    %dma_wait3A_274 = arith.constant 97200 : i32
    %dma_wait3A_275 = arith.constant 0 : i32
    %dma_wait3A_276 = tpu.memref_slice %arg0[%dma_wait3A_274, %dma_wait3A_275] : memref<100000x1024xf32, #tpu.memory_space<any>> -> memref<400x1024xf32, #tpu.memory_space<any>>
    tpu.wait_dma2 semaphore(%dma_wait3A_269 : memref<!tpu.dma_semaphore, #tpu.memory_space<semaphore_mem>>) src(%dma_wait3A_276 : memref<400x1024xf32, #tpu.memory_space<any>>) dst(%dma_wait3A_273 : memref<400x1024xf32, #tpu.memory_space<vmem>>)
    %get3A_277 = arith.constant 3 : index
    %get3A_278 = arith.constant 0 : index
    %get3A_279 = arith.constant 0 : index
    %get3A_280 = vector.load %arg2[%get3A_277, %get3A_278, %get3A_279] : memref<16x400x1024xf32, #tpu.memory_space<vmem>>, vector<1x400x1024xf32>
    %get3A_281 = vector.shape_cast %get3A_280 : vector<1x400x1024xf32> to vector<400x1024xf32>
    %get3A_282 = arith.constant 0 : index
    %get3A_283 = arith.constant 0 : index
    %get3A_284 = vector.load %arg1[%get3A_282, %get3A_283] : memref<1x1024xf32, #tpu.memory_space<vmem>>, vector<1x1024xf32>
    %mul3A_285 = arith.constant 16.2817211 : f32
    %mul3A_286 = vector.broadcast %mul3A_285 : f32 to vector<400x1024xf32>
    %mul3A_287 = arith.mulf %mul3A_286, %get3A_281 : vector<400x1024xf32>
    %exp3A_288 = math.exp %mul3A_287 : vector<400x1024xf32>
    %reduce_sum3A_289 = arith.constant dense<0.000000e+00> : vector<1024xf32>
    %reduce_sum3A_290 = vector.multi_reduction <add>, %exp3A_288, %reduce_sum3A_289 [0] : vector<400x1024xf32> to vector<1024xf32>
    %broadcast_in_dim3A_291 = vector.shape_cast %reduce_sum3A_290 : vector<1024xf32> to vector<1x1024xf32>
    %add3A_292 = arith.addf %get3A_284, %broadcast_in_dim3A_291 : vector<1x1024xf32>
    %swap3A_293 = arith.constant 0 : index
    %swap3A_294 = arith.constant 0 : index
    %swap3A_295 = vector.load %arg1[%swap3A_293, %swap3A_294] : memref<1x1024xf32, #tpu.memory_space<vmem>>, vector<1x1024xf32>
    tpu.vector_store %arg1[%swap3A_293, %swap3A_294], %add3A_292 {strides = array<i32>} : memref<1x1024xf32, #tpu.memory_space<vmem>>, vector<1x1024xf32>,
    %dma_wait3A_296 = arith.constant 4 : i32
    %dma_wait3A_297 = arith.constant 4 : i32
    %dma_wait3A_298 = tpu.memref_slice %arg3[%dma_wait3A_297] : memref<16x!tpu.dma_semaphore, #tpu.memory_space<semaphore_mem>> -> memref<1x!tpu.dma_semaphore, #tpu.memory_space<semaphore_mem>>
    %dma_wait3A_299 = tpu.memref_squeeze %dma_wait3A_298 : memref<1x!tpu.dma_semaphore, #tpu.memory_space<semaphore_mem>> -> memref<!tpu.dma_semaphore, #tpu.memory_space<semaphore_mem>>
    %dma_wait3A_300 = arith.constant 0 : i32
    %dma_wait3A_301 = arith.constant 0 : i32
    %dma_wait3A_302 = tpu.memref_slice %arg2[%dma_wait3A_296, %dma_wait3A_300, %dma_wait3A_301] : memref<16x400x1024xf32, #tpu.memory_space<vmem>> -> memref<1x400x1024xf32, #tpu.memory_space<vmem>>
    %dma_wait3A_303 = tpu.memref_squeeze %dma_wait3A_302 : memref<1x400x1024xf32, #tpu.memory_space<vmem>> -> memref<400x1024xf32, #tpu.memory_space<vmem>>
    %dma_wait3A_304 = arith.constant 97600 : i32
    %dma_wait3A_305 = arith.constant 0 : i32
    %dma_wait3A_306 = tpu.memref_slice %arg0[%dma_wait3A_304, %dma_wait3A_305] : memref<100000x1024xf32, #tpu.memory_space<any>> -> memref<400x1024xf32, #tpu.memory_space<any>>
    tpu.wait_dma2 semaphore(%dma_wait3A_299 : memref<!tpu.dma_semaphore, #tpu.memory_space<semaphore_mem>>) src(%dma_wait3A_306 : memref<400x1024xf32, #tpu.memory_space<any>>) dst(%dma_wait3A_303 : memref<400x1024xf32, #tpu.memory_space<vmem>>)
    %get3A_307 = arith.constant 4 : index
    %get3A_308 = arith.constant 0 : index
    %get3A_309 = arith.constant 0 : index
    %get3A_310 = vector.load %arg2[%get3A_307, %get3A_308, %get3A_309] : memref<16x400x1024xf32, #tpu.memory_space<vmem>>, vector<1x400x1024xf32>
    %get3A_311 = vector.shape_cast %get3A_310 : vector<1x400x1024xf32> to vector<400x1024xf32>
    %get3A_312 = arith.constant 0 : index
    %get3A_313 = arith.constant 0 : index
    %get3A_314 = vector.load %arg1[%get3A_312, %get3A_313] : memref<1x1024xf32, #tpu.memory_space<vmem>>, vector<1x1024xf32>
    %mul3A_315 = arith.constant 16.2817211 : f32
    %mul3A_316 = vector.broadcast %mul3A_315 : f32 to vector<400x1024xf32>
    %mul3A_317 = arith.mulf %mul3A_316, %get3A_311 : vector<400x1024xf32>
    %exp3A_318 = math.exp %mul3A_317 : vector<400x1024xf32>
    %reduce_sum3A_319 = arith.constant dense<0.000000e+00> : vector<1024xf32>
    %reduce_sum3A_320 = vector.multi_reduction <add>, %exp3A_318, %reduce_sum3A_319 [0] : vector<400x1024xf32> to vector<1024xf32>
    %broadcast_in_dim3A_321 = vector.shape_cast %reduce_sum3A_320 : vector<1024xf32> to vector<1x1024xf32>
    %add3A_322 = arith.addf %get3A_314, %broadcast_in_dim3A_321 : vector<1x1024xf32>
    %swap3A_323 = arith.constant 0 : index
    %swap3A_324 = arith.constant 0 : index
    %swap3A_325 = vector.load %arg1[%swap3A_323, %swap3A_324] : memref<1x1024xf32, #tpu.memory_space<vmem>>, vector<1x1024xf32>
    tpu.vector_store %arg1[%swap3A_323, %swap3A_324], %add3A_322 {strides = array<i32>} : memref<1x1024xf32, #tpu.memory_space<vmem>>, vector<1x1024xf32>,
    %dma_wait3A_326 = arith.constant 5 : i32
    %dma_wait3A_327 = arith.constant 5 : i32
    %dma_wait3A_328 = tpu.memref_slice %arg3[%dma_wait3A_327] : memref<16x!tpu.dma_semaphore, #tpu.memory_space<semaphore_mem>> -> memref<1x!tpu.dma_semaphore, #tpu.memory_space<semaphore_mem>>
    %dma_wait3A_329 = tpu.memref_squeeze %dma_wait3A_328 : memref<1x!tpu.dma_semaphore, #tpu.memory_space<semaphore_mem>> -> memref<!tpu.dma_semaphore, #tpu.memory_space<semaphore_mem>>
    %dma_wait3A_330 = arith.constant 0 : i32
    %dma_wait3A_331 = arith.constant 0 : i32
    %dma_wait3A_332 = tpu.memref_slice %arg2[%dma_wait3A_326, %dma_wait3A_330, %dma_wait3A_331] : memref<16x400x1024xf32, #tpu.memory_space<vmem>> -> memref<1x400x1024xf32, #tpu.memory_space<vmem>>
    %dma_wait3A_333 = tpu.memref_squeeze %dma_wait3A_332 : memref<1x400x1024xf32, #tpu.memory_space<vmem>> -> memref<400x1024xf32, #tpu.memory_space<vmem>>
    %dma_wait3A_334 = arith.constant 98000 : i32
    %dma_wait3A_335 = arith.constant 0 : i32
    %dma_wait3A_336 = tpu.memref_slice %arg0[%dma_wait3A_334, %dma_wait3A_335] : memref<100000x1024xf32, #tpu.memory_space<any>> -> memref<400x1024xf32, #tpu.memory_space<any>>
    tpu.wait_dma2 semaphore(%dma_wait3A_329 : memref<!tpu.dma_semaphore, #tpu.memory_space<semaphore_mem>>) src(%dma_wait3A_336 : memref<400x1024xf32, #tpu.memory_space<any>>) dst(%dma_wait3A_333 : memref<400x1024xf32, #tpu.memory_space<vmem>>)
    %get3A_337 = arith.constant 5 : index
    %get3A_338 = arith.constant 0 : index
    %get3A_339 = arith.constant 0 : index
    %get3A_340 = vector.load %arg2[%get3A_337, %get3A_338, %get3A_339] : memref<16x400x1024xf32, #tpu.memory_space<vmem>>, vector<1x400x1024xf32>
    %get3A_341 = vector.shape_cast %get3A_340 : vector<1x400x1024xf32> to vector<400x1024xf32>
    %get3A_342 = arith.constant 0 : index
    %get3A_343 = arith.constant 0 : index
    %get3A_344 = vector.load %arg1[%get3A_342, %get3A_343] : memref<1x1024xf32, #tpu.memory_space<vmem>>, vector<1x1024xf32>
    %mul3A_345 = arith.constant 16.2817211 : f32
    %mul3A_346 = vector.broadcast %mul3A_345 : f32 to vector<400x1024xf32>
    %mul3A_347 = arith.mulf %mul3A_346, %get3A_341 : vector<400x1024xf32>
    %exp3A_348 = math.exp %mul3A_347 : vector<400x1024xf32>
    %reduce_sum3A_349 = arith.constant dense<0.000000e+00> : vector<1024xf32>
    %reduce_sum3A_350 = vector.multi_reduction <add>, %exp3A_348, %reduce_sum3A_349 [0] : vector<400x1024xf32> to vector<1024xf32>
    %broadcast_in_dim3A_351 = vector.shape_cast %reduce_sum3A_350 : vector<1024xf32> to vector<1x1024xf32>
    %add3A_352 = arith.addf %get3A_344, %broadcast_in_dim3A_351 : vector<1x1024xf32>
    %swap3A_353 = arith.constant 0 : index
    %swap3A_354 = arith.constant 0 : index
    %swap3A_355 = vector.load %arg1[%swap3A_353, %swap3A_354] : memref<1x1024xf32, #tpu.memory_space<vmem>>, vector<1x1024xf32>
    tpu.vector_store %arg1[%swap3A_353, %swap3A_354], %add3A_352 {strides = array<i32>} : memref<1x1024xf32, #tpu.memory_space<vmem>>, vector<1x1024xf32>,
    %dma_wait3A_356 = arith.constant 6 : i32
    %dma_wait3A_357 = arith.constant 6 : i32
    %dma_wait3A_358 = tpu.memref_slice %arg3[%dma_wait3A_357] : memref<16x!tpu.dma_semaphore, #tpu.memory_space<semaphore_mem>> -> memref<1x!tpu.dma_semaphore, #tpu.memory_space<semaphore_mem>>
    %dma_wait3A_359 = tpu.memref_squeeze %dma_wait3A_358 : memref<1x!tpu.dma_semaphore, #tpu.memory_space<semaphore_mem>> -> memref<!tpu.dma_semaphore, #tpu.memory_space<semaphore_mem>>
    %dma_wait3A_360 = arith.constant 0 : i32
    %dma_wait3A_361 = arith.constant 0 : i32
    %dma_wait3A_362 = tpu.memref_slice %arg2[%dma_wait3A_356, %dma_wait3A_360, %dma_wait3A_361] : memref<16x400x1024xf32, #tpu.memory_space<vmem>> -> memref<1x400x1024xf32, #tpu.memory_space<vmem>>
    %dma_wait3A_363 = tpu.memref_squeeze %dma_wait3A_362 : memref<1x400x1024xf32, #tpu.memory_space<vmem>> -> memref<400x1024xf32, #tpu.memory_space<vmem>>
    %dma_wait3A_364 = arith.constant 98400 : i32
    %dma_wait3A_365 = arith.constant 0 : i32
    %dma_wait3A_366 = tpu.memref_slice %arg0[%dma_wait3A_364, %dma_wait3A_365] : memref<100000x1024xf32, #tpu.memory_space<any>> -> memref<400x1024xf32, #tpu.memory_space<any>>
    tpu.wait_dma2 semaphore(%dma_wait3A_359 : memref<!tpu.dma_semaphore, #tpu.memory_space<semaphore_mem>>) src(%dma_wait3A_366 : memref<400x1024xf32, #tpu.memory_space<any>>) dst(%dma_wait3A_363 : memref<400x1024xf32, #tpu.memory_space<vmem>>)
    %get3A_367 = arith.constant 6 : index
    %get3A_368 = arith.constant 0 : index
    %get3A_369 = arith.constant 0 : index
    %get3A_370 = vector.load %arg2[%get3A_367, %get3A_368, %get3A_369] : memref<16x400x1024xf32, #tpu.memory_space<vmem>>, vector<1x400x1024xf32>
    %get3A_371 = vector.shape_cast %get3A_370 : vector<1x400x1024xf32> to vector<400x1024xf32>
    %get3A_372 = arith.constant 0 : index
    %get3A_373 = arith.constant 0 : index
    %get3A_374 = vector.load %arg1[%get3A_372, %get3A_373] : memref<1x1024xf32, #tpu.memory_space<vmem>>, vector<1x1024xf32>
    %mul3A_375 = arith.constant 16.2817211 : f32
    %mul3A_376 = vector.broadcast %mul3A_375 : f32 to vector<400x1024xf32>
    %mul3A_377 = arith.mulf %mul3A_376, %get3A_371 : vector<400x1024xf32>
    %exp3A_378 = math.exp %mul3A_377 : vector<400x1024xf32>
    %reduce_sum3A_379 = arith.constant dense<0.000000e+00> : vector<1024xf32>
    %reduce_sum3A_380 = vector.multi_reduction <add>, %exp3A_378, %reduce_sum3A_379 [0] : vector<400x1024xf32> to vector<1024xf32>
    %broadcast_in_dim3A_381 = vector.shape_cast %reduce_sum3A_380 : vector<1024xf32> to vector<1x1024xf32>
    %add3A_382 = arith.addf %get3A_374, %broadcast_in_dim3A_381 : vector<1x1024xf32>
    %swap3A_383 = arith.constant 0 : index
    %swap3A_384 = arith.constant 0 : index
    %swap3A_385 = vector.load %arg1[%swap3A_383, %swap3A_384] : memref<1x1024xf32, #tpu.memory_space<vmem>>, vector<1x1024xf32>
    tpu.vector_store %arg1[%swap3A_383, %swap3A_384], %add3A_382 {strides = array<i32>} : memref<1x1024xf32, #tpu.memory_space<vmem>>, vector<1x1024xf32>,
    %dma_wait3A_386 = arith.constant 7 : i32
    %dma_wait3A_387 = arith.constant 7 : i32
    %dma_wait3A_388 = tpu.memref_slice %arg3[%dma_wait3A_387] : memref<16x!tpu.dma_semaphore, #tpu.memory_space<semaphore_mem>> -> memref<1x!tpu.dma_semaphore, #tpu.memory_space<semaphore_mem>>
    %dma_wait3A_389 = tpu.memref_squeeze %dma_wait3A_388 : memref<1x!tpu.dma_semaphore, #tpu.memory_space<semaphore_mem>> -> memref<!tpu.dma_semaphore, #tpu.memory_space<semaphore_mem>>
    %dma_wait3A_390 = arith.constant 0 : i32
    %dma_wait3A_391 = arith.constant 0 : i32
    %dma_wait3A_392 = tpu.memref_slice %arg2[%dma_wait3A_386, %dma_wait3A_390, %dma_wait3A_391] : memref<16x400x1024xf32, #tpu.memory_space<vmem>> -> memref<1x400x1024xf32, #tpu.memory_space<vmem>>
    %dma_wait3A_393 = tpu.memref_squeeze %dma_wait3A_392 : memref<1x400x1024xf32, #tpu.memory_space<vmem>> -> memref<400x1024xf32, #tpu.memory_space<vmem>>
    %dma_wait3A_394 = arith.constant 98800 : i32
    %dma_wait3A_395 = arith.constant 0 : i32
    %dma_wait3A_396 = tpu.memref_slice %arg0[%dma_wait3A_394, %dma_wait3A_395] : memref<100000x1024xf32, #tpu.memory_space<any>> -> memref<400x1024xf32, #tpu.memory_space<any>>
    tpu.wait_dma2 semaphore(%dma_wait3A_389 : memref<!tpu.dma_semaphore, #tpu.memory_space<semaphore_mem>>) src(%dma_wait3A_396 : memref<400x1024xf32, #tpu.memory_space<any>>) dst(%dma_wait3A_393 : memref<400x1024xf32, #tpu.memory_space<vmem>>)
    %get3A_397 = arith.constant 7 : index
    %get3A_398 = arith.constant 0 : index
    %get3A_399 = arith.constant 0 : index
    %get3A_400 = vector.load %arg2[%get3A_397, %get3A_398, %get3A_399] : memref<16x400x1024xf32, #tpu.memory_space<vmem>>, vector<1x400x1024xf32>
    %get3A_401 = vector.shape_cast %get3A_400 : vector<1x400x1024xf32> to vector<400x1024xf32>
    %get3A_402 = arith.constant 0 : index
    %get3A_403 = arith.constant 0 : index
    %get3A_404 = vector.load %arg1[%get3A_402, %get3A_403] : memref<1x1024xf32, #tpu.memory_space<vmem>>, vector<1x1024xf32>
    %mul3A_405 = arith.constant 16.2817211 : f32
    %mul3A_406 = vector.broadcast %mul3A_405 : f32 to vector<400x1024xf32>
    %mul3A_407 = arith.mulf %mul3A_406, %get3A_401 : vector<400x1024xf32>
    %exp3A_408 = math.exp %mul3A_407 : vector<400x1024xf32>
    %reduce_sum3A_409 = arith.constant dense<0.000000e+00> : vector<1024xf32>
    %reduce_sum3A_410 = vector.multi_reduction <add>, %exp3A_408, %reduce_sum3A_409 [0] : vector<400x1024xf32> to vector<1024xf32>
    %broadcast_in_dim3A_411 = vector.shape_cast %reduce_sum3A_410 : vector<1024xf32> to vector<1x1024xf32>
    %add3A_412 = arith.addf %get3A_404, %broadcast_in_dim3A_411 : vector<1x1024xf32>
    %swap3A_413 = arith.constant 0 : index
    %swap3A_414 = arith.constant 0 : index
    %swap3A_415 = vector.load %arg1[%swap3A_413, %swap3A_414] : memref<1x1024xf32, #tpu.memory_space<vmem>>, vector<1x1024xf32>
    tpu.vector_store %arg1[%swap3A_413, %swap3A_414], %add3A_412 {strides = array<i32>} : memref<1x1024xf32, #tpu.memory_space<vmem>>, vector<1x1024xf32>,
    %dma_wait3A_416 = arith.constant 8 : i32
    %dma_wait3A_417 = arith.constant 8 : i32
    %dma_wait3A_418 = tpu.memref_slice %arg3[%dma_wait3A_417] : memref<16x!tpu.dma_semaphore, #tpu.memory_space<semaphore_mem>> -> memref<1x!tpu.dma_semaphore, #tpu.memory_space<semaphore_mem>>
    %dma_wait3A_419 = tpu.memref_squeeze %dma_wait3A_418 : memref<1x!tpu.dma_semaphore, #tpu.memory_space<semaphore_mem>> -> memref<!tpu.dma_semaphore, #tpu.memory_space<semaphore_mem>>
    %dma_wait3A_420 = arith.constant 0 : i32
    %dma_wait3A_421 = arith.constant 0 : i32
    %dma_wait3A_422 = tpu.memref_slice %arg2[%dma_wait3A_416, %dma_wait3A_420, %dma_wait3A_421] : memref<16x400x1024xf32, #tpu.memory_space<vmem>> -> memref<1x400x1024xf32, #tpu.memory_space<vmem>>
    %dma_wait3A_423 = tpu.memref_squeeze %dma_wait3A_422 : memref<1x400x1024xf32, #tpu.memory_space<vmem>> -> memref<400x1024xf32, #tpu.memory_space<vmem>>
    %dma_wait3A_424 = arith.constant 99200 : i32
    %dma_wait3A_425 = arith.constant 0 : i32
    %dma_wait3A_426 = tpu.memref_slice %arg0[%dma_wait3A_424, %dma_wait3A_425] : memref<100000x1024xf32, #tpu.memory_space<any>> -> memref<400x1024xf32, #tpu.memory_space<any>>
    tpu.wait_dma2 semaphore(%dma_wait3A_419 : memref<!tpu.dma_semaphore, #tpu.memory_space<semaphore_mem>>) src(%dma_wait3A_426 : memref<400x1024xf32, #tpu.memory_space<any>>) dst(%dma_wait3A_423 : memref<400x1024xf32, #tpu.memory_space<vmem>>)
    %get3A_427 = arith.constant 8 : index
    %get3A_428 = arith.constant 0 : index
    %get3A_429 = arith.constant 0 : index
    %get3A_430 = vector.load %arg2[%get3A_427, %get3A_428, %get3A_429] : memref<16x400x1024xf32, #tpu.memory_space<vmem>>, vector<1x400x1024xf32>
    %get3A_431 = vector.shape_cast %get3A_430 : vector<1x400x1024xf32> to vector<400x1024xf32>
    %get3A_432 = arith.constant 0 : index
    %get3A_433 = arith.constant 0 : index
    %get3A_434 = vector.load %arg1[%get3A_432, %get3A_433] : memref<1x1024xf32, #tpu.memory_space<vmem>>, vector<1x1024xf32>
    %mul3A_435 = arith.constant 16.2817211 : f32
    %mul3A_436 = vector.broadcast %mul3A_435 : f32 to vector<400x1024xf32>
    %mul3A_437 = arith.mulf %mul3A_436, %get3A_431 : vector<400x1024xf32>
    %exp3A_438 = math.exp %mul3A_437 : vector<400x1024xf32>
    %reduce_sum3A_439 = arith.constant dense<0.000000e+00> : vector<1024xf32>
    %reduce_sum3A_440 = vector.multi_reduction <add>, %exp3A_438, %reduce_sum3A_439 [0] : vector<400x1024xf32> to vector<1024xf32>
    %broadcast_in_dim3A_441 = vector.shape_cast %reduce_sum3A_440 : vector<1024xf32> to vector<1x1024xf32>
    %add3A_442 = arith.addf %get3A_434, %broadcast_in_dim3A_441 : vector<1x1024xf32>
    %swap3A_443 = arith.constant 0 : index
    %swap3A_444 = arith.constant 0 : index
    %swap3A_445 = vector.load %arg1[%swap3A_443, %swap3A_444] : memref<1x1024xf32, #tpu.memory_space<vmem>>, vector<1x1024xf32>
    tpu.vector_store %arg1[%swap3A_443, %swap3A_444], %add3A_442 {strides = array<i32>} : memref<1x1024xf32, #tpu.memory_space<vmem>>, vector<1x1024xf32>,
    %dma_wait3A_446 = arith.constant 9 : i32
    %dma_wait3A_447 = arith.constant 9 : i32
    %dma_wait3A_448 = tpu.memref_slice %arg3[%dma_wait3A_447] : memref<16x!tpu.dma_semaphore, #tpu.memory_space<semaphore_mem>> -> memref<1x!tpu.dma_semaphore, #tpu.memory_space<semaphore_mem>>
    %dma_wait3A_449 = tpu.memref_squeeze %dma_wait3A_448 : memref<1x!tpu.dma_semaphore, #tpu.memory_space<semaphore_mem>> -> memref<!tpu.dma_semaphore, #tpu.memory_space<semaphore_mem>>
    %dma_wait3A_450 = arith.constant 0 : i32
    %dma_wait3A_451 = arith.constant 0 : i32
    %dma_wait3A_452 = tpu.memref_slice %arg2[%dma_wait3A_446, %dma_wait3A_450, %dma_wait3A_451] : memref<16x400x1024xf32, #tpu.memory_space<vmem>> -> memref<1x400x1024xf32, #tpu.memory_space<vmem>>
    %dma_wait3A_453 = tpu.memref_squeeze %dma_wait3A_452 : memref<1x400x1024xf32, #tpu.memory_space<vmem>> -> memref<400x1024xf32, #tpu.memory_space<vmem>>
    %dma_wait3A_454 = arith.constant 99600 : i32
    %dma_wait3A_455 = arith.constant 0 : i32
    %dma_wait3A_456 = tpu.memref_slice %arg0[%dma_wait3A_454, %dma_wait3A_455] : memref<100000x1024xf32, #tpu.memory_space<any>> -> memref<400x1024xf32, #tpu.memory_space<any>>
    tpu.wait_dma2 semaphore(%dma_wait3A_449 : memref<!tpu.dma_semaphore, #tpu.memory_space<semaphore_mem>>) src(%dma_wait3A_456 : memref<400x1024xf32, #tpu.memory_space<any>>) dst(%dma_wait3A_453 : memref<400x1024xf32, #tpu.memory_space<vmem>>)
    %get3A_457 = arith.constant 9 : index
    %get3A_458 = arith.constant 0 : index
    %get3A_459 = arith.constant 0 : index
    %get3A_460 = vector.load %arg2[%get3A_457, %get3A_458, %get3A_459] : memref<16x400x1024xf32, #tpu.memory_space<vmem>>, vector<1x400x1024xf32>
    %get3A_461 = vector.shape_cast %get3A_460 : vector<1x400x1024xf32> to vector<400x1024xf32>
    %get3A_462 = arith.constant 0 : index
    %get3A_463 = arith.constant 0 : index
    %get3A_464 = vector.load %arg1[%get3A_462, %get3A_463] : memref<1x1024xf32, #tpu.memory_space<vmem>>, vector<1x1024xf32>
    %mul3A_465 = arith.constant 16.2817211 : f32
    %mul3A_466 = vector.broadcast %mul3A_465 : f32 to vector<400x1024xf32>
    %mul3A_467 = arith.mulf %mul3A_466, %get3A_461 : vector<400x1024xf32>
    %exp3A_468 = math.exp %mul3A_467 : vector<400x1024xf32>
    %reduce_sum3A_469 = arith.constant dense<0.000000e+00> : vector<1024xf32>
    %reduce_sum3A_470 = vector.multi_reduction <add>, %exp3A_468, %reduce_sum3A_469 [0] : vector<400x1024xf32> to vector<1024xf32>
    %broadcast_in_dim3A_471 = vector.shape_cast %reduce_sum3A_470 : vector<1024xf32> to vector<1x1024xf32>
    %add3A_472 = arith.addf %get3A_464, %broadcast_in_dim3A_471 : vector<1x1024xf32>
    %swap3A_473 = arith.constant 0 : index
    %swap3A_474 = arith.constant 0 : index
    %swap3A_475 = vector.load %arg1[%swap3A_473, %swap3A_474] : memref<1x1024xf32, #tpu.memory_space<vmem>>, vector<1x1024xf32>
    tpu.vector_store %arg1[%swap3A_473, %swap3A_474], %add3A_472 {strides = array<i32>} : memref<1x1024xf32, #tpu.memory_space<vmem>>, vector<1x1024xf32>,
    return
  }
}

module attributes {stable_mosaic.version = 14 : i64} {
  func.func @_pass2_kernel(%arg0: memref<1x1024xf32, #tpu.memory_space<vmem>>, %arg1: memref<1x1024xf32, #tpu.memory_space<vmem>>, %arg2: memref<100000x1024xf32, #tpu.memory_space<any>>, %arg3: memref<1x1xf32, #tpu.memory_space<vmem>>, %arg4: memref<16x400x1024xf32, #tpu.memory_space<vmem>>, %arg5: memref<16x!tpu.dma_semaphore, #tpu.memory_space<semaphore_mem>>, %arg6: memref<1x1024xf32, #tpu.memory_space<vmem>>, %arg7: memref<1x1024xf32, #tpu.memory_space<vmem>>) attributes {dimension_semantics = [], scalar_prefetch = 0 : i64, scratch_operands = 4 : i64, tpu.core_type = #tpu.core_type<tc>} {
    %broadcast_in_dim3A = arith.constant 0.000000e+00 : f32
    %broadcast_in_dim3A_0 = vector.broadcast %broadcast_in_dim3A : f32 to vector<1x1024xf32>
    %swap3A = arith.constant 0 : index
    %swap3A_1 = arith.constant 0 : index
    %swap3A_2 = vector.load %arg6[%swap3A, %swap3A_1] : memref<1x1024xf32, #tpu.memory_space<vmem>>, vector<1x1024xf32>
    tpu.vector_store %arg6[%swap3A, %swap3A_1], %broadcast_in_dim3A_0 {strides = array<i32>} : memref<1x1024xf32, #tpu.memory_space<vmem>>, vector<1x1024xf32>,
    %broadcast_in_dim3A_3 = arith.constant 0.000000e+00 : f32
    %broadcast_in_dim3A_4 = vector.broadcast %broadcast_in_dim3A_3 : f32 to vector<1x1024xf32>
    %swap3A_5 = arith.constant 0 : index
    %swap3A_6 = arith.constant 0 : index
    %swap3A_7 = vector.load %arg7[%swap3A_5, %swap3A_6] : memref<1x1024xf32, #tpu.memory_space<vmem>>, vector<1x1024xf32>
    tpu.vector_store %arg7[%swap3A_5, %swap3A_6], %broadcast_in_dim3A_4 {strides = array<i32>} : memref<1x1024xf32, #tpu.memory_space<vmem>>, vector<1x1024xf32>,
    %get3A = arith.constant 0 : index
    %get3A_8 = arith.constant 0 : index
    %get3A_9 = vector.load %arg1[%get3A, %get3A_8] : memref<1x1024xf32, #tpu.memory_space<vmem>>, vector<1x1024xf32>
    %dma_start3A = arith.constant 0 : i32
    %dma_start3A_10 = arith.constant 0 : i32
    %dma_start3A_11 = tpu.memref_slice %arg5[%dma_start3A_10] : memref<16x!tpu.dma_semaphore, #tpu.memory_space<semaphore_mem>> -> memref<1x!tpu.dma_semaphore, #tpu.memory_space<semaphore_mem>>
    %dma_start3A_12 = tpu.memref_squeeze %dma_start3A_11 : memref<1x!tpu.dma_semaphore, #tpu.memory_space<semaphore_mem>> -> memref<!tpu.dma_semaphore, #tpu.memory_space<semaphore_mem>>
    %dma_start3A_13 = arith.constant 0 : i32
    %dma_start3A_14 = arith.constant 0 : i32
    %dma_start3A_15 = tpu.memref_slice %arg4[%dma_start3A, %dma_start3A_13, %dma_start3A_14] : memref<16x400x1024xf32, #tpu.memory_space<vmem>> -> memref<1x400x1024xf32, #tpu.memory_space<vmem>>
    %dma_start3A_16 = tpu.memref_squeeze %dma_start3A_15 : memref<1x400x1024xf32, #tpu.memory_space<vmem>> -> memref<400x1024xf32, #tpu.memory_space<vmem>>
    %dma_start3A_17 = arith.constant 0 : i32
    %dma_start3A_18 = arith.constant 0 : i32
    %dma_start3A_19 = tpu.memref_slice %arg2[%dma_start3A_17, %dma_start3A_18] : memref<100000x1024xf32, #tpu.memory_space<any>> -> memref<400x1024xf32, #tpu.memory_space<any>>
    tpu.enqueue_dma source(%dma_start3A_19 : memref<400x1024xf32, #tpu.memory_space<any>>) target(%dma_start3A_16 : memref<400x1024xf32, #tpu.memory_space<vmem>>) target_semaphore(%dma_start3A_12 : memref<!tpu.dma_semaphore, #tpu.memory_space<semaphore_mem>>)
    %dma_start3A_20 = arith.constant 1 : i32
    %dma_start3A_21 = arith.constant 1 : i32
    %dma_start3A_22 = tpu.memref_slice %arg5[%dma_start3A_21] : memref<16x!tpu.dma_semaphore, #tpu.memory_space<semaphore_mem>> -> memref<1x!tpu.dma_semaphore, #tpu.memory_space<semaphore_mem>>
    %dma_start3A_23 = tpu.memref_squeeze %dma_start3A_22 : memref<1x!tpu.dma_semaphore, #tpu.memory_space<semaphore_mem>> -> memref<!tpu.dma_semaphore, #tpu.memory_space<semaphore_mem>>
    %dma_start3A_24 = arith.constant 0 : i32
    %dma_start3A_25 = arith.constant 0 : i32
    %dma_start3A_26 = tpu.memref_slice %arg4[%dma_start3A_20, %dma_start3A_24, %dma_start3A_25] : memref<16x400x1024xf32, #tpu.memory_space<vmem>> -> memref<1x400x1024xf32, #tpu.memory_space<vmem>>
    %dma_start3A_27 = tpu.memref_squeeze %dma_start3A_26 : memref<1x400x1024xf32, #tpu.memory_space<vmem>> -> memref<400x1024xf32, #tpu.memory_space<vmem>>
    %dma_start3A_28 = arith.constant 400 : i32
    %dma_start3A_29 = arith.constant 0 : i32
    %dma_start3A_30 = tpu.memref_slice %arg2[%dma_start3A_28, %dma_start3A_29] : memref<100000x1024xf32, #tpu.memory_space<any>> -> memref<400x1024xf32, #tpu.memory_space<any>>
    tpu.enqueue_dma source(%dma_start3A_30 : memref<400x1024xf32, #tpu.memory_space<any>>) target(%dma_start3A_27 : memref<400x1024xf32, #tpu.memory_space<vmem>>) target_semaphore(%dma_start3A_23 : memref<!tpu.dma_semaphore, #tpu.memory_space<semaphore_mem>>)
    %dma_start3A_31 = arith.constant 2 : i32
    %dma_start3A_32 = arith.constant 2 : i32
    %dma_start3A_33 = tpu.memref_slice %arg5[%dma_start3A_32] : memref<16x!tpu.dma_semaphore, #tpu.memory_space<semaphore_mem>> -> memref<1x!tpu.dma_semaphore, #tpu.memory_space<semaphore_mem>>
    %dma_start3A_34 = tpu.memref_squeeze %dma_start3A_33 : memref<1x!tpu.dma_semaphore, #tpu.memory_space<semaphore_mem>> -> memref<!tpu.dma_semaphore, #tpu.memory_space<semaphore_mem>>
    %dma_start3A_35 = arith.constant 0 : i32
    %dma_start3A_36 = arith.constant 0 : i32
    %dma_start3A_37 = tpu.memref_slice %arg4[%dma_start3A_31, %dma_start3A_35, %dma_start3A_36] : memref<16x400x1024xf32, #tpu.memory_space<vmem>> -> memref<1x400x1024xf32, #tpu.memory_space<vmem>>
    %dma_start3A_38 = tpu.memref_squeeze %dma_start3A_37 : memref<1x400x1024xf32, #tpu.memory_space<vmem>> -> memref<400x1024xf32, #tpu.memory_space<vmem>>
    %dma_start3A_39 = arith.constant 800 : i32
    %dma_start3A_40 = arith.constant 0 : i32
    %dma_start3A_41 = tpu.memref_slice %arg2[%dma_start3A_39, %dma_start3A_40] : memref<100000x1024xf32, #tpu.memory_space<any>> -> memref<400x1024xf32, #tpu.memory_space<any>>
    tpu.enqueue_dma source(%dma_start3A_41 : memref<400x1024xf32, #tpu.memory_space<any>>) target(%dma_start3A_38 : memref<400x1024xf32, #tpu.memory_space<vmem>>) target_semaphore(%dma_start3A_34 : memref<!tpu.dma_semaphore, #tpu.memory_space<semaphore_mem>>)
    %dma_start3A_42 = arith.constant 3 : i32
    %dma_start3A_43 = arith.constant 3 : i32
    %dma_start3A_44 = tpu.memref_slice %arg5[%dma_start3A_43] : memref<16x!tpu.dma_semaphore, #tpu.memory_space<semaphore_mem>> -> memref<1x!tpu.dma_semaphore, #tpu.memory_space<semaphore_mem>>
    %dma_start3A_45 = tpu.memref_squeeze %dma_start3A_44 : memref<1x!tpu.dma_semaphore, #tpu.memory_space<semaphore_mem>> -> memref<!tpu.dma_semaphore, #tpu.memory_space<semaphore_mem>>
    %dma_start3A_46 = arith.constant 0 : i32
    %dma_start3A_47 = arith.constant 0 : i32
    %dma_start3A_48 = tpu.memref_slice %arg4[%dma_start3A_42, %dma_start3A_46, %dma_start3A_47] : memref<16x400x1024xf32, #tpu.memory_space<vmem>> -> memref<1x400x1024xf32, #tpu.memory_space<vmem>>
    %dma_start3A_49 = tpu.memref_squeeze %dma_start3A_48 : memref<1x400x1024xf32, #tpu.memory_space<vmem>> -> memref<400x1024xf32, #tpu.memory_space<vmem>>
    %dma_start3A_50 = arith.constant 1200 : i32
    %dma_start3A_51 = arith.constant 0 : i32
    %dma_start3A_52 = tpu.memref_slice %arg2[%dma_start3A_50, %dma_start3A_51] : memref<100000x1024xf32, #tpu.memory_space<any>> -> memref<400x1024xf32, #tpu.memory_space<any>>
    tpu.enqueue_dma source(%dma_start3A_52 : memref<400x1024xf32, #tpu.memory_space<any>>) target(%dma_start3A_49 : memref<400x1024xf32, #tpu.memory_space<vmem>>) target_semaphore(%dma_start3A_45 : memref<!tpu.dma_semaphore, #tpu.memory_space<semaphore_mem>>)
    %dma_start3A_53 = arith.constant 4 : i32
    %dma_start3A_54 = arith.constant 4 : i32
    %dma_start3A_55 = tpu.memref_slice %arg5[%dma_start3A_54] : memref<16x!tpu.dma_semaphore, #tpu.memory_space<semaphore_mem>> -> memref<1x!tpu.dma_semaphore, #tpu.memory_space<semaphore_mem>>
    %dma_start3A_56 = tpu.memref_squeeze %dma_start3A_55 : memref<1x!tpu.dma_semaphore, #tpu.memory_space<semaphore_mem>> -> memref<!tpu.dma_semaphore, #tpu.memory_space<semaphore_mem>>
    %dma_start3A_57 = arith.constant 0 : i32
    %dma_start3A_58 = arith.constant 0 : i32
    %dma_start3A_59 = tpu.memref_slice %arg4[%dma_start3A_53, %dma_start3A_57, %dma_start3A_58] : memref<16x400x1024xf32, #tpu.memory_space<vmem>> -> memref<1x400x1024xf32, #tpu.memory_space<vmem>>
    %dma_start3A_60 = tpu.memref_squeeze %dma_start3A_59 : memref<1x400x1024xf32, #tpu.memory_space<vmem>> -> memref<400x1024xf32, #tpu.memory_space<vmem>>
    %dma_start3A_61 = arith.constant 1600 : i32
    %dma_start3A_62 = arith.constant 0 : i32
    %dma_start3A_63 = tpu.memref_slice %arg2[%dma_start3A_61, %dma_start3A_62] : memref<100000x1024xf32, #tpu.memory_space<any>> -> memref<400x1024xf32, #tpu.memory_space<any>>
    tpu.enqueue_dma source(%dma_start3A_63 : memref<400x1024xf32, #tpu.memory_space<any>>) target(%dma_start3A_60 : memref<400x1024xf32, #tpu.memory_space<vmem>>) target_semaphore(%dma_start3A_56 : memref<!tpu.dma_semaphore, #tpu.memory_space<semaphore_mem>>)
    %dma_start3A_64 = arith.constant 5 : i32
    %dma_start3A_65 = arith.constant 5 : i32
    %dma_start3A_66 = tpu.memref_slice %arg5[%dma_start3A_65] : memref<16x!tpu.dma_semaphore, #tpu.memory_space<semaphore_mem>> -> memref<1x!tpu.dma_semaphore, #tpu.memory_space<semaphore_mem>>
    %dma_start3A_67 = tpu.memref_squeeze %dma_start3A_66 : memref<1x!tpu.dma_semaphore, #tpu.memory_space<semaphore_mem>> -> memref<!tpu.dma_semaphore, #tpu.memory_space<semaphore_mem>>
    %dma_start3A_68 = arith.constant 0 : i32
    %dma_start3A_69 = arith.constant 0 : i32
    %dma_start3A_70 = tpu.memref_slice %arg4[%dma_start3A_64, %dma_start3A_68, %dma_start3A_69] : memref<16x400x1024xf32, #tpu.memory_space<vmem>> -> memref<1x400x1024xf32, #tpu.memory_space<vmem>>
    %dma_start3A_71 = tpu.memref_squeeze %dma_start3A_70 : memref<1x400x1024xf32, #tpu.memory_space<vmem>> -> memref<400x1024xf32, #tpu.memory_space<vmem>>
    %dma_start3A_72 = arith.constant 2000 : i32
    %dma_start3A_73 = arith.constant 0 : i32
    %dma_start3A_74 = tpu.memref_slice %arg2[%dma_start3A_72, %dma_start3A_73] : memref<100000x1024xf32, #tpu.memory_space<any>> -> memref<400x1024xf32, #tpu.memory_space<any>>
    tpu.enqueue_dma source(%dma_start3A_74 : memref<400x1024xf32, #tpu.memory_space<any>>) target(%dma_start3A_71 : memref<400x1024xf32, #tpu.memory_space<vmem>>) target_semaphore(%dma_start3A_67 : memref<!tpu.dma_semaphore, #tpu.memory_space<semaphore_mem>>)
    %dma_start3A_75 = arith.constant 6 : i32
    %dma_start3A_76 = arith.constant 6 : i32
    %dma_start3A_77 = tpu.memref_slice %arg5[%dma_start3A_76] : memref<16x!tpu.dma_semaphore, #tpu.memory_space<semaphore_mem>> -> memref<1x!tpu.dma_semaphore, #tpu.memory_space<semaphore_mem>>
    %dma_start3A_78 = tpu.memref_squeeze %dma_start3A_77 : memref<1x!tpu.dma_semaphore, #tpu.memory_space<semaphore_mem>> -> memref<!tpu.dma_semaphore, #tpu.memory_space<semaphore_mem>>
    %dma_start3A_79 = arith.constant 0 : i32
    %dma_start3A_80 = arith.constant 0 : i32
    %dma_start3A_81 = tpu.memref_slice %arg4[%dma_start3A_75, %dma_start3A_79, %dma_start3A_80] : memref<16x400x1024xf32, #tpu.memory_space<vmem>> -> memref<1x400x1024xf32, #tpu.memory_space<vmem>>
    %dma_start3A_82 = tpu.memref_squeeze %dma_start3A_81 : memref<1x400x1024xf32, #tpu.memory_space<vmem>> -> memref<400x1024xf32, #tpu.memory_space<vmem>>
    %dma_start3A_83 = arith.constant 2400 : i32
    %dma_start3A_84 = arith.constant 0 : i32
    %dma_start3A_85 = tpu.memref_slice %arg2[%dma_start3A_83, %dma_start3A_84] : memref<100000x1024xf32, #tpu.memory_space<any>> -> memref<400x1024xf32, #tpu.memory_space<any>>
    tpu.enqueue_dma source(%dma_start3A_85 : memref<400x1024xf32, #tpu.memory_space<any>>) target(%dma_start3A_82 : memref<400x1024xf32, #tpu.memory_space<vmem>>) target_semaphore(%dma_start3A_78 : memref<!tpu.dma_semaphore, #tpu.memory_space<semaphore_mem>>)
    %dma_start3A_86 = arith.constant 7 : i32
    %dma_start3A_87 = arith.constant 7 : i32
    %dma_start3A_88 = tpu.memref_slice %arg5[%dma_start3A_87] : memref<16x!tpu.dma_semaphore, #tpu.memory_space<semaphore_mem>> -> memref<1x!tpu.dma_semaphore, #tpu.memory_space<semaphore_mem>>
    %dma_start3A_89 = tpu.memref_squeeze %dma_start3A_88 : memref<1x!tpu.dma_semaphore, #tpu.memory_space<semaphore_mem>> -> memref<!tpu.dma_semaphore, #tpu.memory_space<semaphore_mem>>
    %dma_start3A_90 = arith.constant 0 : i32
    %dma_start3A_91 = arith.constant 0 : i32
    %dma_start3A_92 = tpu.memref_slice %arg4[%dma_start3A_86, %dma_start3A_90, %dma_start3A_91] : memref<16x400x1024xf32, #tpu.memory_space<vmem>> -> memref<1x400x1024xf32, #tpu.memory_space<vmem>>
    %dma_start3A_93 = tpu.memref_squeeze %dma_start3A_92 : memref<1x400x1024xf32, #tpu.memory_space<vmem>> -> memref<400x1024xf32, #tpu.memory_space<vmem>>
    %dma_start3A_94 = arith.constant 2800 : i32
    %dma_start3A_95 = arith.constant 0 : i32
    %dma_start3A_96 = tpu.memref_slice %arg2[%dma_start3A_94, %dma_start3A_95] : memref<100000x1024xf32, #tpu.memory_space<any>> -> memref<400x1024xf32, #tpu.memory_space<any>>
    tpu.enqueue_dma source(%dma_start3A_96 : memref<400x1024xf32, #tpu.memory_space<any>>) target(%dma_start3A_93 : memref<400x1024xf32, #tpu.memory_space<vmem>>) target_semaphore(%dma_start3A_89 : memref<!tpu.dma_semaphore, #tpu.memory_space<semaphore_mem>>)
    %dma_start3A_97 = arith.constant 8 : i32
    %dma_start3A_98 = arith.constant 8 : i32
    %dma_start3A_99 = tpu.memref_slice %arg5[%dma_start3A_98] : memref<16x!tpu.dma_semaphore, #tpu.memory_space<semaphore_mem>> -> memref<1x!tpu.dma_semaphore, #tpu.memory_space<semaphore_mem>>
    %dma_start3A_100 = tpu.memref_squeeze %dma_start3A_99 : memref<1x!tpu.dma_semaphore, #tpu.memory_space<semaphore_mem>> -> memref<!tpu.dma_semaphore, #tpu.memory_space<semaphore_mem>>
    %dma_start3A_101 = arith.constant 0 : i32
    %dma_start3A_102 = arith.constant 0 : i32
    %dma_start3A_103 = tpu.memref_slice %arg4[%dma_start3A_97, %dma_start3A_101, %dma_start3A_102] : memref<16x400x1024xf32, #tpu.memory_space<vmem>> -> memref<1x400x1024xf32, #tpu.memory_space<vmem>>
    %dma_start3A_104 = tpu.memref_squeeze %dma_start3A_103 : memref<1x400x1024xf32, #tpu.memory_space<vmem>> -> memref<400x1024xf32, #tpu.memory_space<vmem>>
    %dma_start3A_105 = arith.constant 3200 : i32
    %dma_start3A_106 = arith.constant 0 : i32
    %dma_start3A_107 = tpu.memref_slice %arg2[%dma_start3A_105, %dma_start3A_106] : memref<100000x1024xf32, #tpu.memory_space<any>> -> memref<400x1024xf32, #tpu.memory_space<any>>
    tpu.enqueue_dma source(%dma_start3A_107 : memref<400x1024xf32, #tpu.memory_space<any>>) target(%dma_start3A_104 : memref<400x1024xf32, #tpu.memory_space<vmem>>) target_semaphore(%dma_start3A_100 : memref<!tpu.dma_semaphore, #tpu.memory_space<semaphore_mem>>)
    %dma_start3A_108 = arith.constant 9 : i32
    %dma_start3A_109 = arith.constant 9 : i32
    %dma_start3A_110 = tpu.memref_slice %arg5[%dma_start3A_109] : memref<16x!tpu.dma_semaphore, #tpu.memory_space<semaphore_mem>> -> memref<1x!tpu.dma_semaphore, #tpu.memory_space<semaphore_mem>>
    %dma_start3A_111 = tpu.memref_squeeze %dma_start3A_110 : memref<1x!tpu.dma_semaphore, #tpu.memory_space<semaphore_mem>> -> memref<!tpu.dma_semaphore, #tpu.memory_space<semaphore_mem>>
    %dma_start3A_112 = arith.constant 0 : i32
    %dma_start3A_113 = arith.constant 0 : i32
    %dma_start3A_114 = tpu.memref_slice %arg4[%dma_start3A_108, %dma_start3A_112, %dma_start3A_113] : memref<16x400x1024xf32, #tpu.memory_space<vmem>> -> memref<1x400x1024xf32, #tpu.memory_space<vmem>>
    %dma_start3A_115 = tpu.memref_squeeze %dma_start3A_114 : memref<1x400x1024xf32, #tpu.memory_space<vmem>> -> memref<400x1024xf32, #tpu.memory_space<vmem>>
    %dma_start3A_116 = arith.constant 3600 : i32
    %dma_start3A_117 = arith.constant 0 : i32
    %dma_start3A_118 = tpu.memref_slice %arg2[%dma_start3A_116, %dma_start3A_117] : memref<100000x1024xf32, #tpu.memory_space<any>> -> memref<400x1024xf32, #tpu.memory_space<any>>
    tpu.enqueue_dma source(%dma_start3A_118 : memref<400x1024xf32, #tpu.memory_space<any>>) target(%dma_start3A_115 : memref<400x1024xf32, #tpu.memory_space<vmem>>) target_semaphore(%dma_start3A_111 : memref<!tpu.dma_semaphore, #tpu.memory_space<semaphore_mem>>)
    %dma_start3A_119 = arith.constant 10 : i32
    %dma_start3A_120 = arith.constant 10 : i32
    %dma_start3A_121 = tpu.memref_slice %arg5[%dma_start3A_120] : memref<16x!tpu.dma_semaphore, #tpu.memory_space<semaphore_mem>> -> memref<1x!tpu.dma_semaphore, #tpu.memory_space<semaphore_mem>>
    %dma_start3A_122 = tpu.memref_squeeze %dma_start3A_121 : memref<1x!tpu.dma_semaphore, #tpu.memory_space<semaphore_mem>> -> memref<!tpu.dma_semaphore, #tpu.memory_space<semaphore_mem>>
    %dma_start3A_123 = arith.constant 0 : i32
    %dma_start3A_124 = arith.constant 0 : i32
    %dma_start3A_125 = tpu.memref_slice %arg4[%dma_start3A_119, %dma_start3A_123, %dma_start3A_124] : memref<16x400x1024xf32, #tpu.memory_space<vmem>> -> memref<1x400x1024xf32, #tpu.memory_space<vmem>>
    %dma_start3A_126 = tpu.memref_squeeze %dma_start3A_125 : memref<1x400x1024xf32, #tpu.memory_space<vmem>> -> memref<400x1024xf32, #tpu.memory_space<vmem>>
    %dma_start3A_127 = arith.constant 4000 : i32
    %dma_start3A_128 = arith.constant 0 : i32
    %dma_start3A_129 = tpu.memref_slice %arg2[%dma_start3A_127, %dma_start3A_128] : memref<100000x1024xf32, #tpu.memory_space<any>> -> memref<400x1024xf32, #tpu.memory_space<any>>
    tpu.enqueue_dma source(%dma_start3A_129 : memref<400x1024xf32, #tpu.memory_space<any>>) target(%dma_start3A_126 : memref<400x1024xf32, #tpu.memory_space<vmem>>) target_semaphore(%dma_start3A_122 : memref<!tpu.dma_semaphore, #tpu.memory_space<semaphore_mem>>)
    %dma_start3A_130 = arith.constant 11 : i32
    %dma_start3A_131 = arith.constant 11 : i32
    %dma_start3A_132 = tpu.memref_slice %arg5[%dma_start3A_131] : memref<16x!tpu.dma_semaphore, #tpu.memory_space<semaphore_mem>> -> memref<1x!tpu.dma_semaphore, #tpu.memory_space<semaphore_mem>>
    %dma_start3A_133 = tpu.memref_squeeze %dma_start3A_132 : memref<1x!tpu.dma_semaphore, #tpu.memory_space<semaphore_mem>> -> memref<!tpu.dma_semaphore, #tpu.memory_space<semaphore_mem>>
    %dma_start3A_134 = arith.constant 0 : i32
    %dma_start3A_135 = arith.constant 0 : i32
    %dma_start3A_136 = tpu.memref_slice %arg4[%dma_start3A_130, %dma_start3A_134, %dma_start3A_135] : memref<16x400x1024xf32, #tpu.memory_space<vmem>> -> memref<1x400x1024xf32, #tpu.memory_space<vmem>>
    %dma_start3A_137 = tpu.memref_squeeze %dma_start3A_136 : memref<1x400x1024xf32, #tpu.memory_space<vmem>> -> memref<400x1024xf32, #tpu.memory_space<vmem>>
    %dma_start3A_138 = arith.constant 4400 : i32
    %dma_start3A_139 = arith.constant 0 : i32
    %dma_start3A_140 = tpu.memref_slice %arg2[%dma_start3A_138, %dma_start3A_139] : memref<100000x1024xf32, #tpu.memory_space<any>> -> memref<400x1024xf32, #tpu.memory_space<any>>
    tpu.enqueue_dma source(%dma_start3A_140 : memref<400x1024xf32, #tpu.memory_space<any>>) target(%dma_start3A_137 : memref<400x1024xf32, #tpu.memory_space<vmem>>) target_semaphore(%dma_start3A_133 : memref<!tpu.dma_semaphore, #tpu.memory_space<semaphore_mem>>)
    %dma_start3A_141 = arith.constant 12 : i32
    %dma_start3A_142 = arith.constant 12 : i32
    %dma_start3A_143 = tpu.memref_slice %arg5[%dma_start3A_142] : memref<16x!tpu.dma_semaphore, #tpu.memory_space<semaphore_mem>> -> memref<1x!tpu.dma_semaphore, #tpu.memory_space<semaphore_mem>>
    %dma_start3A_144 = tpu.memref_squeeze %dma_start3A_143 : memref<1x!tpu.dma_semaphore, #tpu.memory_space<semaphore_mem>> -> memref<!tpu.dma_semaphore, #tpu.memory_space<semaphore_mem>>
    %dma_start3A_145 = arith.constant 0 : i32
    %dma_start3A_146 = arith.constant 0 : i32
    %dma_start3A_147 = tpu.memref_slice %arg4[%dma_start3A_141, %dma_start3A_145, %dma_start3A_146] : memref<16x400x1024xf32, #tpu.memory_space<vmem>> -> memref<1x400x1024xf32, #tpu.memory_space<vmem>>
    %dma_start3A_148 = tpu.memref_squeeze %dma_start3A_147 : memref<1x400x1024xf32, #tpu.memory_space<vmem>> -> memref<400x1024xf32, #tpu.memory_space<vmem>>
    %dma_start3A_149 = arith.constant 4800 : i32
    %dma_start3A_150 = arith.constant 0 : i32
    %dma_start3A_151 = tpu.memref_slice %arg2[%dma_start3A_149, %dma_start3A_150] : memref<100000x1024xf32, #tpu.memory_space<any>> -> memref<400x1024xf32, #tpu.memory_space<any>>
    tpu.enqueue_dma source(%dma_start3A_151 : memref<400x1024xf32, #tpu.memory_space<any>>) target(%dma_start3A_148 : memref<400x1024xf32, #tpu.memory_space<vmem>>) target_semaphore(%dma_start3A_144 : memref<!tpu.dma_semaphore, #tpu.memory_space<semaphore_mem>>)
    %dma_start3A_152 = arith.constant 13 : i32
    %dma_start3A_153 = arith.constant 13 : i32
    %dma_start3A_154 = tpu.memref_slice %arg5[%dma_start3A_153] : memref<16x!tpu.dma_semaphore, #tpu.memory_space<semaphore_mem>> -> memref<1x!tpu.dma_semaphore, #tpu.memory_space<semaphore_mem>>
    %dma_start3A_155 = tpu.memref_squeeze %dma_start3A_154 : memref<1x!tpu.dma_semaphore, #tpu.memory_space<semaphore_mem>> -> memref<!tpu.dma_semaphore, #tpu.memory_space<semaphore_mem>>
    %dma_start3A_156 = arith.constant 0 : i32
    %dma_start3A_157 = arith.constant 0 : i32
    %dma_start3A_158 = tpu.memref_slice %arg4[%dma_start3A_152, %dma_start3A_156, %dma_start3A_157] : memref<16x400x1024xf32, #tpu.memory_space<vmem>> -> memref<1x400x1024xf32, #tpu.memory_space<vmem>>
    %dma_start3A_159 = tpu.memref_squeeze %dma_start3A_158 : memref<1x400x1024xf32, #tpu.memory_space<vmem>> -> memref<400x1024xf32, #tpu.memory_space<vmem>>
    %dma_start3A_160 = arith.constant 5200 : i32
    %dma_start3A_161 = arith.constant 0 : i32
    %dma_start3A_162 = tpu.memref_slice %arg2[%dma_start3A_160, %dma_start3A_161] : memref<100000x1024xf32, #tpu.memory_space<any>> -> memref<400x1024xf32, #tpu.memory_space<any>>
    tpu.enqueue_dma source(%dma_start3A_162 : memref<400x1024xf32, #tpu.memory_space<any>>) target(%dma_start3A_159 : memref<400x1024xf32, #tpu.memory_space<vmem>>) target_semaphore(%dma_start3A_155 : memref<!tpu.dma_semaphore, #tpu.memory_space<semaphore_mem>>)
    %dma_start3A_163 = arith.constant 14 : i32
    %dma_start3A_164 = arith.constant 14 : i32
    %dma_start3A_165 = tpu.memref_slice %arg5[%dma_start3A_164] : memref<16x!tpu.dma_semaphore, #tpu.memory_space<semaphore_mem>> -> memref<1x!tpu.dma_semaphore, #tpu.memory_space<semaphore_mem>>
    %dma_start3A_166 = tpu.memref_squeeze %dma_start3A_165 : memref<1x!tpu.dma_semaphore, #tpu.memory_space<semaphore_mem>> -> memref<!tpu.dma_semaphore, #tpu.memory_space<semaphore_mem>>
    %dma_start3A_167 = arith.constant 0 : i32
    %dma_start3A_168 = arith.constant 0 : i32
    %dma_start3A_169 = tpu.memref_slice %arg4[%dma_start3A_163, %dma_start3A_167, %dma_start3A_168] : memref<16x400x1024xf32, #tpu.memory_space<vmem>> -> memref<1x400x1024xf32, #tpu.memory_space<vmem>>
    %dma_start3A_170 = tpu.memref_squeeze %dma_start3A_169 : memref<1x400x1024xf32, #tpu.memory_space<vmem>> -> memref<400x1024xf32, #tpu.memory_space<vmem>>
    %dma_start3A_171 = arith.constant 5600 : i32
    %dma_start3A_172 = arith.constant 0 : i32
    %dma_start3A_173 = tpu.memref_slice %arg2[%dma_start3A_171, %dma_start3A_172] : memref<100000x1024xf32, #tpu.memory_space<any>> -> memref<400x1024xf32, #tpu.memory_space<any>>
    tpu.enqueue_dma source(%dma_start3A_173 : memref<400x1024xf32, #tpu.memory_space<any>>) target(%dma_start3A_170 : memref<400x1024xf32, #tpu.memory_space<vmem>>) target_semaphore(%dma_start3A_166 : memref<!tpu.dma_semaphore, #tpu.memory_space<semaphore_mem>>)
    %dma_start3A_174 = arith.constant 15 : i32
    %dma_start3A_175 = arith.constant 15 : i32
    %dma_start3A_176 = tpu.memref_slice %arg5[%dma_start3A_175] : memref<16x!tpu.dma_semaphore, #tpu.memory_space<semaphore_mem>> -> memref<1x!tpu.dma_semaphore, #tpu.memory_space<semaphore_mem>>
    %dma_start3A_177 = tpu.memref_squeeze %dma_start3A_176 : memref<1x!tpu.dma_semaphore, #tpu.memory_space<semaphore_mem>> -> memref<!tpu.dma_semaphore, #tpu.memory_space<semaphore_mem>>
    %dma_start3A_178 = arith.constant 0 : i32
    %dma_start3A_179 = arith.constant 0 : i32
    %dma_start3A_180 = tpu.memref_slice %arg4[%dma_start3A_174, %dma_start3A_178, %dma_start3A_179] : memref<16x400x1024xf32, #tpu.memory_space<vmem>> -> memref<1x400x1024xf32, #tpu.memory_space<vmem>>
    %dma_start3A_181 = tpu.memref_squeeze %dma_start3A_180 : memref<1x400x1024xf32, #tpu.memory_space<vmem>> -> memref<400x1024xf32, #tpu.memory_space<vmem>>
    %dma_start3A_182 = arith.constant 6000 : i32
    %dma_start3A_183 = arith.constant 0 : i32
    %dma_start3A_184 = tpu.memref_slice %arg2[%dma_start3A_182, %dma_start3A_183] : memref<100000x1024xf32, #tpu.memory_space<any>> -> memref<400x1024xf32, #tpu.memory_space<any>>
    tpu.enqueue_dma source(%dma_start3A_184 : memref<400x1024xf32, #tpu.memory_space<any>>) target(%dma_start3A_181 : memref<400x1024xf32, #tpu.memory_space<vmem>>) target_semaphore(%dma_start3A_177 : memref<!tpu.dma_semaphore, #tpu.memory_space<semaphore_mem>>)
    %get3A_185 = arith.constant 0 : index
    %get3A_186 = arith.constant 0 : index
    %get3A_187 = vector.load %arg0[%get3A_185, %get3A_186] : memref<1x1024xf32, #tpu.memory_space<vmem>>, vector<1x1024xf32>
    %reduce_sum3A = vector.shape_cast %get3A_187 : vector<1x1024xf32> to vector<1x1x1024xf32>
    %reduce_sum3A_188 = arith.constant dense<0.000000e+00> : vector<1xf32>
    %reduce_sum3A_189 = vector.multi_reduction <add>, %reduce_sum3A, %reduce_sum3A_188 [1, 2] : vector<1x1x1024xf32> to vector<1xf32>
    %reduce_sum3A_190 = vector.shape_cast %reduce_sum3A_189 : vector<1xf32> to vector<1x1x1xf32>
    %reduce_sum3A_191 = vector.extract %reduce_sum3A_190[0, 0, 0] : f32 from vector<1x1x1xf32>
    %mul3A = arith.constant 16.2817211 : f32
    %mul3A_192 = vector.broadcast %mul3A : f32 to vector<1x1024xf32>
    %mul3A_193 = arith.mulf %mul3A_192, %get3A_9 : vector<1x1024xf32>
    %exp3A = math.exp %mul3A_193 : vector<1x1024xf32>
    %reduce_sum3A_194 = vector.shape_cast %exp3A : vector<1x1024xf32> to vector<1x1x1024xf32>
    %reduce_sum3A_195 = arith.constant dense<0.000000e+00> : vector<1xf32>
    %reduce_sum3A_196 = vector.multi_reduction <add>, %reduce_sum3A_194, %reduce_sum3A_195 [1, 2] : vector<1x1x1024xf32> to vector<1xf32>
    %reduce_sum3A_197 = vector.shape_cast %reduce_sum3A_196 : vector<1xf32> to vector<1x1x1xf32>
    %reduce_sum3A_198 = vector.extract %reduce_sum3A_197[0, 0, 0] : f32 from vector<1x1x1xf32>
    %sub3A = arith.subf %reduce_sum3A_191, %reduce_sum3A_198 : f32
    %div3A = arith.constant 1.024000e+03 : f32
    %div3A_199 = arith.divf %sub3A, %div3A : f32
    %jit3A = arith.constant -0.99999988 : f32
    %jit3A_200 = arith.constant 0.99999988 : f32
    %max3A = vector.broadcast %jit3A : f32 to vector<1x1024xf32>
    %max3A_201 = arith.maximumf %max3A, %get3A_9 : vector<1x1024xf32>
    %min3A = vector.broadcast %jit3A_200 : f32 to vector<1x1024xf32>
    %min3A_202 = arith.minimumf %min3A, %max3A_201 : vector<1x1024xf32>
    %scan3A = arith.constant -1.100000e+00 : f32
    %scan3A_203 = arith.constant 1.100000e+00 : f32
    %scan3A_204 = arith.constant -1.100000e+00 : f32
    %scan3A_205 = arith.constant 1.100000e+00 : f32
    %scan3A_206 = arith.constant 0 : i32
    %scan3A_207 = arith.constant 48 : i32
    %scan3A_208 = arith.addi %scan3A_206, %scan3A_207 : i32
    %scan3A_209 = arith.constant 1 : i32
    %scan3A_210:4 = scf.for %scan3A_753 = %scan3A_206 to %scan3A_208 step %scan3A_209 iter_args(%scan3A_754 = %scan3A, %scan3A_755 = %scan3A_203, %scan3A_756 = %scan3A_204, %scan3A_757 = %scan3A_205) -> (f32, f32, f32, f32)  : i32 {
      %add3A_758 = arith.addf %scan3A_754, %scan3A_755 : f32
      %mul3A_759 = arith.constant 5.000000e-01 : f32
      %mul3A_760 = arith.mulf %mul3A_759, %add3A_758 : f32
      %add3A_761 = arith.addf %scan3A_756, %scan3A_757 : f32
      %mul3A_762 = arith.constant 5.000000e-01 : f32
      %mul3A_763 = arith.mulf %mul3A_762, %add3A_761 : f32
      %le3A = vector.broadcast %mul3A_760 : f32 to vector<1x1024xf32>
      %le3A_764 = arith.cmpf ole, %min3A_202, %le3A : vector<1x1024xf32>
      %convert_element_type3A = arith.extui %le3A_764 : vector<1x1024xi1> to vector<1x1024xi32>
      %convert_element_type3A_765 = arith.sitofp %convert_element_type3A : vector<1x1024xi32> to vector<1x1024xf32>
      %reduce_sum3A_766 = vector.shape_cast %convert_element_type3A_765 : vector<1x1024xf32> to vector<1x1x1024xf32>
      %reduce_sum3A_767 = arith.constant dense<0.000000e+00> : vector<1xf32>
      %reduce_sum3A_768 = vector.multi_reduction <add>, %reduce_sum3A_766, %reduce_sum3A_767 [1, 2] : vector<1x1x1024xf32> to vector<1xf32>
      %reduce_sum3A_769 = vector.shape_cast %reduce_sum3A_768 : vector<1xf32> to vector<1x1x1xf32>
      %reduce_sum3A_770 = vector.extract %reduce_sum3A_769[0, 0, 0] : f32 from vector<1x1x1xf32>
      %le3A_771 = vector.broadcast %mul3A_763 : f32 to vector<1x1024xf32>
      %le3A_772 = arith.cmpf ole, %min3A_202, %le3A_771 : vector<1x1024xf32>
      %convert_element_type3A_773 = arith.extui %le3A_772 : vector<1x1024xi1> to vector<1x1024xi32>
      %convert_element_type3A_774 = arith.sitofp %convert_element_type3A_773 : vector<1x1024xi32> to vector<1x1024xf32>
      %reduce_sum3A_775 = vector.shape_cast %convert_element_type3A_774 : vector<1x1024xf32> to vector<1x1x1024xf32>
      %reduce_sum3A_776 = arith.constant dense<0.000000e+00> : vector<1xf32>
      %reduce_sum3A_777 = vector.multi_reduction <add>, %reduce_sum3A_775, %reduce_sum3A_776 [1, 2] : vector<1x1x1024xf32> to vector<1xf32>
      %reduce_sum3A_778 = vector.shape_cast %reduce_sum3A_777 : vector<1xf32> to vector<1x1x1xf32>
      %reduce_sum3A_779 = vector.extract %reduce_sum3A_778[0, 0, 0] : f32 from vector<1x1x1xf32>
      %ge3A_780 = arith.constant 5.120000e+02 : f32
      %ge3A_781 = arith.cmpf oge, %reduce_sum3A_770, %ge3A_780 : f32
      %ge3A_782 = arith.constant 5.130000e+02 : f32
      %ge3A_783 = arith.cmpf oge, %reduce_sum3A_779, %ge3A_782 : f32
      %select_n3A_784 = arith.select %ge3A_781, %scan3A_754, %mul3A_760 : f32
      %select_n3A_785 = arith.select %ge3A_781, %mul3A_760, %scan3A_755 : f32
      %select_n3A_786 = arith.select %ge3A_783, %scan3A_756, %mul3A_763 : f32
      %select_n3A_787 = arith.select %ge3A_783, %mul3A_763, %scan3A_757 : f32
      scf.yield %select_n3A_784, %select_n3A_785, %select_n3A_786, %select_n3A_787 : f32, f32, f32, f32
    }
    %abs3A = math.absf %scan3A_210#1 : f32
    %mul3A_211 = arith.constant -0.0012624911 : f32
    %mul3A_212 = arith.mulf %mul3A_211, %abs3A : f32
    %add3A = arith.constant 6.670090e-03 : f32
    %add3A_213 = arith.addf %mul3A_212, %add3A : f32
    %mul3A_214 = arith.mulf %add3A_213, %abs3A : f32
    %add3A_215 = arith.constant -0.0170881264 : f32
    %add3A_216 = arith.addf %mul3A_214, %add3A_215 : f32
    %mul3A_217 = arith.mulf %add3A_216, %abs3A : f32
    %add3A_218 = arith.constant 0.0308918804 : f32
    %add3A_219 = arith.addf %mul3A_217, %add3A_218 : f32
    %mul3A_220 = arith.mulf %add3A_219, %abs3A : f32
    %add3A_221 = arith.constant -0.0501743034 : f32
    %add3A_222 = arith.addf %mul3A_220, %add3A_221 : f32
    %mul3A_223 = arith.mulf %add3A_222, %abs3A : f32
    %add3A_224 = arith.constant 0.0889789909 : f32
    %add3A_225 = arith.addf %mul3A_223, %add3A_224 : f32
    %mul3A_226 = arith.mulf %add3A_225, %abs3A : f32
    %add3A_227 = arith.constant -0.214598805 : f32
    %add3A_228 = arith.addf %mul3A_226, %add3A_227 : f32
    %mul3A_229 = arith.mulf %add3A_228, %abs3A : f32
    %add3A_230 = arith.constant 1.57079625 : f32
    %add3A_231 = arith.addf %mul3A_229, %add3A_230 : f32
    %sub3A_232 = arith.constant 1.000000e+00 : f32
    %sub3A_233 = arith.subf %sub3A_232, %abs3A : f32
    %max3A_234 = arith.constant 0.000000e+00 : f32
    %max3A_235 = arith.maximumf %max3A_234, %sub3A_233 : f32
    %sqrt3A = math.sqrt %max3A_235 : f32
    %mul3A_236 = arith.mulf %sqrt3A, %add3A_231 : f32
    %ge3A = arith.constant 0.000000e+00 : f32
    %ge3A_237 = arith.cmpf oge, %scan3A_210#1, %ge3A : f32
    %sub3A_238 = arith.constant 3.14159274 : f32
    %sub3A_239 = arith.subf %sub3A_238, %mul3A_236 : f32
    %select_n3A = arith.select %ge3A_237, %mul3A_236, %sub3A_239 : f32
    %abs3A_240 = math.absf %scan3A_210#3 : f32
    %mul3A_241 = arith.constant -0.0012624911 : f32
    %mul3A_242 = arith.mulf %mul3A_241, %abs3A_240 : f32
    %add3A_243 = arith.constant 6.670090e-03 : f32
    %add3A_244 = arith.addf %mul3A_242, %add3A_243 : f32
    %mul3A_245 = arith.mulf %add3A_244, %abs3A_240 : f32
    %add3A_246 = arith.constant -0.0170881264 : f32
    %add3A_247 = arith.addf %mul3A_245, %add3A_246 : f32
    %mul3A_248 = arith.mulf %add3A_247, %abs3A_240 : f32
    %add3A_249 = arith.constant 0.0308918804 : f32
    %add3A_250 = arith.addf %mul3A_248, %add3A_249 : f32
    %mul3A_251 = arith.mulf %add3A_250, %abs3A_240 : f32
    %add3A_252 = arith.constant -0.0501743034 : f32
    %add3A_253 = arith.addf %mul3A_251, %add3A_252 : f32
    %mul3A_254 = arith.mulf %add3A_253, %abs3A_240 : f32
    %add3A_255 = arith.constant 0.0889789909 : f32
    %add3A_256 = arith.addf %mul3A_254, %add3A_255 : f32
    %mul3A_257 = arith.mulf %add3A_256, %abs3A_240 : f32
    %add3A_258 = arith.constant -0.214598805 : f32
    %add3A_259 = arith.addf %mul3A_257, %add3A_258 : f32
    %mul3A_260 = arith.mulf %add3A_259, %abs3A_240 : f32
    %add3A_261 = arith.constant 1.57079625 : f32
    %add3A_262 = arith.addf %mul3A_260, %add3A_261 : f32
    %sub3A_263 = arith.constant 1.000000e+00 : f32
    %sub3A_264 = arith.subf %sub3A_263, %abs3A_240 : f32
    %max3A_265 = arith.constant 0.000000e+00 : f32
    %max3A_266 = arith.maximumf %max3A_265, %sub3A_264 : f32
    %sqrt3A_267 = math.sqrt %max3A_266 : f32
    %mul3A_268 = arith.mulf %sqrt3A_267, %add3A_262 : f32
    %ge3A_269 = arith.constant 0.000000e+00 : f32
    %ge3A_270 = arith.cmpf oge, %scan3A_210#3, %ge3A_269 : f32
    %sub3A_271 = arith.constant 3.14159274 : f32
    %sub3A_272 = arith.subf %sub3A_271, %mul3A_268 : f32
    %select_n3A_273 = arith.select %ge3A_270, %mul3A_268, %sub3A_272 : f32
    %add3A_274 = arith.addf %select_n3A, %select_n3A_273 : f32
    %mul3A_275 = arith.constant 5.000000e-01 : f32
    %mul3A_276 = arith.mulf %mul3A_275, %add3A_274 : f32
    %mul3A_277 = arith.mulf %scan3A_210#1, %scan3A_210#3 : f32
    %mul3A_278 = arith.mulf %scan3A_210#1, %scan3A_210#1 : f32
    %sub3A_279 = arith.constant 1.000000e+00 : f32
    %sub3A_280 = arith.subf %sub3A_279, %mul3A_278 : f32
    %max3A_281 = arith.constant 0.000000e+00 : f32
    %max3A_282 = arith.maximumf %max3A_281, %sub3A_280 : f32
    %mul3A_283 = arith.mulf %scan3A_210#3, %scan3A_210#3 : f32
    %sub3A_284 = arith.constant 1.000000e+00 : f32
    %sub3A_285 = arith.subf %sub3A_284, %mul3A_283 : f32
    %max3A_286 = arith.constant 0.000000e+00 : f32
    %max3A_287 = arith.maximumf %max3A_286, %sub3A_285 : f32
    %mul3A_288 = arith.mulf %max3A_282, %max3A_287 : f32
    %sqrt3A_289 = math.sqrt %mul3A_288 : f32
    %sub3A_290 = arith.subf %mul3A_277, %sqrt3A_289 : f32
    %add3A_291 = arith.constant 1.000000e+00 : f32
    %add3A_292 = arith.addf %add3A_291, %sub3A_290 : f32
    %mul3A_293 = arith.constant 5.000000e-01 : f32
    %mul3A_294 = arith.mulf %mul3A_293, %add3A_292 : f32
    %max3A_295 = arith.constant 0.000000e+00 : f32
    %max3A_296 = arith.maximumf %max3A_295, %mul3A_294 : f32
    %sqrt3A_297 = math.sqrt %max3A_296 : f32
    %lt3A = arith.constant 0.785398185 : f32
    %lt3A_298 = arith.cmpf olt, %mul3A_276, %lt3A : f32
    %jit3A_299 = arith.constant 0.707106769 : f32
    %select_n3A_300 = arith.select %lt3A_298, %sqrt3A_297, %jit3A_299 : f32
    %log3A = math.log %div3A_199 : f32
    %div3A_301 = arith.divf %log3A, %select_n3A_300 : f32
    %scan3A_302 = arith.constant 0 : i32
    %scan3A_303 = arith.constant 15 : i32
    %scan3A_304 = arith.addi %scan3A_302, %scan3A_303 : i32
    %scan3A_305 = arith.constant 1 : i32
    scf.for %scan3A_753 = %scan3A_302 to %scan3A_304 step %scan3A_305  : i32 {
      %mul3A_754 = arith.constant 16 : i32
      %mul3A_755 = arith.muli %scan3A_753, %mul3A_754 : i32
      %add3A_756 = arith.constant 0 : i32
      %add3A_757 = arith.addi %mul3A_755, %add3A_756 : i32
      %mul3A_758 = arith.constant 400 : i32
      %mul3A_759 = arith.muli %add3A_757, %mul3A_758 : i32
      %dma_wait3A_760 = arith.constant 0 : i32
      %dma_wait3A_761 = arith.constant 0 : i32
      %dma_wait3A_762 = tpu.memref_slice %arg5[%dma_wait3A_761] : memref<16x!tpu.dma_semaphore, #tpu.memory_space<semaphore_mem>> -> memref<1x!tpu.dma_semaphore, #tpu.memory_space<semaphore_mem>>
      %dma_wait3A_763 = tpu.memref_squeeze %dma_wait3A_762 : memref<1x!tpu.dma_semaphore, #tpu.memory_space<semaphore_mem>> -> memref<!tpu.dma_semaphore, #tpu.memory_space<semaphore_mem>>
      %dma_wait3A_764 = arith.constant 0 : i32
      %dma_wait3A_765 = arith.constant 0 : i32
      %dma_wait3A_766 = tpu.memref_slice %arg4[%dma_wait3A_760, %dma_wait3A_764, %dma_wait3A_765] : memref<16x400x1024xf32, #tpu.memory_space<vmem>> -> memref<1x400x1024xf32, #tpu.memory_space<vmem>>
      %dma_wait3A_767 = tpu.memref_squeeze %dma_wait3A_766 : memref<1x400x1024xf32, #tpu.memory_space<vmem>> -> memref<400x1024xf32, #tpu.memory_space<vmem>>
      %dma_wait3A_768 = arith.constant 0 : i32
      %dma_wait3A_769 = tpu.memref_slice %arg2[%mul3A_759, %dma_wait3A_768] : memref<100000x1024xf32, #tpu.memory_space<any>> -> memref<400x1024xf32, #tpu.memory_space<any>>
      tpu.wait_dma2 semaphore(%dma_wait3A_763 : memref<!tpu.dma_semaphore, #tpu.memory_space<semaphore_mem>>) src(%dma_wait3A_769 : memref<400x1024xf32, #tpu.memory_space<any>>) dst(%dma_wait3A_767 : memref<400x1024xf32, #tpu.memory_space<vmem>>)
      %get3A_770 = arith.constant 0 : index
      %get3A_771 = arith.constant 0 : index
      %get3A_772 = arith.constant 0 : index
      %get3A_773 = vector.load %arg4[%get3A_770, %get3A_771, %get3A_772] : memref<16x400x1024xf32, #tpu.memory_space<vmem>>, vector<1x400x1024xf32>
      %get3A_774 = vector.shape_cast %get3A_773 : vector<1x400x1024xf32> to vector<400x1024xf32>
      %get3A_775 = arith.constant 0 : index
      %get3A_776 = arith.constant 0 : index
      %get3A_777 = vector.load %arg6[%get3A_775, %get3A_776] : memref<1x1024xf32, #tpu.memory_space<vmem>>, vector<1x1024xf32>
      %exp3A_778 = math.exp %get3A_774 : vector<400x1024xf32>
      %reduce_sum3A_779 = arith.constant dense<0.000000e+00> : vector<1024xf32>
      %reduce_sum3A_780 = vector.multi_reduction <add>, %exp3A_778, %reduce_sum3A_779 [0] : vector<400x1024xf32> to vector<1024xf32>
      %broadcast_in_dim3A_781 = vector.shape_cast %reduce_sum3A_780 : vector<1024xf32> to vector<1x1024xf32>
      %add3A_782 = arith.addf %get3A_777, %broadcast_in_dim3A_781 : vector<1x1024xf32>
      %swap3A_783 = arith.constant 0 : index
      %swap3A_784 = arith.constant 0 : index
      %swap3A_785 = vector.load %arg6[%swap3A_783, %swap3A_784] : memref<1x1024xf32, #tpu.memory_space<vmem>>, vector<1x1024xf32>
      tpu.vector_store %arg6[%swap3A_783, %swap3A_784], %add3A_782 {strides = array<i32>} : memref<1x1024xf32, #tpu.memory_space<vmem>>, vector<1x1024xf32>,
      %get3A_786 = arith.constant 0 : index
      %get3A_787 = arith.constant 0 : index
      %get3A_788 = vector.load %arg7[%get3A_786, %get3A_787] : memref<1x1024xf32, #tpu.memory_space<vmem>>, vector<1x1024xf32>
      %mul3A_789 = vector.broadcast %div3A_301 : f32 to vector<400x1024xf32>
      %mul3A_790 = arith.mulf %mul3A_789, %get3A_774 : vector<400x1024xf32>
      %exp3A_791 = math.exp %mul3A_790 : vector<400x1024xf32>
      %reduce_sum3A_792 = arith.constant dense<0.000000e+00> : vector<1024xf32>
      %reduce_sum3A_793 = vector.multi_reduction <add>, %exp3A_791, %reduce_sum3A_792 [0] : vector<400x1024xf32> to vector<1024xf32>
      %broadcast_in_dim3A_794 = vector.shape_cast %reduce_sum3A_793 : vector<1024xf32> to vector<1x1024xf32>
      %add3A_795 = arith.addf %get3A_788, %broadcast_in_dim3A_794 : vector<1x1024xf32>
      %swap3A_796 = arith.constant 0 : index
      %swap3A_797 = arith.constant 0 : index
      %swap3A_798 = vector.load %arg7[%swap3A_796, %swap3A_797] : memref<1x1024xf32, #tpu.memory_space<vmem>>, vector<1x1024xf32>
      tpu.vector_store %arg7[%swap3A_796, %swap3A_797], %add3A_795 {strides = array<i32>} : memref<1x1024xf32, #tpu.memory_space<vmem>>, vector<1x1024xf32>,
      %add3A_799 = arith.constant 16 : i32
      %add3A_800 = arith.addi %add3A_757, %add3A_799 : i32
      %lt3A_801 = arith.constant 250 : i32
      %lt3A_802 = arith.cmpi slt, %add3A_800, %lt3A_801 : i32
      %convert_element_type3A = arith.extui %lt3A_802 : i1 to i32
      %cond3A = arith.constant 0 : i32
      %cond3A_803 = arith.cmpi ne, %convert_element_type3A, %cond3A : i32
      scf.if %cond3A_803 {
        %add3A_1584 = arith.constant 16 : i32
        %add3A_1585 = arith.addi %add3A_757, %add3A_1584 : i32
        %mul3A_1586 = arith.constant 400 : i32
        %mul3A_1587 = arith.muli %add3A_1585, %mul3A_1586 : i32
        %dma_start3A_1588 = arith.constant 0 : i32
        %dma_start3A_1589 = arith.constant 0 : i32
        %dma_start3A_1590 = tpu.memref_slice %arg5[%dma_start3A_1589] : memref<16x!tpu.dma_semaphore, #tpu.memory_space<semaphore_mem>> -> memref<1x!tpu.dma_semaphore, #tpu.memory_space<semaphore_mem>>
        %dma_start3A_1591 = tpu.memref_squeeze %dma_start3A_1590 : memref<1x!tpu.dma_semaphore, #tpu.memory_space<semaphore_mem>> -> memref<!tpu.dma_semaphore, #tpu.memory_space<semaphore_mem>>
        %dma_start3A_1592 = arith.constant 0 : i32
        %dma_start3A_1593 = arith.constant 0 : i32
        %dma_start3A_1594 = tpu.memref_slice %arg4[%dma_start3A_1588, %dma_start3A_1592, %dma_start3A_1593] : memref<16x400x1024xf32, #tpu.memory_space<vmem>> -> memref<1x400x1024xf32, #tpu.memory_space<vmem>>
        %dma_start3A_1595 = tpu.memref_squeeze %dma_start3A_1594 : memref<1x400x1024xf32, #tpu.memory_space<vmem>> -> memref<400x1024xf32, #tpu.memory_space<vmem>>
        %dma_start3A_1596 = arith.constant 0 : i32
        %dma_start3A_1597 = tpu.memref_slice %arg2[%mul3A_1587, %dma_start3A_1596] : memref<100000x1024xf32, #tpu.memory_space<any>> -> memref<400x1024xf32, #tpu.memory_space<any>>
        tpu.enqueue_dma source(%dma_start3A_1597 : memref<400x1024xf32, #tpu.memory_space<any>>) target(%dma_start3A_1595 : memref<400x1024xf32, #tpu.memory_space<vmem>>) target_semaphore(%dma_start3A_1591 : memref<!tpu.dma_semaphore, #tpu.memory_space<semaphore_mem>>)
      } else {
      }
      %mul3A_804 = arith.constant 16 : i32
      %mul3A_805 = arith.muli %scan3A_753, %mul3A_804 : i32
      %add3A_806 = arith.constant 1 : i32
      %add3A_807 = arith.addi %mul3A_805, %add3A_806 : i32
      %mul3A_808 = arith.constant 400 : i32
      %mul3A_809 = arith.muli %add3A_807, %mul3A_808 : i32
      %dma_wait3A_810 = arith.constant 1 : i32
      %dma_wait3A_811 = arith.constant 1 : i32
      %dma_wait3A_812 = tpu.memref_slice %arg5[%dma_wait3A_811] : memref<16x!tpu.dma_semaphore, #tpu.memory_space<semaphore_mem>> -> memref<1x!tpu.dma_semaphore, #tpu.memory_space<semaphore_mem>>
      %dma_wait3A_813 = tpu.memref_squeeze %dma_wait3A_812 : memref<1x!tpu.dma_semaphore, #tpu.memory_space<semaphore_mem>> -> memref<!tpu.dma_semaphore, #tpu.memory_space<semaphore_mem>>
      %dma_wait3A_814 = arith.constant 0 : i32
      %dma_wait3A_815 = arith.constant 0 : i32
      %dma_wait3A_816 = tpu.memref_slice %arg4[%dma_wait3A_810, %dma_wait3A_814, %dma_wait3A_815] : memref<16x400x1024xf32, #tpu.memory_space<vmem>> -> memref<1x400x1024xf32, #tpu.memory_space<vmem>>
      %dma_wait3A_817 = tpu.memref_squeeze %dma_wait3A_816 : memref<1x400x1024xf32, #tpu.memory_space<vmem>> -> memref<400x1024xf32, #tpu.memory_space<vmem>>
      %dma_wait3A_818 = arith.constant 0 : i32
      %dma_wait3A_819 = tpu.memref_slice %arg2[%mul3A_809, %dma_wait3A_818] : memref<100000x1024xf32, #tpu.memory_space<any>> -> memref<400x1024xf32, #tpu.memory_space<any>>
      tpu.wait_dma2 semaphore(%dma_wait3A_813 : memref<!tpu.dma_semaphore, #tpu.memory_space<semaphore_mem>>) src(%dma_wait3A_819 : memref<400x1024xf32, #tpu.memory_space<any>>) dst(%dma_wait3A_817 : memref<400x1024xf32, #tpu.memory_space<vmem>>)
      %get3A_820 = arith.constant 1 : index
      %get3A_821 = arith.constant 0 : index
      %get3A_822 = arith.constant 0 : index
      %get3A_823 = vector.load %arg4[%get3A_820, %get3A_821, %get3A_822] : memref<16x400x1024xf32, #tpu.memory_space<vmem>>, vector<1x400x1024xf32>
      %get3A_824 = vector.shape_cast %get3A_823 : vector<1x400x1024xf32> to vector<400x1024xf32>
      %get3A_825 = arith.constant 0 : index
      %get3A_826 = arith.constant 0 : index
      %get3A_827 = vector.load %arg6[%get3A_825, %get3A_826] : memref<1x1024xf32, #tpu.memory_space<vmem>>, vector<1x1024xf32>
      %exp3A_828 = math.exp %get3A_824 : vector<400x1024xf32>
      %reduce_sum3A_829 = arith.constant dense<0.000000e+00> : vector<1024xf32>
      %reduce_sum3A_830 = vector.multi_reduction <add>, %exp3A_828, %reduce_sum3A_829 [0] : vector<400x1024xf32> to vector<1024xf32>
      %broadcast_in_dim3A_831 = vector.shape_cast %reduce_sum3A_830 : vector<1024xf32> to vector<1x1024xf32>
      %add3A_832 = arith.addf %get3A_827, %broadcast_in_dim3A_831 : vector<1x1024xf32>
      %swap3A_833 = arith.constant 0 : index
      %swap3A_834 = arith.constant 0 : index
      %swap3A_835 = vector.load %arg6[%swap3A_833, %swap3A_834] : memref<1x1024xf32, #tpu.memory_space<vmem>>, vector<1x1024xf32>
      tpu.vector_store %arg6[%swap3A_833, %swap3A_834], %add3A_832 {strides = array<i32>} : memref<1x1024xf32, #tpu.memory_space<vmem>>, vector<1x1024xf32>,
      %get3A_836 = arith.constant 0 : index
      %get3A_837 = arith.constant 0 : index
      %get3A_838 = vector.load %arg7[%get3A_836, %get3A_837] : memref<1x1024xf32, #tpu.memory_space<vmem>>, vector<1x1024xf32>
      %mul3A_839 = vector.broadcast %div3A_301 : f32 to vector<400x1024xf32>
      %mul3A_840 = arith.mulf %mul3A_839, %get3A_824 : vector<400x1024xf32>
      %exp3A_841 = math.exp %mul3A_840 : vector<400x1024xf32>
      %reduce_sum3A_842 = arith.constant dense<0.000000e+00> : vector<1024xf32>
      %reduce_sum3A_843 = vector.multi_reduction <add>, %exp3A_841, %reduce_sum3A_842 [0] : vector<400x1024xf32> to vector<1024xf32>
      %broadcast_in_dim3A_844 = vector.shape_cast %reduce_sum3A_843 : vector<1024xf32> to vector<1x1024xf32>
      %add3A_845 = arith.addf %get3A_838, %broadcast_in_dim3A_844 : vector<1x1024xf32>
      %swap3A_846 = arith.constant 0 : index
      %swap3A_847 = arith.constant 0 : index
      %swap3A_848 = vector.load %arg7[%swap3A_846, %swap3A_847] : memref<1x1024xf32, #tpu.memory_space<vmem>>, vector<1x1024xf32>
      tpu.vector_store %arg7[%swap3A_846, %swap3A_847], %add3A_845 {strides = array<i32>} : memref<1x1024xf32, #tpu.memory_space<vmem>>, vector<1x1024xf32>,
      %add3A_849 = arith.constant 16 : i32
      %add3A_850 = arith.addi %add3A_807, %add3A_849 : i32
      %lt3A_851 = arith.constant 250 : i32
      %lt3A_852 = arith.cmpi slt, %add3A_850, %lt3A_851 : i32
      %convert_element_type3A_853 = arith.extui %lt3A_852 : i1 to i32
      %cond3A_854 = arith.constant 0 : i32
      %cond3A_855 = arith.cmpi ne, %convert_element_type3A_853, %cond3A_854 : i32
      scf.if %cond3A_855 {
        %add3A_1584 = arith.constant 16 : i32
        %add3A_1585 = arith.addi %add3A_807, %add3A_1584 : i32
        %mul3A_1586 = arith.constant 400 : i32
        %mul3A_1587 = arith.muli %add3A_1585, %mul3A_1586 : i32
        %dma_start3A_1588 = arith.constant 1 : i32
        %dma_start3A_1589 = arith.constant 1 : i32
        %dma_start3A_1590 = tpu.memref_slice %arg5[%dma_start3A_1589] : memref<16x!tpu.dma_semaphore, #tpu.memory_space<semaphore_mem>> -> memref<1x!tpu.dma_semaphore, #tpu.memory_space<semaphore_mem>>
        %dma_start3A_1591 = tpu.memref_squeeze %dma_start3A_1590 : memref<1x!tpu.dma_semaphore, #tpu.memory_space<semaphore_mem>> -> memref<!tpu.dma_semaphore, #tpu.memory_space<semaphore_mem>>
        %dma_start3A_1592 = arith.constant 0 : i32
        %dma_start3A_1593 = arith.constant 0 : i32
        %dma_start3A_1594 = tpu.memref_slice %arg4[%dma_start3A_1588, %dma_start3A_1592, %dma_start3A_1593] : memref<16x400x1024xf32, #tpu.memory_space<vmem>> -> memref<1x400x1024xf32, #tpu.memory_space<vmem>>
        %dma_start3A_1595 = tpu.memref_squeeze %dma_start3A_1594 : memref<1x400x1024xf32, #tpu.memory_space<vmem>> -> memref<400x1024xf32, #tpu.memory_space<vmem>>
        %dma_start3A_1596 = arith.constant 0 : i32
        %dma_start3A_1597 = tpu.memref_slice %arg2[%mul3A_1587, %dma_start3A_1596] : memref<100000x1024xf32, #tpu.memory_space<any>> -> memref<400x1024xf32, #tpu.memory_space<any>>
        tpu.enqueue_dma source(%dma_start3A_1597 : memref<400x1024xf32, #tpu.memory_space<any>>) target(%dma_start3A_1595 : memref<400x1024xf32, #tpu.memory_space<vmem>>) target_semaphore(%dma_start3A_1591 : memref<!tpu.dma_semaphore, #tpu.memory_space<semaphore_mem>>)
      } else {
      }
      %mul3A_856 = arith.constant 16 : i32
      %mul3A_857 = arith.muli %scan3A_753, %mul3A_856 : i32
      %add3A_858 = arith.constant 2 : i32
      %add3A_859 = arith.addi %mul3A_857, %add3A_858 : i32
      %mul3A_860 = arith.constant 400 : i32
      %mul3A_861 = arith.muli %add3A_859, %mul3A_860 : i32
      %dma_wait3A_862 = arith.constant 2 : i32
      %dma_wait3A_863 = arith.constant 2 : i32
      %dma_wait3A_864 = tpu.memref_slice %arg5[%dma_wait3A_863] : memref<16x!tpu.dma_semaphore, #tpu.memory_space<semaphore_mem>> -> memref<1x!tpu.dma_semaphore, #tpu.memory_space<semaphore_mem>>
      %dma_wait3A_865 = tpu.memref_squeeze %dma_wait3A_864 : memref<1x!tpu.dma_semaphore, #tpu.memory_space<semaphore_mem>> -> memref<!tpu.dma_semaphore, #tpu.memory_space<semaphore_mem>>
      %dma_wait3A_866 = arith.constant 0 : i32
      %dma_wait3A_867 = arith.constant 0 : i32
      %dma_wait3A_868 = tpu.memref_slice %arg4[%dma_wait3A_862, %dma_wait3A_866, %dma_wait3A_867] : memref<16x400x1024xf32, #tpu.memory_space<vmem>> -> memref<1x400x1024xf32, #tpu.memory_space<vmem>>
      %dma_wait3A_869 = tpu.memref_squeeze %dma_wait3A_868 : memref<1x400x1024xf32, #tpu.memory_space<vmem>> -> memref<400x1024xf32, #tpu.memory_space<vmem>>
      %dma_wait3A_870 = arith.constant 0 : i32
      %dma_wait3A_871 = tpu.memref_slice %arg2[%mul3A_861, %dma_wait3A_870] : memref<100000x1024xf32, #tpu.memory_space<any>> -> memref<400x1024xf32, #tpu.memory_space<any>>
      tpu.wait_dma2 semaphore(%dma_wait3A_865 : memref<!tpu.dma_semaphore, #tpu.memory_space<semaphore_mem>>) src(%dma_wait3A_871 : memref<400x1024xf32, #tpu.memory_space<any>>) dst(%dma_wait3A_869 : memref<400x1024xf32, #tpu.memory_space<vmem>>)
      %get3A_872 = arith.constant 2 : index
      %get3A_873 = arith.constant 0 : index
      %get3A_874 = arith.constant 0 : index
      %get3A_875 = vector.load %arg4[%get3A_872, %get3A_873, %get3A_874] : memref<16x400x1024xf32, #tpu.memory_space<vmem>>, vector<1x400x1024xf32>
      %get3A_876 = vector.shape_cast %get3A_875 : vector<1x400x1024xf32> to vector<400x1024xf32>
      %get3A_877 = arith.constant 0 : index
      %get3A_878 = arith.constant 0 : index
      %get3A_879 = vector.load %arg6[%get3A_877, %get3A_878] : memref<1x1024xf32, #tpu.memory_space<vmem>>, vector<1x1024xf32>
      %exp3A_880 = math.exp %get3A_876 : vector<400x1024xf32>
      %reduce_sum3A_881 = arith.constant dense<0.000000e+00> : vector<1024xf32>
      %reduce_sum3A_882 = vector.multi_reduction <add>, %exp3A_880, %reduce_sum3A_881 [0] : vector<400x1024xf32> to vector<1024xf32>
      %broadcast_in_dim3A_883 = vector.shape_cast %reduce_sum3A_882 : vector<1024xf32> to vector<1x1024xf32>
      %add3A_884 = arith.addf %get3A_879, %broadcast_in_dim3A_883 : vector<1x1024xf32>
      %swap3A_885 = arith.constant 0 : index
      %swap3A_886 = arith.constant 0 : index
      %swap3A_887 = vector.load %arg6[%swap3A_885, %swap3A_886] : memref<1x1024xf32, #tpu.memory_space<vmem>>, vector<1x1024xf32>
      tpu.vector_store %arg6[%swap3A_885, %swap3A_886], %add3A_884 {strides = array<i32>} : memref<1x1024xf32, #tpu.memory_space<vmem>>, vector<1x1024xf32>,
      %get3A_888 = arith.constant 0 : index
      %get3A_889 = arith.constant 0 : index
      %get3A_890 = vector.load %arg7[%get3A_888, %get3A_889] : memref<1x1024xf32, #tpu.memory_space<vmem>>, vector<1x1024xf32>
      %mul3A_891 = vector.broadcast %div3A_301 : f32 to vector<400x1024xf32>
      %mul3A_892 = arith.mulf %mul3A_891, %get3A_876 : vector<400x1024xf32>
      %exp3A_893 = math.exp %mul3A_892 : vector<400x1024xf32>
      %reduce_sum3A_894 = arith.constant dense<0.000000e+00> : vector<1024xf32>
      %reduce_sum3A_895 = vector.multi_reduction <add>, %exp3A_893, %reduce_sum3A_894 [0] : vector<400x1024xf32> to vector<1024xf32>
      %broadcast_in_dim3A_896 = vector.shape_cast %reduce_sum3A_895 : vector<1024xf32> to vector<1x1024xf32>
      %add3A_897 = arith.addf %get3A_890, %broadcast_in_dim3A_896 : vector<1x1024xf32>
      %swap3A_898 = arith.constant 0 : index
      %swap3A_899 = arith.constant 0 : index
      %swap3A_900 = vector.load %arg7[%swap3A_898, %swap3A_899] : memref<1x1024xf32, #tpu.memory_space<vmem>>, vector<1x1024xf32>
      tpu.vector_store %arg7[%swap3A_898, %swap3A_899], %add3A_897 {strides = array<i32>} : memref<1x1024xf32, #tpu.memory_space<vmem>>, vector<1x1024xf32>,
      %add3A_901 = arith.constant 16 : i32
      %add3A_902 = arith.addi %add3A_859, %add3A_901 : i32
      %lt3A_903 = arith.constant 250 : i32
      %lt3A_904 = arith.cmpi slt, %add3A_902, %lt3A_903 : i32
      %convert_element_type3A_905 = arith.extui %lt3A_904 : i1 to i32
      %cond3A_906 = arith.constant 0 : i32
      %cond3A_907 = arith.cmpi ne, %convert_element_type3A_905, %cond3A_906 : i32
      scf.if %cond3A_907 {
        %add3A_1584 = arith.constant 16 : i32
        %add3A_1585 = arith.addi %add3A_859, %add3A_1584 : i32
        %mul3A_1586 = arith.constant 400 : i32
        %mul3A_1587 = arith.muli %add3A_1585, %mul3A_1586 : i32
        %dma_start3A_1588 = arith.constant 2 : i32
        %dma_start3A_1589 = arith.constant 2 : i32
        %dma_start3A_1590 = tpu.memref_slice %arg5[%dma_start3A_1589] : memref<16x!tpu.dma_semaphore, #tpu.memory_space<semaphore_mem>> -> memref<1x!tpu.dma_semaphore, #tpu.memory_space<semaphore_mem>>
        %dma_start3A_1591 = tpu.memref_squeeze %dma_start3A_1590 : memref<1x!tpu.dma_semaphore, #tpu.memory_space<semaphore_mem>> -> memref<!tpu.dma_semaphore, #tpu.memory_space<semaphore_mem>>
        %dma_start3A_1592 = arith.constant 0 : i32
        %dma_start3A_1593 = arith.constant 0 : i32
        %dma_start3A_1594 = tpu.memref_slice %arg4[%dma_start3A_1588, %dma_start3A_1592, %dma_start3A_1593] : memref<16x400x1024xf32, #tpu.memory_space<vmem>> -> memref<1x400x1024xf32, #tpu.memory_space<vmem>>
        %dma_start3A_1595 = tpu.memref_squeeze %dma_start3A_1594 : memref<1x400x1024xf32, #tpu.memory_space<vmem>> -> memref<400x1024xf32, #tpu.memory_space<vmem>>
        %dma_start3A_1596 = arith.constant 0 : i32
        %dma_start3A_1597 = tpu.memref_slice %arg2[%mul3A_1587, %dma_start3A_1596] : memref<100000x1024xf32, #tpu.memory_space<any>> -> memref<400x1024xf32, #tpu.memory_space<any>>
        tpu.enqueue_dma source(%dma_start3A_1597 : memref<400x1024xf32, #tpu.memory_space<any>>) target(%dma_start3A_1595 : memref<400x1024xf32, #tpu.memory_space<vmem>>) target_semaphore(%dma_start3A_1591 : memref<!tpu.dma_semaphore, #tpu.memory_space<semaphore_mem>>)
      } else {
      }
      %mul3A_908 = arith.constant 16 : i32
      %mul3A_909 = arith.muli %scan3A_753, %mul3A_908 : i32
      %add3A_910 = arith.constant 3 : i32
      %add3A_911 = arith.addi %mul3A_909, %add3A_910 : i32
      %mul3A_912 = arith.constant 400 : i32
      %mul3A_913 = arith.muli %add3A_911, %mul3A_912 : i32
      %dma_wait3A_914 = arith.constant 3 : i32
      %dma_wait3A_915 = arith.constant 3 : i32
      %dma_wait3A_916 = tpu.memref_slice %arg5[%dma_wait3A_915] : memref<16x!tpu.dma_semaphore, #tpu.memory_space<semaphore_mem>> -> memref<1x!tpu.dma_semaphore, #tpu.memory_space<semaphore_mem>>
      %dma_wait3A_917 = tpu.memref_squeeze %dma_wait3A_916 : memref<1x!tpu.dma_semaphore, #tpu.memory_space<semaphore_mem>> -> memref<!tpu.dma_semaphore, #tpu.memory_space<semaphore_mem>>
      %dma_wait3A_918 = arith.constant 0 : i32
      %dma_wait3A_919 = arith.constant 0 : i32
      %dma_wait3A_920 = tpu.memref_slice %arg4[%dma_wait3A_914, %dma_wait3A_918, %dma_wait3A_919] : memref<16x400x1024xf32, #tpu.memory_space<vmem>> -> memref<1x400x1024xf32, #tpu.memory_space<vmem>>
      %dma_wait3A_921 = tpu.memref_squeeze %dma_wait3A_920 : memref<1x400x1024xf32, #tpu.memory_space<vmem>> -> memref<400x1024xf32, #tpu.memory_space<vmem>>
      %dma_wait3A_922 = arith.constant 0 : i32
      %dma_wait3A_923 = tpu.memref_slice %arg2[%mul3A_913, %dma_wait3A_922] : memref<100000x1024xf32, #tpu.memory_space<any>> -> memref<400x1024xf32, #tpu.memory_space<any>>
      tpu.wait_dma2 semaphore(%dma_wait3A_917 : memref<!tpu.dma_semaphore, #tpu.memory_space<semaphore_mem>>) src(%dma_wait3A_923 : memref<400x1024xf32, #tpu.memory_space<any>>) dst(%dma_wait3A_921 : memref<400x1024xf32, #tpu.memory_space<vmem>>)
      %get3A_924 = arith.constant 3 : index
      %get3A_925 = arith.constant 0 : index
      %get3A_926 = arith.constant 0 : index
      %get3A_927 = vector.load %arg4[%get3A_924, %get3A_925, %get3A_926] : memref<16x400x1024xf32, #tpu.memory_space<vmem>>, vector<1x400x1024xf32>
      %get3A_928 = vector.shape_cast %get3A_927 : vector<1x400x1024xf32> to vector<400x1024xf32>
      %get3A_929 = arith.constant 0 : index
      %get3A_930 = arith.constant 0 : index
      %get3A_931 = vector.load %arg6[%get3A_929, %get3A_930] : memref<1x1024xf32, #tpu.memory_space<vmem>>, vector<1x1024xf32>
      %exp3A_932 = math.exp %get3A_928 : vector<400x1024xf32>
      %reduce_sum3A_933 = arith.constant dense<0.000000e+00> : vector<1024xf32>
      %reduce_sum3A_934 = vector.multi_reduction <add>, %exp3A_932, %reduce_sum3A_933 [0] : vector<400x1024xf32> to vector<1024xf32>
      %broadcast_in_dim3A_935 = vector.shape_cast %reduce_sum3A_934 : vector<1024xf32> to vector<1x1024xf32>
      %add3A_936 = arith.addf %get3A_931, %broadcast_in_dim3A_935 : vector<1x1024xf32>
      %swap3A_937 = arith.constant 0 : index
      %swap3A_938 = arith.constant 0 : index
      %swap3A_939 = vector.load %arg6[%swap3A_937, %swap3A_938] : memref<1x1024xf32, #tpu.memory_space<vmem>>, vector<1x1024xf32>
      tpu.vector_store %arg6[%swap3A_937, %swap3A_938], %add3A_936 {strides = array<i32>} : memref<1x1024xf32, #tpu.memory_space<vmem>>, vector<1x1024xf32>,
      %get3A_940 = arith.constant 0 : index
      %get3A_941 = arith.constant 0 : index
      %get3A_942 = vector.load %arg7[%get3A_940, %get3A_941] : memref<1x1024xf32, #tpu.memory_space<vmem>>, vector<1x1024xf32>
      %mul3A_943 = vector.broadcast %div3A_301 : f32 to vector<400x1024xf32>
      %mul3A_944 = arith.mulf %mul3A_943, %get3A_928 : vector<400x1024xf32>
      %exp3A_945 = math.exp %mul3A_944 : vector<400x1024xf32>
      %reduce_sum3A_946 = arith.constant dense<0.000000e+00> : vector<1024xf32>
      %reduce_sum3A_947 = vector.multi_reduction <add>, %exp3A_945, %reduce_sum3A_946 [0] : vector<400x1024xf32> to vector<1024xf32>
      %broadcast_in_dim3A_948 = vector.shape_cast %reduce_sum3A_947 : vector<1024xf32> to vector<1x1024xf32>
      %add3A_949 = arith.addf %get3A_942, %broadcast_in_dim3A_948 : vector<1x1024xf32>
      %swap3A_950 = arith.constant 0 : index
      %swap3A_951 = arith.constant 0 : index
      %swap3A_952 = vector.load %arg7[%swap3A_950, %swap3A_951] : memref<1x1024xf32, #tpu.memory_space<vmem>>, vector<1x1024xf32>
      tpu.vector_store %arg7[%swap3A_950, %swap3A_951], %add3A_949 {strides = array<i32>} : memref<1x1024xf32, #tpu.memory_space<vmem>>, vector<1x1024xf32>,
      %add3A_953 = arith.constant 16 : i32
      %add3A_954 = arith.addi %add3A_911, %add3A_953 : i32
      %lt3A_955 = arith.constant 250 : i32
      %lt3A_956 = arith.cmpi slt, %add3A_954, %lt3A_955 : i32
      %convert_element_type3A_957 = arith.extui %lt3A_956 : i1 to i32
      %cond3A_958 = arith.constant 0 : i32
      %cond3A_959 = arith.cmpi ne, %convert_element_type3A_957, %cond3A_958 : i32
      scf.if %cond3A_959 {
        %add3A_1584 = arith.constant 16 : i32
        %add3A_1585 = arith.addi %add3A_911, %add3A_1584 : i32
        %mul3A_1586 = arith.constant 400 : i32
        %mul3A_1587 = arith.muli %add3A_1585, %mul3A_1586 : i32
        %dma_start3A_1588 = arith.constant 3 : i32
        %dma_start3A_1589 = arith.constant 3 : i32
        %dma_start3A_1590 = tpu.memref_slice %arg5[%dma_start3A_1589] : memref<16x!tpu.dma_semaphore, #tpu.memory_space<semaphore_mem>> -> memref<1x!tpu.dma_semaphore, #tpu.memory_space<semaphore_mem>>
        %dma_start3A_1591 = tpu.memref_squeeze %dma_start3A_1590 : memref<1x!tpu.dma_semaphore, #tpu.memory_space<semaphore_mem>> -> memref<!tpu.dma_semaphore, #tpu.memory_space<semaphore_mem>>
        %dma_start3A_1592 = arith.constant 0 : i32
        %dma_start3A_1593 = arith.constant 0 : i32
        %dma_start3A_1594 = tpu.memref_slice %arg4[%dma_start3A_1588, %dma_start3A_1592, %dma_start3A_1593] : memref<16x400x1024xf32, #tpu.memory_space<vmem>> -> memref<1x400x1024xf32, #tpu.memory_space<vmem>>
        %dma_start3A_1595 = tpu.memref_squeeze %dma_start3A_1594 : memref<1x400x1024xf32, #tpu.memory_space<vmem>> -> memref<400x1024xf32, #tpu.memory_space<vmem>>
        %dma_start3A_1596 = arith.constant 0 : i32
        %dma_start3A_1597 = tpu.memref_slice %arg2[%mul3A_1587, %dma_start3A_1596] : memref<100000x1024xf32, #tpu.memory_space<any>> -> memref<400x1024xf32, #tpu.memory_space<any>>
        tpu.enqueue_dma source(%dma_start3A_1597 : memref<400x1024xf32, #tpu.memory_space<any>>) target(%dma_start3A_1595 : memref<400x1024xf32, #tpu.memory_space<vmem>>) target_semaphore(%dma_start3A_1591 : memref<!tpu.dma_semaphore, #tpu.memory_space<semaphore_mem>>)
      } else {
      }
      %mul3A_960 = arith.constant 16 : i32
      %mul3A_961 = arith.muli %scan3A_753, %mul3A_960 : i32
      %add3A_962 = arith.constant 4 : i32
      %add3A_963 = arith.addi %mul3A_961, %add3A_962 : i32
      %mul3A_964 = arith.constant 400 : i32
      %mul3A_965 = arith.muli %add3A_963, %mul3A_964 : i32
      %dma_wait3A_966 = arith.constant 4 : i32
      %dma_wait3A_967 = arith.constant 4 : i32
      %dma_wait3A_968 = tpu.memref_slice %arg5[%dma_wait3A_967] : memref<16x!tpu.dma_semaphore, #tpu.memory_space<semaphore_mem>> -> memref<1x!tpu.dma_semaphore, #tpu.memory_space<semaphore_mem>>
      %dma_wait3A_969 = tpu.memref_squeeze %dma_wait3A_968 : memref<1x!tpu.dma_semaphore, #tpu.memory_space<semaphore_mem>> -> memref<!tpu.dma_semaphore, #tpu.memory_space<semaphore_mem>>
      %dma_wait3A_970 = arith.constant 0 : i32
      %dma_wait3A_971 = arith.constant 0 : i32
      %dma_wait3A_972 = tpu.memref_slice %arg4[%dma_wait3A_966, %dma_wait3A_970, %dma_wait3A_971] : memref<16x400x1024xf32, #tpu.memory_space<vmem>> -> memref<1x400x1024xf32, #tpu.memory_space<vmem>>
      %dma_wait3A_973 = tpu.memref_squeeze %dma_wait3A_972 : memref<1x400x1024xf32, #tpu.memory_space<vmem>> -> memref<400x1024xf32, #tpu.memory_space<vmem>>
      %dma_wait3A_974 = arith.constant 0 : i32
      %dma_wait3A_975 = tpu.memref_slice %arg2[%mul3A_965, %dma_wait3A_974] : memref<100000x1024xf32, #tpu.memory_space<any>> -> memref<400x1024xf32, #tpu.memory_space<any>>
      tpu.wait_dma2 semaphore(%dma_wait3A_969 : memref<!tpu.dma_semaphore, #tpu.memory_space<semaphore_mem>>) src(%dma_wait3A_975 : memref<400x1024xf32, #tpu.memory_space<any>>) dst(%dma_wait3A_973 : memref<400x1024xf32, #tpu.memory_space<vmem>>)
      %get3A_976 = arith.constant 4 : index
      %get3A_977 = arith.constant 0 : index
      %get3A_978 = arith.constant 0 : index
      %get3A_979 = vector.load %arg4[%get3A_976, %get3A_977, %get3A_978] : memref<16x400x1024xf32, #tpu.memory_space<vmem>>, vector<1x400x1024xf32>
      %get3A_980 = vector.shape_cast %get3A_979 : vector<1x400x1024xf32> to vector<400x1024xf32>
      %get3A_981 = arith.constant 0 : index
      %get3A_982 = arith.constant 0 : index
      %get3A_983 = vector.load %arg6[%get3A_981, %get3A_982] : memref<1x1024xf32, #tpu.memory_space<vmem>>, vector<1x1024xf32>
      %exp3A_984 = math.exp %get3A_980 : vector<400x1024xf32>
      %reduce_sum3A_985 = arith.constant dense<0.000000e+00> : vector<1024xf32>
      %reduce_sum3A_986 = vector.multi_reduction <add>, %exp3A_984, %reduce_sum3A_985 [0] : vector<400x1024xf32> to vector<1024xf32>
      %broadcast_in_dim3A_987 = vector.shape_cast %reduce_sum3A_986 : vector<1024xf32> to vector<1x1024xf32>
      %add3A_988 = arith.addf %get3A_983, %broadcast_in_dim3A_987 : vector<1x1024xf32>
      %swap3A_989 = arith.constant 0 : index
      %swap3A_990 = arith.constant 0 : index
      %swap3A_991 = vector.load %arg6[%swap3A_989, %swap3A_990] : memref<1x1024xf32, #tpu.memory_space<vmem>>, vector<1x1024xf32>
      tpu.vector_store %arg6[%swap3A_989, %swap3A_990], %add3A_988 {strides = array<i32>} : memref<1x1024xf32, #tpu.memory_space<vmem>>, vector<1x1024xf32>,
      %get3A_992 = arith.constant 0 : index
      %get3A_993 = arith.constant 0 : index
      %get3A_994 = vector.load %arg7[%get3A_992, %get3A_993] : memref<1x1024xf32, #tpu.memory_space<vmem>>, vector<1x1024xf32>
      %mul3A_995 = vector.broadcast %div3A_301 : f32 to vector<400x1024xf32>
      %mul3A_996 = arith.mulf %mul3A_995, %get3A_980 : vector<400x1024xf32>
      %exp3A_997 = math.exp %mul3A_996 : vector<400x1024xf32>
      %reduce_sum3A_998 = arith.constant dense<0.000000e+00> : vector<1024xf32>
      %reduce_sum3A_999 = vector.multi_reduction <add>, %exp3A_997, %reduce_sum3A_998 [0] : vector<400x1024xf32> to vector<1024xf32>
      %broadcast_in_dim3A_1000 = vector.shape_cast %reduce_sum3A_999 : vector<1024xf32> to vector<1x1024xf32>
      %add3A_1001 = arith.addf %get3A_994, %broadcast_in_dim3A_1000 : vector<1x1024xf32>
      %swap3A_1002 = arith.constant 0 : index
      %swap3A_1003 = arith.constant 0 : index
      %swap3A_1004 = vector.load %arg7[%swap3A_1002, %swap3A_1003] : memref<1x1024xf32, #tpu.memory_space<vmem>>, vector<1x1024xf32>
      tpu.vector_store %arg7[%swap3A_1002, %swap3A_1003], %add3A_1001 {strides = array<i32>} : memref<1x1024xf32, #tpu.memory_space<vmem>>, vector<1x1024xf32>,
      %add3A_1005 = arith.constant 16 : i32
      %add3A_1006 = arith.addi %add3A_963, %add3A_1005 : i32
      %lt3A_1007 = arith.constant 250 : i32
      %lt3A_1008 = arith.cmpi slt, %add3A_1006, %lt3A_1007 : i32
      %convert_element_type3A_1009 = arith.extui %lt3A_1008 : i1 to i32
      %cond3A_1010 = arith.constant 0 : i32
      %cond3A_1011 = arith.cmpi ne, %convert_element_type3A_1009, %cond3A_1010 : i32
      scf.if %cond3A_1011 {
        %add3A_1584 = arith.constant 16 : i32
        %add3A_1585 = arith.addi %add3A_963, %add3A_1584 : i32
        %mul3A_1586 = arith.constant 400 : i32
        %mul3A_1587 = arith.muli %add3A_1585, %mul3A_1586 : i32
        %dma_start3A_1588 = arith.constant 4 : i32
        %dma_start3A_1589 = arith.constant 4 : i32
        %dma_start3A_1590 = tpu.memref_slice %arg5[%dma_start3A_1589] : memref<16x!tpu.dma_semaphore, #tpu.memory_space<semaphore_mem>> -> memref<1x!tpu.dma_semaphore, #tpu.memory_space<semaphore_mem>>
        %dma_start3A_1591 = tpu.memref_squeeze %dma_start3A_1590 : memref<1x!tpu.dma_semaphore, #tpu.memory_space<semaphore_mem>> -> memref<!tpu.dma_semaphore, #tpu.memory_space<semaphore_mem>>
        %dma_start3A_1592 = arith.constant 0 : i32
        %dma_start3A_1593 = arith.constant 0 : i32
        %dma_start3A_1594 = tpu.memref_slice %arg4[%dma_start3A_1588, %dma_start3A_1592, %dma_start3A_1593] : memref<16x400x1024xf32, #tpu.memory_space<vmem>> -> memref<1x400x1024xf32, #tpu.memory_space<vmem>>
        %dma_start3A_1595 = tpu.memref_squeeze %dma_start3A_1594 : memref<1x400x1024xf32, #tpu.memory_space<vmem>> -> memref<400x1024xf32, #tpu.memory_space<vmem>>
        %dma_start3A_1596 = arith.constant 0 : i32
        %dma_start3A_1597 = tpu.memref_slice %arg2[%mul3A_1587, %dma_start3A_1596] : memref<100000x1024xf32, #tpu.memory_space<any>> -> memref<400x1024xf32, #tpu.memory_space<any>>
        tpu.enqueue_dma source(%dma_start3A_1597 : memref<400x1024xf32, #tpu.memory_space<any>>) target(%dma_start3A_1595 : memref<400x1024xf32, #tpu.memory_space<vmem>>) target_semaphore(%dma_start3A_1591 : memref<!tpu.dma_semaphore, #tpu.memory_space<semaphore_mem>>)
      } else {
      }
      %mul3A_1012 = arith.constant 16 : i32
      %mul3A_1013 = arith.muli %scan3A_753, %mul3A_1012 : i32
      %add3A_1014 = arith.constant 5 : i32
      %add3A_1015 = arith.addi %mul3A_1013, %add3A_1014 : i32
      %mul3A_1016 = arith.constant 400 : i32
      %mul3A_1017 = arith.muli %add3A_1015, %mul3A_1016 : i32
      %dma_wait3A_1018 = arith.constant 5 : i32
      %dma_wait3A_1019 = arith.constant 5 : i32
      %dma_wait3A_1020 = tpu.memref_slice %arg5[%dma_wait3A_1019] : memref<16x!tpu.dma_semaphore, #tpu.memory_space<semaphore_mem>> -> memref<1x!tpu.dma_semaphore, #tpu.memory_space<semaphore_mem>>
      %dma_wait3A_1021 = tpu.memref_squeeze %dma_wait3A_1020 : memref<1x!tpu.dma_semaphore, #tpu.memory_space<semaphore_mem>> -> memref<!tpu.dma_semaphore, #tpu.memory_space<semaphore_mem>>
      %dma_wait3A_1022 = arith.constant 0 : i32
      %dma_wait3A_1023 = arith.constant 0 : i32
      %dma_wait3A_1024 = tpu.memref_slice %arg4[%dma_wait3A_1018, %dma_wait3A_1022, %dma_wait3A_1023] : memref<16x400x1024xf32, #tpu.memory_space<vmem>> -> memref<1x400x1024xf32, #tpu.memory_space<vmem>>
      %dma_wait3A_1025 = tpu.memref_squeeze %dma_wait3A_1024 : memref<1x400x1024xf32, #tpu.memory_space<vmem>> -> memref<400x1024xf32, #tpu.memory_space<vmem>>
      %dma_wait3A_1026 = arith.constant 0 : i32
      %dma_wait3A_1027 = tpu.memref_slice %arg2[%mul3A_1017, %dma_wait3A_1026] : memref<100000x1024xf32, #tpu.memory_space<any>> -> memref<400x1024xf32, #tpu.memory_space<any>>
      tpu.wait_dma2 semaphore(%dma_wait3A_1021 : memref<!tpu.dma_semaphore, #tpu.memory_space<semaphore_mem>>) src(%dma_wait3A_1027 : memref<400x1024xf32, #tpu.memory_space<any>>) dst(%dma_wait3A_1025 : memref<400x1024xf32, #tpu.memory_space<vmem>>)
      %get3A_1028 = arith.constant 5 : index
      %get3A_1029 = arith.constant 0 : index
      %get3A_1030 = arith.constant 0 : index
      %get3A_1031 = vector.load %arg4[%get3A_1028, %get3A_1029, %get3A_1030] : memref<16x400x1024xf32, #tpu.memory_space<vmem>>, vector<1x400x1024xf32>
      %get3A_1032 = vector.shape_cast %get3A_1031 : vector<1x400x1024xf32> to vector<400x1024xf32>
      %get3A_1033 = arith.constant 0 : index
      %get3A_1034 = arith.constant 0 : index
      %get3A_1035 = vector.load %arg6[%get3A_1033, %get3A_1034] : memref<1x1024xf32, #tpu.memory_space<vmem>>, vector<1x1024xf32>
      %exp3A_1036 = math.exp %get3A_1032 : vector<400x1024xf32>
      %reduce_sum3A_1037 = arith.constant dense<0.000000e+00> : vector<1024xf32>
      %reduce_sum3A_1038 = vector.multi_reduction <add>, %exp3A_1036, %reduce_sum3A_1037 [0] : vector<400x1024xf32> to vector<1024xf32>
      %broadcast_in_dim3A_1039 = vector.shape_cast %reduce_sum3A_1038 : vector<1024xf32> to vector<1x1024xf32>
      %add3A_1040 = arith.addf %get3A_1035, %broadcast_in_dim3A_1039 : vector<1x1024xf32>
      %swap3A_1041 = arith.constant 0 : index
      %swap3A_1042 = arith.constant 0 : index
      %swap3A_1043 = vector.load %arg6[%swap3A_1041, %swap3A_1042] : memref<1x1024xf32, #tpu.memory_space<vmem>>, vector<1x1024xf32>
      tpu.vector_store %arg6[%swap3A_1041, %swap3A_1042], %add3A_1040 {strides = array<i32>} : memref<1x1024xf32, #tpu.memory_space<vmem>>, vector<1x1024xf32>,
      %get3A_1044 = arith.constant 0 : index
      %get3A_1045 = arith.constant 0 : index
      %get3A_1046 = vector.load %arg7[%get3A_1044, %get3A_1045] : memref<1x1024xf32, #tpu.memory_space<vmem>>, vector<1x1024xf32>
      %mul3A_1047 = vector.broadcast %div3A_301 : f32 to vector<400x1024xf32>
      %mul3A_1048 = arith.mulf %mul3A_1047, %get3A_1032 : vector<400x1024xf32>
      %exp3A_1049 = math.exp %mul3A_1048 : vector<400x1024xf32>
      %reduce_sum3A_1050 = arith.constant dense<0.000000e+00> : vector<1024xf32>
      %reduce_sum3A_1051 = vector.multi_reduction <add>, %exp3A_1049, %reduce_sum3A_1050 [0] : vector<400x1024xf32> to vector<1024xf32>
      %broadcast_in_dim3A_1052 = vector.shape_cast %reduce_sum3A_1051 : vector<1024xf32> to vector<1x1024xf32>
      %add3A_1053 = arith.addf %get3A_1046, %broadcast_in_dim3A_1052 : vector<1x1024xf32>
      %swap3A_1054 = arith.constant 0 : index
      %swap3A_1055 = arith.constant 0 : index
      %swap3A_1056 = vector.load %arg7[%swap3A_1054, %swap3A_1055] : memref<1x1024xf32, #tpu.memory_space<vmem>>, vector<1x1024xf32>
      tpu.vector_store %arg7[%swap3A_1054, %swap3A_1055], %add3A_1053 {strides = array<i32>} : memref<1x1024xf32, #tpu.memory_space<vmem>>, vector<1x1024xf32>,
      %add3A_1057 = arith.constant 16 : i32
      %add3A_1058 = arith.addi %add3A_1015, %add3A_1057 : i32
      %lt3A_1059 = arith.constant 250 : i32
      %lt3A_1060 = arith.cmpi slt, %add3A_1058, %lt3A_1059 : i32
      %convert_element_type3A_1061 = arith.extui %lt3A_1060 : i1 to i32
      %cond3A_1062 = arith.constant 0 : i32
      %cond3A_1063 = arith.cmpi ne, %convert_element_type3A_1061, %cond3A_1062 : i32
      scf.if %cond3A_1063 {
        %add3A_1584 = arith.constant 16 : i32
        %add3A_1585 = arith.addi %add3A_1015, %add3A_1584 : i32
        %mul3A_1586 = arith.constant 400 : i32
        %mul3A_1587 = arith.muli %add3A_1585, %mul3A_1586 : i32
        %dma_start3A_1588 = arith.constant 5 : i32
        %dma_start3A_1589 = arith.constant 5 : i32
        %dma_start3A_1590 = tpu.memref_slice %arg5[%dma_start3A_1589] : memref<16x!tpu.dma_semaphore, #tpu.memory_space<semaphore_mem>> -> memref<1x!tpu.dma_semaphore, #tpu.memory_space<semaphore_mem>>
        %dma_start3A_1591 = tpu.memref_squeeze %dma_start3A_1590 : memref<1x!tpu.dma_semaphore, #tpu.memory_space<semaphore_mem>> -> memref<!tpu.dma_semaphore, #tpu.memory_space<semaphore_mem>>
        %dma_start3A_1592 = arith.constant 0 : i32
        %dma_start3A_1593 = arith.constant 0 : i32
        %dma_start3A_1594 = tpu.memref_slice %arg4[%dma_start3A_1588, %dma_start3A_1592, %dma_start3A_1593] : memref<16x400x1024xf32, #tpu.memory_space<vmem>> -> memref<1x400x1024xf32, #tpu.memory_space<vmem>>
        %dma_start3A_1595 = tpu.memref_squeeze %dma_start3A_1594 : memref<1x400x1024xf32, #tpu.memory_space<vmem>> -> memref<400x1024xf32, #tpu.memory_space<vmem>>
        %dma_start3A_1596 = arith.constant 0 : i32
        %dma_start3A_1597 = tpu.memref_slice %arg2[%mul3A_1587, %dma_start3A_1596] : memref<100000x1024xf32, #tpu.memory_space<any>> -> memref<400x1024xf32, #tpu.memory_space<any>>
        tpu.enqueue_dma source(%dma_start3A_1597 : memref<400x1024xf32, #tpu.memory_space<any>>) target(%dma_start3A_1595 : memref<400x1024xf32, #tpu.memory_space<vmem>>) target_semaphore(%dma_start3A_1591 : memref<!tpu.dma_semaphore, #tpu.memory_space<semaphore_mem>>)
      } else {
      }
      %mul3A_1064 = arith.constant 16 : i32
      %mul3A_1065 = arith.muli %scan3A_753, %mul3A_1064 : i32
      %add3A_1066 = arith.constant 6 : i32
      %add3A_1067 = arith.addi %mul3A_1065, %add3A_1066 : i32
      %mul3A_1068 = arith.constant 400 : i32
      %mul3A_1069 = arith.muli %add3A_1067, %mul3A_1068 : i32
      %dma_wait3A_1070 = arith.constant 6 : i32
      %dma_wait3A_1071 = arith.constant 6 : i32
      %dma_wait3A_1072 = tpu.memref_slice %arg5[%dma_wait3A_1071] : memref<16x!tpu.dma_semaphore, #tpu.memory_space<semaphore_mem>> -> memref<1x!tpu.dma_semaphore, #tpu.memory_space<semaphore_mem>>
      %dma_wait3A_1073 = tpu.memref_squeeze %dma_wait3A_1072 : memref<1x!tpu.dma_semaphore, #tpu.memory_space<semaphore_mem>> -> memref<!tpu.dma_semaphore, #tpu.memory_space<semaphore_mem>>
      %dma_wait3A_1074 = arith.constant 0 : i32
      %dma_wait3A_1075 = arith.constant 0 : i32
      %dma_wait3A_1076 = tpu.memref_slice %arg4[%dma_wait3A_1070, %dma_wait3A_1074, %dma_wait3A_1075] : memref<16x400x1024xf32, #tpu.memory_space<vmem>> -> memref<1x400x1024xf32, #tpu.memory_space<vmem>>
      %dma_wait3A_1077 = tpu.memref_squeeze %dma_wait3A_1076 : memref<1x400x1024xf32, #tpu.memory_space<vmem>> -> memref<400x1024xf32, #tpu.memory_space<vmem>>
      %dma_wait3A_1078 = arith.constant 0 : i32
      %dma_wait3A_1079 = tpu.memref_slice %arg2[%mul3A_1069, %dma_wait3A_1078] : memref<100000x1024xf32, #tpu.memory_space<any>> -> memref<400x1024xf32, #tpu.memory_space<any>>
      tpu.wait_dma2 semaphore(%dma_wait3A_1073 : memref<!tpu.dma_semaphore, #tpu.memory_space<semaphore_mem>>) src(%dma_wait3A_1079 : memref<400x1024xf32, #tpu.memory_space<any>>) dst(%dma_wait3A_1077 : memref<400x1024xf32, #tpu.memory_space<vmem>>)
      %get3A_1080 = arith.constant 6 : index
      %get3A_1081 = arith.constant 0 : index
      %get3A_1082 = arith.constant 0 : index
      %get3A_1083 = vector.load %arg4[%get3A_1080, %get3A_1081, %get3A_1082] : memref<16x400x1024xf32, #tpu.memory_space<vmem>>, vector<1x400x1024xf32>
      %get3A_1084 = vector.shape_cast %get3A_1083 : vector<1x400x1024xf32> to vector<400x1024xf32>
      %get3A_1085 = arith.constant 0 : index
      %get3A_1086 = arith.constant 0 : index
      %get3A_1087 = vector.load %arg6[%get3A_1085, %get3A_1086] : memref<1x1024xf32, #tpu.memory_space<vmem>>, vector<1x1024xf32>
      %exp3A_1088 = math.exp %get3A_1084 : vector<400x1024xf32>
      %reduce_sum3A_1089 = arith.constant dense<0.000000e+00> : vector<1024xf32>
      %reduce_sum3A_1090 = vector.multi_reduction <add>, %exp3A_1088, %reduce_sum3A_1089 [0] : vector<400x1024xf32> to vector<1024xf32>
      %broadcast_in_dim3A_1091 = vector.shape_cast %reduce_sum3A_1090 : vector<1024xf32> to vector<1x1024xf32>
      %add3A_1092 = arith.addf %get3A_1087, %broadcast_in_dim3A_1091 : vector<1x1024xf32>
      %swap3A_1093 = arith.constant 0 : index
      %swap3A_1094 = arith.constant 0 : index
      %swap3A_1095 = vector.load %arg6[%swap3A_1093, %swap3A_1094] : memref<1x1024xf32, #tpu.memory_space<vmem>>, vector<1x1024xf32>
      tpu.vector_store %arg6[%swap3A_1093, %swap3A_1094], %add3A_1092 {strides = array<i32>} : memref<1x1024xf32, #tpu.memory_space<vmem>>, vector<1x1024xf32>,
      %get3A_1096 = arith.constant 0 : index
      %get3A_1097 = arith.constant 0 : index
      %get3A_1098 = vector.load %arg7[%get3A_1096, %get3A_1097] : memref<1x1024xf32, #tpu.memory_space<vmem>>, vector<1x1024xf32>
      %mul3A_1099 = vector.broadcast %div3A_301 : f32 to vector<400x1024xf32>
      %mul3A_1100 = arith.mulf %mul3A_1099, %get3A_1084 : vector<400x1024xf32>
      %exp3A_1101 = math.exp %mul3A_1100 : vector<400x1024xf32>
      %reduce_sum3A_1102 = arith.constant dense<0.000000e+00> : vector<1024xf32>
      %reduce_sum3A_1103 = vector.multi_reduction <add>, %exp3A_1101, %reduce_sum3A_1102 [0] : vector<400x1024xf32> to vector<1024xf32>
      %broadcast_in_dim3A_1104 = vector.shape_cast %reduce_sum3A_1103 : vector<1024xf32> to vector<1x1024xf32>
      %add3A_1105 = arith.addf %get3A_1098, %broadcast_in_dim3A_1104 : vector<1x1024xf32>
      %swap3A_1106 = arith.constant 0 : index
      %swap3A_1107 = arith.constant 0 : index
      %swap3A_1108 = vector.load %arg7[%swap3A_1106, %swap3A_1107] : memref<1x1024xf32, #tpu.memory_space<vmem>>, vector<1x1024xf32>
      tpu.vector_store %arg7[%swap3A_1106, %swap3A_1107], %add3A_1105 {strides = array<i32>} : memref<1x1024xf32, #tpu.memory_space<vmem>>, vector<1x1024xf32>,
      %add3A_1109 = arith.constant 16 : i32
      %add3A_1110 = arith.addi %add3A_1067, %add3A_1109 : i32
      %lt3A_1111 = arith.constant 250 : i32
      %lt3A_1112 = arith.cmpi slt, %add3A_1110, %lt3A_1111 : i32
      %convert_element_type3A_1113 = arith.extui %lt3A_1112 : i1 to i32
      %cond3A_1114 = arith.constant 0 : i32
      %cond3A_1115 = arith.cmpi ne, %convert_element_type3A_1113, %cond3A_1114 : i32
      scf.if %cond3A_1115 {
        %add3A_1584 = arith.constant 16 : i32
        %add3A_1585 = arith.addi %add3A_1067, %add3A_1584 : i32
        %mul3A_1586 = arith.constant 400 : i32
        %mul3A_1587 = arith.muli %add3A_1585, %mul3A_1586 : i32
        %dma_start3A_1588 = arith.constant 6 : i32
        %dma_start3A_1589 = arith.constant 6 : i32
        %dma_start3A_1590 = tpu.memref_slice %arg5[%dma_start3A_1589] : memref<16x!tpu.dma_semaphore, #tpu.memory_space<semaphore_mem>> -> memref<1x!tpu.dma_semaphore, #tpu.memory_space<semaphore_mem>>
        %dma_start3A_1591 = tpu.memref_squeeze %dma_start3A_1590 : memref<1x!tpu.dma_semaphore, #tpu.memory_space<semaphore_mem>> -> memref<!tpu.dma_semaphore, #tpu.memory_space<semaphore_mem>>
        %dma_start3A_1592 = arith.constant 0 : i32
        %dma_start3A_1593 = arith.constant 0 : i32
        %dma_start3A_1594 = tpu.memref_slice %arg4[%dma_start3A_1588, %dma_start3A_1592, %dma_start3A_1593] : memref<16x400x1024xf32, #tpu.memory_space<vmem>> -> memref<1x400x1024xf32, #tpu.memory_space<vmem>>
        %dma_start3A_1595 = tpu.memref_squeeze %dma_start3A_1594 : memref<1x400x1024xf32, #tpu.memory_space<vmem>> -> memref<400x1024xf32, #tpu.memory_space<vmem>>
        %dma_start3A_1596 = arith.constant 0 : i32
        %dma_start3A_1597 = tpu.memref_slice %arg2[%mul3A_1587, %dma_start3A_1596] : memref<100000x1024xf32, #tpu.memory_space<any>> -> memref<400x1024xf32, #tpu.memory_space<any>>
        tpu.enqueue_dma source(%dma_start3A_1597 : memref<400x1024xf32, #tpu.memory_space<any>>) target(%dma_start3A_1595 : memref<400x1024xf32, #tpu.memory_space<vmem>>) target_semaphore(%dma_start3A_1591 : memref<!tpu.dma_semaphore, #tpu.memory_space<semaphore_mem>>)
      } else {
      }
      %mul3A_1116 = arith.constant 16 : i32
      %mul3A_1117 = arith.muli %scan3A_753, %mul3A_1116 : i32
      %add3A_1118 = arith.constant 7 : i32
      %add3A_1119 = arith.addi %mul3A_1117, %add3A_1118 : i32
      %mul3A_1120 = arith.constant 400 : i32
      %mul3A_1121 = arith.muli %add3A_1119, %mul3A_1120 : i32
      %dma_wait3A_1122 = arith.constant 7 : i32
      %dma_wait3A_1123 = arith.constant 7 : i32
      %dma_wait3A_1124 = tpu.memref_slice %arg5[%dma_wait3A_1123] : memref<16x!tpu.dma_semaphore, #tpu.memory_space<semaphore_mem>> -> memref<1x!tpu.dma_semaphore, #tpu.memory_space<semaphore_mem>>
      %dma_wait3A_1125 = tpu.memref_squeeze %dma_wait3A_1124 : memref<1x!tpu.dma_semaphore, #tpu.memory_space<semaphore_mem>> -> memref<!tpu.dma_semaphore, #tpu.memory_space<semaphore_mem>>
      %dma_wait3A_1126 = arith.constant 0 : i32
      %dma_wait3A_1127 = arith.constant 0 : i32
      %dma_wait3A_1128 = tpu.memref_slice %arg4[%dma_wait3A_1122, %dma_wait3A_1126, %dma_wait3A_1127] : memref<16x400x1024xf32, #tpu.memory_space<vmem>> -> memref<1x400x1024xf32, #tpu.memory_space<vmem>>
      %dma_wait3A_1129 = tpu.memref_squeeze %dma_wait3A_1128 : memref<1x400x1024xf32, #tpu.memory_space<vmem>> -> memref<400x1024xf32, #tpu.memory_space<vmem>>
      %dma_wait3A_1130 = arith.constant 0 : i32
      %dma_wait3A_1131 = tpu.memref_slice %arg2[%mul3A_1121, %dma_wait3A_1130] : memref<100000x1024xf32, #tpu.memory_space<any>> -> memref<400x1024xf32, #tpu.memory_space<any>>
      tpu.wait_dma2 semaphore(%dma_wait3A_1125 : memref<!tpu.dma_semaphore, #tpu.memory_space<semaphore_mem>>) src(%dma_wait3A_1131 : memref<400x1024xf32, #tpu.memory_space<any>>) dst(%dma_wait3A_1129 : memref<400x1024xf32, #tpu.memory_space<vmem>>)
      %get3A_1132 = arith.constant 7 : index
      %get3A_1133 = arith.constant 0 : index
      %get3A_1134 = arith.constant 0 : index
      %get3A_1135 = vector.load %arg4[%get3A_1132, %get3A_1133, %get3A_1134] : memref<16x400x1024xf32, #tpu.memory_space<vmem>>, vector<1x400x1024xf32>
      %get3A_1136 = vector.shape_cast %get3A_1135 : vector<1x400x1024xf32> to vector<400x1024xf32>
      %get3A_1137 = arith.constant 0 : index
      %get3A_1138 = arith.constant 0 : index
      %get3A_1139 = vector.load %arg6[%get3A_1137, %get3A_1138] : memref<1x1024xf32, #tpu.memory_space<vmem>>, vector<1x1024xf32>
      %exp3A_1140 = math.exp %get3A_1136 : vector<400x1024xf32>
      %reduce_sum3A_1141 = arith.constant dense<0.000000e+00> : vector<1024xf32>
      %reduce_sum3A_1142 = vector.multi_reduction <add>, %exp3A_1140, %reduce_sum3A_1141 [0] : vector<400x1024xf32> to vector<1024xf32>
      %broadcast_in_dim3A_1143 = vector.shape_cast %reduce_sum3A_1142 : vector<1024xf32> to vector<1x1024xf32>
      %add3A_1144 = arith.addf %get3A_1139, %broadcast_in_dim3A_1143 : vector<1x1024xf32>
      %swap3A_1145 = arith.constant 0 : index
      %swap3A_1146 = arith.constant 0 : index
      %swap3A_1147 = vector.load %arg6[%swap3A_1145, %swap3A_1146] : memref<1x1024xf32, #tpu.memory_space<vmem>>, vector<1x1024xf32>
      tpu.vector_store %arg6[%swap3A_1145, %swap3A_1146], %add3A_1144 {strides = array<i32>} : memref<1x1024xf32, #tpu.memory_space<vmem>>, vector<1x1024xf32>,
      %get3A_1148 = arith.constant 0 : index
      %get3A_1149 = arith.constant 0 : index
      %get3A_1150 = vector.load %arg7[%get3A_1148, %get3A_1149] : memref<1x1024xf32, #tpu.memory_space<vmem>>, vector<1x1024xf32>
      %mul3A_1151 = vector.broadcast %div3A_301 : f32 to vector<400x1024xf32>
      %mul3A_1152 = arith.mulf %mul3A_1151, %get3A_1136 : vector<400x1024xf32>
      %exp3A_1153 = math.exp %mul3A_1152 : vector<400x1024xf32>
      %reduce_sum3A_1154 = arith.constant dense<0.000000e+00> : vector<1024xf32>
      %reduce_sum3A_1155 = vector.multi_reduction <add>, %exp3A_1153, %reduce_sum3A_1154 [0] : vector<400x1024xf32> to vector<1024xf32>
      %broadcast_in_dim3A_1156 = vector.shape_cast %reduce_sum3A_1155 : vector<1024xf32> to vector<1x1024xf32>
      %add3A_1157 = arith.addf %get3A_1150, %broadcast_in_dim3A_1156 : vector<1x1024xf32>
      %swap3A_1158 = arith.constant 0 : index
      %swap3A_1159 = arith.constant 0 : index
      %swap3A_1160 = vector.load %arg7[%swap3A_1158, %swap3A_1159] : memref<1x1024xf32, #tpu.memory_space<vmem>>, vector<1x1024xf32>
      tpu.vector_store %arg7[%swap3A_1158, %swap3A_1159], %add3A_1157 {strides = array<i32>} : memref<1x1024xf32, #tpu.memory_space<vmem>>, vector<1x1024xf32>,
      %add3A_1161 = arith.constant 16 : i32
      %add3A_1162 = arith.addi %add3A_1119, %add3A_1161 : i32
      %lt3A_1163 = arith.constant 250 : i32
      %lt3A_1164 = arith.cmpi slt, %add3A_1162, %lt3A_1163 : i32
      %convert_element_type3A_1165 = arith.extui %lt3A_1164 : i1 to i32
      %cond3A_1166 = arith.constant 0 : i32
      %cond3A_1167 = arith.cmpi ne, %convert_element_type3A_1165, %cond3A_1166 : i32
      scf.if %cond3A_1167 {
        %add3A_1584 = arith.constant 16 : i32
        %add3A_1585 = arith.addi %add3A_1119, %add3A_1584 : i32
        %mul3A_1586 = arith.constant 400 : i32
        %mul3A_1587 = arith.muli %add3A_1585, %mul3A_1586 : i32
        %dma_start3A_1588 = arith.constant 7 : i32
        %dma_start3A_1589 = arith.constant 7 : i32
        %dma_start3A_1590 = tpu.memref_slice %arg5[%dma_start3A_1589] : memref<16x!tpu.dma_semaphore, #tpu.memory_space<semaphore_mem>> -> memref<1x!tpu.dma_semaphore, #tpu.memory_space<semaphore_mem>>
        %dma_start3A_1591 = tpu.memref_squeeze %dma_start3A_1590 : memref<1x!tpu.dma_semaphore, #tpu.memory_space<semaphore_mem>> -> memref<!tpu.dma_semaphore, #tpu.memory_space<semaphore_mem>>
        %dma_start3A_1592 = arith.constant 0 : i32
        %dma_start3A_1593 = arith.constant 0 : i32
        %dma_start3A_1594 = tpu.memref_slice %arg4[%dma_start3A_1588, %dma_start3A_1592, %dma_start3A_1593] : memref<16x400x1024xf32, #tpu.memory_space<vmem>> -> memref<1x400x1024xf32, #tpu.memory_space<vmem>>
        %dma_start3A_1595 = tpu.memref_squeeze %dma_start3A_1594 : memref<1x400x1024xf32, #tpu.memory_space<vmem>> -> memref<400x1024xf32, #tpu.memory_space<vmem>>
        %dma_start3A_1596 = arith.constant 0 : i32
        %dma_start3A_1597 = tpu.memref_slice %arg2[%mul3A_1587, %dma_start3A_1596] : memref<100000x1024xf32, #tpu.memory_space<any>> -> memref<400x1024xf32, #tpu.memory_space<any>>
        tpu.enqueue_dma source(%dma_start3A_1597 : memref<400x1024xf32, #tpu.memory_space<any>>) target(%dma_start3A_1595 : memref<400x1024xf32, #tpu.memory_space<vmem>>) target_semaphore(%dma_start3A_1591 : memref<!tpu.dma_semaphore, #tpu.memory_space<semaphore_mem>>)
      } else {
      }
      %mul3A_1168 = arith.constant 16 : i32
      %mul3A_1169 = arith.muli %scan3A_753, %mul3A_1168 : i32
      %add3A_1170 = arith.constant 8 : i32
      %add3A_1171 = arith.addi %mul3A_1169, %add3A_1170 : i32
      %mul3A_1172 = arith.constant 400 : i32
      %mul3A_1173 = arith.muli %add3A_1171, %mul3A_1172 : i32
      %dma_wait3A_1174 = arith.constant 8 : i32
      %dma_wait3A_1175 = arith.constant 8 : i32
      %dma_wait3A_1176 = tpu.memref_slice %arg5[%dma_wait3A_1175] : memref<16x!tpu.dma_semaphore, #tpu.memory_space<semaphore_mem>> -> memref<1x!tpu.dma_semaphore, #tpu.memory_space<semaphore_mem>>
      %dma_wait3A_1177 = tpu.memref_squeeze %dma_wait3A_1176 : memref<1x!tpu.dma_semaphore, #tpu.memory_space<semaphore_mem>> -> memref<!tpu.dma_semaphore, #tpu.memory_space<semaphore_mem>>
      %dma_wait3A_1178 = arith.constant 0 : i32
      %dma_wait3A_1179 = arith.constant 0 : i32
      %dma_wait3A_1180 = tpu.memref_slice %arg4[%dma_wait3A_1174, %dma_wait3A_1178, %dma_wait3A_1179] : memref<16x400x1024xf32, #tpu.memory_space<vmem>> -> memref<1x400x1024xf32, #tpu.memory_space<vmem>>
      %dma_wait3A_1181 = tpu.memref_squeeze %dma_wait3A_1180 : memref<1x400x1024xf32, #tpu.memory_space<vmem>> -> memref<400x1024xf32, #tpu.memory_space<vmem>>
      %dma_wait3A_1182 = arith.constant 0 : i32
      %dma_wait3A_1183 = tpu.memref_slice %arg2[%mul3A_1173, %dma_wait3A_1182] : memref<100000x1024xf32, #tpu.memory_space<any>> -> memref<400x1024xf32, #tpu.memory_space<any>>
      tpu.wait_dma2 semaphore(%dma_wait3A_1177 : memref<!tpu.dma_semaphore, #tpu.memory_space<semaphore_mem>>) src(%dma_wait3A_1183 : memref<400x1024xf32, #tpu.memory_space<any>>) dst(%dma_wait3A_1181 : memref<400x1024xf32, #tpu.memory_space<vmem>>)
      %get3A_1184 = arith.constant 8 : index
      %get3A_1185 = arith.constant 0 : index
      %get3A_1186 = arith.constant 0 : index
      %get3A_1187 = vector.load %arg4[%get3A_1184, %get3A_1185, %get3A_1186] : memref<16x400x1024xf32, #tpu.memory_space<vmem>>, vector<1x400x1024xf32>
      %get3A_1188 = vector.shape_cast %get3A_1187 : vector<1x400x1024xf32> to vector<400x1024xf32>
      %get3A_1189 = arith.constant 0 : index
      %get3A_1190 = arith.constant 0 : index
      %get3A_1191 = vector.load %arg6[%get3A_1189, %get3A_1190] : memref<1x1024xf32, #tpu.memory_space<vmem>>, vector<1x1024xf32>
      %exp3A_1192 = math.exp %get3A_1188 : vector<400x1024xf32>
      %reduce_sum3A_1193 = arith.constant dense<0.000000e+00> : vector<1024xf32>
      %reduce_sum3A_1194 = vector.multi_reduction <add>, %exp3A_1192, %reduce_sum3A_1193 [0] : vector<400x1024xf32> to vector<1024xf32>
      %broadcast_in_dim3A_1195 = vector.shape_cast %reduce_sum3A_1194 : vector<1024xf32> to vector<1x1024xf32>
      %add3A_1196 = arith.addf %get3A_1191, %broadcast_in_dim3A_1195 : vector<1x1024xf32>
      %swap3A_1197 = arith.constant 0 : index
      %swap3A_1198 = arith.constant 0 : index
      %swap3A_1199 = vector.load %arg6[%swap3A_1197, %swap3A_1198] : memref<1x1024xf32, #tpu.memory_space<vmem>>, vector<1x1024xf32>
      tpu.vector_store %arg6[%swap3A_1197, %swap3A_1198], %add3A_1196 {strides = array<i32>} : memref<1x1024xf32, #tpu.memory_space<vmem>>, vector<1x1024xf32>,
      %get3A_1200 = arith.constant 0 : index
      %get3A_1201 = arith.constant 0 : index
      %get3A_1202 = vector.load %arg7[%get3A_1200, %get3A_1201] : memref<1x1024xf32, #tpu.memory_space<vmem>>, vector<1x1024xf32>
      %mul3A_1203 = vector.broadcast %div3A_301 : f32 to vector<400x1024xf32>
      %mul3A_1204 = arith.mulf %mul3A_1203, %get3A_1188 : vector<400x1024xf32>
      %exp3A_1205 = math.exp %mul3A_1204 : vector<400x1024xf32>
      %reduce_sum3A_1206 = arith.constant dense<0.000000e+00> : vector<1024xf32>
      %reduce_sum3A_1207 = vector.multi_reduction <add>, %exp3A_1205, %reduce_sum3A_1206 [0] : vector<400x1024xf32> to vector<1024xf32>
      %broadcast_in_dim3A_1208 = vector.shape_cast %reduce_sum3A_1207 : vector<1024xf32> to vector<1x1024xf32>
      %add3A_1209 = arith.addf %get3A_1202, %broadcast_in_dim3A_1208 : vector<1x1024xf32>
      %swap3A_1210 = arith.constant 0 : index
      %swap3A_1211 = arith.constant 0 : index
      %swap3A_1212 = vector.load %arg7[%swap3A_1210, %swap3A_1211] : memref<1x1024xf32, #tpu.memory_space<vmem>>, vector<1x1024xf32>
      tpu.vector_store %arg7[%swap3A_1210, %swap3A_1211], %add3A_1209 {strides = array<i32>} : memref<1x1024xf32, #tpu.memory_space<vmem>>, vector<1x1024xf32>,
      %add3A_1213 = arith.constant 16 : i32
      %add3A_1214 = arith.addi %add3A_1171, %add3A_1213 : i32
      %lt3A_1215 = arith.constant 250 : i32
      %lt3A_1216 = arith.cmpi slt, %add3A_1214, %lt3A_1215 : i32
      %convert_element_type3A_1217 = arith.extui %lt3A_1216 : i1 to i32
      %cond3A_1218 = arith.constant 0 : i32
      %cond3A_1219 = arith.cmpi ne, %convert_element_type3A_1217, %cond3A_1218 : i32
      scf.if %cond3A_1219 {
        %add3A_1584 = arith.constant 16 : i32
        %add3A_1585 = arith.addi %add3A_1171, %add3A_1584 : i32
        %mul3A_1586 = arith.constant 400 : i32
        %mul3A_1587 = arith.muli %add3A_1585, %mul3A_1586 : i32
        %dma_start3A_1588 = arith.constant 8 : i32
        %dma_start3A_1589 = arith.constant 8 : i32
        %dma_start3A_1590 = tpu.memref_slice %arg5[%dma_start3A_1589] : memref<16x!tpu.dma_semaphore, #tpu.memory_space<semaphore_mem>> -> memref<1x!tpu.dma_semaphore, #tpu.memory_space<semaphore_mem>>
        %dma_start3A_1591 = tpu.memref_squeeze %dma_start3A_1590 : memref<1x!tpu.dma_semaphore, #tpu.memory_space<semaphore_mem>> -> memref<!tpu.dma_semaphore, #tpu.memory_space<semaphore_mem>>
        %dma_start3A_1592 = arith.constant 0 : i32
        %dma_start3A_1593 = arith.constant 0 : i32
        %dma_start3A_1594 = tpu.memref_slice %arg4[%dma_start3A_1588, %dma_start3A_1592, %dma_start3A_1593] : memref<16x400x1024xf32, #tpu.memory_space<vmem>> -> memref<1x400x1024xf32, #tpu.memory_space<vmem>>
        %dma_start3A_1595 = tpu.memref_squeeze %dma_start3A_1594 : memref<1x400x1024xf32, #tpu.memory_space<vmem>> -> memref<400x1024xf32, #tpu.memory_space<vmem>>
        %dma_start3A_1596 = arith.constant 0 : i32
        %dma_start3A_1597 = tpu.memref_slice %arg2[%mul3A_1587, %dma_start3A_1596] : memref<100000x1024xf32, #tpu.memory_space<any>> -> memref<400x1024xf32, #tpu.memory_space<any>>
        tpu.enqueue_dma source(%dma_start3A_1597 : memref<400x1024xf32, #tpu.memory_space<any>>) target(%dma_start3A_1595 : memref<400x1024xf32, #tpu.memory_space<vmem>>) target_semaphore(%dma_start3A_1591 : memref<!tpu.dma_semaphore, #tpu.memory_space<semaphore_mem>>)
      } else {
      }
      %mul3A_1220 = arith.constant 16 : i32
      %mul3A_1221 = arith.muli %scan3A_753, %mul3A_1220 : i32
      %add3A_1222 = arith.constant 9 : i32
      %add3A_1223 = arith.addi %mul3A_1221, %add3A_1222 : i32
      %mul3A_1224 = arith.constant 400 : i32
      %mul3A_1225 = arith.muli %add3A_1223, %mul3A_1224 : i32
      %dma_wait3A_1226 = arith.constant 9 : i32
      %dma_wait3A_1227 = arith.constant 9 : i32
      %dma_wait3A_1228 = tpu.memref_slice %arg5[%dma_wait3A_1227] : memref<16x!tpu.dma_semaphore, #tpu.memory_space<semaphore_mem>> -> memref<1x!tpu.dma_semaphore, #tpu.memory_space<semaphore_mem>>
      %dma_wait3A_1229 = tpu.memref_squeeze %dma_wait3A_1228 : memref<1x!tpu.dma_semaphore, #tpu.memory_space<semaphore_mem>> -> memref<!tpu.dma_semaphore, #tpu.memory_space<semaphore_mem>>
      %dma_wait3A_1230 = arith.constant 0 : i32
      %dma_wait3A_1231 = arith.constant 0 : i32
      %dma_wait3A_1232 = tpu.memref_slice %arg4[%dma_wait3A_1226, %dma_wait3A_1230, %dma_wait3A_1231] : memref<16x400x1024xf32, #tpu.memory_space<vmem>> -> memref<1x400x1024xf32, #tpu.memory_space<vmem>>
      %dma_wait3A_1233 = tpu.memref_squeeze %dma_wait3A_1232 : memref<1x400x1024xf32, #tpu.memory_space<vmem>> -> memref<400x1024xf32, #tpu.memory_space<vmem>>
      %dma_wait3A_1234 = arith.constant 0 : i32
      %dma_wait3A_1235 = tpu.memref_slice %arg2[%mul3A_1225, %dma_wait3A_1234] : memref<100000x1024xf32, #tpu.memory_space<any>> -> memref<400x1024xf32, #tpu.memory_space<any>>
      tpu.wait_dma2 semaphore(%dma_wait3A_1229 : memref<!tpu.dma_semaphore, #tpu.memory_space<semaphore_mem>>) src(%dma_wait3A_1235 : memref<400x1024xf32, #tpu.memory_space<any>>) dst(%dma_wait3A_1233 : memref<400x1024xf32, #tpu.memory_space<vmem>>)
      %get3A_1236 = arith.constant 9 : index
      %get3A_1237 = arith.constant 0 : index
      %get3A_1238 = arith.constant 0 : index
      %get3A_1239 = vector.load %arg4[%get3A_1236, %get3A_1237, %get3A_1238] : memref<16x400x1024xf32, #tpu.memory_space<vmem>>, vector<1x400x1024xf32>
      %get3A_1240 = vector.shape_cast %get3A_1239 : vector<1x400x1024xf32> to vector<400x1024xf32>
      %get3A_1241 = arith.constant 0 : index
      %get3A_1242 = arith.constant 0 : index
      %get3A_1243 = vector.load %arg6[%get3A_1241, %get3A_1242] : memref<1x1024xf32, #tpu.memory_space<vmem>>, vector<1x1024xf32>
      %exp3A_1244 = math.exp %get3A_1240 : vector<400x1024xf32>
      %reduce_sum3A_1245 = arith.constant dense<0.000000e+00> : vector<1024xf32>
      %reduce_sum3A_1246 = vector.multi_reduction <add>, %exp3A_1244, %reduce_sum3A_1245 [0] : vector<400x1024xf32> to vector<1024xf32>
      %broadcast_in_dim3A_1247 = vector.shape_cast %reduce_sum3A_1246 : vector<1024xf32> to vector<1x1024xf32>
      %add3A_1248 = arith.addf %get3A_1243, %broadcast_in_dim3A_1247 : vector<1x1024xf32>
      %swap3A_1249 = arith.constant 0 : index
      %swap3A_1250 = arith.constant 0 : index
      %swap3A_1251 = vector.load %arg6[%swap3A_1249, %swap3A_1250] : memref<1x1024xf32, #tpu.memory_space<vmem>>, vector<1x1024xf32>
      tpu.vector_store %arg6[%swap3A_1249, %swap3A_1250], %add3A_1248 {strides = array<i32>} : memref<1x1024xf32, #tpu.memory_space<vmem>>, vector<1x1024xf32>,
      %get3A_1252 = arith.constant 0 : index
      %get3A_1253 = arith.constant 0 : index
      %get3A_1254 = vector.load %arg7[%get3A_1252, %get3A_1253] : memref<1x1024xf32, #tpu.memory_space<vmem>>, vector<1x1024xf32>
      %mul3A_1255 = vector.broadcast %div3A_301 : f32 to vector<400x1024xf32>
      %mul3A_1256 = arith.mulf %mul3A_1255, %get3A_1240 : vector<400x1024xf32>
      %exp3A_1257 = math.exp %mul3A_1256 : vector<400x1024xf32>
      %reduce_sum3A_1258 = arith.constant dense<0.000000e+00> : vector<1024xf32>
      %reduce_sum3A_1259 = vector.multi_reduction <add>, %exp3A_1257, %reduce_sum3A_1258 [0] : vector<400x1024xf32> to vector<1024xf32>
      %broadcast_in_dim3A_1260 = vector.shape_cast %reduce_sum3A_1259 : vector<1024xf32> to vector<1x1024xf32>
      %add3A_1261 = arith.addf %get3A_1254, %broadcast_in_dim3A_1260 : vector<1x1024xf32>
      %swap3A_1262 = arith.constant 0 : index
      %swap3A_1263 = arith.constant 0 : index
      %swap3A_1264 = vector.load %arg7[%swap3A_1262, %swap3A_1263] : memref<1x1024xf32, #tpu.memory_space<vmem>>, vector<1x1024xf32>
      tpu.vector_store %arg7[%swap3A_1262, %swap3A_1263], %add3A_1261 {strides = array<i32>} : memref<1x1024xf32, #tpu.memory_space<vmem>>, vector<1x1024xf32>,
      %add3A_1265 = arith.constant 16 : i32
      %add3A_1266 = arith.addi %add3A_1223, %add3A_1265 : i32
      %lt3A_1267 = arith.constant 250 : i32
      %lt3A_1268 = arith.cmpi slt, %add3A_1266, %lt3A_1267 : i32
      %convert_element_type3A_1269 = arith.extui %lt3A_1268 : i1 to i32
      %cond3A_1270 = arith.constant 0 : i32
      %cond3A_1271 = arith.cmpi ne, %convert_element_type3A_1269, %cond3A_1270 : i32
      scf.if %cond3A_1271 {
        %add3A_1584 = arith.constant 16 : i32
        %add3A_1585 = arith.addi %add3A_1223, %add3A_1584 : i32
        %mul3A_1586 = arith.constant 400 : i32
        %mul3A_1587 = arith.muli %add3A_1585, %mul3A_1586 : i32
        %dma_start3A_1588 = arith.constant 9 : i32
        %dma_start3A_1589 = arith.constant 9 : i32
        %dma_start3A_1590 = tpu.memref_slice %arg5[%dma_start3A_1589] : memref<16x!tpu.dma_semaphore, #tpu.memory_space<semaphore_mem>> -> memref<1x!tpu.dma_semaphore, #tpu.memory_space<semaphore_mem>>
        %dma_start3A_1591 = tpu.memref_squeeze %dma_start3A_1590 : memref<1x!tpu.dma_semaphore, #tpu.memory_space<semaphore_mem>> -> memref<!tpu.dma_semaphore, #tpu.memory_space<semaphore_mem>>
        %dma_start3A_1592 = arith.constant 0 : i32
        %dma_start3A_1593 = arith.constant 0 : i32
        %dma_start3A_1594 = tpu.memref_slice %arg4[%dma_start3A_1588, %dma_start3A_1592, %dma_start3A_1593] : memref<16x400x1024xf32, #tpu.memory_space<vmem>> -> memref<1x400x1024xf32, #tpu.memory_space<vmem>>
        %dma_start3A_1595 = tpu.memref_squeeze %dma_start3A_1594 : memref<1x400x1024xf32, #tpu.memory_space<vmem>> -> memref<400x1024xf32, #tpu.memory_space<vmem>>
        %dma_start3A_1596 = arith.constant 0 : i32
        %dma_start3A_1597 = tpu.memref_slice %arg2[%mul3A_1587, %dma_start3A_1596] : memref<100000x1024xf32, #tpu.memory_space<any>> -> memref<400x1024xf32, #tpu.memory_space<any>>
        tpu.enqueue_dma source(%dma_start3A_1597 : memref<400x1024xf32, #tpu.memory_space<any>>) target(%dma_start3A_1595 : memref<400x1024xf32, #tpu.memory_space<vmem>>) target_semaphore(%dma_start3A_1591 : memref<!tpu.dma_semaphore, #tpu.memory_space<semaphore_mem>>)
      } else {
      }
      %mul3A_1272 = arith.constant 16 : i32
      %mul3A_1273 = arith.muli %scan3A_753, %mul3A_1272 : i32
      %add3A_1274 = arith.constant 10 : i32
      %add3A_1275 = arith.addi %mul3A_1273, %add3A_1274 : i32
      %mul3A_1276 = arith.constant 400 : i32
      %mul3A_1277 = arith.muli %add3A_1275, %mul3A_1276 : i32
      %dma_wait3A_1278 = arith.constant 10 : i32
      %dma_wait3A_1279 = arith.constant 10 : i32
      %dma_wait3A_1280 = tpu.memref_slice %arg5[%dma_wait3A_1279] : memref<16x!tpu.dma_semaphore, #tpu.memory_space<semaphore_mem>> -> memref<1x!tpu.dma_semaphore, #tpu.memory_space<semaphore_mem>>
      %dma_wait3A_1281 = tpu.memref_squeeze %dma_wait3A_1280 : memref<1x!tpu.dma_semaphore, #tpu.memory_space<semaphore_mem>> -> memref<!tpu.dma_semaphore, #tpu.memory_space<semaphore_mem>>
      %dma_wait3A_1282 = arith.constant 0 : i32
      %dma_wait3A_1283 = arith.constant 0 : i32
      %dma_wait3A_1284 = tpu.memref_slice %arg4[%dma_wait3A_1278, %dma_wait3A_1282, %dma_wait3A_1283] : memref<16x400x1024xf32, #tpu.memory_space<vmem>> -> memref<1x400x1024xf32, #tpu.memory_space<vmem>>
      %dma_wait3A_1285 = tpu.memref_squeeze %dma_wait3A_1284 : memref<1x400x1024xf32, #tpu.memory_space<vmem>> -> memref<400x1024xf32, #tpu.memory_space<vmem>>
      %dma_wait3A_1286 = arith.constant 0 : i32
      %dma_wait3A_1287 = tpu.memref_slice %arg2[%mul3A_1277, %dma_wait3A_1286] : memref<100000x1024xf32, #tpu.memory_space<any>> -> memref<400x1024xf32, #tpu.memory_space<any>>
      tpu.wait_dma2 semaphore(%dma_wait3A_1281 : memref<!tpu.dma_semaphore, #tpu.memory_space<semaphore_mem>>) src(%dma_wait3A_1287 : memref<400x1024xf32, #tpu.memory_space<any>>) dst(%dma_wait3A_1285 : memref<400x1024xf32, #tpu.memory_space<vmem>>)
      %get3A_1288 = arith.constant 10 : index
      %get3A_1289 = arith.constant 0 : index
      %get3A_1290 = arith.constant 0 : index
      %get3A_1291 = vector.load %arg4[%get3A_1288, %get3A_1289, %get3A_1290] : memref<16x400x1024xf32, #tpu.memory_space<vmem>>, vector<1x400x1024xf32>
      %get3A_1292 = vector.shape_cast %get3A_1291 : vector<1x400x1024xf32> to vector<400x1024xf32>
      %get3A_1293 = arith.constant 0 : index
      %get3A_1294 = arith.constant 0 : index
      %get3A_1295 = vector.load %arg6[%get3A_1293, %get3A_1294] : memref<1x1024xf32, #tpu.memory_space<vmem>>, vector<1x1024xf32>
      %exp3A_1296 = math.exp %get3A_1292 : vector<400x1024xf32>
      %reduce_sum3A_1297 = arith.constant dense<0.000000e+00> : vector<1024xf32>
      %reduce_sum3A_1298 = vector.multi_reduction <add>, %exp3A_1296, %reduce_sum3A_1297 [0] : vector<400x1024xf32> to vector<1024xf32>
      %broadcast_in_dim3A_1299 = vector.shape_cast %reduce_sum3A_1298 : vector<1024xf32> to vector<1x1024xf32>
      %add3A_1300 = arith.addf %get3A_1295, %broadcast_in_dim3A_1299 : vector<1x1024xf32>
      %swap3A_1301 = arith.constant 0 : index
      %swap3A_1302 = arith.constant 0 : index
      %swap3A_1303 = vector.load %arg6[%swap3A_1301, %swap3A_1302] : memref<1x1024xf32, #tpu.memory_space<vmem>>, vector<1x1024xf32>
      tpu.vector_store %arg6[%swap3A_1301, %swap3A_1302], %add3A_1300 {strides = array<i32>} : memref<1x1024xf32, #tpu.memory_space<vmem>>, vector<1x1024xf32>,
      %get3A_1304 = arith.constant 0 : index
      %get3A_1305 = arith.constant 0 : index
      %get3A_1306 = vector.load %arg7[%get3A_1304, %get3A_1305] : memref<1x1024xf32, #tpu.memory_space<vmem>>, vector<1x1024xf32>
      %mul3A_1307 = vector.broadcast %div3A_301 : f32 to vector<400x1024xf32>
      %mul3A_1308 = arith.mulf %mul3A_1307, %get3A_1292 : vector<400x1024xf32>
      %exp3A_1309 = math.exp %mul3A_1308 : vector<400x1024xf32>
      %reduce_sum3A_1310 = arith.constant dense<0.000000e+00> : vector<1024xf32>
      %reduce_sum3A_1311 = vector.multi_reduction <add>, %exp3A_1309, %reduce_sum3A_1310 [0] : vector<400x1024xf32> to vector<1024xf32>
      %broadcast_in_dim3A_1312 = vector.shape_cast %reduce_sum3A_1311 : vector<1024xf32> to vector<1x1024xf32>
      %add3A_1313 = arith.addf %get3A_1306, %broadcast_in_dim3A_1312 : vector<1x1024xf32>
      %swap3A_1314 = arith.constant 0 : index
      %swap3A_1315 = arith.constant 0 : index
      %swap3A_1316 = vector.load %arg7[%swap3A_1314, %swap3A_1315] : memref<1x1024xf32, #tpu.memory_space<vmem>>, vector<1x1024xf32>
      tpu.vector_store %arg7[%swap3A_1314, %swap3A_1315], %add3A_1313 {strides = array<i32>} : memref<1x1024xf32, #tpu.memory_space<vmem>>, vector<1x1024xf32>,
      %add3A_1317 = arith.constant 16 : i32
      %add3A_1318 = arith.addi %add3A_1275, %add3A_1317 : i32
      %lt3A_1319 = arith.constant 250 : i32
      %lt3A_1320 = arith.cmpi slt, %add3A_1318, %lt3A_1319 : i32
      %convert_element_type3A_1321 = arith.extui %lt3A_1320 : i1 to i32
      %cond3A_1322 = arith.constant 0 : i32
      %cond3A_1323 = arith.cmpi ne, %convert_element_type3A_1321, %cond3A_1322 : i32
      scf.if %cond3A_1323 {
        %add3A_1584 = arith.constant 16 : i32
        %add3A_1585 = arith.addi %add3A_1275, %add3A_1584 : i32
        %mul3A_1586 = arith.constant 400 : i32
        %mul3A_1587 = arith.muli %add3A_1585, %mul3A_1586 : i32
        %dma_start3A_1588 = arith.constant 10 : i32
        %dma_start3A_1589 = arith.constant 10 : i32
        %dma_start3A_1590 = tpu.memref_slice %arg5[%dma_start3A_1589] : memref<16x!tpu.dma_semaphore, #tpu.memory_space<semaphore_mem>> -> memref<1x!tpu.dma_semaphore, #tpu.memory_space<semaphore_mem>>
        %dma_start3A_1591 = tpu.memref_squeeze %dma_start3A_1590 : memref<1x!tpu.dma_semaphore, #tpu.memory_space<semaphore_mem>> -> memref<!tpu.dma_semaphore, #tpu.memory_space<semaphore_mem>>
        %dma_start3A_1592 = arith.constant 0 : i32
        %dma_start3A_1593 = arith.constant 0 : i32
        %dma_start3A_1594 = tpu.memref_slice %arg4[%dma_start3A_1588, %dma_start3A_1592, %dma_start3A_1593] : memref<16x400x1024xf32, #tpu.memory_space<vmem>> -> memref<1x400x1024xf32, #tpu.memory_space<vmem>>
        %dma_start3A_1595 = tpu.memref_squeeze %dma_start3A_1594 : memref<1x400x1024xf32, #tpu.memory_space<vmem>> -> memref<400x1024xf32, #tpu.memory_space<vmem>>
        %dma_start3A_1596 = arith.constant 0 : i32
        %dma_start3A_1597 = tpu.memref_slice %arg2[%mul3A_1587, %dma_start3A_1596] : memref<100000x1024xf32, #tpu.memory_space<any>> -> memref<400x1024xf32, #tpu.memory_space<any>>
        tpu.enqueue_dma source(%dma_start3A_1597 : memref<400x1024xf32, #tpu.memory_space<any>>) target(%dma_start3A_1595 : memref<400x1024xf32, #tpu.memory_space<vmem>>) target_semaphore(%dma_start3A_1591 : memref<!tpu.dma_semaphore, #tpu.memory_space<semaphore_mem>>)
      } else {
      }
      %mul3A_1324 = arith.constant 16 : i32
      %mul3A_1325 = arith.muli %scan3A_753, %mul3A_1324 : i32
      %add3A_1326 = arith.constant 11 : i32
      %add3A_1327 = arith.addi %mul3A_1325, %add3A_1326 : i32
      %mul3A_1328 = arith.constant 400 : i32
      %mul3A_1329 = arith.muli %add3A_1327, %mul3A_1328 : i32
      %dma_wait3A_1330 = arith.constant 11 : i32
      %dma_wait3A_1331 = arith.constant 11 : i32
      %dma_wait3A_1332 = tpu.memref_slice %arg5[%dma_wait3A_1331] : memref<16x!tpu.dma_semaphore, #tpu.memory_space<semaphore_mem>> -> memref<1x!tpu.dma_semaphore, #tpu.memory_space<semaphore_mem>>
      %dma_wait3A_1333 = tpu.memref_squeeze %dma_wait3A_1332 : memref<1x!tpu.dma_semaphore, #tpu.memory_space<semaphore_mem>> -> memref<!tpu.dma_semaphore, #tpu.memory_space<semaphore_mem>>
      %dma_wait3A_1334 = arith.constant 0 : i32
      %dma_wait3A_1335 = arith.constant 0 : i32
      %dma_wait3A_1336 = tpu.memref_slice %arg4[%dma_wait3A_1330, %dma_wait3A_1334, %dma_wait3A_1335] : memref<16x400x1024xf32, #tpu.memory_space<vmem>> -> memref<1x400x1024xf32, #tpu.memory_space<vmem>>
      %dma_wait3A_1337 = tpu.memref_squeeze %dma_wait3A_1336 : memref<1x400x1024xf32, #tpu.memory_space<vmem>> -> memref<400x1024xf32, #tpu.memory_space<vmem>>
      %dma_wait3A_1338 = arith.constant 0 : i32
      %dma_wait3A_1339 = tpu.memref_slice %arg2[%mul3A_1329, %dma_wait3A_1338] : memref<100000x1024xf32, #tpu.memory_space<any>> -> memref<400x1024xf32, #tpu.memory_space<any>>
      tpu.wait_dma2 semaphore(%dma_wait3A_1333 : memref<!tpu.dma_semaphore, #tpu.memory_space<semaphore_mem>>) src(%dma_wait3A_1339 : memref<400x1024xf32, #tpu.memory_space<any>>) dst(%dma_wait3A_1337 : memref<400x1024xf32, #tpu.memory_space<vmem>>)
      %get3A_1340 = arith.constant 11 : index
      %get3A_1341 = arith.constant 0 : index
      %get3A_1342 = arith.constant 0 : index
      %get3A_1343 = vector.load %arg4[%get3A_1340, %get3A_1341, %get3A_1342] : memref<16x400x1024xf32, #tpu.memory_space<vmem>>, vector<1x400x1024xf32>
      %get3A_1344 = vector.shape_cast %get3A_1343 : vector<1x400x1024xf32> to vector<400x1024xf32>
      %get3A_1345 = arith.constant 0 : index
      %get3A_1346 = arith.constant 0 : index
      %get3A_1347 = vector.load %arg6[%get3A_1345, %get3A_1346] : memref<1x1024xf32, #tpu.memory_space<vmem>>, vector<1x1024xf32>
      %exp3A_1348 = math.exp %get3A_1344 : vector<400x1024xf32>
      %reduce_sum3A_1349 = arith.constant dense<0.000000e+00> : vector<1024xf32>
      %reduce_sum3A_1350 = vector.multi_reduction <add>, %exp3A_1348, %reduce_sum3A_1349 [0] : vector<400x1024xf32> to vector<1024xf32>
      %broadcast_in_dim3A_1351 = vector.shape_cast %reduce_sum3A_1350 : vector<1024xf32> to vector<1x1024xf32>
      %add3A_1352 = arith.addf %get3A_1347, %broadcast_in_dim3A_1351 : vector<1x1024xf32>
      %swap3A_1353 = arith.constant 0 : index
      %swap3A_1354 = arith.constant 0 : index
      %swap3A_1355 = vector.load %arg6[%swap3A_1353, %swap3A_1354] : memref<1x1024xf32, #tpu.memory_space<vmem>>, vector<1x1024xf32>
      tpu.vector_store %arg6[%swap3A_1353, %swap3A_1354], %add3A_1352 {strides = array<i32>} : memref<1x1024xf32, #tpu.memory_space<vmem>>, vector<1x1024xf32>,
      %get3A_1356 = arith.constant 0 : index
      %get3A_1357 = arith.constant 0 : index
      %get3A_1358 = vector.load %arg7[%get3A_1356, %get3A_1357] : memref<1x1024xf32, #tpu.memory_space<vmem>>, vector<1x1024xf32>
      %mul3A_1359 = vector.broadcast %div3A_301 : f32 to vector<400x1024xf32>
      %mul3A_1360 = arith.mulf %mul3A_1359, %get3A_1344 : vector<400x1024xf32>
      %exp3A_1361 = math.exp %mul3A_1360 : vector<400x1024xf32>
      %reduce_sum3A_1362 = arith.constant dense<0.000000e+00> : vector<1024xf32>
      %reduce_sum3A_1363 = vector.multi_reduction <add>, %exp3A_1361, %reduce_sum3A_1362 [0] : vector<400x1024xf32> to vector<1024xf32>
      %broadcast_in_dim3A_1364 = vector.shape_cast %reduce_sum3A_1363 : vector<1024xf32> to vector<1x1024xf32>
      %add3A_1365 = arith.addf %get3A_1358, %broadcast_in_dim3A_1364 : vector<1x1024xf32>
      %swap3A_1366 = arith.constant 0 : index
      %swap3A_1367 = arith.constant 0 : index
      %swap3A_1368 = vector.load %arg7[%swap3A_1366, %swap3A_1367] : memref<1x1024xf32, #tpu.memory_space<vmem>>, vector<1x1024xf32>
      tpu.vector_store %arg7[%swap3A_1366, %swap3A_1367], %add3A_1365 {strides = array<i32>} : memref<1x1024xf32, #tpu.memory_space<vmem>>, vector<1x1024xf32>,
      %add3A_1369 = arith.constant 16 : i32
      %add3A_1370 = arith.addi %add3A_1327, %add3A_1369 : i32
      %lt3A_1371 = arith.constant 250 : i32
      %lt3A_1372 = arith.cmpi slt, %add3A_1370, %lt3A_1371 : i32
      %convert_element_type3A_1373 = arith.extui %lt3A_1372 : i1 to i32
      %cond3A_1374 = arith.constant 0 : i32
      %cond3A_1375 = arith.cmpi ne, %convert_element_type3A_1373, %cond3A_1374 : i32
      scf.if %cond3A_1375 {
        %add3A_1584 = arith.constant 16 : i32
        %add3A_1585 = arith.addi %add3A_1327, %add3A_1584 : i32
        %mul3A_1586 = arith.constant 400 : i32
        %mul3A_1587 = arith.muli %add3A_1585, %mul3A_1586 : i32
        %dma_start3A_1588 = arith.constant 11 : i32
        %dma_start3A_1589 = arith.constant 11 : i32
        %dma_start3A_1590 = tpu.memref_slice %arg5[%dma_start3A_1589] : memref<16x!tpu.dma_semaphore, #tpu.memory_space<semaphore_mem>> -> memref<1x!tpu.dma_semaphore, #tpu.memory_space<semaphore_mem>>
        %dma_start3A_1591 = tpu.memref_squeeze %dma_start3A_1590 : memref<1x!tpu.dma_semaphore, #tpu.memory_space<semaphore_mem>> -> memref<!tpu.dma_semaphore, #tpu.memory_space<semaphore_mem>>
        %dma_start3A_1592 = arith.constant 0 : i32
        %dma_start3A_1593 = arith.constant 0 : i32
        %dma_start3A_1594 = tpu.memref_slice %arg4[%dma_start3A_1588, %dma_start3A_1592, %dma_start3A_1593] : memref<16x400x1024xf32, #tpu.memory_space<vmem>> -> memref<1x400x1024xf32, #tpu.memory_space<vmem>>
        %dma_start3A_1595 = tpu.memref_squeeze %dma_start3A_1594 : memref<1x400x1024xf32, #tpu.memory_space<vmem>> -> memref<400x1024xf32, #tpu.memory_space<vmem>>
        %dma_start3A_1596 = arith.constant 0 : i32
        %dma_start3A_1597 = tpu.memref_slice %arg2[%mul3A_1587, %dma_start3A_1596] : memref<100000x1024xf32, #tpu.memory_space<any>> -> memref<400x1024xf32, #tpu.memory_space<any>>
        tpu.enqueue_dma source(%dma_start3A_1597 : memref<400x1024xf32, #tpu.memory_space<any>>) target(%dma_start3A_1595 : memref<400x1024xf32, #tpu.memory_space<vmem>>) target_semaphore(%dma_start3A_1591 : memref<!tpu.dma_semaphore, #tpu.memory_space<semaphore_mem>>)
      } else {
      }
      %mul3A_1376 = arith.constant 16 : i32
      %mul3A_1377 = arith.muli %scan3A_753, %mul3A_1376 : i32
      %add3A_1378 = arith.constant 12 : i32
      %add3A_1379 = arith.addi %mul3A_1377, %add3A_1378 : i32
      %mul3A_1380 = arith.constant 400 : i32
      %mul3A_1381 = arith.muli %add3A_1379, %mul3A_1380 : i32
      %dma_wait3A_1382 = arith.constant 12 : i32
      %dma_wait3A_1383 = arith.constant 12 : i32
      %dma_wait3A_1384 = tpu.memref_slice %arg5[%dma_wait3A_1383] : memref<16x!tpu.dma_semaphore, #tpu.memory_space<semaphore_mem>> -> memref<1x!tpu.dma_semaphore, #tpu.memory_space<semaphore_mem>>
      %dma_wait3A_1385 = tpu.memref_squeeze %dma_wait3A_1384 : memref<1x!tpu.dma_semaphore, #tpu.memory_space<semaphore_mem>> -> memref<!tpu.dma_semaphore, #tpu.memory_space<semaphore_mem>>
      %dma_wait3A_1386 = arith.constant 0 : i32
      %dma_wait3A_1387 = arith.constant 0 : i32
      %dma_wait3A_1388 = tpu.memref_slice %arg4[%dma_wait3A_1382, %dma_wait3A_1386, %dma_wait3A_1387] : memref<16x400x1024xf32, #tpu.memory_space<vmem>> -> memref<1x400x1024xf32, #tpu.memory_space<vmem>>
      %dma_wait3A_1389 = tpu.memref_squeeze %dma_wait3A_1388 : memref<1x400x1024xf32, #tpu.memory_space<vmem>> -> memref<400x1024xf32, #tpu.memory_space<vmem>>
      %dma_wait3A_1390 = arith.constant 0 : i32
      %dma_wait3A_1391 = tpu.memref_slice %arg2[%mul3A_1381, %dma_wait3A_1390] : memref<100000x1024xf32, #tpu.memory_space<any>> -> memref<400x1024xf32, #tpu.memory_space<any>>
      tpu.wait_dma2 semaphore(%dma_wait3A_1385 : memref<!tpu.dma_semaphore, #tpu.memory_space<semaphore_mem>>) src(%dma_wait3A_1391 : memref<400x1024xf32, #tpu.memory_space<any>>) dst(%dma_wait3A_1389 : memref<400x1024xf32, #tpu.memory_space<vmem>>)
      %get3A_1392 = arith.constant 12 : index
      %get3A_1393 = arith.constant 0 : index
      %get3A_1394 = arith.constant 0 : index
      %get3A_1395 = vector.load %arg4[%get3A_1392, %get3A_1393, %get3A_1394] : memref<16x400x1024xf32, #tpu.memory_space<vmem>>, vector<1x400x1024xf32>
      %get3A_1396 = vector.shape_cast %get3A_1395 : vector<1x400x1024xf32> to vector<400x1024xf32>
      %get3A_1397 = arith.constant 0 : index
      %get3A_1398 = arith.constant 0 : index
      %get3A_1399 = vector.load %arg6[%get3A_1397, %get3A_1398] : memref<1x1024xf32, #tpu.memory_space<vmem>>, vector<1x1024xf32>
      %exp3A_1400 = math.exp %get3A_1396 : vector<400x1024xf32>
      %reduce_sum3A_1401 = arith.constant dense<0.000000e+00> : vector<1024xf32>
      %reduce_sum3A_1402 = vector.multi_reduction <add>, %exp3A_1400, %reduce_sum3A_1401 [0] : vector<400x1024xf32> to vector<1024xf32>
      %broadcast_in_dim3A_1403 = vector.shape_cast %reduce_sum3A_1402 : vector<1024xf32> to vector<1x1024xf32>
      %add3A_1404 = arith.addf %get3A_1399, %broadcast_in_dim3A_1403 : vector<1x1024xf32>
      %swap3A_1405 = arith.constant 0 : index
      %swap3A_1406 = arith.constant 0 : index
      %swap3A_1407 = vector.load %arg6[%swap3A_1405, %swap3A_1406] : memref<1x1024xf32, #tpu.memory_space<vmem>>, vector<1x1024xf32>
      tpu.vector_store %arg6[%swap3A_1405, %swap3A_1406], %add3A_1404 {strides = array<i32>} : memref<1x1024xf32, #tpu.memory_space<vmem>>, vector<1x1024xf32>,
      %get3A_1408 = arith.constant 0 : index
      %get3A_1409 = arith.constant 0 : index
      %get3A_1410 = vector.load %arg7[%get3A_1408, %get3A_1409] : memref<1x1024xf32, #tpu.memory_space<vmem>>, vector<1x1024xf32>
      %mul3A_1411 = vector.broadcast %div3A_301 : f32 to vector<400x1024xf32>
      %mul3A_1412 = arith.mulf %mul3A_1411, %get3A_1396 : vector<400x1024xf32>
      %exp3A_1413 = math.exp %mul3A_1412 : vector<400x1024xf32>
      %reduce_sum3A_1414 = arith.constant dense<0.000000e+00> : vector<1024xf32>
      %reduce_sum3A_1415 = vector.multi_reduction <add>, %exp3A_1413, %reduce_sum3A_1414 [0] : vector<400x1024xf32> to vector<1024xf32>
      %broadcast_in_dim3A_1416 = vector.shape_cast %reduce_sum3A_1415 : vector<1024xf32> to vector<1x1024xf32>
      %add3A_1417 = arith.addf %get3A_1410, %broadcast_in_dim3A_1416 : vector<1x1024xf32>
      %swap3A_1418 = arith.constant 0 : index
      %swap3A_1419 = arith.constant 0 : index
      %swap3A_1420 = vector.load %arg7[%swap3A_1418, %swap3A_1419] : memref<1x1024xf32, #tpu.memory_space<vmem>>, vector<1x1024xf32>
      tpu.vector_store %arg7[%swap3A_1418, %swap3A_1419], %add3A_1417 {strides = array<i32>} : memref<1x1024xf32, #tpu.memory_space<vmem>>, vector<1x1024xf32>,
      %add3A_1421 = arith.constant 16 : i32
      %add3A_1422 = arith.addi %add3A_1379, %add3A_1421 : i32
      %lt3A_1423 = arith.constant 250 : i32
      %lt3A_1424 = arith.cmpi slt, %add3A_1422, %lt3A_1423 : i32
      %convert_element_type3A_1425 = arith.extui %lt3A_1424 : i1 to i32
      %cond3A_1426 = arith.constant 0 : i32
      %cond3A_1427 = arith.cmpi ne, %convert_element_type3A_1425, %cond3A_1426 : i32
      scf.if %cond3A_1427 {
        %add3A_1584 = arith.constant 16 : i32
        %add3A_1585 = arith.addi %add3A_1379, %add3A_1584 : i32
        %mul3A_1586 = arith.constant 400 : i32
        %mul3A_1587 = arith.muli %add3A_1585, %mul3A_1586 : i32
        %dma_start3A_1588 = arith.constant 12 : i32
        %dma_start3A_1589 = arith.constant 12 : i32
        %dma_start3A_1590 = tpu.memref_slice %arg5[%dma_start3A_1589] : memref<16x!tpu.dma_semaphore, #tpu.memory_space<semaphore_mem>> -> memref<1x!tpu.dma_semaphore, #tpu.memory_space<semaphore_mem>>
        %dma_start3A_1591 = tpu.memref_squeeze %dma_start3A_1590 : memref<1x!tpu.dma_semaphore, #tpu.memory_space<semaphore_mem>> -> memref<!tpu.dma_semaphore, #tpu.memory_space<semaphore_mem>>
        %dma_start3A_1592 = arith.constant 0 : i32
        %dma_start3A_1593 = arith.constant 0 : i32
        %dma_start3A_1594 = tpu.memref_slice %arg4[%dma_start3A_1588, %dma_start3A_1592, %dma_start3A_1593] : memref<16x400x1024xf32, #tpu.memory_space<vmem>> -> memref<1x400x1024xf32, #tpu.memory_space<vmem>>
        %dma_start3A_1595 = tpu.memref_squeeze %dma_start3A_1594 : memref<1x400x1024xf32, #tpu.memory_space<vmem>> -> memref<400x1024xf32, #tpu.memory_space<vmem>>
        %dma_start3A_1596 = arith.constant 0 : i32
        %dma_start3A_1597 = tpu.memref_slice %arg2[%mul3A_1587, %dma_start3A_1596] : memref<100000x1024xf32, #tpu.memory_space<any>> -> memref<400x1024xf32, #tpu.memory_space<any>>
        tpu.enqueue_dma source(%dma_start3A_1597 : memref<400x1024xf32, #tpu.memory_space<any>>) target(%dma_start3A_1595 : memref<400x1024xf32, #tpu.memory_space<vmem>>) target_semaphore(%dma_start3A_1591 : memref<!tpu.dma_semaphore, #tpu.memory_space<semaphore_mem>>)
      } else {
      }
      %mul3A_1428 = arith.constant 16 : i32
      %mul3A_1429 = arith.muli %scan3A_753, %mul3A_1428 : i32
      %add3A_1430 = arith.constant 13 : i32
      %add3A_1431 = arith.addi %mul3A_1429, %add3A_1430 : i32
      %mul3A_1432 = arith.constant 400 : i32
      %mul3A_1433 = arith.muli %add3A_1431, %mul3A_1432 : i32
      %dma_wait3A_1434 = arith.constant 13 : i32
      %dma_wait3A_1435 = arith.constant 13 : i32
      %dma_wait3A_1436 = tpu.memref_slice %arg5[%dma_wait3A_1435] : memref<16x!tpu.dma_semaphore, #tpu.memory_space<semaphore_mem>> -> memref<1x!tpu.dma_semaphore, #tpu.memory_space<semaphore_mem>>
      %dma_wait3A_1437 = tpu.memref_squeeze %dma_wait3A_1436 : memref<1x!tpu.dma_semaphore, #tpu.memory_space<semaphore_mem>> -> memref<!tpu.dma_semaphore, #tpu.memory_space<semaphore_mem>>
      %dma_wait3A_1438 = arith.constant 0 : i32
      %dma_wait3A_1439 = arith.constant 0 : i32
      %dma_wait3A_1440 = tpu.memref_slice %arg4[%dma_wait3A_1434, %dma_wait3A_1438, %dma_wait3A_1439] : memref<16x400x1024xf32, #tpu.memory_space<vmem>> -> memref<1x400x1024xf32, #tpu.memory_space<vmem>>
      %dma_wait3A_1441 = tpu.memref_squeeze %dma_wait3A_1440 : memref<1x400x1024xf32, #tpu.memory_space<vmem>> -> memref<400x1024xf32, #tpu.memory_space<vmem>>
      %dma_wait3A_1442 = arith.constant 0 : i32
      %dma_wait3A_1443 = tpu.memref_slice %arg2[%mul3A_1433, %dma_wait3A_1442] : memref<100000x1024xf32, #tpu.memory_space<any>> -> memref<400x1024xf32, #tpu.memory_space<any>>
      tpu.wait_dma2 semaphore(%dma_wait3A_1437 : memref<!tpu.dma_semaphore, #tpu.memory_space<semaphore_mem>>) src(%dma_wait3A_1443 : memref<400x1024xf32, #tpu.memory_space<any>>) dst(%dma_wait3A_1441 : memref<400x1024xf32, #tpu.memory_space<vmem>>)
      %get3A_1444 = arith.constant 13 : index
      %get3A_1445 = arith.constant 0 : index
      %get3A_1446 = arith.constant 0 : index
      %get3A_1447 = vector.load %arg4[%get3A_1444, %get3A_1445, %get3A_1446] : memref<16x400x1024xf32, #tpu.memory_space<vmem>>, vector<1x400x1024xf32>
      %get3A_1448 = vector.shape_cast %get3A_1447 : vector<1x400x1024xf32> to vector<400x1024xf32>
      %get3A_1449 = arith.constant 0 : index
      %get3A_1450 = arith.constant 0 : index
      %get3A_1451 = vector.load %arg6[%get3A_1449, %get3A_1450] : memref<1x1024xf32, #tpu.memory_space<vmem>>, vector<1x1024xf32>
      %exp3A_1452 = math.exp %get3A_1448 : vector<400x1024xf32>
      %reduce_sum3A_1453 = arith.constant dense<0.000000e+00> : vector<1024xf32>
      %reduce_sum3A_1454 = vector.multi_reduction <add>, %exp3A_1452, %reduce_sum3A_1453 [0] : vector<400x1024xf32> to vector<1024xf32>
      %broadcast_in_dim3A_1455 = vector.shape_cast %reduce_sum3A_1454 : vector<1024xf32> to vector<1x1024xf32>
      %add3A_1456 = arith.addf %get3A_1451, %broadcast_in_dim3A_1455 : vector<1x1024xf32>
      %swap3A_1457 = arith.constant 0 : index
      %swap3A_1458 = arith.constant 0 : index
      %swap3A_1459 = vector.load %arg6[%swap3A_1457, %swap3A_1458] : memref<1x1024xf32, #tpu.memory_space<vmem>>, vector<1x1024xf32>
      tpu.vector_store %arg6[%swap3A_1457, %swap3A_1458], %add3A_1456 {strides = array<i32>} : memref<1x1024xf32, #tpu.memory_space<vmem>>, vector<1x1024xf32>,
      %get3A_1460 = arith.constant 0 : index
      %get3A_1461 = arith.constant 0 : index
      %get3A_1462 = vector.load %arg7[%get3A_1460, %get3A_1461] : memref<1x1024xf32, #tpu.memory_space<vmem>>, vector<1x1024xf32>
      %mul3A_1463 = vector.broadcast %div3A_301 : f32 to vector<400x1024xf32>
      %mul3A_1464 = arith.mulf %mul3A_1463, %get3A_1448 : vector<400x1024xf32>
      %exp3A_1465 = math.exp %mul3A_1464 : vector<400x1024xf32>
      %reduce_sum3A_1466 = arith.constant dense<0.000000e+00> : vector<1024xf32>
      %reduce_sum3A_1467 = vector.multi_reduction <add>, %exp3A_1465, %reduce_sum3A_1466 [0] : vector<400x1024xf32> to vector<1024xf32>
      %broadcast_in_dim3A_1468 = vector.shape_cast %reduce_sum3A_1467 : vector<1024xf32> to vector<1x1024xf32>
      %add3A_1469 = arith.addf %get3A_1462, %broadcast_in_dim3A_1468 : vector<1x1024xf32>
      %swap3A_1470 = arith.constant 0 : index
      %swap3A_1471 = arith.constant 0 : index
      %swap3A_1472 = vector.load %arg7[%swap3A_1470, %swap3A_1471] : memref<1x1024xf32, #tpu.memory_space<vmem>>, vector<1x1024xf32>
      tpu.vector_store %arg7[%swap3A_1470, %swap3A_1471], %add3A_1469 {strides = array<i32>} : memref<1x1024xf32, #tpu.memory_space<vmem>>, vector<1x1024xf32>,
      %add3A_1473 = arith.constant 16 : i32
      %add3A_1474 = arith.addi %add3A_1431, %add3A_1473 : i32
      %lt3A_1475 = arith.constant 250 : i32
      %lt3A_1476 = arith.cmpi slt, %add3A_1474, %lt3A_1475 : i32
      %convert_element_type3A_1477 = arith.extui %lt3A_1476 : i1 to i32
      %cond3A_1478 = arith.constant 0 : i32
      %cond3A_1479 = arith.cmpi ne, %convert_element_type3A_1477, %cond3A_1478 : i32
      scf.if %cond3A_1479 {
        %add3A_1584 = arith.constant 16 : i32
        %add3A_1585 = arith.addi %add3A_1431, %add3A_1584 : i32
        %mul3A_1586 = arith.constant 400 : i32
        %mul3A_1587 = arith.muli %add3A_1585, %mul3A_1586 : i32
        %dma_start3A_1588 = arith.constant 13 : i32
        %dma_start3A_1589 = arith.constant 13 : i32
        %dma_start3A_1590 = tpu.memref_slice %arg5[%dma_start3A_1589] : memref<16x!tpu.dma_semaphore, #tpu.memory_space<semaphore_mem>> -> memref<1x!tpu.dma_semaphore, #tpu.memory_space<semaphore_mem>>
        %dma_start3A_1591 = tpu.memref_squeeze %dma_start3A_1590 : memref<1x!tpu.dma_semaphore, #tpu.memory_space<semaphore_mem>> -> memref<!tpu.dma_semaphore, #tpu.memory_space<semaphore_mem>>
        %dma_start3A_1592 = arith.constant 0 : i32
        %dma_start3A_1593 = arith.constant 0 : i32
        %dma_start3A_1594 = tpu.memref_slice %arg4[%dma_start3A_1588, %dma_start3A_1592, %dma_start3A_1593] : memref<16x400x1024xf32, #tpu.memory_space<vmem>> -> memref<1x400x1024xf32, #tpu.memory_space<vmem>>
        %dma_start3A_1595 = tpu.memref_squeeze %dma_start3A_1594 : memref<1x400x1024xf32, #tpu.memory_space<vmem>> -> memref<400x1024xf32, #tpu.memory_space<vmem>>
        %dma_start3A_1596 = arith.constant 0 : i32
        %dma_start3A_1597 = tpu.memref_slice %arg2[%mul3A_1587, %dma_start3A_1596] : memref<100000x1024xf32, #tpu.memory_space<any>> -> memref<400x1024xf32, #tpu.memory_space<any>>
        tpu.enqueue_dma source(%dma_start3A_1597 : memref<400x1024xf32, #tpu.memory_space<any>>) target(%dma_start3A_1595 : memref<400x1024xf32, #tpu.memory_space<vmem>>) target_semaphore(%dma_start3A_1591 : memref<!tpu.dma_semaphore, #tpu.memory_space<semaphore_mem>>)
      } else {
      }
      %mul3A_1480 = arith.constant 16 : i32
      %mul3A_1481 = arith.muli %scan3A_753, %mul3A_1480 : i32
      %add3A_1482 = arith.constant 14 : i32
      %add3A_1483 = arith.addi %mul3A_1481, %add3A_1482 : i32
      %mul3A_1484 = arith.constant 400 : i32
      %mul3A_1485 = arith.muli %add3A_1483, %mul3A_1484 : i32
      %dma_wait3A_1486 = arith.constant 14 : i32
      %dma_wait3A_1487 = arith.constant 14 : i32
      %dma_wait3A_1488 = tpu.memref_slice %arg5[%dma_wait3A_1487] : memref<16x!tpu.dma_semaphore, #tpu.memory_space<semaphore_mem>> -> memref<1x!tpu.dma_semaphore, #tpu.memory_space<semaphore_mem>>
      %dma_wait3A_1489 = tpu.memref_squeeze %dma_wait3A_1488 : memref<1x!tpu.dma_semaphore, #tpu.memory_space<semaphore_mem>> -> memref<!tpu.dma_semaphore, #tpu.memory_space<semaphore_mem>>
      %dma_wait3A_1490 = arith.constant 0 : i32
      %dma_wait3A_1491 = arith.constant 0 : i32
      %dma_wait3A_1492 = tpu.memref_slice %arg4[%dma_wait3A_1486, %dma_wait3A_1490, %dma_wait3A_1491] : memref<16x400x1024xf32, #tpu.memory_space<vmem>> -> memref<1x400x1024xf32, #tpu.memory_space<vmem>>
      %dma_wait3A_1493 = tpu.memref_squeeze %dma_wait3A_1492 : memref<1x400x1024xf32, #tpu.memory_space<vmem>> -> memref<400x1024xf32, #tpu.memory_space<vmem>>
      %dma_wait3A_1494 = arith.constant 0 : i32
      %dma_wait3A_1495 = tpu.memref_slice %arg2[%mul3A_1485, %dma_wait3A_1494] : memref<100000x1024xf32, #tpu.memory_space<any>> -> memref<400x1024xf32, #tpu.memory_space<any>>
      tpu.wait_dma2 semaphore(%dma_wait3A_1489 : memref<!tpu.dma_semaphore, #tpu.memory_space<semaphore_mem>>) src(%dma_wait3A_1495 : memref<400x1024xf32, #tpu.memory_space<any>>) dst(%dma_wait3A_1493 : memref<400x1024xf32, #tpu.memory_space<vmem>>)
      %get3A_1496 = arith.constant 14 : index
      %get3A_1497 = arith.constant 0 : index
      %get3A_1498 = arith.constant 0 : index
      %get3A_1499 = vector.load %arg4[%get3A_1496, %get3A_1497, %get3A_1498] : memref<16x400x1024xf32, #tpu.memory_space<vmem>>, vector<1x400x1024xf32>
      %get3A_1500 = vector.shape_cast %get3A_1499 : vector<1x400x1024xf32> to vector<400x1024xf32>
      %get3A_1501 = arith.constant 0 : index
      %get3A_1502 = arith.constant 0 : index
      %get3A_1503 = vector.load %arg6[%get3A_1501, %get3A_1502] : memref<1x1024xf32, #tpu.memory_space<vmem>>, vector<1x1024xf32>
      %exp3A_1504 = math.exp %get3A_1500 : vector<400x1024xf32>
      %reduce_sum3A_1505 = arith.constant dense<0.000000e+00> : vector<1024xf32>
      %reduce_sum3A_1506 = vector.multi_reduction <add>, %exp3A_1504, %reduce_sum3A_1505 [0] : vector<400x1024xf32> to vector<1024xf32>
      %broadcast_in_dim3A_1507 = vector.shape_cast %reduce_sum3A_1506 : vector<1024xf32> to vector<1x1024xf32>
      %add3A_1508 = arith.addf %get3A_1503, %broadcast_in_dim3A_1507 : vector<1x1024xf32>
      %swap3A_1509 = arith.constant 0 : index
      %swap3A_1510 = arith.constant 0 : index
      %swap3A_1511 = vector.load %arg6[%swap3A_1509, %swap3A_1510] : memref<1x1024xf32, #tpu.memory_space<vmem>>, vector<1x1024xf32>
      tpu.vector_store %arg6[%swap3A_1509, %swap3A_1510], %add3A_1508 {strides = array<i32>} : memref<1x1024xf32, #tpu.memory_space<vmem>>, vector<1x1024xf32>,
      %get3A_1512 = arith.constant 0 : index
      %get3A_1513 = arith.constant 0 : index
      %get3A_1514 = vector.load %arg7[%get3A_1512, %get3A_1513] : memref<1x1024xf32, #tpu.memory_space<vmem>>, vector<1x1024xf32>
      %mul3A_1515 = vector.broadcast %div3A_301 : f32 to vector<400x1024xf32>
      %mul3A_1516 = arith.mulf %mul3A_1515, %get3A_1500 : vector<400x1024xf32>
      %exp3A_1517 = math.exp %mul3A_1516 : vector<400x1024xf32>
      %reduce_sum3A_1518 = arith.constant dense<0.000000e+00> : vector<1024xf32>
      %reduce_sum3A_1519 = vector.multi_reduction <add>, %exp3A_1517, %reduce_sum3A_1518 [0] : vector<400x1024xf32> to vector<1024xf32>
      %broadcast_in_dim3A_1520 = vector.shape_cast %reduce_sum3A_1519 : vector<1024xf32> to vector<1x1024xf32>
      %add3A_1521 = arith.addf %get3A_1514, %broadcast_in_dim3A_1520 : vector<1x1024xf32>
      %swap3A_1522 = arith.constant 0 : index
      %swap3A_1523 = arith.constant 0 : index
      %swap3A_1524 = vector.load %arg7[%swap3A_1522, %swap3A_1523] : memref<1x1024xf32, #tpu.memory_space<vmem>>, vector<1x1024xf32>
      tpu.vector_store %arg7[%swap3A_1522, %swap3A_1523], %add3A_1521 {strides = array<i32>} : memref<1x1024xf32, #tpu.memory_space<vmem>>, vector<1x1024xf32>,
      %add3A_1525 = arith.constant 16 : i32
      %add3A_1526 = arith.addi %add3A_1483, %add3A_1525 : i32
      %lt3A_1527 = arith.constant 250 : i32
      %lt3A_1528 = arith.cmpi slt, %add3A_1526, %lt3A_1527 : i32
      %convert_element_type3A_1529 = arith.extui %lt3A_1528 : i1 to i32
      %cond3A_1530 = arith.constant 0 : i32
      %cond3A_1531 = arith.cmpi ne, %convert_element_type3A_1529, %cond3A_1530 : i32
      scf.if %cond3A_1531 {
        %add3A_1584 = arith.constant 16 : i32
        %add3A_1585 = arith.addi %add3A_1483, %add3A_1584 : i32
        %mul3A_1586 = arith.constant 400 : i32
        %mul3A_1587 = arith.muli %add3A_1585, %mul3A_1586 : i32
        %dma_start3A_1588 = arith.constant 14 : i32
        %dma_start3A_1589 = arith.constant 14 : i32
        %dma_start3A_1590 = tpu.memref_slice %arg5[%dma_start3A_1589] : memref<16x!tpu.dma_semaphore, #tpu.memory_space<semaphore_mem>> -> memref<1x!tpu.dma_semaphore, #tpu.memory_space<semaphore_mem>>
        %dma_start3A_1591 = tpu.memref_squeeze %dma_start3A_1590 : memref<1x!tpu.dma_semaphore, #tpu.memory_space<semaphore_mem>> -> memref<!tpu.dma_semaphore, #tpu.memory_space<semaphore_mem>>
        %dma_start3A_1592 = arith.constant 0 : i32
        %dma_start3A_1593 = arith.constant 0 : i32
        %dma_start3A_1594 = tpu.memref_slice %arg4[%dma_start3A_1588, %dma_start3A_1592, %dma_start3A_1593] : memref<16x400x1024xf32, #tpu.memory_space<vmem>> -> memref<1x400x1024xf32, #tpu.memory_space<vmem>>
        %dma_start3A_1595 = tpu.memref_squeeze %dma_start3A_1594 : memref<1x400x1024xf32, #tpu.memory_space<vmem>> -> memref<400x1024xf32, #tpu.memory_space<vmem>>
        %dma_start3A_1596 = arith.constant 0 : i32
        %dma_start3A_1597 = tpu.memref_slice %arg2[%mul3A_1587, %dma_start3A_1596] : memref<100000x1024xf32, #tpu.memory_space<any>> -> memref<400x1024xf32, #tpu.memory_space<any>>
        tpu.enqueue_dma source(%dma_start3A_1597 : memref<400x1024xf32, #tpu.memory_space<any>>) target(%dma_start3A_1595 : memref<400x1024xf32, #tpu.memory_space<vmem>>) target_semaphore(%dma_start3A_1591 : memref<!tpu.dma_semaphore, #tpu.memory_space<semaphore_mem>>)
      } else {
      }
      %mul3A_1532 = arith.constant 16 : i32
      %mul3A_1533 = arith.muli %scan3A_753, %mul3A_1532 : i32
      %add3A_1534 = arith.constant 15 : i32
      %add3A_1535 = arith.addi %mul3A_1533, %add3A_1534 : i32
      %mul3A_1536 = arith.constant 400 : i32
      %mul3A_1537 = arith.muli %add3A_1535, %mul3A_1536 : i32
      %dma_wait3A_1538 = arith.constant 15 : i32
      %dma_wait3A_1539 = arith.constant 15 : i32
      %dma_wait3A_1540 = tpu.memref_slice %arg5[%dma_wait3A_1539] : memref<16x!tpu.dma_semaphore, #tpu.memory_space<semaphore_mem>> -> memref<1x!tpu.dma_semaphore, #tpu.memory_space<semaphore_mem>>
      %dma_wait3A_1541 = tpu.memref_squeeze %dma_wait3A_1540 : memref<1x!tpu.dma_semaphore, #tpu.memory_space<semaphore_mem>> -> memref<!tpu.dma_semaphore, #tpu.memory_space<semaphore_mem>>
      %dma_wait3A_1542 = arith.constant 0 : i32
      %dma_wait3A_1543 = arith.constant 0 : i32
      %dma_wait3A_1544 = tpu.memref_slice %arg4[%dma_wait3A_1538, %dma_wait3A_1542, %dma_wait3A_1543] : memref<16x400x1024xf32, #tpu.memory_space<vmem>> -> memref<1x400x1024xf32, #tpu.memory_space<vmem>>
      %dma_wait3A_1545 = tpu.memref_squeeze %dma_wait3A_1544 : memref<1x400x1024xf32, #tpu.memory_space<vmem>> -> memref<400x1024xf32, #tpu.memory_space<vmem>>
      %dma_wait3A_1546 = arith.constant 0 : i32
      %dma_wait3A_1547 = tpu.memref_slice %arg2[%mul3A_1537, %dma_wait3A_1546] : memref<100000x1024xf32, #tpu.memory_space<any>> -> memref<400x1024xf32, #tpu.memory_space<any>>
      tpu.wait_dma2 semaphore(%dma_wait3A_1541 : memref<!tpu.dma_semaphore, #tpu.memory_space<semaphore_mem>>) src(%dma_wait3A_1547 : memref<400x1024xf32, #tpu.memory_space<any>>) dst(%dma_wait3A_1545 : memref<400x1024xf32, #tpu.memory_space<vmem>>)
      %get3A_1548 = arith.constant 15 : index
      %get3A_1549 = arith.constant 0 : index
      %get3A_1550 = arith.constant 0 : index
      %get3A_1551 = vector.load %arg4[%get3A_1548, %get3A_1549, %get3A_1550] : memref<16x400x1024xf32, #tpu.memory_space<vmem>>, vector<1x400x1024xf32>
      %get3A_1552 = vector.shape_cast %get3A_1551 : vector<1x400x1024xf32> to vector<400x1024xf32>
      %get3A_1553 = arith.constant 0 : index
      %get3A_1554 = arith.constant 0 : index
      %get3A_1555 = vector.load %arg6[%get3A_1553, %get3A_1554] : memref<1x1024xf32, #tpu.memory_space<vmem>>, vector<1x1024xf32>
      %exp3A_1556 = math.exp %get3A_1552 : vector<400x1024xf32>
      %reduce_sum3A_1557 = arith.constant dense<0.000000e+00> : vector<1024xf32>
      %reduce_sum3A_1558 = vector.multi_reduction <add>, %exp3A_1556, %reduce_sum3A_1557 [0] : vector<400x1024xf32> to vector<1024xf32>
      %broadcast_in_dim3A_1559 = vector.shape_cast %reduce_sum3A_1558 : vector<1024xf32> to vector<1x1024xf32>
      %add3A_1560 = arith.addf %get3A_1555, %broadcast_in_dim3A_1559 : vector<1x1024xf32>
      %swap3A_1561 = arith.constant 0 : index
      %swap3A_1562 = arith.constant 0 : index
      %swap3A_1563 = vector.load %arg6[%swap3A_1561, %swap3A_1562] : memref<1x1024xf32, #tpu.memory_space<vmem>>, vector<1x1024xf32>
      tpu.vector_store %arg6[%swap3A_1561, %swap3A_1562], %add3A_1560 {strides = array<i32>} : memref<1x1024xf32, #tpu.memory_space<vmem>>, vector<1x1024xf32>,
      %get3A_1564 = arith.constant 0 : index
      %get3A_1565 = arith.constant 0 : index
      %get3A_1566 = vector.load %arg7[%get3A_1564, %get3A_1565] : memref<1x1024xf32, #tpu.memory_space<vmem>>, vector<1x1024xf32>
      %mul3A_1567 = vector.broadcast %div3A_301 : f32 to vector<400x1024xf32>
      %mul3A_1568 = arith.mulf %mul3A_1567, %get3A_1552 : vector<400x1024xf32>
      %exp3A_1569 = math.exp %mul3A_1568 : vector<400x1024xf32>
      %reduce_sum3A_1570 = arith.constant dense<0.000000e+00> : vector<1024xf32>
      %reduce_sum3A_1571 = vector.multi_reduction <add>, %exp3A_1569, %reduce_sum3A_1570 [0] : vector<400x1024xf32> to vector<1024xf32>
      %broadcast_in_dim3A_1572 = vector.shape_cast %reduce_sum3A_1571 : vector<1024xf32> to vector<1x1024xf32>
      %add3A_1573 = arith.addf %get3A_1566, %broadcast_in_dim3A_1572 : vector<1x1024xf32>
      %swap3A_1574 = arith.constant 0 : index
      %swap3A_1575 = arith.constant 0 : index
      %swap3A_1576 = vector.load %arg7[%swap3A_1574, %swap3A_1575] : memref<1x1024xf32, #tpu.memory_space<vmem>>, vector<1x1024xf32>
      tpu.vector_store %arg7[%swap3A_1574, %swap3A_1575], %add3A_1573 {strides = array<i32>} : memref<1x1024xf32, #tpu.memory_space<vmem>>, vector<1x1024xf32>,
      %add3A_1577 = arith.constant 16 : i32
      %add3A_1578 = arith.addi %add3A_1535, %add3A_1577 : i32
      %lt3A_1579 = arith.constant 250 : i32
      %lt3A_1580 = arith.cmpi slt, %add3A_1578, %lt3A_1579 : i32
      %convert_element_type3A_1581 = arith.extui %lt3A_1580 : i1 to i32
      %cond3A_1582 = arith.constant 0 : i32
      %cond3A_1583 = arith.cmpi ne, %convert_element_type3A_1581, %cond3A_1582 : i32
      scf.if %cond3A_1583 {
        %add3A_1584 = arith.constant 16 : i32
        %add3A_1585 = arith.addi %add3A_1535, %add3A_1584 : i32
        %mul3A_1586 = arith.constant 400 : i32
        %mul3A_1587 = arith.muli %add3A_1585, %mul3A_1586 : i32
        %dma_start3A_1588 = arith.constant 15 : i32
        %dma_start3A_1589 = arith.constant 15 : i32
        %dma_start3A_1590 = tpu.memref_slice %arg5[%dma_start3A_1589] : memref<16x!tpu.dma_semaphore, #tpu.memory_space<semaphore_mem>> -> memref<1x!tpu.dma_semaphore, #tpu.memory_space<semaphore_mem>>
        %dma_start3A_1591 = tpu.memref_squeeze %dma_start3A_1590 : memref<1x!tpu.dma_semaphore, #tpu.memory_space<semaphore_mem>> -> memref<!tpu.dma_semaphore, #tpu.memory_space<semaphore_mem>>
        %dma_start3A_1592 = arith.constant 0 : i32
        %dma_start3A_1593 = arith.constant 0 : i32
        %dma_start3A_1594 = tpu.memref_slice %arg4[%dma_start3A_1588, %dma_start3A_1592, %dma_start3A_1593] : memref<16x400x1024xf32, #tpu.memory_space<vmem>> -> memref<1x400x1024xf32, #tpu.memory_space<vmem>>
        %dma_start3A_1595 = tpu.memref_squeeze %dma_start3A_1594 : memref<1x400x1024xf32, #tpu.memory_space<vmem>> -> memref<400x1024xf32, #tpu.memory_space<vmem>>
        %dma_start3A_1596 = arith.constant 0 : i32
        %dma_start3A_1597 = tpu.memref_slice %arg2[%mul3A_1587, %dma_start3A_1596] : memref<100000x1024xf32, #tpu.memory_space<any>> -> memref<400x1024xf32, #tpu.memory_space<any>>
        tpu.enqueue_dma source(%dma_start3A_1597 : memref<400x1024xf32, #tpu.memory_space<any>>) target(%dma_start3A_1595 : memref<400x1024xf32, #tpu.memory_space<vmem>>) target_semaphore(%dma_start3A_1591 : memref<!tpu.dma_semaphore, #tpu.memory_space<semaphore_mem>>)
      } else {
      }
    }
    %scan3A_306 = arith.constant 15 : i32
    %dma_wait3A = arith.constant 0 : i32
    %dma_wait3A_307 = arith.constant 0 : i32
    %dma_wait3A_308 = tpu.memref_slice %arg5[%dma_wait3A_307] : memref<16x!tpu.dma_semaphore, #tpu.memory_space<semaphore_mem>> -> memref<1x!tpu.dma_semaphore, #tpu.memory_space<semaphore_mem>>
    %dma_wait3A_309 = tpu.memref_squeeze %dma_wait3A_308 : memref<1x!tpu.dma_semaphore, #tpu.memory_space<semaphore_mem>> -> memref<!tpu.dma_semaphore, #tpu.memory_space<semaphore_mem>>
    %dma_wait3A_310 = arith.constant 0 : i32
    %dma_wait3A_311 = arith.constant 0 : i32
    %dma_wait3A_312 = tpu.memref_slice %arg4[%dma_wait3A, %dma_wait3A_310, %dma_wait3A_311] : memref<16x400x1024xf32, #tpu.memory_space<vmem>> -> memref<1x400x1024xf32, #tpu.memory_space<vmem>>
    %dma_wait3A_313 = tpu.memref_squeeze %dma_wait3A_312 : memref<1x400x1024xf32, #tpu.memory_space<vmem>> -> memref<400x1024xf32, #tpu.memory_space<vmem>>
    %dma_wait3A_314 = arith.constant 96000 : i32
    %dma_wait3A_315 = arith.constant 0 : i32
    %dma_wait3A_316 = tpu.memref_slice %arg2[%dma_wait3A_314, %dma_wait3A_315] : memref<100000x1024xf32, #tpu.memory_space<any>> -> memref<400x1024xf32, #tpu.memory_space<any>>
    tpu.wait_dma2 semaphore(%dma_wait3A_309 : memref<!tpu.dma_semaphore, #tpu.memory_space<semaphore_mem>>) src(%dma_wait3A_316 : memref<400x1024xf32, #tpu.memory_space<any>>) dst(%dma_wait3A_313 : memref<400x1024xf32, #tpu.memory_space<vmem>>)
    %get3A_317 = arith.constant 0 : index
    %get3A_318 = arith.constant 0 : index
    %get3A_319 = arith.constant 0 : index
    %get3A_320 = vector.load %arg4[%get3A_317, %get3A_318, %get3A_319] : memref<16x400x1024xf32, #tpu.memory_space<vmem>>, vector<1x400x1024xf32>
    %get3A_321 = vector.shape_cast %get3A_320 : vector<1x400x1024xf32> to vector<400x1024xf32>
    %get3A_322 = arith.constant 0 : index
    %get3A_323 = arith.constant 0 : index
    %get3A_324 = vector.load %arg6[%get3A_322, %get3A_323] : memref<1x1024xf32, #tpu.memory_space<vmem>>, vector<1x1024xf32>
    %exp3A_325 = math.exp %get3A_321 : vector<400x1024xf32>
    %reduce_sum3A_326 = arith.constant dense<0.000000e+00> : vector<1024xf32>
    %reduce_sum3A_327 = vector.multi_reduction <add>, %exp3A_325, %reduce_sum3A_326 [0] : vector<400x1024xf32> to vector<1024xf32>
    %broadcast_in_dim3A_328 = vector.shape_cast %reduce_sum3A_327 : vector<1024xf32> to vector<1x1024xf32>
    %add3A_329 = arith.addf %get3A_324, %broadcast_in_dim3A_328 : vector<1x1024xf32>
    %swap3A_330 = arith.constant 0 : index
    %swap3A_331 = arith.constant 0 : index
    %swap3A_332 = vector.load %arg6[%swap3A_330, %swap3A_331] : memref<1x1024xf32, #tpu.memory_space<vmem>>, vector<1x1024xf32>
    tpu.vector_store %arg6[%swap3A_330, %swap3A_331], %add3A_329 {strides = array<i32>} : memref<1x1024xf32, #tpu.memory_space<vmem>>, vector<1x1024xf32>,
    %get3A_333 = arith.constant 0 : index
    %get3A_334 = arith.constant 0 : index
    %get3A_335 = vector.load %arg7[%get3A_333, %get3A_334] : memref<1x1024xf32, #tpu.memory_space<vmem>>, vector<1x1024xf32>
    %mul3A_336 = vector.broadcast %div3A_301 : f32 to vector<400x1024xf32>
    %mul3A_337 = arith.mulf %mul3A_336, %get3A_321 : vector<400x1024xf32>
    %exp3A_338 = math.exp %mul3A_337 : vector<400x1024xf32>
    %reduce_sum3A_339 = arith.constant dense<0.000000e+00> : vector<1024xf32>
    %reduce_sum3A_340 = vector.multi_reduction <add>, %exp3A_338, %reduce_sum3A_339 [0] : vector<400x1024xf32> to vector<1024xf32>
    %broadcast_in_dim3A_341 = vector.shape_cast %reduce_sum3A_340 : vector<1024xf32> to vector<1x1024xf32>
    %add3A_342 = arith.addf %get3A_335, %broadcast_in_dim3A_341 : vector<1x1024xf32>
    %swap3A_343 = arith.constant 0 : index
    %swap3A_344 = arith.constant 0 : index
    %swap3A_345 = vector.load %arg7[%swap3A_343, %swap3A_344] : memref<1x1024xf32, #tpu.memory_space<vmem>>, vector<1x1024xf32>
    tpu.vector_store %arg7[%swap3A_343, %swap3A_344], %add3A_342 {strides = array<i32>} : memref<1x1024xf32, #tpu.memory_space<vmem>>, vector<1x1024xf32>,
    %dma_wait3A_346 = arith.constant 1 : i32
    %dma_wait3A_347 = arith.constant 1 : i32
    %dma_wait3A_348 = tpu.memref_slice %arg5[%dma_wait3A_347] : memref<16x!tpu.dma_semaphore, #tpu.memory_space<semaphore_mem>> -> memref<1x!tpu.dma_semaphore, #tpu.memory_space<semaphore_mem>>
    %dma_wait3A_349 = tpu.memref_squeeze %dma_wait3A_348 : memref<1x!tpu.dma_semaphore, #tpu.memory_space<semaphore_mem>> -> memref<!tpu.dma_semaphore, #tpu.memory_space<semaphore_mem>>
    %dma_wait3A_350 = arith.constant 0 : i32
    %dma_wait3A_351 = arith.constant 0 : i32
    %dma_wait3A_352 = tpu.memref_slice %arg4[%dma_wait3A_346, %dma_wait3A_350, %dma_wait3A_351] : memref<16x400x1024xf32, #tpu.memory_space<vmem>> -> memref<1x400x1024xf32, #tpu.memory_space<vmem>>
    %dma_wait3A_353 = tpu.memref_squeeze %dma_wait3A_352 : memref<1x400x1024xf32, #tpu.memory_space<vmem>> -> memref<400x1024xf32, #tpu.memory_space<vmem>>
    %dma_wait3A_354 = arith.constant 96400 : i32
    %dma_wait3A_355 = arith.constant 0 : i32
    %dma_wait3A_356 = tpu.memref_slice %arg2[%dma_wait3A_354, %dma_wait3A_355] : memref<100000x1024xf32, #tpu.memory_space<any>> -> memref<400x1024xf32, #tpu.memory_space<any>>
    tpu.wait_dma2 semaphore(%dma_wait3A_349 : memref<!tpu.dma_semaphore, #tpu.memory_space<semaphore_mem>>) src(%dma_wait3A_356 : memref<400x1024xf32, #tpu.memory_space<any>>) dst(%dma_wait3A_353 : memref<400x1024xf32, #tpu.memory_space<vmem>>)
    %get3A_357 = arith.constant 1 : index
    %get3A_358 = arith.constant 0 : index
    %get3A_359 = arith.constant 0 : index
    %get3A_360 = vector.load %arg4[%get3A_357, %get3A_358, %get3A_359] : memref<16x400x1024xf32, #tpu.memory_space<vmem>>, vector<1x400x1024xf32>
    %get3A_361 = vector.shape_cast %get3A_360 : vector<1x400x1024xf32> to vector<400x1024xf32>
    %get3A_362 = arith.constant 0 : index
    %get3A_363 = arith.constant 0 : index
    %get3A_364 = vector.load %arg6[%get3A_362, %get3A_363] : memref<1x1024xf32, #tpu.memory_space<vmem>>, vector<1x1024xf32>
    %exp3A_365 = math.exp %get3A_361 : vector<400x1024xf32>
    %reduce_sum3A_366 = arith.constant dense<0.000000e+00> : vector<1024xf32>
    %reduce_sum3A_367 = vector.multi_reduction <add>, %exp3A_365, %reduce_sum3A_366 [0] : vector<400x1024xf32> to vector<1024xf32>
    %broadcast_in_dim3A_368 = vector.shape_cast %reduce_sum3A_367 : vector<1024xf32> to vector<1x1024xf32>
    %add3A_369 = arith.addf %get3A_364, %broadcast_in_dim3A_368 : vector<1x1024xf32>
    %swap3A_370 = arith.constant 0 : index
    %swap3A_371 = arith.constant 0 : index
    %swap3A_372 = vector.load %arg6[%swap3A_370, %swap3A_371] : memref<1x1024xf32, #tpu.memory_space<vmem>>, vector<1x1024xf32>
    tpu.vector_store %arg6[%swap3A_370, %swap3A_371], %add3A_369 {strides = array<i32>} : memref<1x1024xf32, #tpu.memory_space<vmem>>, vector<1x1024xf32>,
    %get3A_373 = arith.constant 0 : index
    %get3A_374 = arith.constant 0 : index
    %get3A_375 = vector.load %arg7[%get3A_373, %get3A_374] : memref<1x1024xf32, #tpu.memory_space<vmem>>, vector<1x1024xf32>
    %mul3A_376 = vector.broadcast %div3A_301 : f32 to vector<400x1024xf32>
    %mul3A_377 = arith.mulf %mul3A_376, %get3A_361 : vector<400x1024xf32>
    %exp3A_378 = math.exp %mul3A_377 : vector<400x1024xf32>
    %reduce_sum3A_379 = arith.constant dense<0.000000e+00> : vector<1024xf32>
    %reduce_sum3A_380 = vector.multi_reduction <add>, %exp3A_378, %reduce_sum3A_379 [0] : vector<400x1024xf32> to vector<1024xf32>
    %broadcast_in_dim3A_381 = vector.shape_cast %reduce_sum3A_380 : vector<1024xf32> to vector<1x1024xf32>
    %add3A_382 = arith.addf %get3A_375, %broadcast_in_dim3A_381 : vector<1x1024xf32>
    %swap3A_383 = arith.constant 0 : index
    %swap3A_384 = arith.constant 0 : index
    %swap3A_385 = vector.load %arg7[%swap3A_383, %swap3A_384] : memref<1x1024xf32, #tpu.memory_space<vmem>>, vector<1x1024xf32>
    tpu.vector_store %arg7[%swap3A_383, %swap3A_384], %add3A_382 {strides = array<i32>} : memref<1x1024xf32, #tpu.memory_space<vmem>>, vector<1x1024xf32>,
    %dma_wait3A_386 = arith.constant 2 : i32
    %dma_wait3A_387 = arith.constant 2 : i32
    %dma_wait3A_388 = tpu.memref_slice %arg5[%dma_wait3A_387] : memref<16x!tpu.dma_semaphore, #tpu.memory_space<semaphore_mem>> -> memref<1x!tpu.dma_semaphore, #tpu.memory_space<semaphore_mem>>
    %dma_wait3A_389 = tpu.memref_squeeze %dma_wait3A_388 : memref<1x!tpu.dma_semaphore, #tpu.memory_space<semaphore_mem>> -> memref<!tpu.dma_semaphore, #tpu.memory_space<semaphore_mem>>
    %dma_wait3A_390 = arith.constant 0 : i32
    %dma_wait3A_391 = arith.constant 0 : i32
    %dma_wait3A_392 = tpu.memref_slice %arg4[%dma_wait3A_386, %dma_wait3A_390, %dma_wait3A_391] : memref<16x400x1024xf32, #tpu.memory_space<vmem>> -> memref<1x400x1024xf32, #tpu.memory_space<vmem>>
    %dma_wait3A_393 = tpu.memref_squeeze %dma_wait3A_392 : memref<1x400x1024xf32, #tpu.memory_space<vmem>> -> memref<400x1024xf32, #tpu.memory_space<vmem>>
    %dma_wait3A_394 = arith.constant 96800 : i32
    %dma_wait3A_395 = arith.constant 0 : i32
    %dma_wait3A_396 = tpu.memref_slice %arg2[%dma_wait3A_394, %dma_wait3A_395] : memref<100000x1024xf32, #tpu.memory_space<any>> -> memref<400x1024xf32, #tpu.memory_space<any>>
    tpu.wait_dma2 semaphore(%dma_wait3A_389 : memref<!tpu.dma_semaphore, #tpu.memory_space<semaphore_mem>>) src(%dma_wait3A_396 : memref<400x1024xf32, #tpu.memory_space<any>>) dst(%dma_wait3A_393 : memref<400x1024xf32, #tpu.memory_space<vmem>>)
    %get3A_397 = arith.constant 2 : index
    %get3A_398 = arith.constant 0 : index
    %get3A_399 = arith.constant 0 : index
    %get3A_400 = vector.load %arg4[%get3A_397, %get3A_398, %get3A_399] : memref<16x400x1024xf32, #tpu.memory_space<vmem>>, vector<1x400x1024xf32>
    %get3A_401 = vector.shape_cast %get3A_400 : vector<1x400x1024xf32> to vector<400x1024xf32>
    %get3A_402 = arith.constant 0 : index
    %get3A_403 = arith.constant 0 : index
    %get3A_404 = vector.load %arg6[%get3A_402, %get3A_403] : memref<1x1024xf32, #tpu.memory_space<vmem>>, vector<1x1024xf32>
    %exp3A_405 = math.exp %get3A_401 : vector<400x1024xf32>
    %reduce_sum3A_406 = arith.constant dense<0.000000e+00> : vector<1024xf32>
    %reduce_sum3A_407 = vector.multi_reduction <add>, %exp3A_405, %reduce_sum3A_406 [0] : vector<400x1024xf32> to vector<1024xf32>
    %broadcast_in_dim3A_408 = vector.shape_cast %reduce_sum3A_407 : vector<1024xf32> to vector<1x1024xf32>
    %add3A_409 = arith.addf %get3A_404, %broadcast_in_dim3A_408 : vector<1x1024xf32>
    %swap3A_410 = arith.constant 0 : index
    %swap3A_411 = arith.constant 0 : index
    %swap3A_412 = vector.load %arg6[%swap3A_410, %swap3A_411] : memref<1x1024xf32, #tpu.memory_space<vmem>>, vector<1x1024xf32>
    tpu.vector_store %arg6[%swap3A_410, %swap3A_411], %add3A_409 {strides = array<i32>} : memref<1x1024xf32, #tpu.memory_space<vmem>>, vector<1x1024xf32>,
    %get3A_413 = arith.constant 0 : index
    %get3A_414 = arith.constant 0 : index
    %get3A_415 = vector.load %arg7[%get3A_413, %get3A_414] : memref<1x1024xf32, #tpu.memory_space<vmem>>, vector<1x1024xf32>
    %mul3A_416 = vector.broadcast %div3A_301 : f32 to vector<400x1024xf32>
    %mul3A_417 = arith.mulf %mul3A_416, %get3A_401 : vector<400x1024xf32>
    %exp3A_418 = math.exp %mul3A_417 : vector<400x1024xf32>
    %reduce_sum3A_419 = arith.constant dense<0.000000e+00> : vector<1024xf32>
    %reduce_sum3A_420 = vector.multi_reduction <add>, %exp3A_418, %reduce_sum3A_419 [0] : vector<400x1024xf32> to vector<1024xf32>
    %broadcast_in_dim3A_421 = vector.shape_cast %reduce_sum3A_420 : vector<1024xf32> to vector<1x1024xf32>
    %add3A_422 = arith.addf %get3A_415, %broadcast_in_dim3A_421 : vector<1x1024xf32>
    %swap3A_423 = arith.constant 0 : index
    %swap3A_424 = arith.constant 0 : index
    %swap3A_425 = vector.load %arg7[%swap3A_423, %swap3A_424] : memref<1x1024xf32, #tpu.memory_space<vmem>>, vector<1x1024xf32>
    tpu.vector_store %arg7[%swap3A_423, %swap3A_424], %add3A_422 {strides = array<i32>} : memref<1x1024xf32, #tpu.memory_space<vmem>>, vector<1x1024xf32>,
    %dma_wait3A_426 = arith.constant 3 : i32
    %dma_wait3A_427 = arith.constant 3 : i32
    %dma_wait3A_428 = tpu.memref_slice %arg5[%dma_wait3A_427] : memref<16x!tpu.dma_semaphore, #tpu.memory_space<semaphore_mem>> -> memref<1x!tpu.dma_semaphore, #tpu.memory_space<semaphore_mem>>
    %dma_wait3A_429 = tpu.memref_squeeze %dma_wait3A_428 : memref<1x!tpu.dma_semaphore, #tpu.memory_space<semaphore_mem>> -> memref<!tpu.dma_semaphore, #tpu.memory_space<semaphore_mem>>
    %dma_wait3A_430 = arith.constant 0 : i32
    %dma_wait3A_431 = arith.constant 0 : i32
    %dma_wait3A_432 = tpu.memref_slice %arg4[%dma_wait3A_426, %dma_wait3A_430, %dma_wait3A_431] : memref<16x400x1024xf32, #tpu.memory_space<vmem>> -> memref<1x400x1024xf32, #tpu.memory_space<vmem>>
    %dma_wait3A_433 = tpu.memref_squeeze %dma_wait3A_432 : memref<1x400x1024xf32, #tpu.memory_space<vmem>> -> memref<400x1024xf32, #tpu.memory_space<vmem>>
    %dma_wait3A_434 = arith.constant 97200 : i32
    %dma_wait3A_435 = arith.constant 0 : i32
    %dma_wait3A_436 = tpu.memref_slice %arg2[%dma_wait3A_434, %dma_wait3A_435] : memref<100000x1024xf32, #tpu.memory_space<any>> -> memref<400x1024xf32, #tpu.memory_space<any>>
    tpu.wait_dma2 semaphore(%dma_wait3A_429 : memref<!tpu.dma_semaphore, #tpu.memory_space<semaphore_mem>>) src(%dma_wait3A_436 : memref<400x1024xf32, #tpu.memory_space<any>>) dst(%dma_wait3A_433 : memref<400x1024xf32, #tpu.memory_space<vmem>>)
    %get3A_437 = arith.constant 3 : index
    %get3A_438 = arith.constant 0 : index
    %get3A_439 = arith.constant 0 : index
    %get3A_440 = vector.load %arg4[%get3A_437, %get3A_438, %get3A_439] : memref<16x400x1024xf32, #tpu.memory_space<vmem>>, vector<1x400x1024xf32>
    %get3A_441 = vector.shape_cast %get3A_440 : vector<1x400x1024xf32> to vector<400x1024xf32>
    %get3A_442 = arith.constant 0 : index
    %get3A_443 = arith.constant 0 : index
    %get3A_444 = vector.load %arg6[%get3A_442, %get3A_443] : memref<1x1024xf32, #tpu.memory_space<vmem>>, vector<1x1024xf32>
    %exp3A_445 = math.exp %get3A_441 : vector<400x1024xf32>
    %reduce_sum3A_446 = arith.constant dense<0.000000e+00> : vector<1024xf32>
    %reduce_sum3A_447 = vector.multi_reduction <add>, %exp3A_445, %reduce_sum3A_446 [0] : vector<400x1024xf32> to vector<1024xf32>
    %broadcast_in_dim3A_448 = vector.shape_cast %reduce_sum3A_447 : vector<1024xf32> to vector<1x1024xf32>
    %add3A_449 = arith.addf %get3A_444, %broadcast_in_dim3A_448 : vector<1x1024xf32>
    %swap3A_450 = arith.constant 0 : index
    %swap3A_451 = arith.constant 0 : index
    %swap3A_452 = vector.load %arg6[%swap3A_450, %swap3A_451] : memref<1x1024xf32, #tpu.memory_space<vmem>>, vector<1x1024xf32>
    tpu.vector_store %arg6[%swap3A_450, %swap3A_451], %add3A_449 {strides = array<i32>} : memref<1x1024xf32, #tpu.memory_space<vmem>>, vector<1x1024xf32>,
    %get3A_453 = arith.constant 0 : index
    %get3A_454 = arith.constant 0 : index
    %get3A_455 = vector.load %arg7[%get3A_453, %get3A_454] : memref<1x1024xf32, #tpu.memory_space<vmem>>, vector<1x1024xf32>
    %mul3A_456 = vector.broadcast %div3A_301 : f32 to vector<400x1024xf32>
    %mul3A_457 = arith.mulf %mul3A_456, %get3A_441 : vector<400x1024xf32>
    %exp3A_458 = math.exp %mul3A_457 : vector<400x1024xf32>
    %reduce_sum3A_459 = arith.constant dense<0.000000e+00> : vector<1024xf32>
    %reduce_sum3A_460 = vector.multi_reduction <add>, %exp3A_458, %reduce_sum3A_459 [0] : vector<400x1024xf32> to vector<1024xf32>
    %broadcast_in_dim3A_461 = vector.shape_cast %reduce_sum3A_460 : vector<1024xf32> to vector<1x1024xf32>
    %add3A_462 = arith.addf %get3A_455, %broadcast_in_dim3A_461 : vector<1x1024xf32>
    %swap3A_463 = arith.constant 0 : index
    %swap3A_464 = arith.constant 0 : index
    %swap3A_465 = vector.load %arg7[%swap3A_463, %swap3A_464] : memref<1x1024xf32, #tpu.memory_space<vmem>>, vector<1x1024xf32>
    tpu.vector_store %arg7[%swap3A_463, %swap3A_464], %add3A_462 {strides = array<i32>} : memref<1x1024xf32, #tpu.memory_space<vmem>>, vector<1x1024xf32>,
    %dma_wait3A_466 = arith.constant 4 : i32
    %dma_wait3A_467 = arith.constant 4 : i32
    %dma_wait3A_468 = tpu.memref_slice %arg5[%dma_wait3A_467] : memref<16x!tpu.dma_semaphore, #tpu.memory_space<semaphore_mem>> -> memref<1x!tpu.dma_semaphore, #tpu.memory_space<semaphore_mem>>
    %dma_wait3A_469 = tpu.memref_squeeze %dma_wait3A_468 : memref<1x!tpu.dma_semaphore, #tpu.memory_space<semaphore_mem>> -> memref<!tpu.dma_semaphore, #tpu.memory_space<semaphore_mem>>
    %dma_wait3A_470 = arith.constant 0 : i32
    %dma_wait3A_471 = arith.constant 0 : i32
    %dma_wait3A_472 = tpu.memref_slice %arg4[%dma_wait3A_466, %dma_wait3A_470, %dma_wait3A_471] : memref<16x400x1024xf32, #tpu.memory_space<vmem>> -> memref<1x400x1024xf32, #tpu.memory_space<vmem>>
    %dma_wait3A_473 = tpu.memref_squeeze %dma_wait3A_472 : memref<1x400x1024xf32, #tpu.memory_space<vmem>> -> memref<400x1024xf32, #tpu.memory_space<vmem>>
    %dma_wait3A_474 = arith.constant 97600 : i32
    %dma_wait3A_475 = arith.constant 0 : i32
    %dma_wait3A_476 = tpu.memref_slice %arg2[%dma_wait3A_474, %dma_wait3A_475] : memref<100000x1024xf32, #tpu.memory_space<any>> -> memref<400x1024xf32, #tpu.memory_space<any>>
    tpu.wait_dma2 semaphore(%dma_wait3A_469 : memref<!tpu.dma_semaphore, #tpu.memory_space<semaphore_mem>>) src(%dma_wait3A_476 : memref<400x1024xf32, #tpu.memory_space<any>>) dst(%dma_wait3A_473 : memref<400x1024xf32, #tpu.memory_space<vmem>>)
    %get3A_477 = arith.constant 4 : index
    %get3A_478 = arith.constant 0 : index
    %get3A_479 = arith.constant 0 : index
    %get3A_480 = vector.load %arg4[%get3A_477, %get3A_478, %get3A_479] : memref<16x400x1024xf32, #tpu.memory_space<vmem>>, vector<1x400x1024xf32>
    %get3A_481 = vector.shape_cast %get3A_480 : vector<1x400x1024xf32> to vector<400x1024xf32>
    %get3A_482 = arith.constant 0 : index
    %get3A_483 = arith.constant 0 : index
    %get3A_484 = vector.load %arg6[%get3A_482, %get3A_483] : memref<1x1024xf32, #tpu.memory_space<vmem>>, vector<1x1024xf32>
    %exp3A_485 = math.exp %get3A_481 : vector<400x1024xf32>
    %reduce_sum3A_486 = arith.constant dense<0.000000e+00> : vector<1024xf32>
    %reduce_sum3A_487 = vector.multi_reduction <add>, %exp3A_485, %reduce_sum3A_486 [0] : vector<400x1024xf32> to vector<1024xf32>
    %broadcast_in_dim3A_488 = vector.shape_cast %reduce_sum3A_487 : vector<1024xf32> to vector<1x1024xf32>
    %add3A_489 = arith.addf %get3A_484, %broadcast_in_dim3A_488 : vector<1x1024xf32>
    %swap3A_490 = arith.constant 0 : index
    %swap3A_491 = arith.constant 0 : index
    %swap3A_492 = vector.load %arg6[%swap3A_490, %swap3A_491] : memref<1x1024xf32, #tpu.memory_space<vmem>>, vector<1x1024xf32>
    tpu.vector_store %arg6[%swap3A_490, %swap3A_491], %add3A_489 {strides = array<i32>} : memref<1x1024xf32, #tpu.memory_space<vmem>>, vector<1x1024xf32>,
    %get3A_493 = arith.constant 0 : index
    %get3A_494 = arith.constant 0 : index
    %get3A_495 = vector.load %arg7[%get3A_493, %get3A_494] : memref<1x1024xf32, #tpu.memory_space<vmem>>, vector<1x1024xf32>
    %mul3A_496 = vector.broadcast %div3A_301 : f32 to vector<400x1024xf32>
    %mul3A_497 = arith.mulf %mul3A_496, %get3A_481 : vector<400x1024xf32>
    %exp3A_498 = math.exp %mul3A_497 : vector<400x1024xf32>
    %reduce_sum3A_499 = arith.constant dense<0.000000e+00> : vector<1024xf32>
    %reduce_sum3A_500 = vector.multi_reduction <add>, %exp3A_498, %reduce_sum3A_499 [0] : vector<400x1024xf32> to vector<1024xf32>
    %broadcast_in_dim3A_501 = vector.shape_cast %reduce_sum3A_500 : vector<1024xf32> to vector<1x1024xf32>
    %add3A_502 = arith.addf %get3A_495, %broadcast_in_dim3A_501 : vector<1x1024xf32>
    %swap3A_503 = arith.constant 0 : index
    %swap3A_504 = arith.constant 0 : index
    %swap3A_505 = vector.load %arg7[%swap3A_503, %swap3A_504] : memref<1x1024xf32, #tpu.memory_space<vmem>>, vector<1x1024xf32>
    tpu.vector_store %arg7[%swap3A_503, %swap3A_504], %add3A_502 {strides = array<i32>} : memref<1x1024xf32, #tpu.memory_space<vmem>>, vector<1x1024xf32>,
    %dma_wait3A_506 = arith.constant 5 : i32
    %dma_wait3A_507 = arith.constant 5 : i32
    %dma_wait3A_508 = tpu.memref_slice %arg5[%dma_wait3A_507] : memref<16x!tpu.dma_semaphore, #tpu.memory_space<semaphore_mem>> -> memref<1x!tpu.dma_semaphore, #tpu.memory_space<semaphore_mem>>
    %dma_wait3A_509 = tpu.memref_squeeze %dma_wait3A_508 : memref<1x!tpu.dma_semaphore, #tpu.memory_space<semaphore_mem>> -> memref<!tpu.dma_semaphore, #tpu.memory_space<semaphore_mem>>
    %dma_wait3A_510 = arith.constant 0 : i32
    %dma_wait3A_511 = arith.constant 0 : i32
    %dma_wait3A_512 = tpu.memref_slice %arg4[%dma_wait3A_506, %dma_wait3A_510, %dma_wait3A_511] : memref<16x400x1024xf32, #tpu.memory_space<vmem>> -> memref<1x400x1024xf32, #tpu.memory_space<vmem>>
    %dma_wait3A_513 = tpu.memref_squeeze %dma_wait3A_512 : memref<1x400x1024xf32, #tpu.memory_space<vmem>> -> memref<400x1024xf32, #tpu.memory_space<vmem>>
    %dma_wait3A_514 = arith.constant 98000 : i32
    %dma_wait3A_515 = arith.constant 0 : i32
    %dma_wait3A_516 = tpu.memref_slice %arg2[%dma_wait3A_514, %dma_wait3A_515] : memref<100000x1024xf32, #tpu.memory_space<any>> -> memref<400x1024xf32, #tpu.memory_space<any>>
    tpu.wait_dma2 semaphore(%dma_wait3A_509 : memref<!tpu.dma_semaphore, #tpu.memory_space<semaphore_mem>>) src(%dma_wait3A_516 : memref<400x1024xf32, #tpu.memory_space<any>>) dst(%dma_wait3A_513 : memref<400x1024xf32, #tpu.memory_space<vmem>>)
    %get3A_517 = arith.constant 5 : index
    %get3A_518 = arith.constant 0 : index
    %get3A_519 = arith.constant 0 : index
    %get3A_520 = vector.load %arg4[%get3A_517, %get3A_518, %get3A_519] : memref<16x400x1024xf32, #tpu.memory_space<vmem>>, vector<1x400x1024xf32>
    %get3A_521 = vector.shape_cast %get3A_520 : vector<1x400x1024xf32> to vector<400x1024xf32>
    %get3A_522 = arith.constant 0 : index
    %get3A_523 = arith.constant 0 : index
    %get3A_524 = vector.load %arg6[%get3A_522, %get3A_523] : memref<1x1024xf32, #tpu.memory_space<vmem>>, vector<1x1024xf32>
    %exp3A_525 = math.exp %get3A_521 : vector<400x1024xf32>
    %reduce_sum3A_526 = arith.constant dense<0.000000e+00> : vector<1024xf32>
    %reduce_sum3A_527 = vector.multi_reduction <add>, %exp3A_525, %reduce_sum3A_526 [0] : vector<400x1024xf32> to vector<1024xf32>
    %broadcast_in_dim3A_528 = vector.shape_cast %reduce_sum3A_527 : vector<1024xf32> to vector<1x1024xf32>
    %add3A_529 = arith.addf %get3A_524, %broadcast_in_dim3A_528 : vector<1x1024xf32>
    %swap3A_530 = arith.constant 0 : index
    %swap3A_531 = arith.constant 0 : index
    %swap3A_532 = vector.load %arg6[%swap3A_530, %swap3A_531] : memref<1x1024xf32, #tpu.memory_space<vmem>>, vector<1x1024xf32>
    tpu.vector_store %arg6[%swap3A_530, %swap3A_531], %add3A_529 {strides = array<i32>} : memref<1x1024xf32, #tpu.memory_space<vmem>>, vector<1x1024xf32>,
    %get3A_533 = arith.constant 0 : index
    %get3A_534 = arith.constant 0 : index
    %get3A_535 = vector.load %arg7[%get3A_533, %get3A_534] : memref<1x1024xf32, #tpu.memory_space<vmem>>, vector<1x1024xf32>
    %mul3A_536 = vector.broadcast %div3A_301 : f32 to vector<400x1024xf32>
    %mul3A_537 = arith.mulf %mul3A_536, %get3A_521 : vector<400x1024xf32>
    %exp3A_538 = math.exp %mul3A_537 : vector<400x1024xf32>
    %reduce_sum3A_539 = arith.constant dense<0.000000e+00> : vector<1024xf32>
    %reduce_sum3A_540 = vector.multi_reduction <add>, %exp3A_538, %reduce_sum3A_539 [0] : vector<400x1024xf32> to vector<1024xf32>
    %broadcast_in_dim3A_541 = vector.shape_cast %reduce_sum3A_540 : vector<1024xf32> to vector<1x1024xf32>
    %add3A_542 = arith.addf %get3A_535, %broadcast_in_dim3A_541 : vector<1x1024xf32>
    %swap3A_543 = arith.constant 0 : index
    %swap3A_544 = arith.constant 0 : index
    %swap3A_545 = vector.load %arg7[%swap3A_543, %swap3A_544] : memref<1x1024xf32, #tpu.memory_space<vmem>>, vector<1x1024xf32>
    tpu.vector_store %arg7[%swap3A_543, %swap3A_544], %add3A_542 {strides = array<i32>} : memref<1x1024xf32, #tpu.memory_space<vmem>>, vector<1x1024xf32>,
    %dma_wait3A_546 = arith.constant 6 : i32
    %dma_wait3A_547 = arith.constant 6 : i32
    %dma_wait3A_548 = tpu.memref_slice %arg5[%dma_wait3A_547] : memref<16x!tpu.dma_semaphore, #tpu.memory_space<semaphore_mem>> -> memref<1x!tpu.dma_semaphore, #tpu.memory_space<semaphore_mem>>
    %dma_wait3A_549 = tpu.memref_squeeze %dma_wait3A_548 : memref<1x!tpu.dma_semaphore, #tpu.memory_space<semaphore_mem>> -> memref<!tpu.dma_semaphore, #tpu.memory_space<semaphore_mem>>
    %dma_wait3A_550 = arith.constant 0 : i32
    %dma_wait3A_551 = arith.constant 0 : i32
    %dma_wait3A_552 = tpu.memref_slice %arg4[%dma_wait3A_546, %dma_wait3A_550, %dma_wait3A_551] : memref<16x400x1024xf32, #tpu.memory_space<vmem>> -> memref<1x400x1024xf32, #tpu.memory_space<vmem>>
    %dma_wait3A_553 = tpu.memref_squeeze %dma_wait3A_552 : memref<1x400x1024xf32, #tpu.memory_space<vmem>> -> memref<400x1024xf32, #tpu.memory_space<vmem>>
    %dma_wait3A_554 = arith.constant 98400 : i32
    %dma_wait3A_555 = arith.constant 0 : i32
    %dma_wait3A_556 = tpu.memref_slice %arg2[%dma_wait3A_554, %dma_wait3A_555] : memref<100000x1024xf32, #tpu.memory_space<any>> -> memref<400x1024xf32, #tpu.memory_space<any>>
    tpu.wait_dma2 semaphore(%dma_wait3A_549 : memref<!tpu.dma_semaphore, #tpu.memory_space<semaphore_mem>>) src(%dma_wait3A_556 : memref<400x1024xf32, #tpu.memory_space<any>>) dst(%dma_wait3A_553 : memref<400x1024xf32, #tpu.memory_space<vmem>>)
    %get3A_557 = arith.constant 6 : index
    %get3A_558 = arith.constant 0 : index
    %get3A_559 = arith.constant 0 : index
    %get3A_560 = vector.load %arg4[%get3A_557, %get3A_558, %get3A_559] : memref<16x400x1024xf32, #tpu.memory_space<vmem>>, vector<1x400x1024xf32>
    %get3A_561 = vector.shape_cast %get3A_560 : vector<1x400x1024xf32> to vector<400x1024xf32>
    %get3A_562 = arith.constant 0 : index
    %get3A_563 = arith.constant 0 : index
    %get3A_564 = vector.load %arg6[%get3A_562, %get3A_563] : memref<1x1024xf32, #tpu.memory_space<vmem>>, vector<1x1024xf32>
    %exp3A_565 = math.exp %get3A_561 : vector<400x1024xf32>
    %reduce_sum3A_566 = arith.constant dense<0.000000e+00> : vector<1024xf32>
    %reduce_sum3A_567 = vector.multi_reduction <add>, %exp3A_565, %reduce_sum3A_566 [0] : vector<400x1024xf32> to vector<1024xf32>
    %broadcast_in_dim3A_568 = vector.shape_cast %reduce_sum3A_567 : vector<1024xf32> to vector<1x1024xf32>
    %add3A_569 = arith.addf %get3A_564, %broadcast_in_dim3A_568 : vector<1x1024xf32>
    %swap3A_570 = arith.constant 0 : index
    %swap3A_571 = arith.constant 0 : index
    %swap3A_572 = vector.load %arg6[%swap3A_570, %swap3A_571] : memref<1x1024xf32, #tpu.memory_space<vmem>>, vector<1x1024xf32>
    tpu.vector_store %arg6[%swap3A_570, %swap3A_571], %add3A_569 {strides = array<i32>} : memref<1x1024xf32, #tpu.memory_space<vmem>>, vector<1x1024xf32>,
    %get3A_573 = arith.constant 0 : index
    %get3A_574 = arith.constant 0 : index
    %get3A_575 = vector.load %arg7[%get3A_573, %get3A_574] : memref<1x1024xf32, #tpu.memory_space<vmem>>, vector<1x1024xf32>
    %mul3A_576 = vector.broadcast %div3A_301 : f32 to vector<400x1024xf32>
    %mul3A_577 = arith.mulf %mul3A_576, %get3A_561 : vector<400x1024xf32>
    %exp3A_578 = math.exp %mul3A_577 : vector<400x1024xf32>
    %reduce_sum3A_579 = arith.constant dense<0.000000e+00> : vector<1024xf32>
    %reduce_sum3A_580 = vector.multi_reduction <add>, %exp3A_578, %reduce_sum3A_579 [0] : vector<400x1024xf32> to vector<1024xf32>
    %broadcast_in_dim3A_581 = vector.shape_cast %reduce_sum3A_580 : vector<1024xf32> to vector<1x1024xf32>
    %add3A_582 = arith.addf %get3A_575, %broadcast_in_dim3A_581 : vector<1x1024xf32>
    %swap3A_583 = arith.constant 0 : index
    %swap3A_584 = arith.constant 0 : index
    %swap3A_585 = vector.load %arg7[%swap3A_583, %swap3A_584] : memref<1x1024xf32, #tpu.memory_space<vmem>>, vector<1x1024xf32>
    tpu.vector_store %arg7[%swap3A_583, %swap3A_584], %add3A_582 {strides = array<i32>} : memref<1x1024xf32, #tpu.memory_space<vmem>>, vector<1x1024xf32>,
    %dma_wait3A_586 = arith.constant 7 : i32
    %dma_wait3A_587 = arith.constant 7 : i32
    %dma_wait3A_588 = tpu.memref_slice %arg5[%dma_wait3A_587] : memref<16x!tpu.dma_semaphore, #tpu.memory_space<semaphore_mem>> -> memref<1x!tpu.dma_semaphore, #tpu.memory_space<semaphore_mem>>
    %dma_wait3A_589 = tpu.memref_squeeze %dma_wait3A_588 : memref<1x!tpu.dma_semaphore, #tpu.memory_space<semaphore_mem>> -> memref<!tpu.dma_semaphore, #tpu.memory_space<semaphore_mem>>
    %dma_wait3A_590 = arith.constant 0 : i32
    %dma_wait3A_591 = arith.constant 0 : i32
    %dma_wait3A_592 = tpu.memref_slice %arg4[%dma_wait3A_586, %dma_wait3A_590, %dma_wait3A_591] : memref<16x400x1024xf32, #tpu.memory_space<vmem>> -> memref<1x400x1024xf32, #tpu.memory_space<vmem>>
    %dma_wait3A_593 = tpu.memref_squeeze %dma_wait3A_592 : memref<1x400x1024xf32, #tpu.memory_space<vmem>> -> memref<400x1024xf32, #tpu.memory_space<vmem>>
    %dma_wait3A_594 = arith.constant 98800 : i32
    %dma_wait3A_595 = arith.constant 0 : i32
    %dma_wait3A_596 = tpu.memref_slice %arg2[%dma_wait3A_594, %dma_wait3A_595] : memref<100000x1024xf32, #tpu.memory_space<any>> -> memref<400x1024xf32, #tpu.memory_space<any>>
    tpu.wait_dma2 semaphore(%dma_wait3A_589 : memref<!tpu.dma_semaphore, #tpu.memory_space<semaphore_mem>>) src(%dma_wait3A_596 : memref<400x1024xf32, #tpu.memory_space<any>>) dst(%dma_wait3A_593 : memref<400x1024xf32, #tpu.memory_space<vmem>>)
    %get3A_597 = arith.constant 7 : index
    %get3A_598 = arith.constant 0 : index
    %get3A_599 = arith.constant 0 : index
    %get3A_600 = vector.load %arg4[%get3A_597, %get3A_598, %get3A_599] : memref<16x400x1024xf32, #tpu.memory_space<vmem>>, vector<1x400x1024xf32>
    %get3A_601 = vector.shape_cast %get3A_600 : vector<1x400x1024xf32> to vector<400x1024xf32>
    %get3A_602 = arith.constant 0 : index
    %get3A_603 = arith.constant 0 : index
    %get3A_604 = vector.load %arg6[%get3A_602, %get3A_603] : memref<1x1024xf32, #tpu.memory_space<vmem>>, vector<1x1024xf32>
    %exp3A_605 = math.exp %get3A_601 : vector<400x1024xf32>
    %reduce_sum3A_606 = arith.constant dense<0.000000e+00> : vector<1024xf32>
    %reduce_sum3A_607 = vector.multi_reduction <add>, %exp3A_605, %reduce_sum3A_606 [0] : vector<400x1024xf32> to vector<1024xf32>
    %broadcast_in_dim3A_608 = vector.shape_cast %reduce_sum3A_607 : vector<1024xf32> to vector<1x1024xf32>
    %add3A_609 = arith.addf %get3A_604, %broadcast_in_dim3A_608 : vector<1x1024xf32>
    %swap3A_610 = arith.constant 0 : index
    %swap3A_611 = arith.constant 0 : index
    %swap3A_612 = vector.load %arg6[%swap3A_610, %swap3A_611] : memref<1x1024xf32, #tpu.memory_space<vmem>>, vector<1x1024xf32>
    tpu.vector_store %arg6[%swap3A_610, %swap3A_611], %add3A_609 {strides = array<i32>} : memref<1x1024xf32, #tpu.memory_space<vmem>>, vector<1x1024xf32>,
    %get3A_613 = arith.constant 0 : index
    %get3A_614 = arith.constant 0 : index
    %get3A_615 = vector.load %arg7[%get3A_613, %get3A_614] : memref<1x1024xf32, #tpu.memory_space<vmem>>, vector<1x1024xf32>
    %mul3A_616 = vector.broadcast %div3A_301 : f32 to vector<400x1024xf32>
    %mul3A_617 = arith.mulf %mul3A_616, %get3A_601 : vector<400x1024xf32>
    %exp3A_618 = math.exp %mul3A_617 : vector<400x1024xf32>
    %reduce_sum3A_619 = arith.constant dense<0.000000e+00> : vector<1024xf32>
    %reduce_sum3A_620 = vector.multi_reduction <add>, %exp3A_618, %reduce_sum3A_619 [0] : vector<400x1024xf32> to vector<1024xf32>
    %broadcast_in_dim3A_621 = vector.shape_cast %reduce_sum3A_620 : vector<1024xf32> to vector<1x1024xf32>
    %add3A_622 = arith.addf %get3A_615, %broadcast_in_dim3A_621 : vector<1x1024xf32>
    %swap3A_623 = arith.constant 0 : index
    %swap3A_624 = arith.constant 0 : index
    %swap3A_625 = vector.load %arg7[%swap3A_623, %swap3A_624] : memref<1x1024xf32, #tpu.memory_space<vmem>>, vector<1x1024xf32>
    tpu.vector_store %arg7[%swap3A_623, %swap3A_624], %add3A_622 {strides = array<i32>} : memref<1x1024xf32, #tpu.memory_space<vmem>>, vector<1x1024xf32>,
    %dma_wait3A_626 = arith.constant 8 : i32
    %dma_wait3A_627 = arith.constant 8 : i32
    %dma_wait3A_628 = tpu.memref_slice %arg5[%dma_wait3A_627] : memref<16x!tpu.dma_semaphore, #tpu.memory_space<semaphore_mem>> -> memref<1x!tpu.dma_semaphore, #tpu.memory_space<semaphore_mem>>
    %dma_wait3A_629 = tpu.memref_squeeze %dma_wait3A_628 : memref<1x!tpu.dma_semaphore, #tpu.memory_space<semaphore_mem>> -> memref<!tpu.dma_semaphore, #tpu.memory_space<semaphore_mem>>
    %dma_wait3A_630 = arith.constant 0 : i32
    %dma_wait3A_631 = arith.constant 0 : i32
    %dma_wait3A_632 = tpu.memref_slice %arg4[%dma_wait3A_626, %dma_wait3A_630, %dma_wait3A_631] : memref<16x400x1024xf32, #tpu.memory_space<vmem>> -> memref<1x400x1024xf32, #tpu.memory_space<vmem>>
    %dma_wait3A_633 = tpu.memref_squeeze %dma_wait3A_632 : memref<1x400x1024xf32, #tpu.memory_space<vmem>> -> memref<400x1024xf32, #tpu.memory_space<vmem>>
    %dma_wait3A_634 = arith.constant 99200 : i32
    %dma_wait3A_635 = arith.constant 0 : i32
    %dma_wait3A_636 = tpu.memref_slice %arg2[%dma_wait3A_634, %dma_wait3A_635] : memref<100000x1024xf32, #tpu.memory_space<any>> -> memref<400x1024xf32, #tpu.memory_space<any>>
    tpu.wait_dma2 semaphore(%dma_wait3A_629 : memref<!tpu.dma_semaphore, #tpu.memory_space<semaphore_mem>>) src(%dma_wait3A_636 : memref<400x1024xf32, #tpu.memory_space<any>>) dst(%dma_wait3A_633 : memref<400x1024xf32, #tpu.memory_space<vmem>>)
    %get3A_637 = arith.constant 8 : index
    %get3A_638 = arith.constant 0 : index
    %get3A_639 = arith.constant 0 : index
    %get3A_640 = vector.load %arg4[%get3A_637, %get3A_638, %get3A_639] : memref<16x400x1024xf32, #tpu.memory_space<vmem>>, vector<1x400x1024xf32>
    %get3A_641 = vector.shape_cast %get3A_640 : vector<1x400x1024xf32> to vector<400x1024xf32>
    %get3A_642 = arith.constant 0 : index
    %get3A_643 = arith.constant 0 : index
    %get3A_644 = vector.load %arg6[%get3A_642, %get3A_643] : memref<1x1024xf32, #tpu.memory_space<vmem>>, vector<1x1024xf32>
    %exp3A_645 = math.exp %get3A_641 : vector<400x1024xf32>
    %reduce_sum3A_646 = arith.constant dense<0.000000e+00> : vector<1024xf32>
    %reduce_sum3A_647 = vector.multi_reduction <add>, %exp3A_645, %reduce_sum3A_646 [0] : vector<400x1024xf32> to vector<1024xf32>
    %broadcast_in_dim3A_648 = vector.shape_cast %reduce_sum3A_647 : vector<1024xf32> to vector<1x1024xf32>
    %add3A_649 = arith.addf %get3A_644, %broadcast_in_dim3A_648 : vector<1x1024xf32>
    %swap3A_650 = arith.constant 0 : index
    %swap3A_651 = arith.constant 0 : index
    %swap3A_652 = vector.load %arg6[%swap3A_650, %swap3A_651] : memref<1x1024xf32, #tpu.memory_space<vmem>>, vector<1x1024xf32>
    tpu.vector_store %arg6[%swap3A_650, %swap3A_651], %add3A_649 {strides = array<i32>} : memref<1x1024xf32, #tpu.memory_space<vmem>>, vector<1x1024xf32>,
    %get3A_653 = arith.constant 0 : index
    %get3A_654 = arith.constant 0 : index
    %get3A_655 = vector.load %arg7[%get3A_653, %get3A_654] : memref<1x1024xf32, #tpu.memory_space<vmem>>, vector<1x1024xf32>
    %mul3A_656 = vector.broadcast %div3A_301 : f32 to vector<400x1024xf32>
    %mul3A_657 = arith.mulf %mul3A_656, %get3A_641 : vector<400x1024xf32>
    %exp3A_658 = math.exp %mul3A_657 : vector<400x1024xf32>
    %reduce_sum3A_659 = arith.constant dense<0.000000e+00> : vector<1024xf32>
    %reduce_sum3A_660 = vector.multi_reduction <add>, %exp3A_658, %reduce_sum3A_659 [0] : vector<400x1024xf32> to vector<1024xf32>
    %broadcast_in_dim3A_661 = vector.shape_cast %reduce_sum3A_660 : vector<1024xf32> to vector<1x1024xf32>
    %add3A_662 = arith.addf %get3A_655, %broadcast_in_dim3A_661 : vector<1x1024xf32>
    %swap3A_663 = arith.constant 0 : index
    %swap3A_664 = arith.constant 0 : index
    %swap3A_665 = vector.load %arg7[%swap3A_663, %swap3A_664] : memref<1x1024xf32, #tpu.memory_space<vmem>>, vector<1x1024xf32>
    tpu.vector_store %arg7[%swap3A_663, %swap3A_664], %add3A_662 {strides = array<i32>} : memref<1x1024xf32, #tpu.memory_space<vmem>>, vector<1x1024xf32>,
    %dma_wait3A_666 = arith.constant 9 : i32
    %dma_wait3A_667 = arith.constant 9 : i32
    %dma_wait3A_668 = tpu.memref_slice %arg5[%dma_wait3A_667] : memref<16x!tpu.dma_semaphore, #tpu.memory_space<semaphore_mem>> -> memref<1x!tpu.dma_semaphore, #tpu.memory_space<semaphore_mem>>
    %dma_wait3A_669 = tpu.memref_squeeze %dma_wait3A_668 : memref<1x!tpu.dma_semaphore, #tpu.memory_space<semaphore_mem>> -> memref<!tpu.dma_semaphore, #tpu.memory_space<semaphore_mem>>
    %dma_wait3A_670 = arith.constant 0 : i32
    %dma_wait3A_671 = arith.constant 0 : i32
    %dma_wait3A_672 = tpu.memref_slice %arg4[%dma_wait3A_666, %dma_wait3A_670, %dma_wait3A_671] : memref<16x400x1024xf32, #tpu.memory_space<vmem>> -> memref<1x400x1024xf32, #tpu.memory_space<vmem>>
    %dma_wait3A_673 = tpu.memref_squeeze %dma_wait3A_672 : memref<1x400x1024xf32, #tpu.memory_space<vmem>> -> memref<400x1024xf32, #tpu.memory_space<vmem>>
    %dma_wait3A_674 = arith.constant 99600 : i32
    %dma_wait3A_675 = arith.constant 0 : i32
    %dma_wait3A_676 = tpu.memref_slice %arg2[%dma_wait3A_674, %dma_wait3A_675] : memref<100000x1024xf32, #tpu.memory_space<any>> -> memref<400x1024xf32, #tpu.memory_space<any>>
    tpu.wait_dma2 semaphore(%dma_wait3A_669 : memref<!tpu.dma_semaphore, #tpu.memory_space<semaphore_mem>>) src(%dma_wait3A_676 : memref<400x1024xf32, #tpu.memory_space<any>>) dst(%dma_wait3A_673 : memref<400x1024xf32, #tpu.memory_space<vmem>>)
    %get3A_677 = arith.constant 9 : index
    %get3A_678 = arith.constant 0 : index
    %get3A_679 = arith.constant 0 : index
    %get3A_680 = vector.load %arg4[%get3A_677, %get3A_678, %get3A_679] : memref<16x400x1024xf32, #tpu.memory_space<vmem>>, vector<1x400x1024xf32>
    %get3A_681 = vector.shape_cast %get3A_680 : vector<1x400x1024xf32> to vector<400x1024xf32>
    %get3A_682 = arith.constant 0 : index
    %get3A_683 = arith.constant 0 : index
    %get3A_684 = vector.load %arg6[%get3A_682, %get3A_683] : memref<1x1024xf32, #tpu.memory_space<vmem>>, vector<1x1024xf32>
    %exp3A_685 = math.exp %get3A_681 : vector<400x1024xf32>
    %reduce_sum3A_686 = arith.constant dense<0.000000e+00> : vector<1024xf32>
    %reduce_sum3A_687 = vector.multi_reduction <add>, %exp3A_685, %reduce_sum3A_686 [0] : vector<400x1024xf32> to vector<1024xf32>
    %broadcast_in_dim3A_688 = vector.shape_cast %reduce_sum3A_687 : vector<1024xf32> to vector<1x1024xf32>
    %add3A_689 = arith.addf %get3A_684, %broadcast_in_dim3A_688 : vector<1x1024xf32>
    %swap3A_690 = arith.constant 0 : index
    %swap3A_691 = arith.constant 0 : index
    %swap3A_692 = vector.load %arg6[%swap3A_690, %swap3A_691] : memref<1x1024xf32, #tpu.memory_space<vmem>>, vector<1x1024xf32>
    tpu.vector_store %arg6[%swap3A_690, %swap3A_691], %add3A_689 {strides = array<i32>} : memref<1x1024xf32, #tpu.memory_space<vmem>>, vector<1x1024xf32>,
    %get3A_693 = arith.constant 0 : index
    %get3A_694 = arith.constant 0 : index
    %get3A_695 = vector.load %arg7[%get3A_693, %get3A_694] : memref<1x1024xf32, #tpu.memory_space<vmem>>, vector<1x1024xf32>
    %mul3A_696 = vector.broadcast %div3A_301 : f32 to vector<400x1024xf32>
    %mul3A_697 = arith.mulf %mul3A_696, %get3A_681 : vector<400x1024xf32>
    %exp3A_698 = math.exp %mul3A_697 : vector<400x1024xf32>
    %reduce_sum3A_699 = arith.constant dense<0.000000e+00> : vector<1024xf32>
    %reduce_sum3A_700 = vector.multi_reduction <add>, %exp3A_698, %reduce_sum3A_699 [0] : vector<400x1024xf32> to vector<1024xf32>
    %broadcast_in_dim3A_701 = vector.shape_cast %reduce_sum3A_700 : vector<1024xf32> to vector<1x1024xf32>
    %add3A_702 = arith.addf %get3A_695, %broadcast_in_dim3A_701 : vector<1x1024xf32>
    %swap3A_703 = arith.constant 0 : index
    %swap3A_704 = arith.constant 0 : index
    %swap3A_705 = vector.load %arg7[%swap3A_703, %swap3A_704] : memref<1x1024xf32, #tpu.memory_space<vmem>>, vector<1x1024xf32>
    tpu.vector_store %arg7[%swap3A_703, %swap3A_704], %add3A_702 {strides = array<i32>} : memref<1x1024xf32, #tpu.memory_space<vmem>>, vector<1x1024xf32>,
    %get3A_706 = arith.constant 0 : index
    %get3A_707 = arith.constant 0 : index
    %get3A_708 = vector.load %arg7[%get3A_706, %get3A_707] : memref<1x1024xf32, #tpu.memory_space<vmem>>, vector<1x1024xf32>
    %log3A_709 = math.log %get3A_708 : vector<1x1024xf32>
    %reduce_sum3A_710 = vector.shape_cast %log3A_709 : vector<1x1024xf32> to vector<1x1x1024xf32>
    %reduce_sum3A_711 = arith.constant dense<0.000000e+00> : vector<1xf32>
    %reduce_sum3A_712 = vector.multi_reduction <add>, %reduce_sum3A_710, %reduce_sum3A_711 [1, 2] : vector<1x1x1024xf32> to vector<1xf32>
    %reduce_sum3A_713 = vector.shape_cast %reduce_sum3A_712 : vector<1xf32> to vector<1x1x1xf32>
    %reduce_sum3A_714 = vector.extract %reduce_sum3A_713[0, 0, 0] : f32 from vector<1x1x1xf32>
    %div3A_715 = arith.constant 1.024000e+03 : f32
    %div3A_716 = arith.divf %reduce_sum3A_714, %div3A_715 : f32
    %reduce_sum3A_717 = vector.shape_cast %get3A_9 : vector<1x1024xf32> to vector<1x1x1024xf32>
    %reduce_sum3A_718 = arith.constant dense<0.000000e+00> : vector<1xf32>
    %reduce_sum3A_719 = vector.multi_reduction <add>, %reduce_sum3A_717, %reduce_sum3A_718 [1, 2] : vector<1x1x1024xf32> to vector<1xf32>
    %reduce_sum3A_720 = vector.shape_cast %reduce_sum3A_719 : vector<1xf32> to vector<1x1x1xf32>
    %reduce_sum3A_721 = vector.extract %reduce_sum3A_720[0, 0, 0] : f32 from vector<1x1x1xf32>
    %div3A_722 = arith.constant 1.024000e+03 : f32
    %div3A_723 = arith.divf %reduce_sum3A_721, %div3A_722 : f32
    %mul3A_724 = arith.mulf %div3A_301, %div3A_723 : f32
    %sub3A_725 = arith.subf %div3A_716, %mul3A_724 : f32
    %get3A_726 = arith.constant 0 : index
    %get3A_727 = arith.constant 0 : index
    %get3A_728 = vector.load %arg6[%get3A_726, %get3A_727] : memref<1x1024xf32, #tpu.memory_space<vmem>>, vector<1x1024xf32>
    %log3A_729 = math.log %get3A_728 : vector<1x1024xf32>
    %reduce_sum3A_730 = vector.shape_cast %log3A_729 : vector<1x1024xf32> to vector<1x1x1024xf32>
    %reduce_sum3A_731 = arith.constant dense<0.000000e+00> : vector<1xf32>
    %reduce_sum3A_732 = vector.multi_reduction <add>, %reduce_sum3A_730, %reduce_sum3A_731 [1, 2] : vector<1x1x1024xf32> to vector<1xf32>
    %reduce_sum3A_733 = vector.shape_cast %reduce_sum3A_732 : vector<1xf32> to vector<1x1x1xf32>
    %reduce_sum3A_734 = vector.extract %reduce_sum3A_733[0, 0, 0] : f32 from vector<1x1x1xf32>
    %div3A_735 = arith.constant 1.024000e+03 : f32
    %div3A_736 = arith.divf %reduce_sum3A_734, %div3A_735 : f32
    %reduce_sum3A_737 = vector.shape_cast %get3A_9 : vector<1x1024xf32> to vector<1x1x1024xf32>
    %reduce_sum3A_738 = arith.constant dense<0.000000e+00> : vector<1xf32>
    %reduce_sum3A_739 = vector.multi_reduction <add>, %reduce_sum3A_737, %reduce_sum3A_738 [1, 2] : vector<1x1x1024xf32> to vector<1xf32>
    %reduce_sum3A_740 = vector.shape_cast %reduce_sum3A_739 : vector<1xf32> to vector<1x1x1xf32>
    %reduce_sum3A_741 = vector.extract %reduce_sum3A_740[0, 0, 0] : f32 from vector<1x1x1xf32>
    %div3A_742 = arith.constant 1.024000e+03 : f32
    %div3A_743 = arith.divf %reduce_sum3A_741, %div3A_742 : f32
    %sub3A_744 = arith.subf %div3A_736, %div3A_743 : f32
    %mul3A_745 = arith.constant 1.000000e+00 : f32
    %mul3A_746 = arith.mulf %mul3A_745, %sub3A_725 : f32
    %add3A_747 = arith.addf %mul3A_746, %sub3A_744 : f32
    %div3A_748 = arith.constant 2.000000e+00 : f32
    %div3A_749 = arith.divf %add3A_747, %div3A_748 : f32
    %reshape3A = vector.broadcast %div3A_749 : f32 to vector<1x1xf32>
    %swap3A_750 = arith.constant 0 : index
    %swap3A_751 = arith.constant 0 : index
    %swap3A_752 = vector.load %arg3[%swap3A_750, %swap3A_751] : memref<1x1xf32, #tpu.memory_space<vmem>>, vector<1x1xf32>
    tpu.vector_store %arg3[%swap3A_750, %swap3A_751], %reshape3A {strides = array<i32>} : memref<1x1xf32, #tpu.memory_space<vmem>>, vector<1x1xf32>,
    return
  }
}

</mosaic_0001>

<sc_bundles>
// kernel: kernel.5.cloned.1.call-start
scs
__scs_entry_jumppad:
0x0: {  	(pc) =	sbr.rel $0x88, $3  }
0x1: {  	(tag) =	ssettag $0x0;
	lr =	simm.s32 $0x1  }
0x2: {  	[smem:$0x3F9F] =	sst lr;
	_ =	strace $0xD0000000  }
0x3: {  	_ = 	snop  }
0x4: {  	_ = 	snop  }
0x5: {  	_ = 	snop  }
0x6: {  	_ = 	snop  }
0x7: {  	_ = 	snop  }
__scs_overlays_trampoline_lowered:
0x8: {  	[smem:$0x3FAE] =	sst s0  }
0x9: {  	[smem:$0x3FAF] =	sst s1  }
0xa: {  	[smem:$0x3FB0] =	sst s2  }
0xb: {  	[smem:$0x3FB1] =	sst s3  }
0xc: {  	[smem:$0x3FB2] =	sst s4  }
0xd: {  	[smem:$0x3FB3] =	sst s5  }
0xe: {  	[smem:$0x3FB4] =	sst s6  }
0xf: {  	[smem:$0x3FB5] =	sst s7  }
0x10: {  	[smem:$0x3FB6] =	sst s8  }
0x11: {  	[smem:$0x3FB7] =	sst s9;
	s0 =	simm.s32 @!p0 $0x0  }
0x12: {  	s1 =	sld [smem:$0x3F9D];
	s0 =	simm.s32 @p0 $0x1  }
0x13: {  	[smem:$0x3FB8] =	sst s0;
	s0 =	simm.s32 @!p1 $0x0  }
0x14: {  	s2 =	sld [smem:$0x3F9C];
	s0 =	simm.s32 @p1 $0x1  }
0x15: {  	[smem:$0x3FB9] =	sst s0;
	s0 =	simm.s32 @!p2 $0x0  }
0x16: {  	s3 =	sld [smem:$0x3FDB];
	s0 =	simm.s32 @p2 $0x1  }
0x17: {  	s4 =	simm.s32 $0x1BF5;
	[smem:$0x3FBB] =	sst s0  }
0x18: {  	s0 =	sld [smem:$0x3F9E];
	_ =	swait.ge [sflag:s4], $0x0  }
0x19: {  	s7 =	sld [smem:$0x3F9F]  }
0x1a: {  	s8 =	sadd.s32 $0xFFFFE003, lr  }
0x1b: {  	s9 =	sadd.s32 $0xFFFFFEF7, lr;
	s5 =	simm.s32 $0xFFFFFFFF;
	p2 =	slt.u32 s8, $0xFFFFF086  }
0x1c: {  	p1 =	slt.u32 s9, $0xF7A;
	s5 =	simm.s32 @!p2 $0x0  }
0x1d: {  	s5 =	simm.s32 @p1 $0x1;
	p0 =	seq.s32 s7, s2  }
0x1e: {  	s7 =	smul.u32 @!p0 $0xF7A, s2;
	p2 =	seq.s32 @!p0 s5, $0x0  }
0x1f: {  	s9 =	smul.u32 $0xF7A, s1;
	s8 =	simm.s32 @!p0 $0x1BF5;
	p2 =	por !p2, p0  }
0x20: {  	[sflag:s8] =	ssyncset.s32 @!p0 $0xFFFFF086;
	s6 =	sadd.s32 @!p0 s3, s7;
	s7 =	simm.s32 @!p0 $0x108  }
0x21: {  	s3 =	sadd.s32 s3, s9;
	s6 =	sadd.s32 @!p0 $0x88, s6;
	s7 =	simm.s32 @p2 $0x1082  }
0x22: {  	[simem:s7], [sflag:s8] =	dma.local @!p0 [hbm:s6], $0xF7A  }
0x23: {  	s9 =	sor.u32 $0xD0000000, s2;
	s6 =	simm.s32 $0x108;
	_ =	swait.ge @!p0 [sflag:s8], $0x0  }
0x24: {  	s3 =	sadd.s32 $0x88, s3;
	s6 =	simm.s32 @!p1 $0x1082;
	[sflag:s4] =	ssyncset.s32 $0xFFFFF086  }
0x25: {  	[simem:s6], [sflag:s4] =	dma.local [hbm:s3], $0xF7A  }
0x26: {  	[smem:$0x3F9F] =	sst s1;
	(tag) =	ssettag s2;
	_ =	strace s9  }
0x27: {  	s1 =	sld [smem:$0x3FAF]  }
0x28: {  	s2 =	sld [smem:$0x3FB0]  }
0x29: {  	s4 =	sld [smem:$0x3FB2]  }
0x2a: {  	p0 =	seq.s32 s5, $0x0;
	s5 =	sld [smem:$0x3FB3]  }
0x2b: {  	s6 =	sld [smem:$0x3FB4]  }
0x2c: {  	s7 =	sld [smem:$0x3FB5]  }
0x2d: {  	s3 =	simm.s32 $0x108;
	s8 =	sld [smem:$0x3FB6]  }
0x2e: {  	s3 =	simm.s32 @!p0 $0x1082;
	s9 =	sld [smem:$0x3FB7]  }
0x2f: {  	lr =	sadd.s32 s0, s3;
	s0 =	sld [smem:$0x3FAE]  }
0x30: {  	s3 =	sld [smem:$0x3FB1]  }
0x31: {  	[smem:$0x3FBA] =	sst s10  }
0x32: {  	s10 =	sld [smem:$0x3FB8];
	_ =	sdelay $0x3  }
0x33: {  	p0 =	seq.s32 s10, $0x1;
	s10 =	sld [smem:$0x3FBA];
	_ =	sdelay $0x3  }
0x34: {  	[smem:$0x3FBA] =	sst s10  }
0x35: {  	s10 =	sld [smem:$0x3FB9];
	_ =	sdelay $0x3  }
0x36: {  	p1 =	seq.s32 s10, $0x1;
	s10 =	sld [smem:$0x3FBA];
	_ =	sdelay $0x3  }
0x37: {  	[smem:$0x3FBA] =	sst s10  }
0x38: {  	s10 =	sld [smem:$0x3FBB]  }
0x39: {  	_ = 	snop;
	(pc) =	sbr.ind lr, $3  }
0x3a: {  	_ = 	snop  }
0x3b: {  	_ = 	snop  }
0x3c: {  	p2 =	seq.s32 s10, $0x1;
	s10 =	sld [smem:$0x3FBA]  }
0x3d: {  	_ =	shalt  }
0x3e: {  	_ =	shalt  }
0x3f: {  	_ =	shalt  }
0x40: {  	_ =	shalt  }
0x41: {  	_ =	shalt  }
0x42: {  	_ =	shalt  }
0x43: {  	_ =	shalt  }
0x44: {  	_ =	shalt  }
0x45: {  	_ =	shalt  }
0x46: {  	_ =	shalt  }
0x47: {  	_ =	shalt  }
0x48: {  	_ =	shalt  }
0x49: {  	_ =	shalt  }
0x4a: {  	_ =	shalt  }
0x4b: {  	_ =	shalt  }
0x4c: {  	_ =	shalt  }
0x4d: {  	_ =	shalt  }
0x4e: {  	_ =	shalt  }
0x4f: {  	_ =	shalt  }
0x50: {  	_ =	shalt  }
0x51: {  	_ =	shalt  }
0x52: {  	_ =	shalt  }
0x53: {  	_ =	shalt  }
0x54: {  	_ =	shalt  }
0x55: {  	_ =	shalt  }
0x56: {  	_ =	shalt  }
0x57: {  	_ =	shalt  }
0x58: {  	_ =	shalt  }
0x59: {  	_ =	shalt  }
0x5a: {  	_ =	shalt  }
0x5b: {  	_ =	shalt  }
0x5c: {  	_ =	shalt  }
0x5d: {  	_ =	shalt  }
0x5e: {  	_ =	shalt  }
0x5f: {  	_ =	shalt  }
0x60: {  	_ =	shalt  }
0x61: {  	_ =	shalt  }
0x62: {  	_ =	shalt  }
0x63: {  	_ =	shalt  }
0x64: {  	_ =	shalt  }
0x65: {  	_ =	shalt  }
0x66: {  	_ =	shalt  }
0x67: {  	_ =	shalt  }
0x68: {  	_ =	shalt  }
0x69: {  	_ =	shalt  }
0x6a: {  	_ =	shalt  }
0x6b: {  	_ =	shalt  }
0x6c: {  	_ =	shalt  }
0x6d: {  	_ =	shalt  }
0x6e: {  	_ =	shalt  }
0x6f: {  	_ =	shalt  }
0x70: {  	_ =	shalt  }
0x71: {  	_ =	shalt  }
0x72: {  	_ =	shalt  }
0x73: {  	_ =	shalt  }
0x74: {  	_ =	shalt  }
0x75: {  	_ =	shalt  }
0x76: {  	_ =	shalt  }
0x77: {  	_ =	shalt  }
0x78: {  	_ =	shalt  }
0x79: {  	_ =	shalt  }
0x7a: {  	_ =	shalt  }
0x7b: {  	_ =	shalt  }
0x7c: {  	_ =	shalt  }
0x7d: {  	_ =	shalt  }
0x7e: {  	_ =	shalt  }
0x7f: {  	_ =	shalt  }
0x80: {  	_ =	shalt  }
0x81: {  	_ =	shalt  }
0x82: {  	_ =	shalt  }
0x83: {  	_ =	shalt  }
0x84: {  	_ =	shalt  }
0x85: {  	_ =	shalt  }
0x86: {  	_ =	shalt  }
0x87: {  	_ =	shalt  }
.Lfunc_end0:
.L_simem_size_0:
called_computation_lowered:
.L_overlay_start_0:
0x88: {  	s2 =	sld [smem:$0x3FD9]  }
0x89: {  	s3 =	sld [smem:$0x3FFE];
	_ =	sdelay $0x1  }
0x8a: {  	s1 =	srdreg.scid  }
0x8b: {  	s0 =	sand.u32 $0x1, s1  }
0x8c: {  	s17 =	sshll.u32 s0, $0xA;
	s2 =	sadd.s32 s3, s2  }
0x8d: {  	s2 =	sadd.s32 s2, s17  }
0x8e: {  	[smem:$0x3FC6] =	sst s2  }
0x8f: {  	_ = 	snop  }
0x90: {  	s2 =	sld [smem:$0x3FC9]  }
0x91: {  	s18 =	sld [smem:$0x3FC8];
	(tm) =	ssettm $0x1  }
0x92: {  	s4 =	sld [smem:$0x3FFB];
	_ =	sdelay $0x3  }
0x93: {  	_ =	strace s4  }
0x94: {  	s4 =	sld [smem:$0x3FFC];
	_ =	sdelay $0x3  }
0x95: {  	_ =	strace s4  }
0x96: {  	s4 =	sld [smem:$0x3FFD];
	_ =	sdelay $0x3  }
0x97: {  	_ =	strace s4  }
0x98: {  	_ =	strace $0x8FFFFFFF  }
0x99: {  	s19 =	sld [smem:$0x3FDB];
	_ =	sdelay $0x1  }
0x9a: {  	s5 =	simm.s32 $_scs_section_size  }
0x9b: {  	s6 =	simm.s32 $_size__tile_overlayer_lowered;
	s7 =	simm.s32 $_tile_overlayer_lowered  }
0x9c: {  	s22 =	simm.s32 $0x1BFF;
	s21 =	sshll.u32 s7, $0x1;
	s4 =	sadd.s32 s5, s19  }
0x9d: {  	s8 =	simm.s32 $0x0;
	s20 =	sshll.u32 s6, $0x1;
	s6 =	sadd.s32 s21, s4  }
0x9e: {  	[timem:s8], [sflag:s22] =	dma.local [hbm:s6], s20  }
0x9f: {  	_ =	swait.ge [sflag:s22], s20  }
0xa0: {  	s5 =	ssub.s32 $0x0, s20;
	[sflag:s22] =	ssyncset.done $0x0  }
0xa1: {  	[sflag:s22] =	ssyncadd.s32 s5;
	_ =	sdelay $0x1  }
0xa2: {  	s23 =	simm.s32 $0x1B8B  }
0xa3: {  	_ =	swait.ge [sflag:s23], $0x1  }
0xa4: {  	[sflag:s23] =	ssyncset.done $0x0  }
0xa5: {  	s25 =	simm.s32 $0x1B8E;
	s24 =	sld [smem:$0x3FFE];
	[sflag:s23] =	ssyncadd.s32 $0xFFFFFFFF  }
0xa6: {  	s26 =	simm.s32 $execute0_lowered;
	[smem:$0x3FD2] =	sst s25  }
0xa7: {  	s6 =	sshll.u32 s26, $0x1;
	_ =	strace $0x80000046;
	[dreg:$0x1] =	wrdreg $0xFFFFFFFF  }
0xa8: {  	s28 =	simm.s32 $_size_execute0_lowered;
	s4 =	sadd.s32 s4, s6;
	[dreg:$0x0] =	wrdreg $0x0  }
0xa9: {  	s6 =	sshll.u32 s28, $0x1;
	[dreg:$0x2] =	wrdreg s4  }
0xaa: {  	[dreg:$0x3] =	wrdreg s6  }
0xab: {  	[dreg:$0x4] =	wrdreg $0xC0  }
0xac: {  	_ =	task [dreg:s8], $0x5FFFF  }
0xad: {  	[dreg:$0x1] =	wrdreg $0xFFFFFFFF  }
0xae: {  	[dreg:$0x0] =	wrdreg $0x60  }
0xaf: {  	[dreg:$0x2] =	wrdreg s2  }
0xb0: {  	[dreg:$0x3] =	wrdreg s18  }
0xb1: {  	[dreg:$0x4] =	wrdreg s24  }
0xb2: {  	[dreg:$0x5] =	wrdreg $0x9  }
0xb3: {  	_ =	task.clear_ibuf [dreg:s8], $0x6FFFF;
	_ =	strace $0x90000046  }
0xb4: {  	s29 =	simm.s32 $0x9;
	_ =	strace $0x80000048  }
0xb5: {  	_ =	swait.ge [sflag:s29], $0x1  }
0xb6: {  	[sflag:s29] =	ssyncadd.s32 $0xFFFFFFFF  }
0xb7: {  	_ =	strace $0x90000048  }
0xb8: {  	_ =	sfence  }
0xb9: {  	s30 =	sld [smem:$0x0];
	_ =	sdelay $0x2  }
0xba: {  	s31 =	sshll.u32 s1, $0xD;
	s1 =	sshrl.u32 s1, $0x2  }
0xbb: {  	s3 =	sand.u32 $0x4000, s31;
	s1 =	sadd.s32 s1, s30  }
0xbc: {  	s0 =	sor.u32 s3, s0;
	s1 =	sshll.u32 s1, $0x11  }
0xbd: {  	s0 =	sor.u32 s1, s0  }
0xbe: {  	s0 =	sadd.s32 $0x8F2B, s0  }
0xbf: {  	[sflag:s0] =	ssyncadd.remote.s32 $0x1  }
0xc0: {  	_ =	sfence.sel $0xFFFF  }
0xc1: {  	[dreg:$0x0] =	wrdreg $0xFFFFFFFF;
	(pc) =	sbr.abs _section_cstart, $3  }
0xc2: {  	[dreg:$0x1] =	wrdreg $0xFFFFFFFF  }
0xc3: {  	_ =	task.clear_ibuf [dreg:s8], $0x2FFFF;
	_ =	strace $0x9FFFFFFF  }
0xc4: {  	(tm) =	ssettm $0x7FFFFFFF  }
0xc5: {  	_ =	shalt  }
tec
execute0_lowered:
.L_overlay_start_1:
0x0: {  	(tag) =	ssettag $0x1  }
0x1: {  	s2 =	rddreg [dreg:$0x0];
	s1 =	srdreg.scid  }
0x2: {  	s4 =	rddreg [dreg:$0x1];
	s0 =	stileid.u32;
	s10 =	sand.u32 $0x1, s1  }
0x3: {  	s11 =	rddreg [dreg:$0x2];
	s5 =	sshll.u32 s0, $0x6;
	s6 =	sshll.u32 s10, $0x5  }
0x4: {  	s3 =	simm.s32 $0x0;
	s1 =	rddreg [dreg:$0x3];
	s6 =	sor.u32 s6, s5  }
0x5: {  	[smem:$0x7FF] =	sst s3;
	s12 =	sshrl.u32 s6, $0x3  }
0x6: {  	_ =	strace $0x80000047;
	s5 =	sadd.s32 s4, s12;
	s4 =	simm.s32 $0x2  }
0x7: {  	[tilespmem:s3], [sflag:$0x2] =	stream.linear.gather [hbm4b:s5+s3], $0x20, $0x38;
	[tilespmem:$0x1180] =	vst v63  }
0x8: {  	_ =	swait.ge [sflag:s4], $0x20  }
0x9: {  	[sflag:s4] =	ssyncset.done $0x0  }
0xa: {  	[sflag:s4] =	ssyncadd.s32 $0xFFFFFFE0  }
0xb: {  	v2 =	vld [tilespmem:$0x10]  }
0xc: {  	v3 =	vld [tilespmem:$0x0]  }
0xd: {  	s13 =	sor.u32 $0x10, s6  }
0xe: {  	v4 =	vlaneseq.u32;
	v0 =	vmov s6;
	v1 =	vmov s13  }
0xf: {  	v63 =	vmul.u32 $0x80, v4;
	v7 =	vshrl.u32 v0, $0x4;
	v1 =	vshrl.u32 v1, $0x4  }
0x10: {  	v5 =	vor.u32 s6, v4;
	v0 =	vand.u32 $0x7FFFFF8, v1;
	v1 =	vand.u32 $0x38, v7  }
0x11: {  	v6 =	vshll.u32 v2, $0x3;
	v62 =	vshll.u32 v3, $0x3;
	v3 =	vand.u32 $0x7, v3  }
0x12: {  	v6 =	vand.u32 $0xFFFFFFC0, v6;
	v7 =	vand.u32 $0xFFFFFFC0, v62;
	v3 =	vor.u32 v1, v3  }
0x13: {  	v2 =	vand.u32 $0x7, v2;
	v6 =	vadd.s32 v0, v6;
	v3 =	vor.u32 v7, v3  }
0x14: {  	s7 =	simm.s32 $0x80;
	v5 =	vand.u32 $0x6F, v5;
	v2 =	vor.u32 v2, v6;
	[tilespmem:$0x80] =	vst v3  }
0x15: {  	s8 =	simm.s32 $0x100;
	s9 =	simm.s32 $0x1;
	s6 =	simm.s32 $0x20;
	[tilespmem:$0x90] =	vst v2;
	v2 =	vor.u32 v63, v5  }
0x16: {  	[tilespmem:s8], [sflag:$0x1] =	stream.indirect.gather [hbm4b:s2+s6], $0x80, s7, s6, $0xb8;
	[tilespmem:$0x1180] =	vst v63  }
0x17: {  	_ =	swait.ge [sflag:s9], $0x1000  }
0x18: {  	[sflag:s9] =	ssyncset.done $0x0  }
0x19: {  	v3 =	vor.u32 s13, v4;
	[sflag:s9] =	ssyncadd.s32 $0xFFFFF000  }
0x1a: {  	v4 =	vor.u32 $0x800, v63;
	v3 =	vand.u32 $0x7F, v3;
	v5 =	vld.idx.msk [tilespmem:v2+s8+$0x0], $0xffff  }
0x1b: {  	v3 =	vor.u32 v4, v3;
	_ =	sdelay $0x2  }
0x1c: {  	s10 =	ssub.s32 $0x2, s10  }
0x1d: {  	s30 =	sshrl.u32 s10, $0x1;
	[tilespmem:$0x1100] =	vst v5  }
0x1e: {  	s31 =	ssub.s32 s10, s30;
	v4 =	vld.idx.msk [tilespmem:v3+s8+$0x0], $0xffff  }
0x1f: {  	s11 =	sadd.s32 s12, s11;
	s12 =	smax.u32 s31, $0x1  }
0x20: {  	p0 =	sne.s32 s12, $0x1  }
.Ltmp0:
0x21: {  	_ = 	snop;
	(pc) =	sbr.rel @!p0 .LBB2_2-.Ltmp0, $4  }
0x22: {  	_ = 	snop  }
0x23: {  	s10 =	sadd.s32 $0x600, s11;
	s11 =	simm.s32 $0x1100;
	[tilespmem:$0x1110] =	vst v4  }
0x24: {  	[hbm4b:s10+s3] =	stream.linear.scatter [tilespmem:s11], [sflag:$0x2], $0x20, $0x38;
	[tilespmem:$0x1180] =	vst v63  }
0x25: {  	s12 =	sadd.s32 $0xFFFFFFFF, s12;
	_ =	swait.ge [sflag:s4], $0x20  }
.LBB2_1:
0x26: {  	p0 =	sne.s32 s12, $0x1;
	s12 =	sadd.s32 $0xFFFFFFFF, s12;
	[sflag:s4] =	ssyncset.done $0x0  }
0x27: {  	[sflag:s4] =	ssyncadd.s32 $0xFFFFFFE0  }
0x28: {  	[tilespmem:s3], [sflag:$0x2] =	stream.linear.gather [hbm4b:s5+s3], $0x20, $0x38;
	[tilespmem:$0x1180] =	vst v63  }
0x29: {  	_ =	swait.ge [sflag:s4], $0x20  }
0x2a: {  	[sflag:s4] =	ssyncset.done $0x0  }
0x2b: {  	[sflag:s4] =	ssyncadd.s32 $0xFFFFFFE0  }
0x2c: {  	v4 =	vld [tilespmem:$0x10]  }
0x2d: {  	v5 =	vld [tilespmem:$0x0];
	_ =	sdelay $0x3  }
0x2e: {  	v6 =	vshll.u32 v4, $0x3;
	v4 =	vand.u32 $0x7, v4  }
0x2f: {  	v7 =	vshll.u32 v5, $0x3;
	v5 =	vand.u32 $0x7, v5;
	v6 =	vand.u32 $0xFFFFFFC0, v6  }
0x30: {  	v7 =	vand.u32 $0xFFFFFFC0, v7;
	v5 =	vor.u32 v1, v5;
	v6 =	vadd.s32 v0, v6  }
0x31: {  	v5 =	vor.u32 v7, v5;
	v4 =	vor.u32 v4, v6  }
0x32: {  	[tilespmem:$0x90] =	vst v4  }
0x33: {  	[tilespmem:$0x80] =	vst v5  }
0x34: {  	[tilespmem:s8], [sflag:$0x1] =	stream.indirect.gather [hbm4b:s2+s6], $0x80, s7, s6, $0xb8;
	[tilespmem:$0x1180] =	vst v63  }
0x35: {  	_ =	swait.ge [sflag:s9], $0x1000  }
0x36: {  	[sflag:s9] =	ssyncset.done $0x0  }
0x37: {  	[sflag:s9] =	ssyncadd.s32 $0xFFFFF000  }
0x38: {  	v4 =	vld.idx.msk [tilespmem:v2+s8+$0x0], $0xffff;
	_ =	sdelay $0x5  }
0x39: {  	[tilespmem:$0x1100] =	vst v4  }
0x3a: {  	v4 =	vld.idx.msk [tilespmem:v3+s8+$0x0], $0xffff;
	_ =	sdelay $0x3  }
.Ltmp1:
0x3b: {  	(pc) =	sbr.rel @p0 .LBB2_1-.Ltmp1, $4  }
0x3c: {  	_ = 	snop  }
0x3d: {  	[tilespmem:$0x1110] =	vst v4  }
0x3e: {  	[hbm4b:s10+s3] =	stream.linear.scatter [tilespmem:s11], [sflag:$0x2], $0x20, $0x38;
	[tilespmem:$0x1180] =	vst v63  }
0x3f: {  	_ =	swait.ge [sflag:s4], $0x20  }
.LBB2_2:
0x40: {  	[sflag:s4] =	ssyncset.done $0x0  }
0x41: {  	[sflag:s4] =	ssyncadd.s32 $0xFFFFFFE0  }
0x42: {  	_ =	sfence.sel $0x180000  }
0x43: {  	[bflag:$0x0] =	sbarrier.arrive $0xFFFF  }
0x44: {  	p0 =	sne.s32 s0, $0x0;
	_ =	strace $0x90000047  }
0x45: {  	s0 =	sadd.s32 @!p0 $0x100000, s1;
	[bflag:$0x2] =	sbarrier.arrive $0xFFFF  }
0x46: {  	[sflag:s0] =	ssyncadd.tile.s32 @!p0 $0x1;
	_ =	shalt  }
.Lfunc_end2:
_tile_overlayer_lowered:
.L_overlay_start_2:
0x47: {  	(tag) =	ssettag $0x2  }
0x48: {  	s0 =	rddreg [dreg:$0x0];
	s2 =	stileid.u32  }
0x49: {  	s1 =	rddreg [dreg:$0x1];
	p0 =	sne.s32 s2, $0x0  }
0x4a: {  	s3 =	rddreg [dreg:$0x2];
	[bflag:$0x3] =	sbarrier.arrive $0xFFFF;
	s2 =	simm.s32 @!p0 $0x1C02  }
0x4b: {  	[timem:s3], [sflag:s2] =	dma.local @!p0 [hbm:s0], s1  }
0x4c: {  	s0 =	simm.s32 @!p0 $0x2  }
0x4d: {  	_ =	swait.ge @!p0 [sflag:s0], s1  }
0x4e: {  	s1 =	ssub.s32 @!p0 $0x0, s1;
	[sflag:s0] =	ssyncset.done @!p0 $0x0  }
0x4f: {  	[sflag:s0] =	ssyncadd.s32 @!p0 s1  }
0x50: {  	[bflag:$0x3] =	sbarrier.arrive $0xFFFF  }
0x51: {  	_ =	shalt  }

</sc_bundles>
